<compile_context>
chip_gen: v7x
topology: tpu7x:2x2x1
jax: 0.10.2.dev20260603
libtpu: 0.0.44.dev20260713+nightly
codegen_flags: <defaults>
</compile_context>

<pallas_src>
import functools

import jax
import jax.numpy as jnp
from jax import lax
from jax.experimental import pallas as pl
from jax.experimental.pallas import tpu as pltpu
from jax.experimental.pallas import tpu_sc as plsc

N = 10000
E = 160000
H = 256

NC = 2
NS = 16
NW = NC * NS

P = 5
EP = E // P

G_CHUNK = 40
G_NCHUNK = (EP // NW) // G_CHUNK

S_PER_TILE = E // NS
S_CHUNK = 80
S_NCHUNK = S_PER_TILE // S_CHUNK

N_PAD = 10240


def _ln(x, g, b):
    mu = jnp.mean(x, axis=-1, keepdims=True)
    xc = x - mu
    var = jnp.mean(xc * xc, axis=-1, keepdims=True)
    return xc * lax.rsqrt(var + 1e-5) * g + b



def _pack_bf16_pair(x):
    xb = x.astype(jnp.bfloat16)
    lo = lax.bitcast_convert_type(xb[:, :128], jnp.uint16).astype(jnp.uint32)
    hi = lax.bitcast_convert_type(xb[:, 128:], jnp.uint16).astype(jnp.uint32)
    return lax.bitcast_convert_type(lo | (hi << 16), jnp.int32)


def _unpack_bf16_pair(w):
    lo = lax.bitcast_convert_type(w << 16, jnp.float32)
    hi = lax.bitcast_convert_type(w & jnp.int32(-65536), jnp.float32)
    return lo, hi


def _proj_body(nf, w_s, w_r, b0, ps, pr):
    x = nf[...]
    s = jnp.dot(x, w_s[...], preferred_element_type=jnp.float32)
    r = jnp.dot(x, w_r[...], preferred_element_type=jnp.float32) + b0[...]
    ps[...] = _pack_bf16_pair(s)
    pr[...] = _pack_bf16_pair(r)


def _edge_body(*refs, n_extra=0):
    gs, gr, ef, w_e, w1, w2, b1, b2, g, bt = refs[:10]
    new_edge, pre_t = refs[10 + n_extra:]
    e = ef[...]
    s_lo, s_hi = _unpack_bf16_pair(gs[...])
    r_lo, r_hi = _unpack_bf16_pair(gr[...])
    gsum = jnp.concatenate([s_lo + r_lo, s_hi + r_hi], axis=1)
    x = gsum + jnp.dot(e, w_e[...], preferred_element_type=jnp.float32)
    x = jnp.maximum(x, 0.0)
    x = jnp.dot(x, w1[...], preferred_element_type=jnp.float32) + b1[...]
    x = jnp.maximum(x, 0.0)
    x = jnp.dot(x, w2[...], preferred_element_type=jnp.float32) + b2[...]
    y = _ln(x, g[...], bt[...])
    new_edge[...] = y + e
    pre_t[0] = y[:, :128]
    pre_t[1] = y[:, 128:]


def _node_body(nf, a0, a1, w0, w0lo, w0hi, w1, w2, b0, b1, b2, g, bt, out):
    x0 = nf[...]
    alo = a0[0]
    ahi = a1[0]
    x = (jnp.dot(x0, w0[...], preferred_element_type=jnp.float32)
         + jnp.dot(alo, w0lo[...], preferred_element_type=jnp.float32)
         + jnp.dot(ahi, w0hi[...], preferred_element_type=jnp.float32)
         + b0[...])
    x = jnp.maximum(x, 0.0)
    x = jnp.dot(x, w1[...], preferred_element_type=jnp.float32) + b1[...]
    x = jnp.maximum(x, 0.0)
    x = jnp.dot(x, w2[...], preferred_element_type=jnp.float32) + b2[...]
    out[...] = _ln(x, g[...], bt[...]) + x0


def _full(shape):
    return pl.BlockSpec(shape, lambda i: (0,) * len(shape))


def _rows(bm, w):
    return pl.BlockSpec((bm, w), lambda i: (i, 0))



@functools.cache
def _sc_kernels():
    mesh = plsc.VectorSubcoreMesh(
        core_axis_name="c", subcore_axis_name="s",
        num_cores=NC, num_subcores=NS)

    @functools.partial(
        pl.kernel,
        out_type=[jax.ShapeDtypeStruct((NW, G_NCHUNK, G_CHUNK, H // 2),
                                       jnp.int32)] * 2,
        mesh=mesh,
        scratch_types=[
            pltpu.VMEM((G_NCHUNK, G_CHUNK), jnp.int32),
            pltpu.VMEM((G_NCHUNK, G_CHUNK), jnp.int32),
            [pltpu.VMEM((G_CHUNK, H // 2), jnp.int32)] * 2,
            [pltpu.VMEM((G_CHUNK, H // 2), jnp.int32)] * 2,
            [pltpu.SemaphoreType.DMA] * 2,
            [pltpu.SemaphoreType.DMA] * 2,
            [pltpu.SemaphoreType.DMA] * 2,
            [pltpu.SemaphoreType.DMA] * 2,
        ],
    )
    def sc_gather(ps_hbm, pr_hbm, sidx_hbm, ridx_hbm, outs_hbm, outr_hbm,
                  sidx_v, ridx_v, rows_a, rows_b, sem_a, sem_b, sem_ws,
                  sem_wr):
        wid = lax.axis_index("s") * NC + lax.axis_index("c")
        pltpu.sync_copy(sidx_hbm.at[wid], sidx_v)
        pltpu.sync_copy(ridx_hbm.at[wid], ridx_v)

        def start(j, b):
            pltpu.async_copy(ps_hbm.at[sidx_v.at[j]], rows_a[b], sem_a[b])
            pltpu.async_copy(pr_hbm.at[ridx_v.at[j]], rows_b[b], sem_b[b])

        def process(j, b):
            pltpu.make_async_copy(ps_hbm.at[sidx_v.at[j]], rows_a[b],
                                  sem_a[b]).wait()
            pltpu.make_async_copy(pr_hbm.at[ridx_v.at[j]], rows_b[b],
                                  sem_b[b]).wait()
            pltpu.async_copy(rows_a[b], outs_hbm.at[wid, j], sem_ws[b])
            pltpu.async_copy(rows_b[b], outr_hbm.at[wid, j], sem_wr[b])

        def wait_write(j, b):
            pltpu.make_async_copy(rows_a[b], outs_hbm.at[wid, j],
                                  sem_ws[b]).wait()
            pltpu.make_async_copy(rows_b[b], outr_hbm.at[wid, j],
                                  sem_wr[b]).wait()

        start(0, 0)

        def pair(t, carry):
            for b in range(2):
                j = 2 * t + b

                @pl.when(j > 0)
                def _():
                    wait_write(j - 1, 1 - b)

                start(j + 1, 1 - b)
                process(j, b)
            return carry

        lax.fori_loop(0, (G_NCHUNK - 1) // 2, pair, 0, unroll=1)
        wait_write(G_NCHUNK - 2, 1)
        process(G_NCHUNK - 1, 0)
        wait_write(G_NCHUNK - 1, 0)

    @functools.partial(
        pl.kernel,
        out_type=jax.ShapeDtypeStruct((NC, N_PAD, 128), jnp.float32),
        mesh=mesh,
        scratch_types=[
            pltpu.VMEM((S_NCHUNK, S_CHUNK), jnp.int32),
            [pltpu.VMEM((S_CHUNK, 128), jnp.float32)] * 2,
            pltpu.VMEM_SHARED((N_PAD, 128), jnp.float32),
            [pltpu.SemaphoreType.DMA] * 2,
            [pltpu.SemaphoreType.DMA] * 2,
        ],
    )
    def sc_scatter(pre_hbm, ridx_hbm, zeros_hbm, out_hbm,
                   ridx_v, rows_v, acc, sem_l, sem_s):
        c = lax.axis_index("c")
        s = lax.axis_index("s")
        pltpu.sync_copy(zeros_hbm, acc.at[pl.ds(s * (N_PAD // NS), N_PAD // NS)])
        plsc.subcore_barrier()
        pltpu.sync_copy(ridx_hbm.at[s], ridx_v)

        def _src(j):
            return pre_hbm.at[c, pl.ds(s * S_PER_TILE + j * S_CHUNK, S_CHUNK)]

        def start_load(j, b):
            pltpu.async_copy(_src(j), rows_v[b], sem_l[b])

        def start_scatter(j, b):
            pltpu.async_copy(rows_v[b], acc.at[ridx_v.at[j]], sem_s[b],
                             add=True)

        def wait_load(j, b):
            pltpu.make_async_copy(_src(j), rows_v[b], sem_l[b]).wait()

        def wait_scatter(j, b):
            pltpu.make_async_copy(rows_v[b], acc.at[ridx_v.at[j]],
                                  sem_s[b]).wait()

        start_load(0, 0)

        def pair(t, carry):
            for b in range(2):
                j = 2 * t + b

                @pl.when(j > 0)
                def _():
                    wait_scatter(j - 1, 1 - b)

                start_load(j + 1, 1 - b)
                wait_load(j, b)
                start_scatter(j, b)
            return carry

        lax.fori_loop(0, (S_NCHUNK - 1) // 2, pair, 0, unroll=1)
        wait_scatter(S_NCHUNK - 2, 1)
        wait_load(S_NCHUNK - 1, 0)
        start_scatter(S_NCHUNK - 1, 0)
        wait_scatter(S_NCHUNK - 1, 0)
        plsc.subcore_barrier()
        rpt = N_PAD // NS
        pltpu.sync_copy(acc.at[pl.ds(s * rpt, rpt)],
                        out_hbm.at[c, pl.ds(s * rpt, rpt)])

    return sc_gather, sc_scatter


def _sc_gather(ps, pr, sidx, ridx):
    return _sc_kernels()[0](ps, pr, sidx, ridx)


def _sc_scatter(pre_t, ridx_t, zeros):
    return _sc_kernels()[1](pre_t, ridx_t, zeros)



def kernel(senders, receivers, node_features, edge_features,
           eW0, eb0, eW1, eb1, eW2, eb2, eg, ebt,
           nW0, nb0, nW1, nb1, nW2, nb2, ng, nbt):
    f32 = jnp.float32
    nf = node_features
    ef = edge_features

    eb0r = eb0.reshape(1, H)
    eb1r = eb1.reshape(1, H)
    eb2r = eb2.reshape(1, H)
    egr = eg.reshape(1, H)
    ebtr = ebt.reshape(1, H)
    nb0r = nb0.reshape(1, H)
    nb1r = nb1.reshape(1, H)
    nb2r = nb2.reshape(1, H)
    ngr = ng.reshape(1, H)
    nbtr = nbt.reshape(1, H)

    BN = 2000
    ps32, pr32 = pl.pallas_call(
        _proj_body,
        grid=(N // BN,),
        in_specs=[_rows(BN, H), _full((H, H)), _full((H, H)), _full((1, H))],
        out_specs=[_rows(BN, H // 2)] * 2,
        out_shape=[jax.ShapeDtypeStruct((N, H // 2), jnp.int32)] * 2,
    )(nf, eW0[:H], eW0[H:2 * H], eb0r)

    BE = 2000
    nbp = EP // BE
    sidx = senders.reshape(P, NW, G_NCHUNK, G_CHUNK)
    ridx = receivers.reshape(P, NW, G_NCHUNK, G_CHUNK)
    zeros = jnp.zeros((N_PAD // NS, 128), f32)

    new_edge = None
    pre_t = None
    for p in range(P):
        gs32, gr32 = _sc_gather(ps32, pr32, sidx[p], ridx[p])
        gs = gs32.reshape(EP, H // 2)
        gr = gr32.reshape(EP, H // 2)

        def _off(i, p=p):
            return (p * nbp + i, 0)

        def _off3(i, p=p):
            return (0, p * nbp + i, 0)

        in_specs = [_rows(BE, H // 2), _rows(BE, H // 2),
                    pl.BlockSpec((BE, H), _off),
                    _full((H, H)), _full((H, H)), _full((H, H)),
                    _full((1, H)), _full((1, H)), _full((1, H)),
                    _full((1, H))]
        ins = [gs, gr, ef, eW0[2 * H:], eW1, eW2, eb1r, eb2r, egr, ebtr]
        aliases = {}
        if p > 0:
            in_specs.append(pl.BlockSpec(memory_space=pl.ANY))
            ins.append(new_edge)
            aliases[len(ins) - 1] = 0
            in_specs.append(pl.BlockSpec(memory_space=pl.ANY))
            ins.append(pre_t)
            aliases[len(ins) - 1] = 1
        new_edge, pre_t = pl.pallas_call(
            functools.partial(_edge_body, n_extra=len(aliases)),
            grid=(nbp,),
            in_specs=in_specs,
            out_specs=[pl.BlockSpec((BE, H), _off),
                       pl.BlockSpec((2, BE, 128), _off3)],
            out_shape=[jax.ShapeDtypeStruct((E, H), f32),
                       jax.ShapeDtypeStruct((2, E, 128), f32)],
            input_output_aliases=aliases,
        )(*ins)

    ridx_t = receivers.reshape(NS, S_NCHUNK, S_CHUNK)
    agg_t = _sc_scatter(pre_t, ridx_t, zeros)

    new_node = pl.pallas_call(
        _node_body,
        grid=(N // BN,),
        in_specs=[_rows(BN, H),
                  pl.BlockSpec((1, BN, 128), lambda i: (0, i, 0)),
                  pl.BlockSpec((1, BN, 128), lambda i: (1, i, 0)),
                  _full((H, H)), _full((128, H)), _full((128, H)),
                  _full((H, H)), _full((H, H)),
                  _full((1, H)), _full((1, H)), _full((1, H)),
                  _full((1, H)), _full((1, H))],
        out_specs=_rows(BN, H),
        out_shape=jax.ShapeDtypeStruct((N, H), f32),
    )(nf, agg_t, agg_t, nW0[:H], nW0[H:H + 128], nW0[H + 128:],
      nW1, nW2, nb0r, nb1r, nb2r, ngr, nbtr)

    return (new_node, new_edge)

# --- scband reference (transcript-rebuilt; emitter-appended) ---
"""Pipeline reference for scband-graph-net-block-31945966748038 (READ-ONLY COPY).

The authoritative reference and input builder live on the scoring server;
editing this copy changes nothing except your own understanding.
"""

import jax, jax.numpy as jnp
import numpy as np

N = 10000
E = 160000
H = 256


def _ln(x, g, b):
    mu = x.mean(-1, keepdims=True)
    var = x.var(-1, keepdims=True)
    return (x - mu) / jnp.sqrt(var + 1e-5) * g + b


def _mlp(x, W0, b0, W1, b1, W2, b2, g, beta):
    x = jax.nn.relu(x @ W0 + b0)
    x = jax.nn.relu(x @ W1 + b1)
    x = x @ W2 + b2
    return _ln(x, g, beta)


def setup_inputs(seed: int = 0) -> dict:
    key = jax.random.key(seed)
    ks = [jax.random.fold_in(key, i) for i in range(32)]
    inp = {}
    inp['senders'] = jax.random.randint(ks[0], (E,), 0, N, dtype=jnp.int32)
    inp['receivers'] = jax.random.randint(ks[1], (E,), 0, N, dtype=jnp.int32)
    inp['node_features'] = jax.random.normal(ks[2], (N, H), dtype=jnp.float32)
    inp['edge_features'] = jax.random.normal(ks[3], (E, H), dtype=jnp.float32)
    s = 0.02
    # edge MLP params: input 3H -> H -> H -> H, plus LayerNorm
    inp['eW0'] = jax.random.normal(ks[4], (3 * H, H), dtype=jnp.float32) * s
    inp['eb0'] = jnp.zeros((H,), dtype=jnp.float32)
    inp['eW1'] = jax.random.normal(ks[5], (H, H), dtype=jnp.float32) * s
    inp['eb1'] = jnp.zeros((H,), dtype=jnp.float32)
    inp['eW2'] = jax.random.normal(ks[6], (H, H), dtype=jnp.float32) * s
    inp['eb2'] = jnp.zeros((H,), dtype=jnp.float32)
    inp['eg'] = jnp.ones((H,), dtype=jnp.float32)
    inp['ebt'] = jnp.zeros((H,), dtype=jnp.float32)
    # node MLP params: input 2H -> H -> H -> H, plus LayerNorm
    inp['nW0'] = jax.random.normal(ks[7], (2 * H, H), dtype=jnp.float32) * s
    inp['nb0'] = jnp.zeros((H,), dtype=jnp.float32)
    inp['nW1'] = jax.random.normal(ks[8], (H, H), dtype=jnp.float32) * s
    inp['nb1'] = jnp.zeros((H,), dtype=jnp.float32)
    inp['nW2'] = jax.random.normal(ks[9], (H, H), dtype=jnp.float32) * s
    inp['nb2'] = jnp.zeros((H,), dtype=jnp.float32)
    inp['ng'] = jnp.ones((H,), dtype=jnp.float32)
    inp['nbt'] = jnp.zeros((H,), dtype=jnp.float32)
    return inp


def reference(senders, receivers, node_features, edge_features,
              eW0, eb0, eW1, eb1, eW2, eb2, eg, ebt,
              nW0, nb0, nW1, nb1, nW2, nb2, ng, nbt):
    # update_edges: gather sender/receiver node features, concat with edge features, MLP
    sender_feat = jnp.take(node_features, senders, axis=0)
    receiver_feat = jnp.take(node_features, receivers, axis=0)
    edge_in = jnp.concatenate([sender_feat, receiver_feat, edge_features], axis=-1)
    new_edge = _mlp(edge_in, eW0, eb0, eW1, eb1, eW2, eb2, eg, ebt)
    # update_nodes: scatter-add new edge features by receiver, concat, MLP
    agg = jax.ops.segment_sum(new_edge, receivers, num_segments=N)
    node_in = jnp.concatenate([node_features, agg], axis=-1)
    new_node = _mlp(node_in, nW0, nb0, nW1, nb1, nW2, nb2, ng, nbt)
    # residuals
    new_node = new_node + node_features
    new_edge = new_edge + edge_features
    return (new_node, new_edge)

if __name__ == "__main__":
    import jax
    _d = setup_inputs()
    print(jax.jit(kernel)(*tuple(_d.values())))

</pallas_src>

<mosaic_0001>
#map = affine_map<(d0, d1) -> (0, 0)>
#map1 = affine_map<(d0, d1) -> (0, 0, 0)>
#map2 = affine_map<(d0, d1) -> (0, 0, 0, 0)>
module attributes {stable_mosaic.version = 14 : i64} {
  func.func @sc_gather(%arg0: i32, %arg1: i32, %arg2: memref<10000x128xi32, #tpu.memory_space<hbm>>, %arg3: memref<10000x128xi32, #tpu.memory_space<hbm>>, %arg4: memref<32x25x40xi32, #tpu.memory_space<hbm>>, %arg5: memref<32x25x40xi32, #tpu.memory_space<hbm>>, %arg6: memref<32x25x40x128xi32, #tpu.memory_space<hbm>>, %arg7: memref<32x25x40x128xi32, #tpu.memory_space<hbm>>, %arg8: memref<25x40xi32, #tpu.memory_space<vmem>>, %arg9: memref<25x40xi32, #tpu.memory_space<vmem>>, %arg10: memref<40x128xi32, #tpu.memory_space<vmem>>, %arg11: memref<40x128xi32, #tpu.memory_space<vmem>>, %arg12: memref<40x128xi32, #tpu.memory_space<vmem>>, %arg13: memref<40x128xi32, #tpu.memory_space<vmem>>, %arg14: memref<!tpu.dma_semaphore, #tpu.memory_space<semaphore_mem>>, %arg15: memref<!tpu.dma_semaphore, #tpu.memory_space<semaphore_mem>>, %arg16: memref<!tpu.dma_semaphore, #tpu.memory_space<semaphore_mem>>, %arg17: memref<!tpu.dma_semaphore, #tpu.memory_space<semaphore_mem>>, %arg18: memref<!tpu.dma_semaphore, #tpu.memory_space<semaphore_mem>>, %arg19: memref<!tpu.dma_semaphore, #tpu.memory_space<semaphore_mem>>, %arg20: memref<!tpu.dma_semaphore, #tpu.memory_space<semaphore_mem>>, %arg21: memref<!tpu.dma_semaphore, #tpu.memory_space<semaphore_mem>>) attributes {dimension_semantics = [#tpu.dimension_semantics<core_parallel>, #tpu.dimension_semantics<subcore_parallel>], iteration_bounds = array<i64: 2, 16>, scalar_prefetch = 0 : i64, scratch_operands = 14 : i64, tpu.core_type = #tpu.core_type<sc_vector_subcore>, window_params = [{transform_indices = #map}, {transform_indices = #map}, {transform_indices = #map1}, {transform_indices = #map1}, {transform_indices = #map2}, {transform_indices = #map2}]} {
    %mul3A = arith.constant 2 : i32
    %mul3A_0 = arith.muli %arg1, %mul3A : i32
    %add3A = arith.addi %mul3A_0, %arg0 : i32
    "tpu.region"() ({
      %run_scoped3A = tpu.sem_alloc : memref<!tpu.dma_semaphore, #tpu.memory_space<semaphore_mem>>
      %dma_start3A_86 = arith.constant 0 : i32
      %dma_start3A_87 = arith.constant 0 : i32
      %dma_start3A_88 = tpu.memref_slice %arg4[%add3A, %dma_start3A_86, %dma_start3A_87] : memref<32x25x40xi32, #tpu.memory_space<hbm>> -> memref<1x25x40xi32, #tpu.memory_space<hbm>>
      %dma_start3A_89 = tpu.memref_squeeze %dma_start3A_88 : memref<1x25x40xi32, #tpu.memory_space<hbm>> -> memref<25x40xi32, #tpu.memory_space<hbm>>
      %dma_start3A_90 = arith.constant 0 : i32
      %dma_start3A_91 = arith.constant 0 : i32
      %dma_start3A_92 = tpu.memref_slice %arg4[%add3A, %dma_start3A_90, %dma_start3A_91] : memref<32x25x40xi32, #tpu.memory_space<hbm>> -> memref<1x25x40xi32, #tpu.memory_space<hbm>>
      %dma_start3A_93 = tpu.memref_squeeze %dma_start3A_92 : memref<1x25x40xi32, #tpu.memory_space<hbm>> -> memref<25x40xi32, #tpu.memory_space<hbm>>
      tpu.enqueue_dma source(%dma_start3A_93 : memref<25x40xi32, #tpu.memory_space<hbm>>) target(%arg8 : memref<25x40xi32, #tpu.memory_space<vmem>>) target_semaphore(%run_scoped3A : memref<!tpu.dma_semaphore, #tpu.memory_space<semaphore_mem>>)
      %dma_wait3A_94 = arith.constant 0 : i32
      %dma_wait3A_95 = arith.constant 0 : i32
      %dma_wait3A_96 = tpu.memref_slice %arg4[%add3A, %dma_wait3A_94, %dma_wait3A_95] : memref<32x25x40xi32, #tpu.memory_space<hbm>> -> memref<1x25x40xi32, #tpu.memory_space<hbm>>
      %dma_wait3A_97 = tpu.memref_squeeze %dma_wait3A_96 : memref<1x25x40xi32, #tpu.memory_space<hbm>> -> memref<25x40xi32, #tpu.memory_space<hbm>>
      %dma_wait3A_98 = arith.constant 0 : i32
      %dma_wait3A_99 = arith.constant 0 : i32
      %dma_wait3A_100 = tpu.memref_slice %arg4[%add3A, %dma_wait3A_98, %dma_wait3A_99] : memref<32x25x40xi32, #tpu.memory_space<hbm>> -> memref<1x25x40xi32, #tpu.memory_space<hbm>>
      %dma_wait3A_101 = tpu.memref_squeeze %dma_wait3A_100 : memref<1x25x40xi32, #tpu.memory_space<hbm>> -> memref<25x40xi32, #tpu.memory_space<hbm>>
      tpu.wait_dma2 semaphore(%run_scoped3A : memref<!tpu.dma_semaphore, #tpu.memory_space<semaphore_mem>>) src(%dma_wait3A_101 : memref<25x40xi32, #tpu.memory_space<hbm>>) dst(%arg8 : memref<25x40xi32, #tpu.memory_space<vmem>>)
      tpu.yield
    }) : () -> ()
    "tpu.region"() ({
      %run_scoped3A = tpu.sem_alloc : memref<!tpu.dma_semaphore, #tpu.memory_space<semaphore_mem>>
      %dma_start3A_86 = arith.constant 0 : i32
      %dma_start3A_87 = arith.constant 0 : i32
      %dma_start3A_88 = tpu.memref_slice %arg5[%add3A, %dma_start3A_86, %dma_start3A_87] : memref<32x25x40xi32, #tpu.memory_space<hbm>> -> memref<1x25x40xi32, #tpu.memory_space<hbm>>
      %dma_start3A_89 = tpu.memref_squeeze %dma_start3A_88 : memref<1x25x40xi32, #tpu.memory_space<hbm>> -> memref<25x40xi32, #tpu.memory_space<hbm>>
      %dma_start3A_90 = arith.constant 0 : i32
      %dma_start3A_91 = arith.constant 0 : i32
      %dma_start3A_92 = tpu.memref_slice %arg5[%add3A, %dma_start3A_90, %dma_start3A_91] : memref<32x25x40xi32, #tpu.memory_space<hbm>> -> memref<1x25x40xi32, #tpu.memory_space<hbm>>
      %dma_start3A_93 = tpu.memref_squeeze %dma_start3A_92 : memref<1x25x40xi32, #tpu.memory_space<hbm>> -> memref<25x40xi32, #tpu.memory_space<hbm>>
      tpu.enqueue_dma source(%dma_start3A_93 : memref<25x40xi32, #tpu.memory_space<hbm>>) target(%arg9 : memref<25x40xi32, #tpu.memory_space<vmem>>) target_semaphore(%run_scoped3A : memref<!tpu.dma_semaphore, #tpu.memory_space<semaphore_mem>>)
      %dma_wait3A_94 = arith.constant 0 : i32
      %dma_wait3A_95 = arith.constant 0 : i32
      %dma_wait3A_96 = tpu.memref_slice %arg5[%add3A, %dma_wait3A_94, %dma_wait3A_95] : memref<32x25x40xi32, #tpu.memory_space<hbm>> -> memref<1x25x40xi32, #tpu.memory_space<hbm>>
      %dma_wait3A_97 = tpu.memref_squeeze %dma_wait3A_96 : memref<1x25x40xi32, #tpu.memory_space<hbm>> -> memref<25x40xi32, #tpu.memory_space<hbm>>
      %dma_wait3A_98 = arith.constant 0 : i32
      %dma_wait3A_99 = arith.constant 0 : i32
      %dma_wait3A_100 = tpu.memref_slice %arg5[%add3A, %dma_wait3A_98, %dma_wait3A_99] : memref<32x25x40xi32, #tpu.memory_space<hbm>> -> memref<1x25x40xi32, #tpu.memory_space<hbm>>
      %dma_wait3A_101 = tpu.memref_squeeze %dma_wait3A_100 : memref<1x25x40xi32, #tpu.memory_space<hbm>> -> memref<25x40xi32, #tpu.memory_space<hbm>>
      tpu.wait_dma2 semaphore(%run_scoped3A : memref<!tpu.dma_semaphore, #tpu.memory_space<semaphore_mem>>) src(%dma_wait3A_101 : memref<25x40xi32, #tpu.memory_space<hbm>>) dst(%arg9 : memref<25x40xi32, #tpu.memory_space<vmem>>)
      tpu.yield
    }) : () -> ()
    %dma_start3A = arith.constant 0 : i32
    %dma_start3A_1 = arith.constant 0 : i32
    %dma_start3A_2 = tpu.memref_slice %arg8[%dma_start3A, %dma_start3A_1] : memref<25x40xi32, #tpu.memory_space<vmem>> -> memref<1x40xi32, #tpu.memory_space<vmem>>
    %dma_start3A_3 = tpu.memref_squeeze %dma_start3A_2 : memref<1x40xi32, #tpu.memory_space<vmem>> -> memref<40xi32, #tpu.memory_space<vmem>>
    %dma_start3A_4 = arith.constant 0 : i32
    %dma_start3A_5 = arith.constant 0 : i32
    %dma_start3A_6 = tpu.memref_slice %arg2[%dma_start3A_4, %dma_start3A_5] : memref<10000x128xi32, #tpu.memory_space<hbm>> -> memref<10000x128xi32, #tpu.memory_space<hbm>>
    tpu.enqueue_indirect_dma source(%dma_start3A_6 : memref<10000x128xi32, #tpu.memory_space<hbm>>) target(%arg10 : memref<40x128xi32, #tpu.memory_space<vmem>>) offsets(%dma_start3A_3 : memref<40xi32, #tpu.memory_space<vmem>>) semaphore(%arg14 : memref<!tpu.dma_semaphore, #tpu.memory_space<semaphore_mem>>)
    %dma_start3A_7 = arith.constant 0 : i32
    %dma_start3A_8 = arith.constant 0 : i32
    %dma_start3A_9 = tpu.memref_slice %arg9[%dma_start3A_7, %dma_start3A_8] : memref<25x40xi32, #tpu.memory_space<vmem>> -> memref<1x40xi32, #tpu.memory_space<vmem>>
    %dma_start3A_10 = tpu.memref_squeeze %dma_start3A_9 : memref<1x40xi32, #tpu.memory_space<vmem>> -> memref<40xi32, #tpu.memory_space<vmem>>
    %dma_start3A_11 = arith.constant 0 : i32
    %dma_start3A_12 = arith.constant 0 : i32
    %dma_start3A_13 = tpu.memref_slice %arg3[%dma_start3A_11, %dma_start3A_12] : memref<10000x128xi32, #tpu.memory_space<hbm>> -> memref<10000x128xi32, #tpu.memory_space<hbm>>
    tpu.enqueue_indirect_dma source(%dma_start3A_13 : memref<10000x128xi32, #tpu.memory_space<hbm>>) target(%arg12 : memref<40x128xi32, #tpu.memory_space<vmem>>) offsets(%dma_start3A_10 : memref<40xi32, #tpu.memory_space<vmem>>) semaphore(%arg16 : memref<!tpu.dma_semaphore, #tpu.memory_space<semaphore_mem>>)
    %scan3A = arith.constant 0 : i32
    %scan3A_14 = arith.constant 0 : i32
    %scan3A_15 = arith.constant 12 : i32
    %scan3A_16 = arith.addi %scan3A_14, %scan3A_15 : i32
    %scan3A_17 = arith.constant 1 : i32
    scf.for %scan3A_86 = %scan3A_14 to %scan3A_16 step %scan3A_17  : i32 {
      %mul3A_87 = arith.constant 2 : i32
      %mul3A_88 = arith.muli %mul3A_87, %scan3A_86 : i32
      %add3A_89 = arith.constant 0 : i32
      %add3A_90 = arith.addi %mul3A_88, %add3A_89 : i32
      %gt3A = arith.constant 0 : i32
      %gt3A_91 = arith.cmpi sgt, %add3A_90, %gt3A : i32
      %convert_element_type3A = arith.extui %gt3A_91 : i1 to i32
      %cond3A = arith.constant 0 : i32
      %cond3A_92 = arith.cmpi ne, %convert_element_type3A, %cond3A : i32
      scf.if %cond3A_92 {
        %sub3A = arith.constant 1 : i32
        %sub3A_186 = arith.subi %add3A_90, %sub3A : i32
        %dma_wait3A_187 = arith.constant 0 : i32
        %dma_wait3A_188 = arith.constant 0 : i32
        %dma_wait3A_189 = tpu.memref_slice %arg6[%add3A, %sub3A_186, %dma_wait3A_187, %dma_wait3A_188] : memref<32x25x40x128xi32, #tpu.memory_space<hbm>> -> memref<1x1x40x128xi32, #tpu.memory_space<hbm>>
        %dma_wait3A_190 = tpu.memref_squeeze %dma_wait3A_189 : memref<1x1x40x128xi32, #tpu.memory_space<hbm>> -> memref<40x128xi32, #tpu.memory_space<hbm>>
        %dma_wait3A_191 = arith.constant 0 : i32
        %dma_wait3A_192 = arith.constant 0 : i32
        %dma_wait3A_193 = tpu.memref_slice %arg6[%add3A, %sub3A_186, %dma_wait3A_191, %dma_wait3A_192] : memref<32x25x40x128xi32, #tpu.memory_space<hbm>> -> memref<1x1x40x128xi32, #tpu.memory_space<hbm>>
        %dma_wait3A_194 = tpu.memref_squeeze %dma_wait3A_193 : memref<1x1x40x128xi32, #tpu.memory_space<hbm>> -> memref<40x128xi32, #tpu.memory_space<hbm>>
        tpu.wait_dma2 semaphore(%arg19 : memref<!tpu.dma_semaphore, #tpu.memory_space<semaphore_mem>>) src(%arg11 : memref<40x128xi32, #tpu.memory_space<vmem>>) dst(%dma_wait3A_194 : memref<40x128xi32, #tpu.memory_space<hbm>>)
        %dma_wait3A_195 = arith.constant 0 : i32
        %dma_wait3A_196 = arith.constant 0 : i32
        %dma_wait3A_197 = tpu.memref_slice %arg7[%add3A, %sub3A_186, %dma_wait3A_195, %dma_wait3A_196] : memref<32x25x40x128xi32, #tpu.memory_space<hbm>> -> memref<1x1x40x128xi32, #tpu.memory_space<hbm>>
        %dma_wait3A_198 = tpu.memref_squeeze %dma_wait3A_197 : memref<1x1x40x128xi32, #tpu.memory_space<hbm>> -> memref<40x128xi32, #tpu.memory_space<hbm>>
        %dma_wait3A_199 = arith.constant 0 : i32
        %dma_wait3A_200 = arith.constant 0 : i32
        %dma_wait3A_201 = tpu.memref_slice %arg7[%add3A, %sub3A_186, %dma_wait3A_199, %dma_wait3A_200] : memref<32x25x40x128xi32, #tpu.memory_space<hbm>> -> memref<1x1x40x128xi32, #tpu.memory_space<hbm>>
        %dma_wait3A_202 = tpu.memref_squeeze %dma_wait3A_201 : memref<1x1x40x128xi32, #tpu.memory_space<hbm>> -> memref<40x128xi32, #tpu.memory_space<hbm>>
        tpu.wait_dma2 semaphore(%arg21 : memref<!tpu.dma_semaphore, #tpu.memory_space<semaphore_mem>>) src(%arg13 : memref<40x128xi32, #tpu.memory_space<vmem>>) dst(%dma_wait3A_202 : memref<40x128xi32, #tpu.memory_space<hbm>>)
      } else {
      }
      %add3A_93 = arith.constant 1 : i32
      %add3A_94 = arith.addi %add3A_90, %add3A_93 : i32
      %dma_start3A_95 = arith.constant 0 : i32
      %dma_start3A_96 = tpu.memref_slice %arg8[%add3A_94, %dma_start3A_95] : memref<25x40xi32, #tpu.memory_space<vmem>> -> memref<1x40xi32, #tpu.memory_space<vmem>>
      %dma_start3A_97 = tpu.memref_squeeze %dma_start3A_96 : memref<1x40xi32, #tpu.memory_space<vmem>> -> memref<40xi32, #tpu.memory_space<vmem>>
      %dma_start3A_98 = arith.constant 0 : i32
      %dma_start3A_99 = arith.constant 0 : i32
      %dma_start3A_100 = tpu.memref_slice %arg2[%dma_start3A_98, %dma_start3A_99] : memref<10000x128xi32, #tpu.memory_space<hbm>> -> memref<10000x128xi32, #tpu.memory_space<hbm>>
      tpu.enqueue_indirect_dma source(%dma_start3A_100 : memref<10000x128xi32, #tpu.memory_space<hbm>>) target(%arg11 : memref<40x128xi32, #tpu.memory_space<vmem>>) offsets(%dma_start3A_97 : memref<40xi32, #tpu.memory_space<vmem>>) semaphore(%arg15 : memref<!tpu.dma_semaphore, #tpu.memory_space<semaphore_mem>>)
      %dma_start3A_101 = arith.constant 0 : i32
      %dma_start3A_102 = tpu.memref_slice %arg9[%add3A_94, %dma_start3A_101] : memref<25x40xi32, #tpu.memory_space<vmem>> -> memref<1x40xi32, #tpu.memory_space<vmem>>
      %dma_start3A_103 = tpu.memref_squeeze %dma_start3A_102 : memref<1x40xi32, #tpu.memory_space<vmem>> -> memref<40xi32, #tpu.memory_space<vmem>>
      %dma_start3A_104 = arith.constant 0 : i32
      %dma_start3A_105 = arith.constant 0 : i32
      %dma_start3A_106 = tpu.memref_slice %arg3[%dma_start3A_104, %dma_start3A_105] : memref<10000x128xi32, #tpu.memory_space<hbm>> -> memref<10000x128xi32, #tpu.memory_space<hbm>>
      tpu.enqueue_indirect_dma source(%dma_start3A_106 : memref<10000x128xi32, #tpu.memory_space<hbm>>) target(%arg13 : memref<40x128xi32, #tpu.memory_space<vmem>>) offsets(%dma_start3A_103 : memref<40xi32, #tpu.memory_space<vmem>>) semaphore(%arg17 : memref<!tpu.dma_semaphore, #tpu.memory_space<semaphore_mem>>)
      %dma_wait3A_107 = arith.constant 0 : i32
      %dma_wait3A_108 = tpu.memref_slice %arg8[%add3A_90, %dma_wait3A_107] : memref<25x40xi32, #tpu.memory_space<vmem>> -> memref<1x40xi32, #tpu.memory_space<vmem>>
      %dma_wait3A_109 = tpu.memref_squeeze %dma_wait3A_108 : memref<1x40xi32, #tpu.memory_space<vmem>> -> memref<40xi32, #tpu.memory_space<vmem>>
      %dma_wait3A_110 = arith.constant 0 : i32
      %dma_wait3A_111 = arith.constant 0 : i32
      %dma_wait3A_112 = tpu.memref_slice %arg2[%dma_wait3A_110, %dma_wait3A_111] : memref<10000x128xi32, #tpu.memory_space<hbm>> -> memref<10000x128xi32, #tpu.memory_space<hbm>>
      tpu.wait_indirect_dma semaphore(%arg14 : memref<!tpu.dma_semaphore, #tpu.memory_space<semaphore_mem>>) src(%dma_wait3A_112 : memref<10000x128xi32, #tpu.memory_space<hbm>>) dst(%arg10 : memref<40x128xi32, #tpu.memory_space<vmem>>)
      %dma_wait3A_113 = arith.constant 0 : i32
      %dma_wait3A_114 = tpu.memref_slice %arg9[%add3A_90, %dma_wait3A_113] : memref<25x40xi32, #tpu.memory_space<vmem>> -> memref<1x40xi32, #tpu.memory_space<vmem>>
      %dma_wait3A_115 = tpu.memref_squeeze %dma_wait3A_114 : memref<1x40xi32, #tpu.memory_space<vmem>> -> memref<40xi32, #tpu.memory_space<vmem>>
      %dma_wait3A_116 = arith.constant 0 : i32
      %dma_wait3A_117 = arith.constant 0 : i32
      %dma_wait3A_118 = tpu.memref_slice %arg3[%dma_wait3A_116, %dma_wait3A_117] : memref<10000x128xi32, #tpu.memory_space<hbm>> -> memref<10000x128xi32, #tpu.memory_space<hbm>>
      tpu.wait_indirect_dma semaphore(%arg16 : memref<!tpu.dma_semaphore, #tpu.memory_space<semaphore_mem>>) src(%dma_wait3A_118 : memref<10000x128xi32, #tpu.memory_space<hbm>>) dst(%arg12 : memref<40x128xi32, #tpu.memory_space<vmem>>)
      %dma_start3A_119 = arith.constant 0 : i32
      %dma_start3A_120 = arith.constant 0 : i32
      %dma_start3A_121 = tpu.memref_slice %arg6[%add3A, %add3A_90, %dma_start3A_119, %dma_start3A_120] : memref<32x25x40x128xi32, #tpu.memory_space<hbm>> -> memref<1x1x40x128xi32, #tpu.memory_space<hbm>>
      %dma_start3A_122 = tpu.memref_squeeze %dma_start3A_121 : memref<1x1x40x128xi32, #tpu.memory_space<hbm>> -> memref<40x128xi32, #tpu.memory_space<hbm>>
      %dma_start3A_123 = arith.constant 0 : i32
      %dma_start3A_124 = arith.constant 0 : i32
      %dma_start3A_125 = tpu.memref_slice %arg6[%add3A, %add3A_90, %dma_start3A_123, %dma_start3A_124] : memref<32x25x40x128xi32, #tpu.memory_space<hbm>> -> memref<1x1x40x128xi32, #tpu.memory_space<hbm>>
      %dma_start3A_126 = tpu.memref_squeeze %dma_start3A_125 : memref<1x1x40x128xi32, #tpu.memory_space<hbm>> -> memref<40x128xi32, #tpu.memory_space<hbm>>
      tpu.enqueue_dma source(%arg10 : memref<40x128xi32, #tpu.memory_space<vmem>>) target(%dma_start3A_126 : memref<40x128xi32, #tpu.memory_space<hbm>>) target_semaphore(%arg18 : memref<!tpu.dma_semaphore, #tpu.memory_space<semaphore_mem>>)
      %dma_start3A_127 = arith.constant 0 : i32
      %dma_start3A_128 = arith.constant 0 : i32
      %dma_start3A_129 = tpu.memref_slice %arg7[%add3A, %add3A_90, %dma_start3A_127, %dma_start3A_128] : memref<32x25x40x128xi32, #tpu.memory_space<hbm>> -> memref<1x1x40x128xi32, #tpu.memory_space<hbm>>
      %dma_start3A_130 = tpu.memref_squeeze %dma_start3A_129 : memref<1x1x40x128xi32, #tpu.memory_space<hbm>> -> memref<40x128xi32, #tpu.memory_space<hbm>>
      %dma_start3A_131 = arith.constant 0 : i32
      %dma_start3A_132 = arith.constant 0 : i32
      %dma_start3A_133 = tpu.memref_slice %arg7[%add3A, %add3A_90, %dma_start3A_131, %dma_start3A_132] : memref<32x25x40x128xi32, #tpu.memory_space<hbm>> -> memref<1x1x40x128xi32, #tpu.memory_space<hbm>>
      %dma_start3A_134 = tpu.memref_squeeze %dma_start3A_133 : memref<1x1x40x128xi32, #tpu.memory_space<hbm>> -> memref<40x128xi32, #tpu.memory_space<hbm>>
      tpu.enqueue_dma source(%arg12 : memref<40x128xi32, #tpu.memory_space<vmem>>) target(%dma_start3A_134 : memref<40x128xi32, #tpu.memory_space<hbm>>) target_semaphore(%arg20 : memref<!tpu.dma_semaphore, #tpu.memory_space<semaphore_mem>>)
      %mul3A_135 = arith.constant 2 : i32
      %mul3A_136 = arith.muli %mul3A_135, %scan3A_86 : i32
      %add3A_137 = arith.constant 1 : i32
      %add3A_138 = arith.addi %mul3A_136, %add3A_137 : i32
      %gt3A_139 = arith.constant 0 : i32
      %gt3A_140 = arith.cmpi sgt, %add3A_138, %gt3A_139 : i32
      %convert_element_type3A_141 = arith.extui %gt3A_140 : i1 to i32
      %cond3A_142 = arith.constant 0 : i32
      %cond3A_143 = arith.cmpi ne, %convert_element_type3A_141, %cond3A_142 : i32
      scf.if %cond3A_143 {
        %sub3A = arith.constant 1 : i32
        %sub3A_186 = arith.subi %add3A_138, %sub3A : i32
        %dma_wait3A_187 = arith.constant 0 : i32
        %dma_wait3A_188 = arith.constant 0 : i32
        %dma_wait3A_189 = tpu.memref_slice %arg6[%add3A, %sub3A_186, %dma_wait3A_187, %dma_wait3A_188] : memref<32x25x40x128xi32, #tpu.memory_space<hbm>> -> memref<1x1x40x128xi32, #tpu.memory_space<hbm>>
        %dma_wait3A_190 = tpu.memref_squeeze %dma_wait3A_189 : memref<1x1x40x128xi32, #tpu.memory_space<hbm>> -> memref<40x128xi32, #tpu.memory_space<hbm>>
        %dma_wait3A_191 = arith.constant 0 : i32
        %dma_wait3A_192 = arith.constant 0 : i32
        %dma_wait3A_193 = tpu.memref_slice %arg6[%add3A, %sub3A_186, %dma_wait3A_191, %dma_wait3A_192] : memref<32x25x40x128xi32, #tpu.memory_space<hbm>> -> memref<1x1x40x128xi32, #tpu.memory_space<hbm>>
        %dma_wait3A_194 = tpu.memref_squeeze %dma_wait3A_193 : memref<1x1x40x128xi32, #tpu.memory_space<hbm>> -> memref<40x128xi32, #tpu.memory_space<hbm>>
        tpu.wait_dma2 semaphore(%arg18 : memref<!tpu.dma_semaphore, #tpu.memory_space<semaphore_mem>>) src(%arg10 : memref<40x128xi32, #tpu.memory_space<vmem>>) dst(%dma_wait3A_194 : memref<40x128xi32, #tpu.memory_space<hbm>>)
        %dma_wait3A_195 = arith.constant 0 : i32
        %dma_wait3A_196 = arith.constant 0 : i32
        %dma_wait3A_197 = tpu.memref_slice %arg7[%add3A, %sub3A_186, %dma_wait3A_195, %dma_wait3A_196] : memref<32x25x40x128xi32, #tpu.memory_space<hbm>> -> memref<1x1x40x128xi32, #tpu.memory_space<hbm>>
        %dma_wait3A_198 = tpu.memref_squeeze %dma_wait3A_197 : memref<1x1x40x128xi32, #tpu.memory_space<hbm>> -> memref<40x128xi32, #tpu.memory_space<hbm>>
        %dma_wait3A_199 = arith.constant 0 : i32
        %dma_wait3A_200 = arith.constant 0 : i32
        %dma_wait3A_201 = tpu.memref_slice %arg7[%add3A, %sub3A_186, %dma_wait3A_199, %dma_wait3A_200] : memref<32x25x40x128xi32, #tpu.memory_space<hbm>> -> memref<1x1x40x128xi32, #tpu.memory_space<hbm>>
        %dma_wait3A_202 = tpu.memref_squeeze %dma_wait3A_201 : memref<1x1x40x128xi32, #tpu.memory_space<hbm>> -> memref<40x128xi32, #tpu.memory_space<hbm>>
        tpu.wait_dma2 semaphore(%arg20 : memref<!tpu.dma_semaphore, #tpu.memory_space<semaphore_mem>>) src(%arg12 : memref<40x128xi32, #tpu.memory_space<vmem>>) dst(%dma_wait3A_202 : memref<40x128xi32, #tpu.memory_space<hbm>>)
      } else {
      }
      %add3A_144 = arith.constant 1 : i32
      %add3A_145 = arith.addi %add3A_138, %add3A_144 : i32
      %dma_start3A_146 = arith.constant 0 : i32
      %dma_start3A_147 = tpu.memref_slice %arg8[%add3A_145, %dma_start3A_146] : memref<25x40xi32, #tpu.memory_space<vmem>> -> memref<1x40xi32, #tpu.memory_space<vmem>>
      %dma_start3A_148 = tpu.memref_squeeze %dma_start3A_147 : memref<1x40xi32, #tpu.memory_space<vmem>> -> memref<40xi32, #tpu.memory_space<vmem>>
      %dma_start3A_149 = arith.constant 0 : i32
      %dma_start3A_150 = arith.constant 0 : i32
      %dma_start3A_151 = tpu.memref_slice %arg2[%dma_start3A_149, %dma_start3A_150] : memref<10000x128xi32, #tpu.memory_space<hbm>> -> memref<10000x128xi32, #tpu.memory_space<hbm>>
      tpu.enqueue_indirect_dma source(%dma_start3A_151 : memref<10000x128xi32, #tpu.memory_space<hbm>>) target(%arg10 : memref<40x128xi32, #tpu.memory_space<vmem>>) offsets(%dma_start3A_148 : memref<40xi32, #tpu.memory_space<vmem>>) semaphore(%arg14 : memref<!tpu.dma_semaphore, #tpu.memory_space<semaphore_mem>>)
      %dma_start3A_152 = arith.constant 0 : i32
      %dma_start3A_153 = tpu.memref_slice %arg9[%add3A_145, %dma_start3A_152] : memref<25x40xi32, #tpu.memory_space<vmem>> -> memref<1x40xi32, #tpu.memory_space<vmem>>
      %dma_start3A_154 = tpu.memref_squeeze %dma_start3A_153 : memref<1x40xi32, #tpu.memory_space<vmem>> -> memref<40xi32, #tpu.memory_space<vmem>>
      %dma_start3A_155 = arith.constant 0 : i32
      %dma_start3A_156 = arith.constant 0 : i32
      %dma_start3A_157 = tpu.memref_slice %arg3[%dma_start3A_155, %dma_start3A_156] : memref<10000x128xi32, #tpu.memory_space<hbm>> -> memref<10000x128xi32, #tpu.memory_space<hbm>>
      tpu.enqueue_indirect_dma source(%dma_start3A_157 : memref<10000x128xi32, #tpu.memory_space<hbm>>) target(%arg12 : memref<40x128xi32, #tpu.memory_space<vmem>>) offsets(%dma_start3A_154 : memref<40xi32, #tpu.memory_space<vmem>>) semaphore(%arg16 : memref<!tpu.dma_semaphore, #tpu.memory_space<semaphore_mem>>)
      %dma_wait3A_158 = arith.constant 0 : i32
      %dma_wait3A_159 = tpu.memref_slice %arg8[%add3A_138, %dma_wait3A_158] : memref<25x40xi32, #tpu.memory_space<vmem>> -> memref<1x40xi32, #tpu.memory_space<vmem>>
      %dma_wait3A_160 = tpu.memref_squeeze %dma_wait3A_159 : memref<1x40xi32, #tpu.memory_space<vmem>> -> memref<40xi32, #tpu.memory_space<vmem>>
      %dma_wait3A_161 = arith.constant 0 : i32
      %dma_wait3A_162 = arith.constant 0 : i32
      %dma_wait3A_163 = tpu.memref_slice %arg2[%dma_wait3A_161, %dma_wait3A_162] : memref<10000x128xi32, #tpu.memory_space<hbm>> -> memref<10000x128xi32, #tpu.memory_space<hbm>>
      tpu.wait_indirect_dma semaphore(%arg15 : memref<!tpu.dma_semaphore, #tpu.memory_space<semaphore_mem>>) src(%dma_wait3A_163 : memref<10000x128xi32, #tpu.memory_space<hbm>>) dst(%arg11 : memref<40x128xi32, #tpu.memory_space<vmem>>)
      %dma_wait3A_164 = arith.constant 0 : i32
      %dma_wait3A_165 = tpu.memref_slice %arg9[%add3A_138, %dma_wait3A_164] : memref<25x40xi32, #tpu.memory_space<vmem>> -> memref<1x40xi32, #tpu.memory_space<vmem>>
      %dma_wait3A_166 = tpu.memref_squeeze %dma_wait3A_165 : memref<1x40xi32, #tpu.memory_space<vmem>> -> memref<40xi32, #tpu.memory_space<vmem>>
      %dma_wait3A_167 = arith.constant 0 : i32
      %dma_wait3A_168 = arith.constant 0 : i32
      %dma_wait3A_169 = tpu.memref_slice %arg3[%dma_wait3A_167, %dma_wait3A_168] : memref<10000x128xi32, #tpu.memory_space<hbm>> -> memref<10000x128xi32, #tpu.memory_space<hbm>>
      tpu.wait_indirect_dma semaphore(%arg17 : memref<!tpu.dma_semaphore, #tpu.memory_space<semaphore_mem>>) src(%dma_wait3A_169 : memref<10000x128xi32, #tpu.memory_space<hbm>>) dst(%arg13 : memref<40x128xi32, #tpu.memory_space<vmem>>)
      %dma_start3A_170 = arith.constant 0 : i32
      %dma_start3A_171 = arith.constant 0 : i32
      %dma_start3A_172 = tpu.memref_slice %arg6[%add3A, %add3A_138, %dma_start3A_170, %dma_start3A_171] : memref<32x25x40x128xi32, #tpu.memory_space<hbm>> -> memref<1x1x40x128xi32, #tpu.memory_space<hbm>>
      %dma_start3A_173 = tpu.memref_squeeze %dma_start3A_172 : memref<1x1x40x128xi32, #tpu.memory_space<hbm>> -> memref<40x128xi32, #tpu.memory_space<hbm>>
      %dma_start3A_174 = arith.constant 0 : i32
      %dma_start3A_175 = arith.constant 0 : i32
      %dma_start3A_176 = tpu.memref_slice %arg6[%add3A, %add3A_138, %dma_start3A_174, %dma_start3A_175] : memref<32x25x40x128xi32, #tpu.memory_space<hbm>> -> memref<1x1x40x128xi32, #tpu.memory_space<hbm>>
      %dma_start3A_177 = tpu.memref_squeeze %dma_start3A_176 : memref<1x1x40x128xi32, #tpu.memory_space<hbm>> -> memref<40x128xi32, #tpu.memory_space<hbm>>
      tpu.enqueue_dma source(%arg11 : memref<40x128xi32, #tpu.memory_space<vmem>>) target(%dma_start3A_177 : memref<40x128xi32, #tpu.memory_space<hbm>>) target_semaphore(%arg19 : memref<!tpu.dma_semaphore, #tpu.memory_space<semaphore_mem>>)
      %dma_start3A_178 = arith.constant 0 : i32
      %dma_start3A_179 = arith.constant 0 : i32
      %dma_start3A_180 = tpu.memref_slice %arg7[%add3A, %add3A_138, %dma_start3A_178, %dma_start3A_179] : memref<32x25x40x128xi32, #tpu.memory_space<hbm>> -> memref<1x1x40x128xi32, #tpu.memory_space<hbm>>
      %dma_start3A_181 = tpu.memref_squeeze %dma_start3A_180 : memref<1x1x40x128xi32, #tpu.memory_space<hbm>> -> memref<40x128xi32, #tpu.memory_space<hbm>>
      %dma_start3A_182 = arith.constant 0 : i32
      %dma_start3A_183 = arith.constant 0 : i32
      %dma_start3A_184 = tpu.memref_slice %arg7[%add3A, %add3A_138, %dma_start3A_182, %dma_start3A_183] : memref<32x25x40x128xi32, #tpu.memory_space<hbm>> -> memref<1x1x40x128xi32, #tpu.memory_space<hbm>>
      %dma_start3A_185 = tpu.memref_squeeze %dma_start3A_184 : memref<1x1x40x128xi32, #tpu.memory_space<hbm>> -> memref<40x128xi32, #tpu.memory_space<hbm>>
      tpu.enqueue_dma source(%arg13 : memref<40x128xi32, #tpu.memory_space<vmem>>) target(%dma_start3A_185 : memref<40x128xi32, #tpu.memory_space<hbm>>) target_semaphore(%arg21 : memref<!tpu.dma_semaphore, #tpu.memory_space<semaphore_mem>>)
    }
    %scan3A_18 = arith.constant 12 : i32
    %dma_wait3A = arith.constant 23 : i32
    %dma_wait3A_19 = arith.constant 0 : i32
    %dma_wait3A_20 = arith.constant 0 : i32
    %dma_wait3A_21 = tpu.memref_slice %arg6[%add3A, %dma_wait3A, %dma_wait3A_19, %dma_wait3A_20] : memref<32x25x40x128xi32, #tpu.memory_space<hbm>> -> memref<1x1x40x128xi32, #tpu.memory_space<hbm>>
    %dma_wait3A_22 = tpu.memref_squeeze %dma_wait3A_21 : memref<1x1x40x128xi32, #tpu.memory_space<hbm>> -> memref<40x128xi32, #tpu.memory_space<hbm>>
    %dma_wait3A_23 = arith.constant 0 : i32
    %dma_wait3A_24 = arith.constant 0 : i32
    %dma_wait3A_25 = tpu.memref_slice %arg6[%add3A, %dma_wait3A, %dma_wait3A_23, %dma_wait3A_24] : memref<32x25x40x128xi32, #tpu.memory_space<hbm>> -> memref<1x1x40x128xi32, #tpu.memory_space<hbm>>
    %dma_wait3A_26 = tpu.memref_squeeze %dma_wait3A_25 : memref<1x1x40x128xi32, #tpu.memory_space<hbm>> -> memref<40x128xi32, #tpu.memory_space<hbm>>
    tpu.wait_dma2 semaphore(%arg19 : memref<!tpu.dma_semaphore, #tpu.memory_space<semaphore_mem>>) src(%arg11 : memref<40x128xi32, #tpu.memory_space<vmem>>) dst(%dma_wait3A_26 : memref<40x128xi32, #tpu.memory_space<hbm>>)
    %dma_wait3A_27 = arith.constant 23 : i32
    %dma_wait3A_28 = arith.constant 0 : i32
    %dma_wait3A_29 = arith.constant 0 : i32
    %dma_wait3A_30 = tpu.memref_slice %arg7[%add3A, %dma_wait3A_27, %dma_wait3A_28, %dma_wait3A_29] : memref<32x25x40x128xi32, #tpu.memory_space<hbm>> -> memref<1x1x40x128xi32, #tpu.memory_space<hbm>>
    %dma_wait3A_31 = tpu.memref_squeeze %dma_wait3A_30 : memref<1x1x40x128xi32, #tpu.memory_space<hbm>> -> memref<40x128xi32, #tpu.memory_space<hbm>>
    %dma_wait3A_32 = arith.constant 0 : i32
    %dma_wait3A_33 = arith.constant 0 : i32
    %dma_wait3A_34 = tpu.memref_slice %arg7[%add3A, %dma_wait3A_27, %dma_wait3A_32, %dma_wait3A_33] : memref<32x25x40x128xi32, #tpu.memory_space<hbm>> -> memref<1x1x40x128xi32, #tpu.memory_space<hbm>>
    %dma_wait3A_35 = tpu.memref_squeeze %dma_wait3A_34 : memref<1x1x40x128xi32, #tpu.memory_space<hbm>> -> memref<40x128xi32, #tpu.memory_space<hbm>>
    tpu.wait_dma2 semaphore(%arg21 : memref<!tpu.dma_semaphore, #tpu.memory_space<semaphore_mem>>) src(%arg13 : memref<40x128xi32, #tpu.memory_space<vmem>>) dst(%dma_wait3A_35 : memref<40x128xi32, #tpu.memory_space<hbm>>)
    %dma_wait3A_36 = arith.constant 24 : i32
    %dma_wait3A_37 = arith.constant 0 : i32
    %dma_wait3A_38 = tpu.memref_slice %arg8[%dma_wait3A_36, %dma_wait3A_37] : memref<25x40xi32, #tpu.memory_space<vmem>> -> memref<1x40xi32, #tpu.memory_space<vmem>>
    %dma_wait3A_39 = tpu.memref_squeeze %dma_wait3A_38 : memref<1x40xi32, #tpu.memory_space<vmem>> -> memref<40xi32, #tpu.memory_space<vmem>>
    %dma_wait3A_40 = arith.constant 0 : i32
    %dma_wait3A_41 = arith.constant 0 : i32
    %dma_wait3A_42 = tpu.memref_slice %arg2[%dma_wait3A_40, %dma_wait3A_41] : memref<10000x128xi32, #tpu.memory_space<hbm>> -> memref<10000x128xi32, #tpu.memory_space<hbm>>
    tpu.wait_indirect_dma semaphore(%arg14 : memref<!tpu.dma_semaphore, #tpu.memory_space<semaphore_mem>>) src(%dma_wait3A_42 : memref<10000x128xi32, #tpu.memory_space<hbm>>) dst(%arg10 : memref<40x128xi32, #tpu.memory_space<vmem>>)
    %dma_wait3A_43 = arith.constant 24 : i32
    %dma_wait3A_44 = arith.constant 0 : i32
    %dma_wait3A_45 = tpu.memref_slice %arg9[%dma_wait3A_43, %dma_wait3A_44] : memref<25x40xi32, #tpu.memory_space<vmem>> -> memref<1x40xi32, #tpu.memory_space<vmem>>
    %dma_wait3A_46 = tpu.memref_squeeze %dma_wait3A_45 : memref<1x40xi32, #tpu.memory_space<vmem>> -> memref<40xi32, #tpu.memory_space<vmem>>
    %dma_wait3A_47 = arith.constant 0 : i32
    %dma_wait3A_48 = arith.constant 0 : i32
    %dma_wait3A_49 = tpu.memref_slice %arg3[%dma_wait3A_47, %dma_wait3A_48] : memref<10000x128xi32, #tpu.memory_space<hbm>> -> memref<10000x128xi32, #tpu.memory_space<hbm>>
    tpu.wait_indirect_dma semaphore(%arg16 : memref<!tpu.dma_semaphore, #tpu.memory_space<semaphore_mem>>) src(%dma_wait3A_49 : memref<10000x128xi32, #tpu.memory_space<hbm>>) dst(%arg12 : memref<40x128xi32, #tpu.memory_space<vmem>>)
    %dma_start3A_50 = arith.constant 24 : i32
    %dma_start3A_51 = arith.constant 0 : i32
    %dma_start3A_52 = arith.constant 0 : i32
    %dma_start3A_53 = tpu.memref_slice %arg6[%add3A, %dma_start3A_50, %dma_start3A_51, %dma_start3A_52] : memref<32x25x40x128xi32, #tpu.memory_space<hbm>> -> memref<1x1x40x128xi32, #tpu.memory_space<hbm>>
    %dma_start3A_54 = tpu.memref_squeeze %dma_start3A_53 : memref<1x1x40x128xi32, #tpu.memory_space<hbm>> -> memref<40x128xi32, #tpu.memory_space<hbm>>
    %dma_start3A_55 = arith.constant 0 : i32
    %dma_start3A_56 = arith.constant 0 : i32
    %dma_start3A_57 = tpu.memref_slice %arg6[%add3A, %dma_start3A_50, %dma_start3A_55, %dma_start3A_56] : memref<32x25x40x128xi32, #tpu.memory_space<hbm>> -> memref<1x1x40x128xi32, #tpu.memory_space<hbm>>
    %dma_start3A_58 = tpu.memref_squeeze %dma_start3A_57 : memref<1x1x40x128xi32, #tpu.memory_space<hbm>> -> memref<40x128xi32, #tpu.memory_space<hbm>>
    tpu.enqueue_dma source(%arg10 : memref<40x128xi32, #tpu.memory_space<vmem>>) target(%dma_start3A_58 : memref<40x128xi32, #tpu.memory_space<hbm>>) target_semaphore(%arg18 : memref<!tpu.dma_semaphore, #tpu.memory_space<semaphore_mem>>)
    %dma_start3A_59 = arith.constant 24 : i32
    %dma_start3A_60 = arith.constant 0 : i32
    %dma_start3A_61 = arith.constant 0 : i32
    %dma_start3A_62 = tpu.memref_slice %arg7[%add3A, %dma_start3A_59, %dma_start3A_60, %dma_start3A_61] : memref<32x25x40x128xi32, #tpu.memory_space<hbm>> -> memref<1x1x40x128xi32, #tpu.memory_space<hbm>>
    %dma_start3A_63 = tpu.memref_squeeze %dma_start3A_62 : memref<1x1x40x128xi32, #tpu.memory_space<hbm>> -> memref<40x128xi32, #tpu.memory_space<hbm>>
    %dma_start3A_64 = arith.constant 0 : i32
    %dma_start3A_65 = arith.constant 0 : i32
    %dma_start3A_66 = tpu.memref_slice %arg7[%add3A, %dma_start3A_59, %dma_start3A_64, %dma_start3A_65] : memref<32x25x40x128xi32, #tpu.memory_space<hbm>> -> memref<1x1x40x128xi32, #tpu.memory_space<hbm>>
    %dma_start3A_67 = tpu.memref_squeeze %dma_start3A_66 : memref<1x1x40x128xi32, #tpu.memory_space<hbm>> -> memref<40x128xi32, #tpu.memory_space<hbm>>
    tpu.enqueue_dma source(%arg12 : memref<40x128xi32, #tpu.memory_space<vmem>>) target(%dma_start3A_67 : memref<40x128xi32, #tpu.memory_space<hbm>>) target_semaphore(%arg20 : memref<!tpu.dma_semaphore, #tpu.memory_space<semaphore_mem>>)
    %dma_wait3A_68 = arith.constant 24 : i32
    %dma_wait3A_69 = arith.constant 0 : i32
    %dma_wait3A_70 = arith.constant 0 : i32
    %dma_wait3A_71 = tpu.memref_slice %arg6[%add3A, %dma_wait3A_68, %dma_wait3A_69, %dma_wait3A_70] : memref<32x25x40x128xi32, #tpu.memory_space<hbm>> -> memref<1x1x40x128xi32, #tpu.memory_space<hbm>>
    %dma_wait3A_72 = tpu.memref_squeeze %dma_wait3A_71 : memref<1x1x40x128xi32, #tpu.memory_space<hbm>> -> memref<40x128xi32, #tpu.memory_space<hbm>>
    %dma_wait3A_73 = arith.constant 0 : i32
    %dma_wait3A_74 = arith.constant 0 : i32
    %dma_wait3A_75 = tpu.memref_slice %arg6[%add3A, %dma_wait3A_68, %dma_wait3A_73, %dma_wait3A_74] : memref<32x25x40x128xi32, #tpu.memory_space<hbm>> -> memref<1x1x40x128xi32, #tpu.memory_space<hbm>>
    %dma_wait3A_76 = tpu.memref_squeeze %dma_wait3A_75 : memref<1x1x40x128xi32, #tpu.memory_space<hbm>> -> memref<40x128xi32, #tpu.memory_space<hbm>>
    tpu.wait_dma2 semaphore(%arg18 : memref<!tpu.dma_semaphore, #tpu.memory_space<semaphore_mem>>) src(%arg10 : memref<40x128xi32, #tpu.memory_space<vmem>>) dst(%dma_wait3A_76 : memref<40x128xi32, #tpu.memory_space<hbm>>)
    %dma_wait3A_77 = arith.constant 24 : i32
    %dma_wait3A_78 = arith.constant 0 : i32
    %dma_wait3A_79 = arith.constant 0 : i32
    %dma_wait3A_80 = tpu.memref_slice %arg7[%add3A, %dma_wait3A_77, %dma_wait3A_78, %dma_wait3A_79] : memref<32x25x40x128xi32, #tpu.memory_space<hbm>> -> memref<1x1x40x128xi32, #tpu.memory_space<hbm>>
    %dma_wait3A_81 = tpu.memref_squeeze %dma_wait3A_80 : memref<1x1x40x128xi32, #tpu.memory_space<hbm>> -> memref<40x128xi32, #tpu.memory_space<hbm>>
    %dma_wait3A_82 = arith.constant 0 : i32
    %dma_wait3A_83 = arith.constant 0 : i32
    %dma_wait3A_84 = tpu.memref_slice %arg7[%add3A, %dma_wait3A_77, %dma_wait3A_82, %dma_wait3A_83] : memref<32x25x40x128xi32, #tpu.memory_space<hbm>> -> memref<1x1x40x128xi32, #tpu.memory_space<hbm>>
    %dma_wait3A_85 = tpu.memref_squeeze %dma_wait3A_84 : memref<1x1x40x128xi32, #tpu.memory_space<hbm>> -> memref<40x128xi32, #tpu.memory_space<hbm>>
    tpu.wait_dma2 semaphore(%arg20 : memref<!tpu.dma_semaphore, #tpu.memory_space<semaphore_mem>>) src(%arg12 : memref<40x128xi32, #tpu.memory_space<vmem>>) dst(%dma_wait3A_85 : memref<40x128xi32, #tpu.memory_space<hbm>>)
    return
  }
}

#map = affine_map<(d0, d1) -> (0, 0)>
#map1 = affine_map<(d0, d1) -> (0, 0, 0)>
#map2 = affine_map<(d0, d1) -> (0, 0, 0, 0)>
module attributes {stable_mosaic.version = 14 : i64} {
  func.func @sc_gather(%arg0: i32, %arg1: i32, %arg2: memref<10000x128xi32, #tpu.memory_space<hbm>>, %arg3: memref<10000x128xi32, #tpu.memory_space<hbm>>, %arg4: memref<32x25x40xi32, #tpu.memory_space<hbm>>, %arg5: memref<32x25x40xi32, #tpu.memory_space<hbm>>, %arg6: memref<32x25x40x128xi32, #tpu.memory_space<hbm>>, %arg7: memref<32x25x40x128xi32, #tpu.memory_space<hbm>>, %arg8: memref<25x40xi32, #tpu.memory_space<vmem>>, %arg9: memref<25x40xi32, #tpu.memory_space<vmem>>, %arg10: memref<40x128xi32, #tpu.memory_space<vmem>>, %arg11: memref<40x128xi32, #tpu.memory_space<vmem>>, %arg12: memref<40x128xi32, #tpu.memory_space<vmem>>, %arg13: memref<40x128xi32, #tpu.memory_space<vmem>>, %arg14: memref<!tpu.dma_semaphore, #tpu.memory_space<semaphore_mem>>, %arg15: memref<!tpu.dma_semaphore, #tpu.memory_space<semaphore_mem>>, %arg16: memref<!tpu.dma_semaphore, #tpu.memory_space<semaphore_mem>>, %arg17: memref<!tpu.dma_semaphore, #tpu.memory_space<semaphore_mem>>, %arg18: memref<!tpu.dma_semaphore, #tpu.memory_space<semaphore_mem>>, %arg19: memref<!tpu.dma_semaphore, #tpu.memory_space<semaphore_mem>>, %arg20: memref<!tpu.dma_semaphore, #tpu.memory_space<semaphore_mem>>, %arg21: memref<!tpu.dma_semaphore, #tpu.memory_space<semaphore_mem>>) attributes {dimension_semantics = [#tpu.dimension_semantics<core_parallel>, #tpu.dimension_semantics<subcore_parallel>], iteration_bounds = array<i64: 2, 16>, scalar_prefetch = 0 : i64, scratch_operands = 14 : i64, tpu.core_type = #tpu.core_type<sc_vector_subcore>, window_params = [{transform_indices = #map}, {transform_indices = #map}, {transform_indices = #map1}, {transform_indices = #map1}, {transform_indices = #map2}, {transform_indices = #map2}]} {
    %mul3A = arith.constant 2 : i32
    %mul3A_0 = arith.muli %arg1, %mul3A : i32
    %add3A = arith.addi %mul3A_0, %arg0 : i32
    "tpu.region"() ({
      %run_scoped3A = tpu.sem_alloc : memref<!tpu.dma_semaphore, #tpu.memory_space<semaphore_mem>>
      %dma_start3A_86 = arith.constant 0 : i32
      %dma_start3A_87 = arith.constant 0 : i32
      %dma_start3A_88 = tpu.memref_slice %arg4[%add3A, %dma_start3A_86, %dma_start3A_87] : memref<32x25x40xi32, #tpu.memory_space<hbm>> -> memref<1x25x40xi32, #tpu.memory_space<hbm>>
      %dma_start3A_89 = tpu.memref_squeeze %dma_start3A_88 : memref<1x25x40xi32, #tpu.memory_space<hbm>> -> memref<25x40xi32, #tpu.memory_space<hbm>>
      %dma_start3A_90 = arith.constant 0 : i32
      %dma_start3A_91 = arith.constant 0 : i32
      %dma_start3A_92 = tpu.memref_slice %arg4[%add3A, %dma_start3A_90, %dma_start3A_91] : memref<32x25x40xi32, #tpu.memory_space<hbm>> -> memref<1x25x40xi32, #tpu.memory_space<hbm>>
      %dma_start3A_93 = tpu.memref_squeeze %dma_start3A_92 : memref<1x25x40xi32, #tpu.memory_space<hbm>> -> memref<25x40xi32, #tpu.memory_space<hbm>>
      tpu.enqueue_dma source(%dma_start3A_93 : memref<25x40xi32, #tpu.memory_space<hbm>>) target(%arg8 : memref<25x40xi32, #tpu.memory_space<vmem>>) target_semaphore(%run_scoped3A : memref<!tpu.dma_semaphore, #tpu.memory_space<semaphore_mem>>)
      %dma_wait3A_94 = arith.constant 0 : i32
      %dma_wait3A_95 = arith.constant 0 : i32
      %dma_wait3A_96 = tpu.memref_slice %arg4[%add3A, %dma_wait3A_94, %dma_wait3A_95] : memref<32x25x40xi32, #tpu.memory_space<hbm>> -> memref<1x25x40xi32, #tpu.memory_space<hbm>>
      %dma_wait3A_97 = tpu.memref_squeeze %dma_wait3A_96 : memref<1x25x40xi32, #tpu.memory_space<hbm>> -> memref<25x40xi32, #tpu.memory_space<hbm>>
      %dma_wait3A_98 = arith.constant 0 : i32
      %dma_wait3A_99 = arith.constant 0 : i32
      %dma_wait3A_100 = tpu.memref_slice %arg4[%add3A, %dma_wait3A_98, %dma_wait3A_99] : memref<32x25x40xi32, #tpu.memory_space<hbm>> -> memref<1x25x40xi32, #tpu.memory_space<hbm>>
      %dma_wait3A_101 = tpu.memref_squeeze %dma_wait3A_100 : memref<1x25x40xi32, #tpu.memory_space<hbm>> -> memref<25x40xi32, #tpu.memory_space<hbm>>
      tpu.wait_dma2 semaphore(%run_scoped3A : memref<!tpu.dma_semaphore, #tpu.memory_space<semaphore_mem>>) src(%dma_wait3A_101 : memref<25x40xi32, #tpu.memory_space<hbm>>) dst(%arg8 : memref<25x40xi32, #tpu.memory_space<vmem>>)
      tpu.yield
    }) : () -> ()
    "tpu.region"() ({
      %run_scoped3A = tpu.sem_alloc : memref<!tpu.dma_semaphore, #tpu.memory_space<semaphore_mem>>
      %dma_start3A_86 = arith.constant 0 : i32
      %dma_start3A_87 = arith.constant 0 : i32
      %dma_start3A_88 = tpu.memref_slice %arg5[%add3A, %dma_start3A_86, %dma_start3A_87] : memref<32x25x40xi32, #tpu.memory_space<hbm>> -> memref<1x25x40xi32, #tpu.memory_space<hbm>>
      %dma_start3A_89 = tpu.memref_squeeze %dma_start3A_88 : memref<1x25x40xi32, #tpu.memory_space<hbm>> -> memref<25x40xi32, #tpu.memory_space<hbm>>
      %dma_start3A_90 = arith.constant 0 : i32
      %dma_start3A_91 = arith.constant 0 : i32
      %dma_start3A_92 = tpu.memref_slice %arg5[%add3A, %dma_start3A_90, %dma_start3A_91] : memref<32x25x40xi32, #tpu.memory_space<hbm>> -> memref<1x25x40xi32, #tpu.memory_space<hbm>>
      %dma_start3A_93 = tpu.memref_squeeze %dma_start3A_92 : memref<1x25x40xi32, #tpu.memory_space<hbm>> -> memref<25x40xi32, #tpu.memory_space<hbm>>
      tpu.enqueue_dma source(%dma_start3A_93 : memref<25x40xi32, #tpu.memory_space<hbm>>) target(%arg9 : memref<25x40xi32, #tpu.memory_space<vmem>>) target_semaphore(%run_scoped3A : memref<!tpu.dma_semaphore, #tpu.memory_space<semaphore_mem>>)
      %dma_wait3A_94 = arith.constant 0 : i32
      %dma_wait3A_95 = arith.constant 0 : i32
      %dma_wait3A_96 = tpu.memref_slice %arg5[%add3A, %dma_wait3A_94, %dma_wait3A_95] : memref<32x25x40xi32, #tpu.memory_space<hbm>> -> memref<1x25x40xi32, #tpu.memory_space<hbm>>
      %dma_wait3A_97 = tpu.memref_squeeze %dma_wait3A_96 : memref<1x25x40xi32, #tpu.memory_space<hbm>> -> memref<25x40xi32, #tpu.memory_space<hbm>>
      %dma_wait3A_98 = arith.constant 0 : i32
      %dma_wait3A_99 = arith.constant 0 : i32
      %dma_wait3A_100 = tpu.memref_slice %arg5[%add3A, %dma_wait3A_98, %dma_wait3A_99] : memref<32x25x40xi32, #tpu.memory_space<hbm>> -> memref<1x25x40xi32, #tpu.memory_space<hbm>>
      %dma_wait3A_101 = tpu.memref_squeeze %dma_wait3A_100 : memref<1x25x40xi32, #tpu.memory_space<hbm>> -> memref<25x40xi32, #tpu.memory_space<hbm>>
      tpu.wait_dma2 semaphore(%run_scoped3A : memref<!tpu.dma_semaphore, #tpu.memory_space<semaphore_mem>>) src(%dma_wait3A_101 : memref<25x40xi32, #tpu.memory_space<hbm>>) dst(%arg9 : memref<25x40xi32, #tpu.memory_space<vmem>>)
      tpu.yield
    }) : () -> ()
    %dma_start3A = arith.constant 0 : i32
    %dma_start3A_1 = arith.constant 0 : i32
    %dma_start3A_2 = tpu.memref_slice %arg8[%dma_start3A, %dma_start3A_1] : memref<25x40xi32, #tpu.memory_space<vmem>> -> memref<1x40xi32, #tpu.memory_space<vmem>>
    %dma_start3A_3 = tpu.memref_squeeze %dma_start3A_2 : memref<1x40xi32, #tpu.memory_space<vmem>> -> memref<40xi32, #tpu.memory_space<vmem>>
    %dma_start3A_4 = arith.constant 0 : i32
    %dma_start3A_5 = arith.constant 0 : i32
    %dma_start3A_6 = tpu.memref_slice %arg2[%dma_start3A_4, %dma_start3A_5] : memref<10000x128xi32, #tpu.memory_space<hbm>> -> memref<10000x128xi32, #tpu.memory_space<hbm>>
    tpu.enqueue_indirect_dma source(%dma_start3A_6 : memref<10000x128xi32, #tpu.memory_space<hbm>>) target(%arg10 : memref<40x128xi32, #tpu.memory_space<vmem>>) offsets(%dma_start3A_3 : memref<40xi32, #tpu.memory_space<vmem>>) semaphore(%arg14 : memref<!tpu.dma_semaphore, #tpu.memory_space<semaphore_mem>>)
    %dma_start3A_7 = arith.constant 0 : i32
    %dma_start3A_8 = arith.constant 0 : i32
    %dma_start3A_9 = tpu.memref_slice %arg9[%dma_start3A_7, %dma_start3A_8] : memref<25x40xi32, #tpu.memory_space<vmem>> -> memref<1x40xi32, #tpu.memory_space<vmem>>
    %dma_start3A_10 = tpu.memref_squeeze %dma_start3A_9 : memref<1x40xi32, #tpu.memory_space<vmem>> -> memref<40xi32, #tpu.memory_space<vmem>>
    %dma_start3A_11 = arith.constant 0 : i32
    %dma_start3A_12 = arith.constant 0 : i32
    %dma_start3A_13 = tpu.memref_slice %arg3[%dma_start3A_11, %dma_start3A_12] : memref<10000x128xi32, #tpu.memory_space<hbm>> -> memref<10000x128xi32, #tpu.memory_space<hbm>>
    tpu.enqueue_indirect_dma source(%dma_start3A_13 : memref<10000x128xi32, #tpu.memory_space<hbm>>) target(%arg12 : memref<40x128xi32, #tpu.memory_space<vmem>>) offsets(%dma_start3A_10 : memref<40xi32, #tpu.memory_space<vmem>>) semaphore(%arg16 : memref<!tpu.dma_semaphore, #tpu.memory_space<semaphore_mem>>)
    %scan3A = arith.constant 0 : i32
    %scan3A_14 = arith.constant 0 : i32
    %scan3A_15 = arith.constant 12 : i32
    %scan3A_16 = arith.addi %scan3A_14, %scan3A_15 : i32
    %scan3A_17 = arith.constant 1 : i32
    scf.for %scan3A_86 = %scan3A_14 to %scan3A_16 step %scan3A_17  : i32 {
      %mul3A_87 = arith.constant 2 : i32
      %mul3A_88 = arith.muli %mul3A_87, %scan3A_86 : i32
      %add3A_89 = arith.constant 0 : i32
      %add3A_90 = arith.addi %mul3A_88, %add3A_89 : i32
      %gt3A = arith.constant 0 : i32
      %gt3A_91 = arith.cmpi sgt, %add3A_90, %gt3A : i32
      %convert_element_type3A = arith.extui %gt3A_91 : i1 to i32
      %cond3A = arith.constant 0 : i32
      %cond3A_92 = arith.cmpi ne, %convert_element_type3A, %cond3A : i32
      scf.if %cond3A_92 {
        %sub3A = arith.constant 1 : i32
        %sub3A_186 = arith.subi %add3A_90, %sub3A : i32
        %dma_wait3A_187 = arith.constant 0 : i32
        %dma_wait3A_188 = arith.constant 0 : i32
        %dma_wait3A_189 = tpu.memref_slice %arg6[%add3A, %sub3A_186, %dma_wait3A_187, %dma_wait3A_188] : memref<32x25x40x128xi32, #tpu.memory_space<hbm>> -> memref<1x1x40x128xi32, #tpu.memory_space<hbm>>
        %dma_wait3A_190 = tpu.memref_squeeze %dma_wait3A_189 : memref<1x1x40x128xi32, #tpu.memory_space<hbm>> -> memref<40x128xi32, #tpu.memory_space<hbm>>
        %dma_wait3A_191 = arith.constant 0 : i32
        %dma_wait3A_192 = arith.constant 0 : i32
        %dma_wait3A_193 = tpu.memref_slice %arg6[%add3A, %sub3A_186, %dma_wait3A_191, %dma_wait3A_192] : memref<32x25x40x128xi32, #tpu.memory_space<hbm>> -> memref<1x1x40x128xi32, #tpu.memory_space<hbm>>
        %dma_wait3A_194 = tpu.memref_squeeze %dma_wait3A_193 : memref<1x1x40x128xi32, #tpu.memory_space<hbm>> -> memref<40x128xi32, #tpu.memory_space<hbm>>
        tpu.wait_dma2 semaphore(%arg19 : memref<!tpu.dma_semaphore, #tpu.memory_space<semaphore_mem>>) src(%arg11 : memref<40x128xi32, #tpu.memory_space<vmem>>) dst(%dma_wait3A_194 : memref<40x128xi32, #tpu.memory_space<hbm>>)
        %dma_wait3A_195 = arith.constant 0 : i32
        %dma_wait3A_196 = arith.constant 0 : i32
        %dma_wait3A_197 = tpu.memref_slice %arg7[%add3A, %sub3A_186, %dma_wait3A_195, %dma_wait3A_196] : memref<32x25x40x128xi32, #tpu.memory_space<hbm>> -> memref<1x1x40x128xi32, #tpu.memory_space<hbm>>
        %dma_wait3A_198 = tpu.memref_squeeze %dma_wait3A_197 : memref<1x1x40x128xi32, #tpu.memory_space<hbm>> -> memref<40x128xi32, #tpu.memory_space<hbm>>
        %dma_wait3A_199 = arith.constant 0 : i32
        %dma_wait3A_200 = arith.constant 0 : i32
        %dma_wait3A_201 = tpu.memref_slice %arg7[%add3A, %sub3A_186, %dma_wait3A_199, %dma_wait3A_200] : memref<32x25x40x128xi32, #tpu.memory_space<hbm>> -> memref<1x1x40x128xi32, #tpu.memory_space<hbm>>
        %dma_wait3A_202 = tpu.memref_squeeze %dma_wait3A_201 : memref<1x1x40x128xi32, #tpu.memory_space<hbm>> -> memref<40x128xi32, #tpu.memory_space<hbm>>
        tpu.wait_dma2 semaphore(%arg21 : memref<!tpu.dma_semaphore, #tpu.memory_space<semaphore_mem>>) src(%arg13 : memref<40x128xi32, #tpu.memory_space<vmem>>) dst(%dma_wait3A_202 : memref<40x128xi32, #tpu.memory_space<hbm>>)
      } else {
      }
      %add3A_93 = arith.constant 1 : i32
      %add3A_94 = arith.addi %add3A_90, %add3A_93 : i32
      %dma_start3A_95 = arith.constant 0 : i32
      %dma_start3A_96 = tpu.memref_slice %arg8[%add3A_94, %dma_start3A_95] : memref<25x40xi32, #tpu.memory_space<vmem>> -> memref<1x40xi32, #tpu.memory_space<vmem>>
      %dma_start3A_97 = tpu.memref_squeeze %dma_start3A_96 : memref<1x40xi32, #tpu.memory_space<vmem>> -> memref<40xi32, #tpu.memory_space<vmem>>
      %dma_start3A_98 = arith.constant 0 : i32
      %dma_start3A_99 = arith.constant 0 : i32
      %dma_start3A_100 = tpu.memref_slice %arg2[%dma_start3A_98, %dma_start3A_99] : memref<10000x128xi32, #tpu.memory_space<hbm>> -> memref<10000x128xi32, #tpu.memory_space<hbm>>
      tpu.enqueue_indirect_dma source(%dma_start3A_100 : memref<10000x128xi32, #tpu.memory_space<hbm>>) target(%arg11 : memref<40x128xi32, #tpu.memory_space<vmem>>) offsets(%dma_start3A_97 : memref<40xi32, #tpu.memory_space<vmem>>) semaphore(%arg15 : memref<!tpu.dma_semaphore, #tpu.memory_space<semaphore_mem>>)
      %dma_start3A_101 = arith.constant 0 : i32
      %dma_start3A_102 = tpu.memref_slice %arg9[%add3A_94, %dma_start3A_101] : memref<25x40xi32, #tpu.memory_space<vmem>> -> memref<1x40xi32, #tpu.memory_space<vmem>>
      %dma_start3A_103 = tpu.memref_squeeze %dma_start3A_102 : memref<1x40xi32, #tpu.memory_space<vmem>> -> memref<40xi32, #tpu.memory_space<vmem>>
      %dma_start3A_104 = arith.constant 0 : i32
      %dma_start3A_105 = arith.constant 0 : i32
      %dma_start3A_106 = tpu.memref_slice %arg3[%dma_start3A_104, %dma_start3A_105] : memref<10000x128xi32, #tpu.memory_space<hbm>> -> memref<10000x128xi32, #tpu.memory_space<hbm>>
      tpu.enqueue_indirect_dma source(%dma_start3A_106 : memref<10000x128xi32, #tpu.memory_space<hbm>>) target(%arg13 : memref<40x128xi32, #tpu.memory_space<vmem>>) offsets(%dma_start3A_103 : memref<40xi32, #tpu.memory_space<vmem>>) semaphore(%arg17 : memref<!tpu.dma_semaphore, #tpu.memory_space<semaphore_mem>>)
      %dma_wait3A_107 = arith.constant 0 : i32
      %dma_wait3A_108 = tpu.memref_slice %arg8[%add3A_90, %dma_wait3A_107] : memref<25x40xi32, #tpu.memory_space<vmem>> -> memref<1x40xi32, #tpu.memory_space<vmem>>
      %dma_wait3A_109 = tpu.memref_squeeze %dma_wait3A_108 : memref<1x40xi32, #tpu.memory_space<vmem>> -> memref<40xi32, #tpu.memory_space<vmem>>
      %dma_wait3A_110 = arith.constant 0 : i32
      %dma_wait3A_111 = arith.constant 0 : i32
      %dma_wait3A_112 = tpu.memref_slice %arg2[%dma_wait3A_110, %dma_wait3A_111] : memref<10000x128xi32, #tpu.memory_space<hbm>> -> memref<10000x128xi32, #tpu.memory_space<hbm>>
      tpu.wait_indirect_dma semaphore(%arg14 : memref<!tpu.dma_semaphore, #tpu.memory_space<semaphore_mem>>) src(%dma_wait3A_112 : memref<10000x128xi32, #tpu.memory_space<hbm>>) dst(%arg10 : memref<40x128xi32, #tpu.memory_space<vmem>>)
      %dma_wait3A_113 = arith.constant 0 : i32
      %dma_wait3A_114 = tpu.memref_slice %arg9[%add3A_90, %dma_wait3A_113] : memref<25x40xi32, #tpu.memory_space<vmem>> -> memref<1x40xi32, #tpu.memory_space<vmem>>
      %dma_wait3A_115 = tpu.memref_squeeze %dma_wait3A_114 : memref<1x40xi32, #tpu.memory_space<vmem>> -> memref<40xi32, #tpu.memory_space<vmem>>
      %dma_wait3A_116 = arith.constant 0 : i32
      %dma_wait3A_117 = arith.constant 0 : i32
      %dma_wait3A_118 = tpu.memref_slice %arg3[%dma_wait3A_116, %dma_wait3A_117] : memref<10000x128xi32, #tpu.memory_space<hbm>> -> memref<10000x128xi32, #tpu.memory_space<hbm>>
      tpu.wait_indirect_dma semaphore(%arg16 : memref<!tpu.dma_semaphore, #tpu.memory_space<semaphore_mem>>) src(%dma_wait3A_118 : memref<10000x128xi32, #tpu.memory_space<hbm>>) dst(%arg12 : memref<40x128xi32, #tpu.memory_space<vmem>>)
      %dma_start3A_119 = arith.constant 0 : i32
      %dma_start3A_120 = arith.constant 0 : i32
      %dma_start3A_121 = tpu.memref_slice %arg6[%add3A, %add3A_90, %dma_start3A_119, %dma_start3A_120] : memref<32x25x40x128xi32, #tpu.memory_space<hbm>> -> memref<1x1x40x128xi32, #tpu.memory_space<hbm>>
      %dma_start3A_122 = tpu.memref_squeeze %dma_start3A_121 : memref<1x1x40x128xi32, #tpu.memory_space<hbm>> -> memref<40x128xi32, #tpu.memory_space<hbm>>
      %dma_start3A_123 = arith.constant 0 : i32
      %dma_start3A_124 = arith.constant 0 : i32
      %dma_start3A_125 = tpu.memref_slice %arg6[%add3A, %add3A_90, %dma_start3A_123, %dma_start3A_124] : memref<32x25x40x128xi32, #tpu.memory_space<hbm>> -> memref<1x1x40x128xi32, #tpu.memory_space<hbm>>
      %dma_start3A_126 = tpu.memref_squeeze %dma_start3A_125 : memref<1x1x40x128xi32, #tpu.memory_space<hbm>> -> memref<40x128xi32, #tpu.memory_space<hbm>>
      tpu.enqueue_dma source(%arg10 : memref<40x128xi32, #tpu.memory_space<vmem>>) target(%dma_start3A_126 : memref<40x128xi32, #tpu.memory_space<hbm>>) target_semaphore(%arg18 : memref<!tpu.dma_semaphore, #tpu.memory_space<semaphore_mem>>)
      %dma_start3A_127 = arith.constant 0 : i32
      %dma_start3A_128 = arith.constant 0 : i32
      %dma_start3A_129 = tpu.memref_slice %arg7[%add3A, %add3A_90, %dma_start3A_127, %dma_start3A_128] : memref<32x25x40x128xi32, #tpu.memory_space<hbm>> -> memref<1x1x40x128xi32, #tpu.memory_space<hbm>>
      %dma_start3A_130 = tpu.memref_squeeze %dma_start3A_129 : memref<1x1x40x128xi32, #tpu.memory_space<hbm>> -> memref<40x128xi32, #tpu.memory_space<hbm>>
      %dma_start3A_131 = arith.constant 0 : i32
      %dma_start3A_132 = arith.constant 0 : i32
      %dma_start3A_133 = tpu.memref_slice %arg7[%add3A, %add3A_90, %dma_start3A_131, %dma_start3A_132] : memref<32x25x40x128xi32, #tpu.memory_space<hbm>> -> memref<1x1x40x128xi32, #tpu.memory_space<hbm>>
      %dma_start3A_134 = tpu.memref_squeeze %dma_start3A_133 : memref<1x1x40x128xi32, #tpu.memory_space<hbm>> -> memref<40x128xi32, #tpu.memory_space<hbm>>
      tpu.enqueue_dma source(%arg12 : memref<40x128xi32, #tpu.memory_space<vmem>>) target(%dma_start3A_134 : memref<40x128xi32, #tpu.memory_space<hbm>>) target_semaphore(%arg20 : memref<!tpu.dma_semaphore, #tpu.memory_space<semaphore_mem>>)
      %mul3A_135 = arith.constant 2 : i32
      %mul3A_136 = arith.muli %mul3A_135, %scan3A_86 : i32
      %add3A_137 = arith.constant 1 : i32
      %add3A_138 = arith.addi %mul3A_136, %add3A_137 : i32
      %gt3A_139 = arith.constant 0 : i32
      %gt3A_140 = arith.cmpi sgt, %add3A_138, %gt3A_139 : i32
      %convert_element_type3A_141 = arith.extui %gt3A_140 : i1 to i32
      %cond3A_142 = arith.constant 0 : i32
      %cond3A_143 = arith.cmpi ne, %convert_element_type3A_141, %cond3A_142 : i32
      scf.if %cond3A_143 {
        %sub3A = arith.constant 1 : i32
        %sub3A_186 = arith.subi %add3A_138, %sub3A : i32
        %dma_wait3A_187 = arith.constant 0 : i32
        %dma_wait3A_188 = arith.constant 0 : i32
        %dma_wait3A_189 = tpu.memref_slice %arg6[%add3A, %sub3A_186, %dma_wait3A_187, %dma_wait3A_188] : memref<32x25x40x128xi32, #tpu.memory_space<hbm>> -> memref<1x1x40x128xi32, #tpu.memory_space<hbm>>
        %dma_wait3A_190 = tpu.memref_squeeze %dma_wait3A_189 : memref<1x1x40x128xi32, #tpu.memory_space<hbm>> -> memref<40x128xi32, #tpu.memory_space<hbm>>
        %dma_wait3A_191 = arith.constant 0 : i32
        %dma_wait3A_192 = arith.constant 0 : i32
        %dma_wait3A_193 = tpu.memref_slice %arg6[%add3A, %sub3A_186, %dma_wait3A_191, %dma_wait3A_192] : memref<32x25x40x128xi32, #tpu.memory_space<hbm>> -> memref<1x1x40x128xi32, #tpu.memory_space<hbm>>
        %dma_wait3A_194 = tpu.memref_squeeze %dma_wait3A_193 : memref<1x1x40x128xi32, #tpu.memory_space<hbm>> -> memref<40x128xi32, #tpu.memory_space<hbm>>
        tpu.wait_dma2 semaphore(%arg18 : memref<!tpu.dma_semaphore, #tpu.memory_space<semaphore_mem>>) src(%arg10 : memref<40x128xi32, #tpu.memory_space<vmem>>) dst(%dma_wait3A_194 : memref<40x128xi32, #tpu.memory_space<hbm>>)
        %dma_wait3A_195 = arith.constant 0 : i32
        %dma_wait3A_196 = arith.constant 0 : i32
        %dma_wait3A_197 = tpu.memref_slice %arg7[%add3A, %sub3A_186, %dma_wait3A_195, %dma_wait3A_196] : memref<32x25x40x128xi32, #tpu.memory_space<hbm>> -> memref<1x1x40x128xi32, #tpu.memory_space<hbm>>
        %dma_wait3A_198 = tpu.memref_squeeze %dma_wait3A_197 : memref<1x1x40x128xi32, #tpu.memory_space<hbm>> -> memref<40x128xi32, #tpu.memory_space<hbm>>
        %dma_wait3A_199 = arith.constant 0 : i32
        %dma_wait3A_200 = arith.constant 0 : i32
        %dma_wait3A_201 = tpu.memref_slice %arg7[%add3A, %sub3A_186, %dma_wait3A_199, %dma_wait3A_200] : memref<32x25x40x128xi32, #tpu.memory_space<hbm>> -> memref<1x1x40x128xi32, #tpu.memory_space<hbm>>
        %dma_wait3A_202 = tpu.memref_squeeze %dma_wait3A_201 : memref<1x1x40x128xi32, #tpu.memory_space<hbm>> -> memref<40x128xi32, #tpu.memory_space<hbm>>
        tpu.wait_dma2 semaphore(%arg20 : memref<!tpu.dma_semaphore, #tpu.memory_space<semaphore_mem>>) src(%arg12 : memref<40x128xi32, #tpu.memory_space<vmem>>) dst(%dma_wait3A_202 : memref<40x128xi32, #tpu.memory_space<hbm>>)
      } else {
      }
      %add3A_144 = arith.constant 1 : i32
      %add3A_145 = arith.addi %add3A_138, %add3A_144 : i32
      %dma_start3A_146 = arith.constant 0 : i32
      %dma_start3A_147 = tpu.memref_slice %arg8[%add3A_145, %dma_start3A_146] : memref<25x40xi32, #tpu.memory_space<vmem>> -> memref<1x40xi32, #tpu.memory_space<vmem>>
      %dma_start3A_148 = tpu.memref_squeeze %dma_start3A_147 : memref<1x40xi32, #tpu.memory_space<vmem>> -> memref<40xi32, #tpu.memory_space<vmem>>
      %dma_start3A_149 = arith.constant 0 : i32
      %dma_start3A_150 = arith.constant 0 : i32
      %dma_start3A_151 = tpu.memref_slice %arg2[%dma_start3A_149, %dma_start3A_150] : memref<10000x128xi32, #tpu.memory_space<hbm>> -> memref<10000x128xi32, #tpu.memory_space<hbm>>
      tpu.enqueue_indirect_dma source(%dma_start3A_151 : memref<10000x128xi32, #tpu.memory_space<hbm>>) target(%arg10 : memref<40x128xi32, #tpu.memory_space<vmem>>) offsets(%dma_start3A_148 : memref<40xi32, #tpu.memory_space<vmem>>) semaphore(%arg14 : memref<!tpu.dma_semaphore, #tpu.memory_space<semaphore_mem>>)
      %dma_start3A_152 = arith.constant 0 : i32
      %dma_start3A_153 = tpu.memref_slice %arg9[%add3A_145, %dma_start3A_152] : memref<25x40xi32, #tpu.memory_space<vmem>> -> memref<1x40xi32, #tpu.memory_space<vmem>>
      %dma_start3A_154 = tpu.memref_squeeze %dma_start3A_153 : memref<1x40xi32, #tpu.memory_space<vmem>> -> memref<40xi32, #tpu.memory_space<vmem>>
      %dma_start3A_155 = arith.constant 0 : i32
      %dma_start3A_156 = arith.constant 0 : i32
      %dma_start3A_157 = tpu.memref_slice %arg3[%dma_start3A_155, %dma_start3A_156] : memref<10000x128xi32, #tpu.memory_space<hbm>> -> memref<10000x128xi32, #tpu.memory_space<hbm>>
      tpu.enqueue_indirect_dma source(%dma_start3A_157 : memref<10000x128xi32, #tpu.memory_space<hbm>>) target(%arg12 : memref<40x128xi32, #tpu.memory_space<vmem>>) offsets(%dma_start3A_154 : memref<40xi32, #tpu.memory_space<vmem>>) semaphore(%arg16 : memref<!tpu.dma_semaphore, #tpu.memory_space<semaphore_mem>>)
      %dma_wait3A_158 = arith.constant 0 : i32
      %dma_wait3A_159 = tpu.memref_slice %arg8[%add3A_138, %dma_wait3A_158] : memref<25x40xi32, #tpu.memory_space<vmem>> -> memref<1x40xi32, #tpu.memory_space<vmem>>
      %dma_wait3A_160 = tpu.memref_squeeze %dma_wait3A_159 : memref<1x40xi32, #tpu.memory_space<vmem>> -> memref<40xi32, #tpu.memory_space<vmem>>
      %dma_wait3A_161 = arith.constant 0 : i32
      %dma_wait3A_162 = arith.constant 0 : i32
      %dma_wait3A_163 = tpu.memref_slice %arg2[%dma_wait3A_161, %dma_wait3A_162] : memref<10000x128xi32, #tpu.memory_space<hbm>> -> memref<10000x128xi32, #tpu.memory_space<hbm>>
      tpu.wait_indirect_dma semaphore(%arg15 : memref<!tpu.dma_semaphore, #tpu.memory_space<semaphore_mem>>) src(%dma_wait3A_163 : memref<10000x128xi32, #tpu.memory_space<hbm>>) dst(%arg11 : memref<40x128xi32, #tpu.memory_space<vmem>>)
      %dma_wait3A_164 = arith.constant 0 : i32
      %dma_wait3A_165 = tpu.memref_slice %arg9[%add3A_138, %dma_wait3A_164] : memref<25x40xi32, #tpu.memory_space<vmem>> -> memref<1x40xi32, #tpu.memory_space<vmem>>
      %dma_wait3A_166 = tpu.memref_squeeze %dma_wait3A_165 : memref<1x40xi32, #tpu.memory_space<vmem>> -> memref<40xi32, #tpu.memory_space<vmem>>
      %dma_wait3A_167 = arith.constant 0 : i32
      %dma_wait3A_168 = arith.constant 0 : i32
      %dma_wait3A_169 = tpu.memref_slice %arg3[%dma_wait3A_167, %dma_wait3A_168] : memref<10000x128xi32, #tpu.memory_space<hbm>> -> memref<10000x128xi32, #tpu.memory_space<hbm>>
      tpu.wait_indirect_dma semaphore(%arg17 : memref<!tpu.dma_semaphore, #tpu.memory_space<semaphore_mem>>) src(%dma_wait3A_169 : memref<10000x128xi32, #tpu.memory_space<hbm>>) dst(%arg13 : memref<40x128xi32, #tpu.memory_space<vmem>>)
      %dma_start3A_170 = arith.constant 0 : i32
      %dma_start3A_171 = arith.constant 0 : i32
      %dma_start3A_172 = tpu.memref_slice %arg6[%add3A, %add3A_138, %dma_start3A_170, %dma_start3A_171] : memref<32x25x40x128xi32, #tpu.memory_space<hbm>> -> memref<1x1x40x128xi32, #tpu.memory_space<hbm>>
      %dma_start3A_173 = tpu.memref_squeeze %dma_start3A_172 : memref<1x1x40x128xi32, #tpu.memory_space<hbm>> -> memref<40x128xi32, #tpu.memory_space<hbm>>
      %dma_start3A_174 = arith.constant 0 : i32
      %dma_start3A_175 = arith.constant 0 : i32
      %dma_start3A_176 = tpu.memref_slice %arg6[%add3A, %add3A_138, %dma_start3A_174, %dma_start3A_175] : memref<32x25x40x128xi32, #tpu.memory_space<hbm>> -> memref<1x1x40x128xi32, #tpu.memory_space<hbm>>
      %dma_start3A_177 = tpu.memref_squeeze %dma_start3A_176 : memref<1x1x40x128xi32, #tpu.memory_space<hbm>> -> memref<40x128xi32, #tpu.memory_space<hbm>>
      tpu.enqueue_dma source(%arg11 : memref<40x128xi32, #tpu.memory_space<vmem>>) target(%dma_start3A_177 : memref<40x128xi32, #tpu.memory_space<hbm>>) target_semaphore(%arg19 : memref<!tpu.dma_semaphore, #tpu.memory_space<semaphore_mem>>)
      %dma_start3A_178 = arith.constant 0 : i32
      %dma_start3A_179 = arith.constant 0 : i32
      %dma_start3A_180 = tpu.memref_slice %arg7[%add3A, %add3A_138, %dma_start3A_178, %dma_start3A_179] : memref<32x25x40x128xi32, #tpu.memory_space<hbm>> -> memref<1x1x40x128xi32, #tpu.memory_space<hbm>>
      %dma_start3A_181 = tpu.memref_squeeze %dma_start3A_180 : memref<1x1x40x128xi32, #tpu.memory_space<hbm>> -> memref<40x128xi32, #tpu.memory_space<hbm>>
      %dma_start3A_182 = arith.constant 0 : i32
      %dma_start3A_183 = arith.constant 0 : i32
      %dma_start3A_184 = tpu.memref_slice %arg7[%add3A, %add3A_138, %dma_start3A_182, %dma_start3A_183] : memref<32x25x40x128xi32, #tpu.memory_space<hbm>> -> memref<1x1x40x128xi32, #tpu.memory_space<hbm>>
      %dma_start3A_185 = tpu.memref_squeeze %dma_start3A_184 : memref<1x1x40x128xi32, #tpu.memory_space<hbm>> -> memref<40x128xi32, #tpu.memory_space<hbm>>
      tpu.enqueue_dma source(%arg13 : memref<40x128xi32, #tpu.memory_space<vmem>>) target(%dma_start3A_185 : memref<40x128xi32, #tpu.memory_space<hbm>>) target_semaphore(%arg21 : memref<!tpu.dma_semaphore, #tpu.memory_space<semaphore_mem>>)
    }
    %scan3A_18 = arith.constant 12 : i32
    %dma_wait3A = arith.constant 23 : i32
    %dma_wait3A_19 = arith.constant 0 : i32
    %dma_wait3A_20 = arith.constant 0 : i32
    %dma_wait3A_21 = tpu.memref_slice %arg6[%add3A, %dma_wait3A, %dma_wait3A_19, %dma_wait3A_20] : memref<32x25x40x128xi32, #tpu.memory_space<hbm>> -> memref<1x1x40x128xi32, #tpu.memory_space<hbm>>
    %dma_wait3A_22 = tpu.memref_squeeze %dma_wait3A_21 : memref<1x1x40x128xi32, #tpu.memory_space<hbm>> -> memref<40x128xi32, #tpu.memory_space<hbm>>
    %dma_wait3A_23 = arith.constant 0 : i32
    %dma_wait3A_24 = arith.constant 0 : i32
    %dma_wait3A_25 = tpu.memref_slice %arg6[%add3A, %dma_wait3A, %dma_wait3A_23, %dma_wait3A_24] : memref<32x25x40x128xi32, #tpu.memory_space<hbm>> -> memref<1x1x40x128xi32, #tpu.memory_space<hbm>>
    %dma_wait3A_26 = tpu.memref_squeeze %dma_wait3A_25 : memref<1x1x40x128xi32, #tpu.memory_space<hbm>> -> memref<40x128xi32, #tpu.memory_space<hbm>>
    tpu.wait_dma2 semaphore(%arg19 : memref<!tpu.dma_semaphore, #tpu.memory_space<semaphore_mem>>) src(%arg11 : memref<40x128xi32, #tpu.memory_space<vmem>>) dst(%dma_wait3A_26 : memref<40x128xi32, #tpu.memory_space<hbm>>)
    %dma_wait3A_27 = arith.constant 23 : i32
    %dma_wait3A_28 = arith.constant 0 : i32
    %dma_wait3A_29 = arith.constant 0 : i32
    %dma_wait3A_30 = tpu.memref_slice %arg7[%add3A, %dma_wait3A_27, %dma_wait3A_28, %dma_wait3A_29] : memref<32x25x40x128xi32, #tpu.memory_space<hbm>> -> memref<1x1x40x128xi32, #tpu.memory_space<hbm>>
    %dma_wait3A_31 = tpu.memref_squeeze %dma_wait3A_30 : memref<1x1x40x128xi32, #tpu.memory_space<hbm>> -> memref<40x128xi32, #tpu.memory_space<hbm>>
    %dma_wait3A_32 = arith.constant 0 : i32
    %dma_wait3A_33 = arith.constant 0 : i32
    %dma_wait3A_34 = tpu.memref_slice %arg7[%add3A, %dma_wait3A_27, %dma_wait3A_32, %dma_wait3A_33] : memref<32x25x40x128xi32, #tpu.memory_space<hbm>> -> memref<1x1x40x128xi32, #tpu.memory_space<hbm>>
    %dma_wait3A_35 = tpu.memref_squeeze %dma_wait3A_34 : memref<1x1x40x128xi32, #tpu.memory_space<hbm>> -> memref<40x128xi32, #tpu.memory_space<hbm>>
    tpu.wait_dma2 semaphore(%arg21 : memref<!tpu.dma_semaphore, #tpu.memory_space<semaphore_mem>>) src(%arg13 : memref<40x128xi32, #tpu.memory_space<vmem>>) dst(%dma_wait3A_35 : memref<40x128xi32, #tpu.memory_space<hbm>>)
    %dma_wait3A_36 = arith.constant 24 : i32
    %dma_wait3A_37 = arith.constant 0 : i32
    %dma_wait3A_38 = tpu.memref_slice %arg8[%dma_wait3A_36, %dma_wait3A_37] : memref<25x40xi32, #tpu.memory_space<vmem>> -> memref<1x40xi32, #tpu.memory_space<vmem>>
    %dma_wait3A_39 = tpu.memref_squeeze %dma_wait3A_38 : memref<1x40xi32, #tpu.memory_space<vmem>> -> memref<40xi32, #tpu.memory_space<vmem>>
    %dma_wait3A_40 = arith.constant 0 : i32
    %dma_wait3A_41 = arith.constant 0 : i32
    %dma_wait3A_42 = tpu.memref_slice %arg2[%dma_wait3A_40, %dma_wait3A_41] : memref<10000x128xi32, #tpu.memory_space<hbm>> -> memref<10000x128xi32, #tpu.memory_space<hbm>>
    tpu.wait_indirect_dma semaphore(%arg14 : memref<!tpu.dma_semaphore, #tpu.memory_space<semaphore_mem>>) src(%dma_wait3A_42 : memref<10000x128xi32, #tpu.memory_space<hbm>>) dst(%arg10 : memref<40x128xi32, #tpu.memory_space<vmem>>)
    %dma_wait3A_43 = arith.constant 24 : i32
    %dma_wait3A_44 = arith.constant 0 : i32
    %dma_wait3A_45 = tpu.memref_slice %arg9[%dma_wait3A_43, %dma_wait3A_44] : memref<25x40xi32, #tpu.memory_space<vmem>> -> memref<1x40xi32, #tpu.memory_space<vmem>>
    %dma_wait3A_46 = tpu.memref_squeeze %dma_wait3A_45 : memref<1x40xi32, #tpu.memory_space<vmem>> -> memref<40xi32, #tpu.memory_space<vmem>>
    %dma_wait3A_47 = arith.constant 0 : i32
    %dma_wait3A_48 = arith.constant 0 : i32
    %dma_wait3A_49 = tpu.memref_slice %arg3[%dma_wait3A_47, %dma_wait3A_48] : memref<10000x128xi32, #tpu.memory_space<hbm>> -> memref<10000x128xi32, #tpu.memory_space<hbm>>
    tpu.wait_indirect_dma semaphore(%arg16 : memref<!tpu.dma_semaphore, #tpu.memory_space<semaphore_mem>>) src(%dma_wait3A_49 : memref<10000x128xi32, #tpu.memory_space<hbm>>) dst(%arg12 : memref<40x128xi32, #tpu.memory_space<vmem>>)
    %dma_start3A_50 = arith.constant 24 : i32
    %dma_start3A_51 = arith.constant 0 : i32
    %dma_start3A_52 = arith.constant 0 : i32
    %dma_start3A_53 = tpu.memref_slice %arg6[%add3A, %dma_start3A_50, %dma_start3A_51, %dma_start3A_52] : memref<32x25x40x128xi32, #tpu.memory_space<hbm>> -> memref<1x1x40x128xi32, #tpu.memory_space<hbm>>
    %dma_start3A_54 = tpu.memref_squeeze %dma_start3A_53 : memref<1x1x40x128xi32, #tpu.memory_space<hbm>> -> memref<40x128xi32, #tpu.memory_space<hbm>>
    %dma_start3A_55 = arith.constant 0 : i32
    %dma_start3A_56 = arith.constant 0 : i32
    %dma_start3A_57 = tpu.memref_slice %arg6[%add3A, %dma_start3A_50, %dma_start3A_55, %dma_start3A_56] : memref<32x25x40x128xi32, #tpu.memory_space<hbm>> -> memref<1x1x40x128xi32, #tpu.memory_space<hbm>>
    %dma_start3A_58 = tpu.memref_squeeze %dma_start3A_57 : memref<1x1x40x128xi32, #tpu.memory_space<hbm>> -> memref<40x128xi32, #tpu.memory_space<hbm>>
    tpu.enqueue_dma source(%arg10 : memref<40x128xi32, #tpu.memory_space<vmem>>) target(%dma_start3A_58 : memref<40x128xi32, #tpu.memory_space<hbm>>) target_semaphore(%arg18 : memref<!tpu.dma_semaphore, #tpu.memory_space<semaphore_mem>>)
    %dma_start3A_59 = arith.constant 24 : i32
    %dma_start3A_60 = arith.constant 0 : i32
    %dma_start3A_61 = arith.constant 0 : i32
    %dma_start3A_62 = tpu.memref_slice %arg7[%add3A, %dma_start3A_59, %dma_start3A_60, %dma_start3A_61] : memref<32x25x40x128xi32, #tpu.memory_space<hbm>> -> memref<1x1x40x128xi32, #tpu.memory_space<hbm>>
    %dma_start3A_63 = tpu.memref_squeeze %dma_start3A_62 : memref<1x1x40x128xi32, #tpu.memory_space<hbm>> -> memref<40x128xi32, #tpu.memory_space<hbm>>
    %dma_start3A_64 = arith.constant 0 : i32
    %dma_start3A_65 = arith.constant 0 : i32
    %dma_start3A_66 = tpu.memref_slice %arg7[%add3A, %dma_start3A_59, %dma_start3A_64, %dma_start3A_65] : memref<32x25x40x128xi32, #tpu.memory_space<hbm>> -> memref<1x1x40x128xi32, #tpu.memory_space<hbm>>
    %dma_start3A_67 = tpu.memref_squeeze %dma_start3A_66 : memref<1x1x40x128xi32, #tpu.memory_space<hbm>> -> memref<40x128xi32, #tpu.memory_space<hbm>>
    tpu.enqueue_dma source(%arg12 : memref<40x128xi32, #tpu.memory_space<vmem>>) target(%dma_start3A_67 : memref<40x128xi32, #tpu.memory_space<hbm>>) target_semaphore(%arg20 : memref<!tpu.dma_semaphore, #tpu.memory_space<semaphore_mem>>)
    %dma_wait3A_68 = arith.constant 24 : i32
    %dma_wait3A_69 = arith.constant 0 : i32
    %dma_wait3A_70 = arith.constant 0 : i32
    %dma_wait3A_71 = tpu.memref_slice %arg6[%add3A, %dma_wait3A_68, %dma_wait3A_69, %dma_wait3A_70] : memref<32x25x40x128xi32, #tpu.memory_space<hbm>> -> memref<1x1x40x128xi32, #tpu.memory_space<hbm>>
    %dma_wait3A_72 = tpu.memref_squeeze %dma_wait3A_71 : memref<1x1x40x128xi32, #tpu.memory_space<hbm>> -> memref<40x128xi32, #tpu.memory_space<hbm>>
    %dma_wait3A_73 = arith.constant 0 : i32
    %dma_wait3A_74 = arith.constant 0 : i32
    %dma_wait3A_75 = tpu.memref_slice %arg6[%add3A, %dma_wait3A_68, %dma_wait3A_73, %dma_wait3A_74] : memref<32x25x40x128xi32, #tpu.memory_space<hbm>> -> memref<1x1x40x128xi32, #tpu.memory_space<hbm>>
    %dma_wait3A_76 = tpu.memref_squeeze %dma_wait3A_75 : memref<1x1x40x128xi32, #tpu.memory_space<hbm>> -> memref<40x128xi32, #tpu.memory_space<hbm>>
    tpu.wait_dma2 semaphore(%arg18 : memref<!tpu.dma_semaphore, #tpu.memory_space<semaphore_mem>>) src(%arg10 : memref<40x128xi32, #tpu.memory_space<vmem>>) dst(%dma_wait3A_76 : memref<40x128xi32, #tpu.memory_space<hbm>>)
    %dma_wait3A_77 = arith.constant 24 : i32
    %dma_wait3A_78 = arith.constant 0 : i32
    %dma_wait3A_79 = arith.constant 0 : i32
    %dma_wait3A_80 = tpu.memref_slice %arg7[%add3A, %dma_wait3A_77, %dma_wait3A_78, %dma_wait3A_79] : memref<32x25x40x128xi32, #tpu.memory_space<hbm>> -> memref<1x1x40x128xi32, #tpu.memory_space<hbm>>
    %dma_wait3A_81 = tpu.memref_squeeze %dma_wait3A_80 : memref<1x1x40x128xi32, #tpu.memory_space<hbm>> -> memref<40x128xi32, #tpu.memory_space<hbm>>
    %dma_wait3A_82 = arith.constant 0 : i32
    %dma_wait3A_83 = arith.constant 0 : i32
    %dma_wait3A_84 = tpu.memref_slice %arg7[%add3A, %dma_wait3A_77, %dma_wait3A_82, %dma_wait3A_83] : memref<32x25x40x128xi32, #tpu.memory_space<hbm>> -> memref<1x1x40x128xi32, #tpu.memory_space<hbm>>
    %dma_wait3A_85 = tpu.memref_squeeze %dma_wait3A_84 : memref<1x1x40x128xi32, #tpu.memory_space<hbm>> -> memref<40x128xi32, #tpu.memory_space<hbm>>
    tpu.wait_dma2 semaphore(%arg20 : memref<!tpu.dma_semaphore, #tpu.memory_space<semaphore_mem>>) src(%arg12 : memref<40x128xi32, #tpu.memory_space<vmem>>) dst(%dma_wait3A_85 : memref<40x128xi32, #tpu.memory_space<hbm>>)
    return
  }
}

#map = affine_map<(d0, d1) -> (0, 0)>
#map1 = affine_map<(d0, d1) -> (0, 0, 0)>
#map2 = affine_map<(d0, d1) -> (0, 0, 0, 0)>
module attributes {stable_mosaic.version = 14 : i64} {
  func.func @sc_gather(%arg0: i32, %arg1: i32, %arg2: memref<10000x128xi32, #tpu.memory_space<hbm>>, %arg3: memref<10000x128xi32, #tpu.memory_space<hbm>>, %arg4: memref<32x25x40xi32, #tpu.memory_space<hbm>>, %arg5: memref<32x25x40xi32, #tpu.memory_space<hbm>>, %arg6: memref<32x25x40x128xi32, #tpu.memory_space<hbm>>, %arg7: memref<32x25x40x128xi32, #tpu.memory_space<hbm>>, %arg8: memref<25x40xi32, #tpu.memory_space<vmem>>, %arg9: memref<25x40xi32, #tpu.memory_space<vmem>>, %arg10: memref<40x128xi32, #tpu.memory_space<vmem>>, %arg11: memref<40x128xi32, #tpu.memory_space<vmem>>, %arg12: memref<40x128xi32, #tpu.memory_space<vmem>>, %arg13: memref<40x128xi32, #tpu.memory_space<vmem>>, %arg14: memref<!tpu.dma_semaphore, #tpu.memory_space<semaphore_mem>>, %arg15: memref<!tpu.dma_semaphore, #tpu.memory_space<semaphore_mem>>, %arg16: memref<!tpu.dma_semaphore, #tpu.memory_space<semaphore_mem>>, %arg17: memref<!tpu.dma_semaphore, #tpu.memory_space<semaphore_mem>>, %arg18: memref<!tpu.dma_semaphore, #tpu.memory_space<semaphore_mem>>, %arg19: memref<!tpu.dma_semaphore, #tpu.memory_space<semaphore_mem>>, %arg20: memref<!tpu.dma_semaphore, #tpu.memory_space<semaphore_mem>>, %arg21: memref<!tpu.dma_semaphore, #tpu.memory_space<semaphore_mem>>) attributes {dimension_semantics = [#tpu.dimension_semantics<core_parallel>, #tpu.dimension_semantics<subcore_parallel>], iteration_bounds = array<i64: 2, 16>, scalar_prefetch = 0 : i64, scratch_operands = 14 : i64, tpu.core_type = #tpu.core_type<sc_vector_subcore>, window_params = [{transform_indices = #map}, {transform_indices = #map}, {transform_indices = #map1}, {transform_indices = #map1}, {transform_indices = #map2}, {transform_indices = #map2}]} {
    %mul3A = arith.constant 2 : i32
    %mul3A_0 = arith.muli %arg1, %mul3A : i32
    %add3A = arith.addi %mul3A_0, %arg0 : i32
    "tpu.region"() ({
      %run_scoped3A = tpu.sem_alloc : memref<!tpu.dma_semaphore, #tpu.memory_space<semaphore_mem>>
      %dma_start3A_86 = arith.constant 0 : i32
      %dma_start3A_87 = arith.constant 0 : i32
      %dma_start3A_88 = tpu.memref_slice %arg4[%add3A, %dma_start3A_86, %dma_start3A_87] : memref<32x25x40xi32, #tpu.memory_space<hbm>> -> memref<1x25x40xi32, #tpu.memory_space<hbm>>
      %dma_start3A_89 = tpu.memref_squeeze %dma_start3A_88 : memref<1x25x40xi32, #tpu.memory_space<hbm>> -> memref<25x40xi32, #tpu.memory_space<hbm>>
      %dma_start3A_90 = arith.constant 0 : i32
      %dma_start3A_91 = arith.constant 0 : i32
      %dma_start3A_92 = tpu.memref_slice %arg4[%add3A, %dma_start3A_90, %dma_start3A_91] : memref<32x25x40xi32, #tpu.memory_space<hbm>> -> memref<1x25x40xi32, #tpu.memory_space<hbm>>
      %dma_start3A_93 = tpu.memref_squeeze %dma_start3A_92 : memref<1x25x40xi32, #tpu.memory_space<hbm>> -> memref<25x40xi32, #tpu.memory_space<hbm>>
      tpu.enqueue_dma source(%dma_start3A_93 : memref<25x40xi32, #tpu.memory_space<hbm>>) target(%arg8 : memref<25x40xi32, #tpu.memory_space<vmem>>) target_semaphore(%run_scoped3A : memref<!tpu.dma_semaphore, #tpu.memory_space<semaphore_mem>>)
      %dma_wait3A_94 = arith.constant 0 : i32
      %dma_wait3A_95 = arith.constant 0 : i32
      %dma_wait3A_96 = tpu.memref_slice %arg4[%add3A, %dma_wait3A_94, %dma_wait3A_95] : memref<32x25x40xi32, #tpu.memory_space<hbm>> -> memref<1x25x40xi32, #tpu.memory_space<hbm>>
      %dma_wait3A_97 = tpu.memref_squeeze %dma_wait3A_96 : memref<1x25x40xi32, #tpu.memory_space<hbm>> -> memref<25x40xi32, #tpu.memory_space<hbm>>
      %dma_wait3A_98 = arith.constant 0 : i32
      %dma_wait3A_99 = arith.constant 0 : i32
      %dma_wait3A_100 = tpu.memref_slice %arg4[%add3A, %dma_wait3A_98, %dma_wait3A_99] : memref<32x25x40xi32, #tpu.memory_space<hbm>> -> memref<1x25x40xi32, #tpu.memory_space<hbm>>
      %dma_wait3A_101 = tpu.memref_squeeze %dma_wait3A_100 : memref<1x25x40xi32, #tpu.memory_space<hbm>> -> memref<25x40xi32, #tpu.memory_space<hbm>>
      tpu.wait_dma2 semaphore(%run_scoped3A : memref<!tpu.dma_semaphore, #tpu.memory_space<semaphore_mem>>) src(%dma_wait3A_101 : memref<25x40xi32, #tpu.memory_space<hbm>>) dst(%arg8 : memref<25x40xi32, #tpu.memory_space<vmem>>)
      tpu.yield
    }) : () -> ()
    "tpu.region"() ({
      %run_scoped3A = tpu.sem_alloc : memref<!tpu.dma_semaphore, #tpu.memory_space<semaphore_mem>>
      %dma_start3A_86 = arith.constant 0 : i32
      %dma_start3A_87 = arith.constant 0 : i32
      %dma_start3A_88 = tpu.memref_slice %arg5[%add3A, %dma_start3A_86, %dma_start3A_87] : memref<32x25x40xi32, #tpu.memory_space<hbm>> -> memref<1x25x40xi32, #tpu.memory_space<hbm>>
      %dma_start3A_89 = tpu.memref_squeeze %dma_start3A_88 : memref<1x25x40xi32, #tpu.memory_space<hbm>> -> memref<25x40xi32, #tpu.memory_space<hbm>>
      %dma_start3A_90 = arith.constant 0 : i32
      %dma_start3A_91 = arith.constant 0 : i32
      %dma_start3A_92 = tpu.memref_slice %arg5[%add3A, %dma_start3A_90, %dma_start3A_91] : memref<32x25x40xi32, #tpu.memory_space<hbm>> -> memref<1x25x40xi32, #tpu.memory_space<hbm>>
      %dma_start3A_93 = tpu.memref_squeeze %dma_start3A_92 : memref<1x25x40xi32, #tpu.memory_space<hbm>> -> memref<25x40xi32, #tpu.memory_space<hbm>>
      tpu.enqueue_dma source(%dma_start3A_93 : memref<25x40xi32, #tpu.memory_space<hbm>>) target(%arg9 : memref<25x40xi32, #tpu.memory_space<vmem>>) target_semaphore(%run_scoped3A : memref<!tpu.dma_semaphore, #tpu.memory_space<semaphore_mem>>)
      %dma_wait3A_94 = arith.constant 0 : i32
      %dma_wait3A_95 = arith.constant 0 : i32
      %dma_wait3A_96 = tpu.memref_slice %arg5[%add3A, %dma_wait3A_94, %dma_wait3A_95] : memref<32x25x40xi32, #tpu.memory_space<hbm>> -> memref<1x25x40xi32, #tpu.memory_space<hbm>>
      %dma_wait3A_97 = tpu.memref_squeeze %dma_wait3A_96 : memref<1x25x40xi32, #tpu.memory_space<hbm>> -> memref<25x40xi32, #tpu.memory_space<hbm>>
      %dma_wait3A_98 = arith.constant 0 : i32
      %dma_wait3A_99 = arith.constant 0 : i32
      %dma_wait3A_100 = tpu.memref_slice %arg5[%add3A, %dma_wait3A_98, %dma_wait3A_99] : memref<32x25x40xi32, #tpu.memory_space<hbm>> -> memref<1x25x40xi32, #tpu.memory_space<hbm>>
      %dma_wait3A_101 = tpu.memref_squeeze %dma_wait3A_100 : memref<1x25x40xi32, #tpu.memory_space<hbm>> -> memref<25x40xi32, #tpu.memory_space<hbm>>
      tpu.wait_dma2 semaphore(%run_scoped3A : memref<!tpu.dma_semaphore, #tpu.memory_space<semaphore_mem>>) src(%dma_wait3A_101 : memref<25x40xi32, #tpu.memory_space<hbm>>) dst(%arg9 : memref<25x40xi32, #tpu.memory_space<vmem>>)
      tpu.yield
    }) : () -> ()
    %dma_start3A = arith.constant 0 : i32
    %dma_start3A_1 = arith.constant 0 : i32
    %dma_start3A_2 = tpu.memref_slice %arg8[%dma_start3A, %dma_start3A_1] : memref<25x40xi32, #tpu.memory_space<vmem>> -> memref<1x40xi32, #tpu.memory_space<vmem>>
    %dma_start3A_3 = tpu.memref_squeeze %dma_start3A_2 : memref<1x40xi32, #tpu.memory_space<vmem>> -> memref<40xi32, #tpu.memory_space<vmem>>
    %dma_start3A_4 = arith.constant 0 : i32
    %dma_start3A_5 = arith.constant 0 : i32
    %dma_start3A_6 = tpu.memref_slice %arg2[%dma_start3A_4, %dma_start3A_5] : memref<10000x128xi32, #tpu.memory_space<hbm>> -> memref<10000x128xi32, #tpu.memory_space<hbm>>
    tpu.enqueue_indirect_dma source(%dma_start3A_6 : memref<10000x128xi32, #tpu.memory_space<hbm>>) target(%arg10 : memref<40x128xi32, #tpu.memory_space<vmem>>) offsets(%dma_start3A_3 : memref<40xi32, #tpu.memory_space<vmem>>) semaphore(%arg14 : memref<!tpu.dma_semaphore, #tpu.memory_space<semaphore_mem>>)
    %dma_start3A_7 = arith.constant 0 : i32
    %dma_start3A_8 = arith.constant 0 : i32
    %dma_start3A_9 = tpu.memref_slice %arg9[%dma_start3A_7, %dma_start3A_8] : memref<25x40xi32, #tpu.memory_space<vmem>> -> memref<1x40xi32, #tpu.memory_space<vmem>>
    %dma_start3A_10 = tpu.memref_squeeze %dma_start3A_9 : memref<1x40xi32, #tpu.memory_space<vmem>> -> memref<40xi32, #tpu.memory_space<vmem>>
    %dma_start3A_11 = arith.constant 0 : i32
    %dma_start3A_12 = arith.constant 0 : i32
    %dma_start3A_13 = tpu.memref_slice %arg3[%dma_start3A_11, %dma_start3A_12] : memref<10000x128xi32, #tpu.memory_space<hbm>> -> memref<10000x128xi32, #tpu.memory_space<hbm>>
    tpu.enqueue_indirect_dma source(%dma_start3A_13 : memref<10000x128xi32, #tpu.memory_space<hbm>>) target(%arg12 : memref<40x128xi32, #tpu.memory_space<vmem>>) offsets(%dma_start3A_10 : memref<40xi32, #tpu.memory_space<vmem>>) semaphore(%arg16 : memref<!tpu.dma_semaphore, #tpu.memory_space<semaphore_mem>>)
    %scan3A = arith.constant 0 : i32
    %scan3A_14 = arith.constant 0 : i32
    %scan3A_15 = arith.constant 12 : i32
    %scan3A_16 = arith.addi %scan3A_14, %scan3A_15 : i32
    %scan3A_17 = arith.constant 1 : i32
    scf.for %scan3A_86 = %scan3A_14 to %scan3A_16 step %scan3A_17  : i32 {
      %mul3A_87 = arith.constant 2 : i32
      %mul3A_88 = arith.muli %mul3A_87, %scan3A_86 : i32
      %add3A_89 = arith.constant 0 : i32
      %add3A_90 = arith.addi %mul3A_88, %add3A_89 : i32
      %gt3A = arith.constant 0 : i32
      %gt3A_91 = arith.cmpi sgt, %add3A_90, %gt3A : i32
      %convert_element_type3A = arith.extui %gt3A_91 : i1 to i32
      %cond3A = arith.constant 0 : i32
      %cond3A_92 = arith.cmpi ne, %convert_element_type3A, %cond3A : i32
      scf.if %cond3A_92 {
        %sub3A = arith.constant 1 : i32
        %sub3A_186 = arith.subi %add3A_90, %sub3A : i32
        %dma_wait3A_187 = arith.constant 0 : i32
        %dma_wait3A_188 = arith.constant 0 : i32
        %dma_wait3A_189 = tpu.memref_slice %arg6[%add3A, %sub3A_186, %dma_wait3A_187, %dma_wait3A_188] : memref<32x25x40x128xi32, #tpu.memory_space<hbm>> -> memref<1x1x40x128xi32, #tpu.memory_space<hbm>>
        %dma_wait3A_190 = tpu.memref_squeeze %dma_wait3A_189 : memref<1x1x40x128xi32, #tpu.memory_space<hbm>> -> memref<40x128xi32, #tpu.memory_space<hbm>>
        %dma_wait3A_191 = arith.constant 0 : i32
        %dma_wait3A_192 = arith.constant 0 : i32
        %dma_wait3A_193 = tpu.memref_slice %arg6[%add3A, %sub3A_186, %dma_wait3A_191, %dma_wait3A_192] : memref<32x25x40x128xi32, #tpu.memory_space<hbm>> -> memref<1x1x40x128xi32, #tpu.memory_space<hbm>>
        %dma_wait3A_194 = tpu.memref_squeeze %dma_wait3A_193 : memref<1x1x40x128xi32, #tpu.memory_space<hbm>> -> memref<40x128xi32, #tpu.memory_space<hbm>>
        tpu.wait_dma2 semaphore(%arg19 : memref<!tpu.dma_semaphore, #tpu.memory_space<semaphore_mem>>) src(%arg11 : memref<40x128xi32, #tpu.memory_space<vmem>>) dst(%dma_wait3A_194 : memref<40x128xi32, #tpu.memory_space<hbm>>)
        %dma_wait3A_195 = arith.constant 0 : i32
        %dma_wait3A_196 = arith.constant 0 : i32
        %dma_wait3A_197 = tpu.memref_slice %arg7[%add3A, %sub3A_186, %dma_wait3A_195, %dma_wait3A_196] : memref<32x25x40x128xi32, #tpu.memory_space<hbm>> -> memref<1x1x40x128xi32, #tpu.memory_space<hbm>>
        %dma_wait3A_198 = tpu.memref_squeeze %dma_wait3A_197 : memref<1x1x40x128xi32, #tpu.memory_space<hbm>> -> memref<40x128xi32, #tpu.memory_space<hbm>>
        %dma_wait3A_199 = arith.constant 0 : i32
        %dma_wait3A_200 = arith.constant 0 : i32
        %dma_wait3A_201 = tpu.memref_slice %arg7[%add3A, %sub3A_186, %dma_wait3A_199, %dma_wait3A_200] : memref<32x25x40x128xi32, #tpu.memory_space<hbm>> -> memref<1x1x40x128xi32, #tpu.memory_space<hbm>>
        %dma_wait3A_202 = tpu.memref_squeeze %dma_wait3A_201 : memref<1x1x40x128xi32, #tpu.memory_space<hbm>> -> memref<40x128xi32, #tpu.memory_space<hbm>>
        tpu.wait_dma2 semaphore(%arg21 : memref<!tpu.dma_semaphore, #tpu.memory_space<semaphore_mem>>) src(%arg13 : memref<40x128xi32, #tpu.memory_space<vmem>>) dst(%dma_wait3A_202 : memref<40x128xi32, #tpu.memory_space<hbm>>)
      } else {
      }
      %add3A_93 = arith.constant 1 : i32
      %add3A_94 = arith.addi %add3A_90, %add3A_93 : i32
      %dma_start3A_95 = arith.constant 0 : i32
      %dma_start3A_96 = tpu.memref_slice %arg8[%add3A_94, %dma_start3A_95] : memref<25x40xi32, #tpu.memory_space<vmem>> -> memref<1x40xi32, #tpu.memory_space<vmem>>
      %dma_start3A_97 = tpu.memref_squeeze %dma_start3A_96 : memref<1x40xi32, #tpu.memory_space<vmem>> -> memref<40xi32, #tpu.memory_space<vmem>>
      %dma_start3A_98 = arith.constant 0 : i32
      %dma_start3A_99 = arith.constant 0 : i32
      %dma_start3A_100 = tpu.memref_slice %arg2[%dma_start3A_98, %dma_start3A_99] : memref<10000x128xi32, #tpu.memory_space<hbm>> -> memref<10000x128xi32, #tpu.memory_space<hbm>>
      tpu.enqueue_indirect_dma source(%dma_start3A_100 : memref<10000x128xi32, #tpu.memory_space<hbm>>) target(%arg11 : memref<40x128xi32, #tpu.memory_space<vmem>>) offsets(%dma_start3A_97 : memref<40xi32, #tpu.memory_space<vmem>>) semaphore(%arg15 : memref<!tpu.dma_semaphore, #tpu.memory_space<semaphore_mem>>)
      %dma_start3A_101 = arith.constant 0 : i32
      %dma_start3A_102 = tpu.memref_slice %arg9[%add3A_94, %dma_start3A_101] : memref<25x40xi32, #tpu.memory_space<vmem>> -> memref<1x40xi32, #tpu.memory_space<vmem>>
      %dma_start3A_103 = tpu.memref_squeeze %dma_start3A_102 : memref<1x40xi32, #tpu.memory_space<vmem>> -> memref<40xi32, #tpu.memory_space<vmem>>
      %dma_start3A_104 = arith.constant 0 : i32
      %dma_start3A_105 = arith.constant 0 : i32
      %dma_start3A_106 = tpu.memref_slice %arg3[%dma_start3A_104, %dma_start3A_105] : memref<10000x128xi32, #tpu.memory_space<hbm>> -> memref<10000x128xi32, #tpu.memory_space<hbm>>
      tpu.enqueue_indirect_dma source(%dma_start3A_106 : memref<10000x128xi32, #tpu.memory_space<hbm>>) target(%arg13 : memref<40x128xi32, #tpu.memory_space<vmem>>) offsets(%dma_start3A_103 : memref<40xi32, #tpu.memory_space<vmem>>) semaphore(%arg17 : memref<!tpu.dma_semaphore, #tpu.memory_space<semaphore_mem>>)
      %dma_wait3A_107 = arith.constant 0 : i32
      %dma_wait3A_108 = tpu.memref_slice %arg8[%add3A_90, %dma_wait3A_107] : memref<25x40xi32, #tpu.memory_space<vmem>> -> memref<1x40xi32, #tpu.memory_space<vmem>>
      %dma_wait3A_109 = tpu.memref_squeeze %dma_wait3A_108 : memref<1x40xi32, #tpu.memory_space<vmem>> -> memref<40xi32, #tpu.memory_space<vmem>>
      %dma_wait3A_110 = arith.constant 0 : i32
      %dma_wait3A_111 = arith.constant 0 : i32
      %dma_wait3A_112 = tpu.memref_slice %arg2[%dma_wait3A_110, %dma_wait3A_111] : memref<10000x128xi32, #tpu.memory_space<hbm>> -> memref<10000x128xi32, #tpu.memory_space<hbm>>
      tpu.wait_indirect_dma semaphore(%arg14 : memref<!tpu.dma_semaphore, #tpu.memory_space<semaphore_mem>>) src(%dma_wait3A_112 : memref<10000x128xi32, #tpu.memory_space<hbm>>) dst(%arg10 : memref<40x128xi32, #tpu.memory_space<vmem>>)
      %dma_wait3A_113 = arith.constant 0 : i32
      %dma_wait3A_114 = tpu.memref_slice %arg9[%add3A_90, %dma_wait3A_113] : memref<25x40xi32, #tpu.memory_space<vmem>> -> memref<1x40xi32, #tpu.memory_space<vmem>>
      %dma_wait3A_115 = tpu.memref_squeeze %dma_wait3A_114 : memref<1x40xi32, #tpu.memory_space<vmem>> -> memref<40xi32, #tpu.memory_space<vmem>>
      %dma_wait3A_116 = arith.constant 0 : i32
      %dma_wait3A_117 = arith.constant 0 : i32
      %dma_wait3A_118 = tpu.memref_slice %arg3[%dma_wait3A_116, %dma_wait3A_117] : memref<10000x128xi32, #tpu.memory_space<hbm>> -> memref<10000x128xi32, #tpu.memory_space<hbm>>
      tpu.wait_indirect_dma semaphore(%arg16 : memref<!tpu.dma_semaphore, #tpu.memory_space<semaphore_mem>>) src(%dma_wait3A_118 : memref<10000x128xi32, #tpu.memory_space<hbm>>) dst(%arg12 : memref<40x128xi32, #tpu.memory_space<vmem>>)
      %dma_start3A_119 = arith.constant 0 : i32
      %dma_start3A_120 = arith.constant 0 : i32
      %dma_start3A_121 = tpu.memref_slice %arg6[%add3A, %add3A_90, %dma_start3A_119, %dma_start3A_120] : memref<32x25x40x128xi32, #tpu.memory_space<hbm>> -> memref<1x1x40x128xi32, #tpu.memory_space<hbm>>
      %dma_start3A_122 = tpu.memref_squeeze %dma_start3A_121 : memref<1x1x40x128xi32, #tpu.memory_space<hbm>> -> memref<40x128xi32, #tpu.memory_space<hbm>>
      %dma_start3A_123 = arith.constant 0 : i32
      %dma_start3A_124 = arith.constant 0 : i32
      %dma_start3A_125 = tpu.memref_slice %arg6[%add3A, %add3A_90, %dma_start3A_123, %dma_start3A_124] : memref<32x25x40x128xi32, #tpu.memory_space<hbm>> -> memref<1x1x40x128xi32, #tpu.memory_space<hbm>>
      %dma_start3A_126 = tpu.memref_squeeze %dma_start3A_125 : memref<1x1x40x128xi32, #tpu.memory_space<hbm>> -> memref<40x128xi32, #tpu.memory_space<hbm>>
      tpu.enqueue_dma source(%arg10 : memref<40x128xi32, #tpu.memory_space<vmem>>) target(%dma_start3A_126 : memref<40x128xi32, #tpu.memory_space<hbm>>) target_semaphore(%arg18 : memref<!tpu.dma_semaphore, #tpu.memory_space<semaphore_mem>>)
      %dma_start3A_127 = arith.constant 0 : i32
      %dma_start3A_128 = arith.constant 0 : i32
      %dma_start3A_129 = tpu.memref_slice %arg7[%add3A, %add3A_90, %dma_start3A_127, %dma_start3A_128] : memref<32x25x40x128xi32, #tpu.memory_space<hbm>> -> memref<1x1x40x128xi32, #tpu.memory_space<hbm>>
      %dma_start3A_130 = tpu.memref_squeeze %dma_start3A_129 : memref<1x1x40x128xi32, #tpu.memory_space<hbm>> -> memref<40x128xi32, #tpu.memory_space<hbm>>
      %dma_start3A_131 = arith.constant 0 : i32
      %dma_start3A_132 = arith.constant 0 : i32
      %dma_start3A_133 = tpu.memref_slice %arg7[%add3A, %add3A_90, %dma_start3A_131, %dma_start3A_132] : memref<32x25x40x128xi32, #tpu.memory_space<hbm>> -> memref<1x1x40x128xi32, #tpu.memory_space<hbm>>
      %dma_start3A_134 = tpu.memref_squeeze %dma_start3A_133 : memref<1x1x40x128xi32, #tpu.memory_space<hbm>> -> memref<40x128xi32, #tpu.memory_space<hbm>>
      tpu.enqueue_dma source(%arg12 : memref<40x128xi32, #tpu.memory_space<vmem>>) target(%dma_start3A_134 : memref<40x128xi32, #tpu.memory_space<hbm>>) target_semaphore(%arg20 : memref<!tpu.dma_semaphore, #tpu.memory_space<semaphore_mem>>)
      %mul3A_135 = arith.constant 2 : i32
      %mul3A_136 = arith.muli %mul3A_135, %scan3A_86 : i32
      %add3A_137 = arith.constant 1 : i32
      %add3A_138 = arith.addi %mul3A_136, %add3A_137 : i32
      %gt3A_139 = arith.constant 0 : i32
      %gt3A_140 = arith.cmpi sgt, %add3A_138, %gt3A_139 : i32
      %convert_element_type3A_141 = arith.extui %gt3A_140 : i1 to i32
      %cond3A_142 = arith.constant 0 : i32
      %cond3A_143 = arith.cmpi ne, %convert_element_type3A_141, %cond3A_142 : i32
      scf.if %cond3A_143 {
        %sub3A = arith.constant 1 : i32
        %sub3A_186 = arith.subi %add3A_138, %sub3A : i32
        %dma_wait3A_187 = arith.constant 0 : i32
        %dma_wait3A_188 = arith.constant 0 : i32
        %dma_wait3A_189 = tpu.memref_slice %arg6[%add3A, %sub3A_186, %dma_wait3A_187, %dma_wait3A_188] : memref<32x25x40x128xi32, #tpu.memory_space<hbm>> -> memref<1x1x40x128xi32, #tpu.memory_space<hbm>>
        %dma_wait3A_190 = tpu.memref_squeeze %dma_wait3A_189 : memref<1x1x40x128xi32, #tpu.memory_space<hbm>> -> memref<40x128xi32, #tpu.memory_space<hbm>>
        %dma_wait3A_191 = arith.constant 0 : i32
        %dma_wait3A_192 = arith.constant 0 : i32
        %dma_wait3A_193 = tpu.memref_slice %arg6[%add3A, %sub3A_186, %dma_wait3A_191, %dma_wait3A_192] : memref<32x25x40x128xi32, #tpu.memory_space<hbm>> -> memref<1x1x40x128xi32, #tpu.memory_space<hbm>>
        %dma_wait3A_194 = tpu.memref_squeeze %dma_wait3A_193 : memref<1x1x40x128xi32, #tpu.memory_space<hbm>> -> memref<40x128xi32, #tpu.memory_space<hbm>>
        tpu.wait_dma2 semaphore(%arg18 : memref<!tpu.dma_semaphore, #tpu.memory_space<semaphore_mem>>) src(%arg10 : memref<40x128xi32, #tpu.memory_space<vmem>>) dst(%dma_wait3A_194 : memref<40x128xi32, #tpu.memory_space<hbm>>)
        %dma_wait3A_195 = arith.constant 0 : i32
        %dma_wait3A_196 = arith.constant 0 : i32
        %dma_wait3A_197 = tpu.memref_slice %arg7[%add3A, %sub3A_186, %dma_wait3A_195, %dma_wait3A_196] : memref<32x25x40x128xi32, #tpu.memory_space<hbm>> -> memref<1x1x40x128xi32, #tpu.memory_space<hbm>>
        %dma_wait3A_198 = tpu.memref_squeeze %dma_wait3A_197 : memref<1x1x40x128xi32, #tpu.memory_space<hbm>> -> memref<40x128xi32, #tpu.memory_space<hbm>>
        %dma_wait3A_199 = arith.constant 0 : i32
        %dma_wait3A_200 = arith.constant 0 : i32
        %dma_wait3A_201 = tpu.memref_slice %arg7[%add3A, %sub3A_186, %dma_wait3A_199, %dma_wait3A_200] : memref<32x25x40x128xi32, #tpu.memory_space<hbm>> -> memref<1x1x40x128xi32, #tpu.memory_space<hbm>>
        %dma_wait3A_202 = tpu.memref_squeeze %dma_wait3A_201 : memref<1x1x40x128xi32, #tpu.memory_space<hbm>> -> memref<40x128xi32, #tpu.memory_space<hbm>>
        tpu.wait_dma2 semaphore(%arg20 : memref<!tpu.dma_semaphore, #tpu.memory_space<semaphore_mem>>) src(%arg12 : memref<40x128xi32, #tpu.memory_space<vmem>>) dst(%dma_wait3A_202 : memref<40x128xi32, #tpu.memory_space<hbm>>)
      } else {
      }
      %add3A_144 = arith.constant 1 : i32
      %add3A_145 = arith.addi %add3A_138, %add3A_144 : i32
      %dma_start3A_146 = arith.constant 0 : i32
      %dma_start3A_147 = tpu.memref_slice %arg8[%add3A_145, %dma_start3A_146] : memref<25x40xi32, #tpu.memory_space<vmem>> -> memref<1x40xi32, #tpu.memory_space<vmem>>
      %dma_start3A_148 = tpu.memref_squeeze %dma_start3A_147 : memref<1x40xi32, #tpu.memory_space<vmem>> -> memref<40xi32, #tpu.memory_space<vmem>>
      %dma_start3A_149 = arith.constant 0 : i32
      %dma_start3A_150 = arith.constant 0 : i32
      %dma_start3A_151 = tpu.memref_slice %arg2[%dma_start3A_149, %dma_start3A_150] : memref<10000x128xi32, #tpu.memory_space<hbm>> -> memref<10000x128xi32, #tpu.memory_space<hbm>>
      tpu.enqueue_indirect_dma source(%dma_start3A_151 : memref<10000x128xi32, #tpu.memory_space<hbm>>) target(%arg10 : memref<40x128xi32, #tpu.memory_space<vmem>>) offsets(%dma_start3A_148 : memref<40xi32, #tpu.memory_space<vmem>>) semaphore(%arg14 : memref<!tpu.dma_semaphore, #tpu.memory_space<semaphore_mem>>)
      %dma_start3A_152 = arith.constant 0 : i32
      %dma_start3A_153 = tpu.memref_slice %arg9[%add3A_145, %dma_start3A_152] : memref<25x40xi32, #tpu.memory_space<vmem>> -> memref<1x40xi32, #tpu.memory_space<vmem>>
      %dma_start3A_154 = tpu.memref_squeeze %dma_start3A_153 : memref<1x40xi32, #tpu.memory_space<vmem>> -> memref<40xi32, #tpu.memory_space<vmem>>
      %dma_start3A_155 = arith.constant 0 : i32
      %dma_start3A_156 = arith.constant 0 : i32
      %dma_start3A_157 = tpu.memref_slice %arg3[%dma_start3A_155, %dma_start3A_156] : memref<10000x128xi32, #tpu.memory_space<hbm>> -> memref<10000x128xi32, #tpu.memory_space<hbm>>
      tpu.enqueue_indirect_dma source(%dma_start3A_157 : memref<10000x128xi32, #tpu.memory_space<hbm>>) target(%arg12 : memref<40x128xi32, #tpu.memory_space<vmem>>) offsets(%dma_start3A_154 : memref<40xi32, #tpu.memory_space<vmem>>) semaphore(%arg16 : memref<!tpu.dma_semaphore, #tpu.memory_space<semaphore_mem>>)
      %dma_wait3A_158 = arith.constant 0 : i32
      %dma_wait3A_159 = tpu.memref_slice %arg8[%add3A_138, %dma_wait3A_158] : memref<25x40xi32, #tpu.memory_space<vmem>> -> memref<1x40xi32, #tpu.memory_space<vmem>>
      %dma_wait3A_160 = tpu.memref_squeeze %dma_wait3A_159 : memref<1x40xi32, #tpu.memory_space<vmem>> -> memref<40xi32, #tpu.memory_space<vmem>>
      %dma_wait3A_161 = arith.constant 0 : i32
      %dma_wait3A_162 = arith.constant 0 : i32
      %dma_wait3A_163 = tpu.memref_slice %arg2[%dma_wait3A_161, %dma_wait3A_162] : memref<10000x128xi32, #tpu.memory_space<hbm>> -> memref<10000x128xi32, #tpu.memory_space<hbm>>
      tpu.wait_indirect_dma semaphore(%arg15 : memref<!tpu.dma_semaphore, #tpu.memory_space<semaphore_mem>>) src(%dma_wait3A_163 : memref<10000x128xi32, #tpu.memory_space<hbm>>) dst(%arg11 : memref<40x128xi32, #tpu.memory_space<vmem>>)
      %dma_wait3A_164 = arith.constant 0 : i32
      %dma_wait3A_165 = tpu.memref_slice %arg9[%add3A_138, %dma_wait3A_164] : memref<25x40xi32, #tpu.memory_space<vmem>> -> memref<1x40xi32, #tpu.memory_space<vmem>>
      %dma_wait3A_166 = tpu.memref_squeeze %dma_wait3A_165 : memref<1x40xi32, #tpu.memory_space<vmem>> -> memref<40xi32, #tpu.memory_space<vmem>>
      %dma_wait3A_167 = arith.constant 0 : i32
      %dma_wait3A_168 = arith.constant 0 : i32
      %dma_wait3A_169 = tpu.memref_slice %arg3[%dma_wait3A_167, %dma_wait3A_168] : memref<10000x128xi32, #tpu.memory_space<hbm>> -> memref<10000x128xi32, #tpu.memory_space<hbm>>
      tpu.wait_indirect_dma semaphore(%arg17 : memref<!tpu.dma_semaphore, #tpu.memory_space<semaphore_mem>>) src(%dma_wait3A_169 : memref<10000x128xi32, #tpu.memory_space<hbm>>) dst(%arg13 : memref<40x128xi32, #tpu.memory_space<vmem>>)
      %dma_start3A_170 = arith.constant 0 : i32
      %dma_start3A_171 = arith.constant 0 : i32
      %dma_start3A_172 = tpu.memref_slice %arg6[%add3A, %add3A_138, %dma_start3A_170, %dma_start3A_171] : memref<32x25x40x128xi32, #tpu.memory_space<hbm>> -> memref<1x1x40x128xi32, #tpu.memory_space<hbm>>
      %dma_start3A_173 = tpu.memref_squeeze %dma_start3A_172 : memref<1x1x40x128xi32, #tpu.memory_space<hbm>> -> memref<40x128xi32, #tpu.memory_space<hbm>>
      %dma_start3A_174 = arith.constant 0 : i32
      %dma_start3A_175 = arith.constant 0 : i32
      %dma_start3A_176 = tpu.memref_slice %arg6[%add3A, %add3A_138, %dma_start3A_174, %dma_start3A_175] : memref<32x25x40x128xi32, #tpu.memory_space<hbm>> -> memref<1x1x40x128xi32, #tpu.memory_space<hbm>>
      %dma_start3A_177 = tpu.memref_squeeze %dma_start3A_176 : memref<1x1x40x128xi32, #tpu.memory_space<hbm>> -> memref<40x128xi32, #tpu.memory_space<hbm>>
      tpu.enqueue_dma source(%arg11 : memref<40x128xi32, #tpu.memory_space<vmem>>) target(%dma_start3A_177 : memref<40x128xi32, #tpu.memory_space<hbm>>) target_semaphore(%arg19 : memref<!tpu.dma_semaphore, #tpu.memory_space<semaphore_mem>>)
      %dma_start3A_178 = arith.constant 0 : i32
      %dma_start3A_179 = arith.constant 0 : i32
      %dma_start3A_180 = tpu.memref_slice %arg7[%add3A, %add3A_138, %dma_start3A_178, %dma_start3A_179] : memref<32x25x40x128xi32, #tpu.memory_space<hbm>> -> memref<1x1x40x128xi32, #tpu.memory_space<hbm>>
      %dma_start3A_181 = tpu.memref_squeeze %dma_start3A_180 : memref<1x1x40x128xi32, #tpu.memory_space<hbm>> -> memref<40x128xi32, #tpu.memory_space<hbm>>
      %dma_start3A_182 = arith.constant 0 : i32
      %dma_start3A_183 = arith.constant 0 : i32
      %dma_start3A_184 = tpu.memref_slice %arg7[%add3A, %add3A_138, %dma_start3A_182, %dma_start3A_183] : memref<32x25x40x128xi32, #tpu.memory_space<hbm>> -> memref<1x1x40x128xi32, #tpu.memory_space<hbm>>
      %dma_start3A_185 = tpu.memref_squeeze %dma_start3A_184 : memref<1x1x40x128xi32, #tpu.memory_space<hbm>> -> memref<40x128xi32, #tpu.memory_space<hbm>>
      tpu.enqueue_dma source(%arg13 : memref<40x128xi32, #tpu.memory_space<vmem>>) target(%dma_start3A_185 : memref<40x128xi32, #tpu.memory_space<hbm>>) target_semaphore(%arg21 : memref<!tpu.dma_semaphore, #tpu.memory_space<semaphore_mem>>)
    }
    %scan3A_18 = arith.constant 12 : i32
    %dma_wait3A = arith.constant 23 : i32
    %dma_wait3A_19 = arith.constant 0 : i32
    %dma_wait3A_20 = arith.constant 0 : i32
    %dma_wait3A_21 = tpu.memref_slice %arg6[%add3A, %dma_wait3A, %dma_wait3A_19, %dma_wait3A_20] : memref<32x25x40x128xi32, #tpu.memory_space<hbm>> -> memref<1x1x40x128xi32, #tpu.memory_space<hbm>>
    %dma_wait3A_22 = tpu.memref_squeeze %dma_wait3A_21 : memref<1x1x40x128xi32, #tpu.memory_space<hbm>> -> memref<40x128xi32, #tpu.memory_space<hbm>>
    %dma_wait3A_23 = arith.constant 0 : i32
    %dma_wait3A_24 = arith.constant 0 : i32
    %dma_wait3A_25 = tpu.memref_slice %arg6[%add3A, %dma_wait3A, %dma_wait3A_23, %dma_wait3A_24] : memref<32x25x40x128xi32, #tpu.memory_space<hbm>> -> memref<1x1x40x128xi32, #tpu.memory_space<hbm>>
    %dma_wait3A_26 = tpu.memref_squeeze %dma_wait3A_25 : memref<1x1x40x128xi32, #tpu.memory_space<hbm>> -> memref<40x128xi32, #tpu.memory_space<hbm>>
    tpu.wait_dma2 semaphore(%arg19 : memref<!tpu.dma_semaphore, #tpu.memory_space<semaphore_mem>>) src(%arg11 : memref<40x128xi32, #tpu.memory_space<vmem>>) dst(%dma_wait3A_26 : memref<40x128xi32, #tpu.memory_space<hbm>>)
    %dma_wait3A_27 = arith.constant 23 : i32
    %dma_wait3A_28 = arith.constant 0 : i32
    %dma_wait3A_29 = arith.constant 0 : i32
    %dma_wait3A_30 = tpu.memref_slice %arg7[%add3A, %dma_wait3A_27, %dma_wait3A_28, %dma_wait3A_29] : memref<32x25x40x128xi32, #tpu.memory_space<hbm>> -> memref<1x1x40x128xi32, #tpu.memory_space<hbm>>
    %dma_wait3A_31 = tpu.memref_squeeze %dma_wait3A_30 : memref<1x1x40x128xi32, #tpu.memory_space<hbm>> -> memref<40x128xi32, #tpu.memory_space<hbm>>
    %dma_wait3A_32 = arith.constant 0 : i32
    %dma_wait3A_33 = arith.constant 0 : i32
    %dma_wait3A_34 = tpu.memref_slice %arg7[%add3A, %dma_wait3A_27, %dma_wait3A_32, %dma_wait3A_33] : memref<32x25x40x128xi32, #tpu.memory_space<hbm>> -> memref<1x1x40x128xi32, #tpu.memory_space<hbm>>
    %dma_wait3A_35 = tpu.memref_squeeze %dma_wait3A_34 : memref<1x1x40x128xi32, #tpu.memory_space<hbm>> -> memref<40x128xi32, #tpu.memory_space<hbm>>
    tpu.wait_dma2 semaphore(%arg21 : memref<!tpu.dma_semaphore, #tpu.memory_space<semaphore_mem>>) src(%arg13 : memref<40x128xi32, #tpu.memory_space<vmem>>) dst(%dma_wait3A_35 : memref<40x128xi32, #tpu.memory_space<hbm>>)
    %dma_wait3A_36 = arith.constant 24 : i32
    %dma_wait3A_37 = arith.constant 0 : i32
    %dma_wait3A_38 = tpu.memref_slice %arg8[%dma_wait3A_36, %dma_wait3A_37] : memref<25x40xi32, #tpu.memory_space<vmem>> -> memref<1x40xi32, #tpu.memory_space<vmem>>
    %dma_wait3A_39 = tpu.memref_squeeze %dma_wait3A_38 : memref<1x40xi32, #tpu.memory_space<vmem>> -> memref<40xi32, #tpu.memory_space<vmem>>
    %dma_wait3A_40 = arith.constant 0 : i32
    %dma_wait3A_41 = arith.constant 0 : i32
    %dma_wait3A_42 = tpu.memref_slice %arg2[%dma_wait3A_40, %dma_wait3A_41] : memref<10000x128xi32, #tpu.memory_space<hbm>> -> memref<10000x128xi32, #tpu.memory_space<hbm>>
    tpu.wait_indirect_dma semaphore(%arg14 : memref<!tpu.dma_semaphore, #tpu.memory_space<semaphore_mem>>) src(%dma_wait3A_42 : memref<10000x128xi32, #tpu.memory_space<hbm>>) dst(%arg10 : memref<40x128xi32, #tpu.memory_space<vmem>>)
    %dma_wait3A_43 = arith.constant 24 : i32
    %dma_wait3A_44 = arith.constant 0 : i32
    %dma_wait3A_45 = tpu.memref_slice %arg9[%dma_wait3A_43, %dma_wait3A_44] : memref<25x40xi32, #tpu.memory_space<vmem>> -> memref<1x40xi32, #tpu.memory_space<vmem>>
    %dma_wait3A_46 = tpu.memref_squeeze %dma_wait3A_45 : memref<1x40xi32, #tpu.memory_space<vmem>> -> memref<40xi32, #tpu.memory_space<vmem>>
    %dma_wait3A_47 = arith.constant 0 : i32
    %dma_wait3A_48 = arith.constant 0 : i32
    %dma_wait3A_49 = tpu.memref_slice %arg3[%dma_wait3A_47, %dma_wait3A_48] : memref<10000x128xi32, #tpu.memory_space<hbm>> -> memref<10000x128xi32, #tpu.memory_space<hbm>>
    tpu.wait_indirect_dma semaphore(%arg16 : memref<!tpu.dma_semaphore, #tpu.memory_space<semaphore_mem>>) src(%dma_wait3A_49 : memref<10000x128xi32, #tpu.memory_space<hbm>>) dst(%arg12 : memref<40x128xi32, #tpu.memory_space<vmem>>)
    %dma_start3A_50 = arith.constant 24 : i32
    %dma_start3A_51 = arith.constant 0 : i32
    %dma_start3A_52 = arith.constant 0 : i32
    %dma_start3A_53 = tpu.memref_slice %arg6[%add3A, %dma_start3A_50, %dma_start3A_51, %dma_start3A_52] : memref<32x25x40x128xi32, #tpu.memory_space<hbm>> -> memref<1x1x40x128xi32, #tpu.memory_space<hbm>>
    %dma_start3A_54 = tpu.memref_squeeze %dma_start3A_53 : memref<1x1x40x128xi32, #tpu.memory_space<hbm>> -> memref<40x128xi32, #tpu.memory_space<hbm>>
    %dma_start3A_55 = arith.constant 0 : i32
    %dma_start3A_56 = arith.constant 0 : i32
    %dma_start3A_57 = tpu.memref_slice %arg6[%add3A, %dma_start3A_50, %dma_start3A_55, %dma_start3A_56] : memref<32x25x40x128xi32, #tpu.memory_space<hbm>> -> memref<1x1x40x128xi32, #tpu.memory_space<hbm>>
    %dma_start3A_58 = tpu.memref_squeeze %dma_start3A_57 : memref<1x1x40x128xi32, #tpu.memory_space<hbm>> -> memref<40x128xi32, #tpu.memory_space<hbm>>
    tpu.enqueue_dma source(%arg10 : memref<40x128xi32, #tpu.memory_space<vmem>>) target(%dma_start3A_58 : memref<40x128xi32, #tpu.memory_space<hbm>>) target_semaphore(%arg18 : memref<!tpu.dma_semaphore, #tpu.memory_space<semaphore_mem>>)
    %dma_start3A_59 = arith.constant 24 : i32
    %dma_start3A_60 = arith.constant 0 : i32
    %dma_start3A_61 = arith.constant 0 : i32
    %dma_start3A_62 = tpu.memref_slice %arg7[%add3A, %dma_start3A_59, %dma_start3A_60, %dma_start3A_61] : memref<32x25x40x128xi32, #tpu.memory_space<hbm>> -> memref<1x1x40x128xi32, #tpu.memory_space<hbm>>
    %dma_start3A_63 = tpu.memref_squeeze %dma_start3A_62 : memref<1x1x40x128xi32, #tpu.memory_space<hbm>> -> memref<40x128xi32, #tpu.memory_space<hbm>>
    %dma_start3A_64 = arith.constant 0 : i32
    %dma_start3A_65 = arith.constant 0 : i32
    %dma_start3A_66 = tpu.memref_slice %arg7[%add3A, %dma_start3A_59, %dma_start3A_64, %dma_start3A_65] : memref<32x25x40x128xi32, #tpu.memory_space<hbm>> -> memref<1x1x40x128xi32, #tpu.memory_space<hbm>>
    %dma_start3A_67 = tpu.memref_squeeze %dma_start3A_66 : memref<1x1x40x128xi32, #tpu.memory_space<hbm>> -> memref<40x128xi32, #tpu.memory_space<hbm>>
    tpu.enqueue_dma source(%arg12 : memref<40x128xi32, #tpu.memory_space<vmem>>) target(%dma_start3A_67 : memref<40x128xi32, #tpu.memory_space<hbm>>) target_semaphore(%arg20 : memref<!tpu.dma_semaphore, #tpu.memory_space<semaphore_mem>>)
    %dma_wait3A_68 = arith.constant 24 : i32
    %dma_wait3A_69 = arith.constant 0 : i32
    %dma_wait3A_70 = arith.constant 0 : i32
    %dma_wait3A_71 = tpu.memref_slice %arg6[%add3A, %dma_wait3A_68, %dma_wait3A_69, %dma_wait3A_70] : memref<32x25x40x128xi32, #tpu.memory_space<hbm>> -> memref<1x1x40x128xi32, #tpu.memory_space<hbm>>
    %dma_wait3A_72 = tpu.memref_squeeze %dma_wait3A_71 : memref<1x1x40x128xi32, #tpu.memory_space<hbm>> -> memref<40x128xi32, #tpu.memory_space<hbm>>
    %dma_wait3A_73 = arith.constant 0 : i32
    %dma_wait3A_74 = arith.constant 0 : i32
    %dma_wait3A_75 = tpu.memref_slice %arg6[%add3A, %dma_wait3A_68, %dma_wait3A_73, %dma_wait3A_74] : memref<32x25x40x128xi32, #tpu.memory_space<hbm>> -> memref<1x1x40x128xi32, #tpu.memory_space<hbm>>
    %dma_wait3A_76 = tpu.memref_squeeze %dma_wait3A_75 : memref<1x1x40x128xi32, #tpu.memory_space<hbm>> -> memref<40x128xi32, #tpu.memory_space<hbm>>
    tpu.wait_dma2 semaphore(%arg18 : memref<!tpu.dma_semaphore, #tpu.memory_space<semaphore_mem>>) src(%arg10 : memref<40x128xi32, #tpu.memory_space<vmem>>) dst(%dma_wait3A_76 : memref<40x128xi32, #tpu.memory_space<hbm>>)
    %dma_wait3A_77 = arith.constant 24 : i32
    %dma_wait3A_78 = arith.constant 0 : i32
    %dma_wait3A_79 = arith.constant 0 : i32
    %dma_wait3A_80 = tpu.memref_slice %arg7[%add3A, %dma_wait3A_77, %dma_wait3A_78, %dma_wait3A_79] : memref<32x25x40x128xi32, #tpu.memory_space<hbm>> -> memref<1x1x40x128xi32, #tpu.memory_space<hbm>>
    %dma_wait3A_81 = tpu.memref_squeeze %dma_wait3A_80 : memref<1x1x40x128xi32, #tpu.memory_space<hbm>> -> memref<40x128xi32, #tpu.memory_space<hbm>>
    %dma_wait3A_82 = arith.constant 0 : i32
    %dma_wait3A_83 = arith.constant 0 : i32
    %dma_wait3A_84 = tpu.memref_slice %arg7[%add3A, %dma_wait3A_77, %dma_wait3A_82, %dma_wait3A_83] : memref<32x25x40x128xi32, #tpu.memory_space<hbm>> -> memref<1x1x40x128xi32, #tpu.memory_space<hbm>>
    %dma_wait3A_85 = tpu.memref_squeeze %dma_wait3A_84 : memref<1x1x40x128xi32, #tpu.memory_space<hbm>> -> memref<40x128xi32, #tpu.memory_space<hbm>>
    tpu.wait_dma2 semaphore(%arg20 : memref<!tpu.dma_semaphore, #tpu.memory_space<semaphore_mem>>) src(%arg12 : memref<40x128xi32, #tpu.memory_space<vmem>>) dst(%dma_wait3A_85 : memref<40x128xi32, #tpu.memory_space<hbm>>)
    return
  }
}

#map = affine_map<(d0, d1) -> (0, 0)>
#map1 = affine_map<(d0, d1) -> (0, 0, 0)>
#map2 = affine_map<(d0, d1) -> (0, 0, 0, 0)>
module attributes {stable_mosaic.version = 14 : i64} {
  func.func @sc_gather(%arg0: i32, %arg1: i32, %arg2: memref<10000x128xi32, #tpu.memory_space<hbm>>, %arg3: memref<10000x128xi32, #tpu.memory_space<hbm>>, %arg4: memref<32x25x40xi32, #tpu.memory_space<hbm>>, %arg5: memref<32x25x40xi32, #tpu.memory_space<hbm>>, %arg6: memref<32x25x40x128xi32, #tpu.memory_space<hbm>>, %arg7: memref<32x25x40x128xi32, #tpu.memory_space<hbm>>, %arg8: memref<25x40xi32, #tpu.memory_space<vmem>>, %arg9: memref<25x40xi32, #tpu.memory_space<vmem>>, %arg10: memref<40x128xi32, #tpu.memory_space<vmem>>, %arg11: memref<40x128xi32, #tpu.memory_space<vmem>>, %arg12: memref<40x128xi32, #tpu.memory_space<vmem>>, %arg13: memref<40x128xi32, #tpu.memory_space<vmem>>, %arg14: memref<!tpu.dma_semaphore, #tpu.memory_space<semaphore_mem>>, %arg15: memref<!tpu.dma_semaphore, #tpu.memory_space<semaphore_mem>>, %arg16: memref<!tpu.dma_semaphore, #tpu.memory_space<semaphore_mem>>, %arg17: memref<!tpu.dma_semaphore, #tpu.memory_space<semaphore_mem>>, %arg18: memref<!tpu.dma_semaphore, #tpu.memory_space<semaphore_mem>>, %arg19: memref<!tpu.dma_semaphore, #tpu.memory_space<semaphore_mem>>, %arg20: memref<!tpu.dma_semaphore, #tpu.memory_space<semaphore_mem>>, %arg21: memref<!tpu.dma_semaphore, #tpu.memory_space<semaphore_mem>>) attributes {dimension_semantics = [#tpu.dimension_semantics<core_parallel>, #tpu.dimension_semantics<subcore_parallel>], iteration_bounds = array<i64: 2, 16>, scalar_prefetch = 0 : i64, scratch_operands = 14 : i64, tpu.core_type = #tpu.core_type<sc_vector_subcore>, window_params = [{transform_indices = #map}, {transform_indices = #map}, {transform_indices = #map1}, {transform_indices = #map1}, {transform_indices = #map2}, {transform_indices = #map2}]} {
    %mul3A = arith.constant 2 : i32
    %mul3A_0 = arith.muli %arg1, %mul3A : i32
    %add3A = arith.addi %mul3A_0, %arg0 : i32
    "tpu.region"() ({
      %run_scoped3A = tpu.sem_alloc : memref<!tpu.dma_semaphore, #tpu.memory_space<semaphore_mem>>
      %dma_start3A_86 = arith.constant 0 : i32
      %dma_start3A_87 = arith.constant 0 : i32
      %dma_start3A_88 = tpu.memref_slice %arg4[%add3A, %dma_start3A_86, %dma_start3A_87] : memref<32x25x40xi32, #tpu.memory_space<hbm>> -> memref<1x25x40xi32, #tpu.memory_space<hbm>>
      %dma_start3A_89 = tpu.memref_squeeze %dma_start3A_88 : memref<1x25x40xi32, #tpu.memory_space<hbm>> -> memref<25x40xi32, #tpu.memory_space<hbm>>
      %dma_start3A_90 = arith.constant 0 : i32
      %dma_start3A_91 = arith.constant 0 : i32
      %dma_start3A_92 = tpu.memref_slice %arg4[%add3A, %dma_start3A_90, %dma_start3A_91] : memref<32x25x40xi32, #tpu.memory_space<hbm>> -> memref<1x25x40xi32, #tpu.memory_space<hbm>>
      %dma_start3A_93 = tpu.memref_squeeze %dma_start3A_92 : memref<1x25x40xi32, #tpu.memory_space<hbm>> -> memref<25x40xi32, #tpu.memory_space<hbm>>
      tpu.enqueue_dma source(%dma_start3A_93 : memref<25x40xi32, #tpu.memory_space<hbm>>) target(%arg8 : memref<25x40xi32, #tpu.memory_space<vmem>>) target_semaphore(%run_scoped3A : memref<!tpu.dma_semaphore, #tpu.memory_space<semaphore_mem>>)
      %dma_wait3A_94 = arith.constant 0 : i32
      %dma_wait3A_95 = arith.constant 0 : i32
      %dma_wait3A_96 = tpu.memref_slice %arg4[%add3A, %dma_wait3A_94, %dma_wait3A_95] : memref<32x25x40xi32, #tpu.memory_space<hbm>> -> memref<1x25x40xi32, #tpu.memory_space<hbm>>
      %dma_wait3A_97 = tpu.memref_squeeze %dma_wait3A_96 : memref<1x25x40xi32, #tpu.memory_space<hbm>> -> memref<25x40xi32, #tpu.memory_space<hbm>>
      %dma_wait3A_98 = arith.constant 0 : i32
      %dma_wait3A_99 = arith.constant 0 : i32
      %dma_wait3A_100 = tpu.memref_slice %arg4[%add3A, %dma_wait3A_98, %dma_wait3A_99] : memref<32x25x40xi32, #tpu.memory_space<hbm>> -> memref<1x25x40xi32, #tpu.memory_space<hbm>>
      %dma_wait3A_101 = tpu.memref_squeeze %dma_wait3A_100 : memref<1x25x40xi32, #tpu.memory_space<hbm>> -> memref<25x40xi32, #tpu.memory_space<hbm>>
      tpu.wait_dma2 semaphore(%run_scoped3A : memref<!tpu.dma_semaphore, #tpu.memory_space<semaphore_mem>>) src(%dma_wait3A_101 : memref<25x40xi32, #tpu.memory_space<hbm>>) dst(%arg8 : memref<25x40xi32, #tpu.memory_space<vmem>>)
      tpu.yield
    }) : () -> ()
    "tpu.region"() ({
      %run_scoped3A = tpu.sem_alloc : memref<!tpu.dma_semaphore, #tpu.memory_space<semaphore_mem>>
      %dma_start3A_86 = arith.constant 0 : i32
      %dma_start3A_87 = arith.constant 0 : i32
      %dma_start3A_88 = tpu.memref_slice %arg5[%add3A, %dma_start3A_86, %dma_start3A_87] : memref<32x25x40xi32, #tpu.memory_space<hbm>> -> memref<1x25x40xi32, #tpu.memory_space<hbm>>
      %dma_start3A_89 = tpu.memref_squeeze %dma_start3A_88 : memref<1x25x40xi32, #tpu.memory_space<hbm>> -> memref<25x40xi32, #tpu.memory_space<hbm>>
      %dma_start3A_90 = arith.constant 0 : i32
      %dma_start3A_91 = arith.constant 0 : i32
      %dma_start3A_92 = tpu.memref_slice %arg5[%add3A, %dma_start3A_90, %dma_start3A_91] : memref<32x25x40xi32, #tpu.memory_space<hbm>> -> memref<1x25x40xi32, #tpu.memory_space<hbm>>
      %dma_start3A_93 = tpu.memref_squeeze %dma_start3A_92 : memref<1x25x40xi32, #tpu.memory_space<hbm>> -> memref<25x40xi32, #tpu.memory_space<hbm>>
      tpu.enqueue_dma source(%dma_start3A_93 : memref<25x40xi32, #tpu.memory_space<hbm>>) target(%arg9 : memref<25x40xi32, #tpu.memory_space<vmem>>) target_semaphore(%run_scoped3A : memref<!tpu.dma_semaphore, #tpu.memory_space<semaphore_mem>>)
      %dma_wait3A_94 = arith.constant 0 : i32
      %dma_wait3A_95 = arith.constant 0 : i32
      %dma_wait3A_96 = tpu.memref_slice %arg5[%add3A, %dma_wait3A_94, %dma_wait3A_95] : memref<32x25x40xi32, #tpu.memory_space<hbm>> -> memref<1x25x40xi32, #tpu.memory_space<hbm>>
      %dma_wait3A_97 = tpu.memref_squeeze %dma_wait3A_96 : memref<1x25x40xi32, #tpu.memory_space<hbm>> -> memref<25x40xi32, #tpu.memory_space<hbm>>
      %dma_wait3A_98 = arith.constant 0 : i32
      %dma_wait3A_99 = arith.constant 0 : i32
      %dma_wait3A_100 = tpu.memref_slice %arg5[%add3A, %dma_wait3A_98, %dma_wait3A_99] : memref<32x25x40xi32, #tpu.memory_space<hbm>> -> memref<1x25x40xi32, #tpu.memory_space<hbm>>
      %dma_wait3A_101 = tpu.memref_squeeze %dma_wait3A_100 : memref<1x25x40xi32, #tpu.memory_space<hbm>> -> memref<25x40xi32, #tpu.memory_space<hbm>>
      tpu.wait_dma2 semaphore(%run_scoped3A : memref<!tpu.dma_semaphore, #tpu.memory_space<semaphore_mem>>) src(%dma_wait3A_101 : memref<25x40xi32, #tpu.memory_space<hbm>>) dst(%arg9 : memref<25x40xi32, #tpu.memory_space<vmem>>)
      tpu.yield
    }) : () -> ()
    %dma_start3A = arith.constant 0 : i32
    %dma_start3A_1 = arith.constant 0 : i32
    %dma_start3A_2 = tpu.memref_slice %arg8[%dma_start3A, %dma_start3A_1] : memref<25x40xi32, #tpu.memory_space<vmem>> -> memref<1x40xi32, #tpu.memory_space<vmem>>
    %dma_start3A_3 = tpu.memref_squeeze %dma_start3A_2 : memref<1x40xi32, #tpu.memory_space<vmem>> -> memref<40xi32, #tpu.memory_space<vmem>>
    %dma_start3A_4 = arith.constant 0 : i32
    %dma_start3A_5 = arith.constant 0 : i32
    %dma_start3A_6 = tpu.memref_slice %arg2[%dma_start3A_4, %dma_start3A_5] : memref<10000x128xi32, #tpu.memory_space<hbm>> -> memref<10000x128xi32, #tpu.memory_space<hbm>>
    tpu.enqueue_indirect_dma source(%dma_start3A_6 : memref<10000x128xi32, #tpu.memory_space<hbm>>) target(%arg10 : memref<40x128xi32, #tpu.memory_space<vmem>>) offsets(%dma_start3A_3 : memref<40xi32, #tpu.memory_space<vmem>>) semaphore(%arg14 : memref<!tpu.dma_semaphore, #tpu.memory_space<semaphore_mem>>)
    %dma_start3A_7 = arith.constant 0 : i32
    %dma_start3A_8 = arith.constant 0 : i32
    %dma_start3A_9 = tpu.memref_slice %arg9[%dma_start3A_7, %dma_start3A_8] : memref<25x40xi32, #tpu.memory_space<vmem>> -> memref<1x40xi32, #tpu.memory_space<vmem>>
    %dma_start3A_10 = tpu.memref_squeeze %dma_start3A_9 : memref<1x40xi32, #tpu.memory_space<vmem>> -> memref<40xi32, #tpu.memory_space<vmem>>
    %dma_start3A_11 = arith.constant 0 : i32
    %dma_start3A_12 = arith.constant 0 : i32
    %dma_start3A_13 = tpu.memref_slice %arg3[%dma_start3A_11, %dma_start3A_12] : memref<10000x128xi32, #tpu.memory_space<hbm>> -> memref<10000x128xi32, #tpu.memory_space<hbm>>
    tpu.enqueue_indirect_dma source(%dma_start3A_13 : memref<10000x128xi32, #tpu.memory_space<hbm>>) target(%arg12 : memref<40x128xi32, #tpu.memory_space<vmem>>) offsets(%dma_start3A_10 : memref<40xi32, #tpu.memory_space<vmem>>) semaphore(%arg16 : memref<!tpu.dma_semaphore, #tpu.memory_space<semaphore_mem>>)
    %scan3A = arith.constant 0 : i32
    %scan3A_14 = arith.constant 0 : i32
    %scan3A_15 = arith.constant 12 : i32
    %scan3A_16 = arith.addi %scan3A_14, %scan3A_15 : i32
    %scan3A_17 = arith.constant 1 : i32
    scf.for %scan3A_86 = %scan3A_14 to %scan3A_16 step %scan3A_17  : i32 {
      %mul3A_87 = arith.constant 2 : i32
      %mul3A_88 = arith.muli %mul3A_87, %scan3A_86 : i32
      %add3A_89 = arith.constant 0 : i32
      %add3A_90 = arith.addi %mul3A_88, %add3A_89 : i32
      %gt3A = arith.constant 0 : i32
      %gt3A_91 = arith.cmpi sgt, %add3A_90, %gt3A : i32
      %convert_element_type3A = arith.extui %gt3A_91 : i1 to i32
      %cond3A = arith.constant 0 : i32
      %cond3A_92 = arith.cmpi ne, %convert_element_type3A, %cond3A : i32
      scf.if %cond3A_92 {
        %sub3A = arith.constant 1 : i32
        %sub3A_186 = arith.subi %add3A_90, %sub3A : i32
        %dma_wait3A_187 = arith.constant 0 : i32
        %dma_wait3A_188 = arith.constant 0 : i32
        %dma_wait3A_189 = tpu.memref_slice %arg6[%add3A, %sub3A_186, %dma_wait3A_187, %dma_wait3A_188] : memref<32x25x40x128xi32, #tpu.memory_space<hbm>> -> memref<1x1x40x128xi32, #tpu.memory_space<hbm>>
        %dma_wait3A_190 = tpu.memref_squeeze %dma_wait3A_189 : memref<1x1x40x128xi32, #tpu.memory_space<hbm>> -> memref<40x128xi32, #tpu.memory_space<hbm>>
        %dma_wait3A_191 = arith.constant 0 : i32
        %dma_wait3A_192 = arith.constant 0 : i32
        %dma_wait3A_193 = tpu.memref_slice %arg6[%add3A, %sub3A_186, %dma_wait3A_191, %dma_wait3A_192] : memref<32x25x40x128xi32, #tpu.memory_space<hbm>> -> memref<1x1x40x128xi32, #tpu.memory_space<hbm>>
        %dma_wait3A_194 = tpu.memref_squeeze %dma_wait3A_193 : memref<1x1x40x128xi32, #tpu.memory_space<hbm>> -> memref<40x128xi32, #tpu.memory_space<hbm>>
        tpu.wait_dma2 semaphore(%arg19 : memref<!tpu.dma_semaphore, #tpu.memory_space<semaphore_mem>>) src(%arg11 : memref<40x128xi32, #tpu.memory_space<vmem>>) dst(%dma_wait3A_194 : memref<40x128xi32, #tpu.memory_space<hbm>>)
        %dma_wait3A_195 = arith.constant 0 : i32
        %dma_wait3A_196 = arith.constant 0 : i32
        %dma_wait3A_197 = tpu.memref_slice %arg7[%add3A, %sub3A_186, %dma_wait3A_195, %dma_wait3A_196] : memref<32x25x40x128xi32, #tpu.memory_space<hbm>> -> memref<1x1x40x128xi32, #tpu.memory_space<hbm>>
        %dma_wait3A_198 = tpu.memref_squeeze %dma_wait3A_197 : memref<1x1x40x128xi32, #tpu.memory_space<hbm>> -> memref<40x128xi32, #tpu.memory_space<hbm>>
        %dma_wait3A_199 = arith.constant 0 : i32
        %dma_wait3A_200 = arith.constant 0 : i32
        %dma_wait3A_201 = tpu.memref_slice %arg7[%add3A, %sub3A_186, %dma_wait3A_199, %dma_wait3A_200] : memref<32x25x40x128xi32, #tpu.memory_space<hbm>> -> memref<1x1x40x128xi32, #tpu.memory_space<hbm>>
        %dma_wait3A_202 = tpu.memref_squeeze %dma_wait3A_201 : memref<1x1x40x128xi32, #tpu.memory_space<hbm>> -> memref<40x128xi32, #tpu.memory_space<hbm>>
        tpu.wait_dma2 semaphore(%arg21 : memref<!tpu.dma_semaphore, #tpu.memory_space<semaphore_mem>>) src(%arg13 : memref<40x128xi32, #tpu.memory_space<vmem>>) dst(%dma_wait3A_202 : memref<40x128xi32, #tpu.memory_space<hbm>>)
      } else {
      }
      %add3A_93 = arith.constant 1 : i32
      %add3A_94 = arith.addi %add3A_90, %add3A_93 : i32
      %dma_start3A_95 = arith.constant 0 : i32
      %dma_start3A_96 = tpu.memref_slice %arg8[%add3A_94, %dma_start3A_95] : memref<25x40xi32, #tpu.memory_space<vmem>> -> memref<1x40xi32, #tpu.memory_space<vmem>>
      %dma_start3A_97 = tpu.memref_squeeze %dma_start3A_96 : memref<1x40xi32, #tpu.memory_space<vmem>> -> memref<40xi32, #tpu.memory_space<vmem>>
      %dma_start3A_98 = arith.constant 0 : i32
      %dma_start3A_99 = arith.constant 0 : i32
      %dma_start3A_100 = tpu.memref_slice %arg2[%dma_start3A_98, %dma_start3A_99] : memref<10000x128xi32, #tpu.memory_space<hbm>> -> memref<10000x128xi32, #tpu.memory_space<hbm>>
      tpu.enqueue_indirect_dma source(%dma_start3A_100 : memref<10000x128xi32, #tpu.memory_space<hbm>>) target(%arg11 : memref<40x128xi32, #tpu.memory_space<vmem>>) offsets(%dma_start3A_97 : memref<40xi32, #tpu.memory_space<vmem>>) semaphore(%arg15 : memref<!tpu.dma_semaphore, #tpu.memory_space<semaphore_mem>>)
      %dma_start3A_101 = arith.constant 0 : i32
      %dma_start3A_102 = tpu.memref_slice %arg9[%add3A_94, %dma_start3A_101] : memref<25x40xi32, #tpu.memory_space<vmem>> -> memref<1x40xi32, #tpu.memory_space<vmem>>
      %dma_start3A_103 = tpu.memref_squeeze %dma_start3A_102 : memref<1x40xi32, #tpu.memory_space<vmem>> -> memref<40xi32, #tpu.memory_space<vmem>>
      %dma_start3A_104 = arith.constant 0 : i32
      %dma_start3A_105 = arith.constant 0 : i32
      %dma_start3A_106 = tpu.memref_slice %arg3[%dma_start3A_104, %dma_start3A_105] : memref<10000x128xi32, #tpu.memory_space<hbm>> -> memref<10000x128xi32, #tpu.memory_space<hbm>>
      tpu.enqueue_indirect_dma source(%dma_start3A_106 : memref<10000x128xi32, #tpu.memory_space<hbm>>) target(%arg13 : memref<40x128xi32, #tpu.memory_space<vmem>>) offsets(%dma_start3A_103 : memref<40xi32, #tpu.memory_space<vmem>>) semaphore(%arg17 : memref<!tpu.dma_semaphore, #tpu.memory_space<semaphore_mem>>)
      %dma_wait3A_107 = arith.constant 0 : i32
      %dma_wait3A_108 = tpu.memref_slice %arg8[%add3A_90, %dma_wait3A_107] : memref<25x40xi32, #tpu.memory_space<vmem>> -> memref<1x40xi32, #tpu.memory_space<vmem>>
      %dma_wait3A_109 = tpu.memref_squeeze %dma_wait3A_108 : memref<1x40xi32, #tpu.memory_space<vmem>> -> memref<40xi32, #tpu.memory_space<vmem>>
      %dma_wait3A_110 = arith.constant 0 : i32
      %dma_wait3A_111 = arith.constant 0 : i32
      %dma_wait3A_112 = tpu.memref_slice %arg2[%dma_wait3A_110, %dma_wait3A_111] : memref<10000x128xi32, #tpu.memory_space<hbm>> -> memref<10000x128xi32, #tpu.memory_space<hbm>>
      tpu.wait_indirect_dma semaphore(%arg14 : memref<!tpu.dma_semaphore, #tpu.memory_space<semaphore_mem>>) src(%dma_wait3A_112 : memref<10000x128xi32, #tpu.memory_space<hbm>>) dst(%arg10 : memref<40x128xi32, #tpu.memory_space<vmem>>)
      %dma_wait3A_113 = arith.constant 0 : i32
      %dma_wait3A_114 = tpu.memref_slice %arg9[%add3A_90, %dma_wait3A_113] : memref<25x40xi32, #tpu.memory_space<vmem>> -> memref<1x40xi32, #tpu.memory_space<vmem>>
      %dma_wait3A_115 = tpu.memref_squeeze %dma_wait3A_114 : memref<1x40xi32, #tpu.memory_space<vmem>> -> memref<40xi32, #tpu.memory_space<vmem>>
      %dma_wait3A_116 = arith.constant 0 : i32
      %dma_wait3A_117 = arith.constant 0 : i32
      %dma_wait3A_118 = tpu.memref_slice %arg3[%dma_wait3A_116, %dma_wait3A_117] : memref<10000x128xi32, #tpu.memory_space<hbm>> -> memref<10000x128xi32, #tpu.memory_space<hbm>>
      tpu.wait_indirect_dma semaphore(%arg16 : memref<!tpu.dma_semaphore, #tpu.memory_space<semaphore_mem>>) src(%dma_wait3A_118 : memref<10000x128xi32, #tpu.memory_space<hbm>>) dst(%arg12 : memref<40x128xi32, #tpu.memory_space<vmem>>)
      %dma_start3A_119 = arith.constant 0 : i32
      %dma_start3A_120 = arith.constant 0 : i32
      %dma_start3A_121 = tpu.memref_slice %arg6[%add3A, %add3A_90, %dma_start3A_119, %dma_start3A_120] : memref<32x25x40x128xi32, #tpu.memory_space<hbm>> -> memref<1x1x40x128xi32, #tpu.memory_space<hbm>>
      %dma_start3A_122 = tpu.memref_squeeze %dma_start3A_121 : memref<1x1x40x128xi32, #tpu.memory_space<hbm>> -> memref<40x128xi32, #tpu.memory_space<hbm>>
      %dma_start3A_123 = arith.constant 0 : i32
      %dma_start3A_124 = arith.constant 0 : i32
      %dma_start3A_125 = tpu.memref_slice %arg6[%add3A, %add3A_90, %dma_start3A_123, %dma_start3A_124] : memref<32x25x40x128xi32, #tpu.memory_space<hbm>> -> memref<1x1x40x128xi32, #tpu.memory_space<hbm>>
      %dma_start3A_126 = tpu.memref_squeeze %dma_start3A_125 : memref<1x1x40x128xi32, #tpu.memory_space<hbm>> -> memref<40x128xi32, #tpu.memory_space<hbm>>
      tpu.enqueue_dma source(%arg10 : memref<40x128xi32, #tpu.memory_space<vmem>>) target(%dma_start3A_126 : memref<40x128xi32, #tpu.memory_space<hbm>>) target_semaphore(%arg18 : memref<!tpu.dma_semaphore, #tpu.memory_space<semaphore_mem>>)
      %dma_start3A_127 = arith.constant 0 : i32
      %dma_start3A_128 = arith.constant 0 : i32
      %dma_start3A_129 = tpu.memref_slice %arg7[%add3A, %add3A_90, %dma_start3A_127, %dma_start3A_128] : memref<32x25x40x128xi32, #tpu.memory_space<hbm>> -> memref<1x1x40x128xi32, #tpu.memory_space<hbm>>
      %dma_start3A_130 = tpu.memref_squeeze %dma_start3A_129 : memref<1x1x40x128xi32, #tpu.memory_space<hbm>> -> memref<40x128xi32, #tpu.memory_space<hbm>>
      %dma_start3A_131 = arith.constant 0 : i32
      %dma_start3A_132 = arith.constant 0 : i32
      %dma_start3A_133 = tpu.memref_slice %arg7[%add3A, %add3A_90, %dma_start3A_131, %dma_start3A_132] : memref<32x25x40x128xi32, #tpu.memory_space<hbm>> -> memref<1x1x40x128xi32, #tpu.memory_space<hbm>>
      %dma_start3A_134 = tpu.memref_squeeze %dma_start3A_133 : memref<1x1x40x128xi32, #tpu.memory_space<hbm>> -> memref<40x128xi32, #tpu.memory_space<hbm>>
      tpu.enqueue_dma source(%arg12 : memref<40x128xi32, #tpu.memory_space<vmem>>) target(%dma_start3A_134 : memref<40x128xi32, #tpu.memory_space<hbm>>) target_semaphore(%arg20 : memref<!tpu.dma_semaphore, #tpu.memory_space<semaphore_mem>>)
      %mul3A_135 = arith.constant 2 : i32
      %mul3A_136 = arith.muli %mul3A_135, %scan3A_86 : i32
      %add3A_137 = arith.constant 1 : i32
      %add3A_138 = arith.addi %mul3A_136, %add3A_137 : i32
      %gt3A_139 = arith.constant 0 : i32
      %gt3A_140 = arith.cmpi sgt, %add3A_138, %gt3A_139 : i32
      %convert_element_type3A_141 = arith.extui %gt3A_140 : i1 to i32
      %cond3A_142 = arith.constant 0 : i32
      %cond3A_143 = arith.cmpi ne, %convert_element_type3A_141, %cond3A_142 : i32
      scf.if %cond3A_143 {
        %sub3A = arith.constant 1 : i32
        %sub3A_186 = arith.subi %add3A_138, %sub3A : i32
        %dma_wait3A_187 = arith.constant 0 : i32
        %dma_wait3A_188 = arith.constant 0 : i32
        %dma_wait3A_189 = tpu.memref_slice %arg6[%add3A, %sub3A_186, %dma_wait3A_187, %dma_wait3A_188] : memref<32x25x40x128xi32, #tpu.memory_space<hbm>> -> memref<1x1x40x128xi32, #tpu.memory_space<hbm>>
        %dma_wait3A_190 = tpu.memref_squeeze %dma_wait3A_189 : memref<1x1x40x128xi32, #tpu.memory_space<hbm>> -> memref<40x128xi32, #tpu.memory_space<hbm>>
        %dma_wait3A_191 = arith.constant 0 : i32
        %dma_wait3A_192 = arith.constant 0 : i32
        %dma_wait3A_193 = tpu.memref_slice %arg6[%add3A, %sub3A_186, %dma_wait3A_191, %dma_wait3A_192] : memref<32x25x40x128xi32, #tpu.memory_space<hbm>> -> memref<1x1x40x128xi32, #tpu.memory_space<hbm>>
        %dma_wait3A_194 = tpu.memref_squeeze %dma_wait3A_193 : memref<1x1x40x128xi32, #tpu.memory_space<hbm>> -> memref<40x128xi32, #tpu.memory_space<hbm>>
        tpu.wait_dma2 semaphore(%arg18 : memref<!tpu.dma_semaphore, #tpu.memory_space<semaphore_mem>>) src(%arg10 : memref<40x128xi32, #tpu.memory_space<vmem>>) dst(%dma_wait3A_194 : memref<40x128xi32, #tpu.memory_space<hbm>>)
        %dma_wait3A_195 = arith.constant 0 : i32
        %dma_wait3A_196 = arith.constant 0 : i32
        %dma_wait3A_197 = tpu.memref_slice %arg7[%add3A, %sub3A_186, %dma_wait3A_195, %dma_wait3A_196] : memref<32x25x40x128xi32, #tpu.memory_space<hbm>> -> memref<1x1x40x128xi32, #tpu.memory_space<hbm>>
        %dma_wait3A_198 = tpu.memref_squeeze %dma_wait3A_197 : memref<1x1x40x128xi32, #tpu.memory_space<hbm>> -> memref<40x128xi32, #tpu.memory_space<hbm>>
        %dma_wait3A_199 = arith.constant 0 : i32
        %dma_wait3A_200 = arith.constant 0 : i32
        %dma_wait3A_201 = tpu.memref_slice %arg7[%add3A, %sub3A_186, %dma_wait3A_199, %dma_wait3A_200] : memref<32x25x40x128xi32, #tpu.memory_space<hbm>> -> memref<1x1x40x128xi32, #tpu.memory_space<hbm>>
        %dma_wait3A_202 = tpu.memref_squeeze %dma_wait3A_201 : memref<1x1x40x128xi32, #tpu.memory_space<hbm>> -> memref<40x128xi32, #tpu.memory_space<hbm>>
        tpu.wait_dma2 semaphore(%arg20 : memref<!tpu.dma_semaphore, #tpu.memory_space<semaphore_mem>>) src(%arg12 : memref<40x128xi32, #tpu.memory_space<vmem>>) dst(%dma_wait3A_202 : memref<40x128xi32, #tpu.memory_space<hbm>>)
      } else {
      }
      %add3A_144 = arith.constant 1 : i32
      %add3A_145 = arith.addi %add3A_138, %add3A_144 : i32
      %dma_start3A_146 = arith.constant 0 : i32
      %dma_start3A_147 = tpu.memref_slice %arg8[%add3A_145, %dma_start3A_146] : memref<25x40xi32, #tpu.memory_space<vmem>> -> memref<1x40xi32, #tpu.memory_space<vmem>>
      %dma_start3A_148 = tpu.memref_squeeze %dma_start3A_147 : memref<1x40xi32, #tpu.memory_space<vmem>> -> memref<40xi32, #tpu.memory_space<vmem>>
      %dma_start3A_149 = arith.constant 0 : i32
      %dma_start3A_150 = arith.constant 0 : i32
      %dma_start3A_151 = tpu.memref_slice %arg2[%dma_start3A_149, %dma_start3A_150] : memref<10000x128xi32, #tpu.memory_space<hbm>> -> memref<10000x128xi32, #tpu.memory_space<hbm>>
      tpu.enqueue_indirect_dma source(%dma_start3A_151 : memref<10000x128xi32, #tpu.memory_space<hbm>>) target(%arg10 : memref<40x128xi32, #tpu.memory_space<vmem>>) offsets(%dma_start3A_148 : memref<40xi32, #tpu.memory_space<vmem>>) semaphore(%arg14 : memref<!tpu.dma_semaphore, #tpu.memory_space<semaphore_mem>>)
      %dma_start3A_152 = arith.constant 0 : i32
      %dma_start3A_153 = tpu.memref_slice %arg9[%add3A_145, %dma_start3A_152] : memref<25x40xi32, #tpu.memory_space<vmem>> -> memref<1x40xi32, #tpu.memory_space<vmem>>
      %dma_start3A_154 = tpu.memref_squeeze %dma_start3A_153 : memref<1x40xi32, #tpu.memory_space<vmem>> -> memref<40xi32, #tpu.memory_space<vmem>>
      %dma_start3A_155 = arith.constant 0 : i32
      %dma_start3A_156 = arith.constant 0 : i32
      %dma_start3A_157 = tpu.memref_slice %arg3[%dma_start3A_155, %dma_start3A_156] : memref<10000x128xi32, #tpu.memory_space<hbm>> -> memref<10000x128xi32, #tpu.memory_space<hbm>>
      tpu.enqueue_indirect_dma source(%dma_start3A_157 : memref<10000x128xi32, #tpu.memory_space<hbm>>) target(%arg12 : memref<40x128xi32, #tpu.memory_space<vmem>>) offsets(%dma_start3A_154 : memref<40xi32, #tpu.memory_space<vmem>>) semaphore(%arg16 : memref<!tpu.dma_semaphore, #tpu.memory_space<semaphore_mem>>)
      %dma_wait3A_158 = arith.constant 0 : i32
      %dma_wait3A_159 = tpu.memref_slice %arg8[%add3A_138, %dma_wait3A_158] : memref<25x40xi32, #tpu.memory_space<vmem>> -> memref<1x40xi32, #tpu.memory_space<vmem>>
      %dma_wait3A_160 = tpu.memref_squeeze %dma_wait3A_159 : memref<1x40xi32, #tpu.memory_space<vmem>> -> memref<40xi32, #tpu.memory_space<vmem>>
      %dma_wait3A_161 = arith.constant 0 : i32
      %dma_wait3A_162 = arith.constant 0 : i32
      %dma_wait3A_163 = tpu.memref_slice %arg2[%dma_wait3A_161, %dma_wait3A_162] : memref<10000x128xi32, #tpu.memory_space<hbm>> -> memref<10000x128xi32, #tpu.memory_space<hbm>>
      tpu.wait_indirect_dma semaphore(%arg15 : memref<!tpu.dma_semaphore, #tpu.memory_space<semaphore_mem>>) src(%dma_wait3A_163 : memref<10000x128xi32, #tpu.memory_space<hbm>>) dst(%arg11 : memref<40x128xi32, #tpu.memory_space<vmem>>)
      %dma_wait3A_164 = arith.constant 0 : i32
      %dma_wait3A_165 = tpu.memref_slice %arg9[%add3A_138, %dma_wait3A_164] : memref<25x40xi32, #tpu.memory_space<vmem>> -> memref<1x40xi32, #tpu.memory_space<vmem>>
      %dma_wait3A_166 = tpu.memref_squeeze %dma_wait3A_165 : memref<1x40xi32, #tpu.memory_space<vmem>> -> memref<40xi32, #tpu.memory_space<vmem>>
      %dma_wait3A_167 = arith.constant 0 : i32
      %dma_wait3A_168 = arith.constant 0 : i32
      %dma_wait3A_169 = tpu.memref_slice %arg3[%dma_wait3A_167, %dma_wait3A_168] : memref<10000x128xi32, #tpu.memory_space<hbm>> -> memref<10000x128xi32, #tpu.memory_space<hbm>>
      tpu.wait_indirect_dma semaphore(%arg17 : memref<!tpu.dma_semaphore, #tpu.memory_space<semaphore_mem>>) src(%dma_wait3A_169 : memref<10000x128xi32, #tpu.memory_space<hbm>>) dst(%arg13 : memref<40x128xi32, #tpu.memory_space<vmem>>)
      %dma_start3A_170 = arith.constant 0 : i32
      %dma_start3A_171 = arith.constant 0 : i32
      %dma_start3A_172 = tpu.memref_slice %arg6[%add3A, %add3A_138, %dma_start3A_170, %dma_start3A_171] : memref<32x25x40x128xi32, #tpu.memory_space<hbm>> -> memref<1x1x40x128xi32, #tpu.memory_space<hbm>>
      %dma_start3A_173 = tpu.memref_squeeze %dma_start3A_172 : memref<1x1x40x128xi32, #tpu.memory_space<hbm>> -> memref<40x128xi32, #tpu.memory_space<hbm>>
      %dma_start3A_174 = arith.constant 0 : i32
      %dma_start3A_175 = arith.constant 0 : i32
      %dma_start3A_176 = tpu.memref_slice %arg6[%add3A, %add3A_138, %dma_start3A_174, %dma_start3A_175] : memref<32x25x40x128xi32, #tpu.memory_space<hbm>> -> memref<1x1x40x128xi32, #tpu.memory_space<hbm>>
      %dma_start3A_177 = tpu.memref_squeeze %dma_start3A_176 : memref<1x1x40x128xi32, #tpu.memory_space<hbm>> -> memref<40x128xi32, #tpu.memory_space<hbm>>
      tpu.enqueue_dma source(%arg11 : memref<40x128xi32, #tpu.memory_space<vmem>>) target(%dma_start3A_177 : memref<40x128xi32, #tpu.memory_space<hbm>>) target_semaphore(%arg19 : memref<!tpu.dma_semaphore, #tpu.memory_space<semaphore_mem>>)
      %dma_start3A_178 = arith.constant 0 : i32
      %dma_start3A_179 = arith.constant 0 : i32
      %dma_start3A_180 = tpu.memref_slice %arg7[%add3A, %add3A_138, %dma_start3A_178, %dma_start3A_179] : memref<32x25x40x128xi32, #tpu.memory_space<hbm>> -> memref<1x1x40x128xi32, #tpu.memory_space<hbm>>
      %dma_start3A_181 = tpu.memref_squeeze %dma_start3A_180 : memref<1x1x40x128xi32, #tpu.memory_space<hbm>> -> memref<40x128xi32, #tpu.memory_space<hbm>>
      %dma_start3A_182 = arith.constant 0 : i32
      %dma_start3A_183 = arith.constant 0 : i32
      %dma_start3A_184 = tpu.memref_slice %arg7[%add3A, %add3A_138, %dma_start3A_182, %dma_start3A_183] : memref<32x25x40x128xi32, #tpu.memory_space<hbm>> -> memref<1x1x40x128xi32, #tpu.memory_space<hbm>>
      %dma_start3A_185 = tpu.memref_squeeze %dma_start3A_184 : memref<1x1x40x128xi32, #tpu.memory_space<hbm>> -> memref<40x128xi32, #tpu.memory_space<hbm>>
      tpu.enqueue_dma source(%arg13 : memref<40x128xi32, #tpu.memory_space<vmem>>) target(%dma_start3A_185 : memref<40x128xi32, #tpu.memory_space<hbm>>) target_semaphore(%arg21 : memref<!tpu.dma_semaphore, #tpu.memory_space<semaphore_mem>>)
    }
    %scan3A_18 = arith.constant 12 : i32
    %dma_wait3A = arith.constant 23 : i32
    %dma_wait3A_19 = arith.constant 0 : i32
    %dma_wait3A_20 = arith.constant 0 : i32
    %dma_wait3A_21 = tpu.memref_slice %arg6[%add3A, %dma_wait3A, %dma_wait3A_19, %dma_wait3A_20] : memref<32x25x40x128xi32, #tpu.memory_space<hbm>> -> memref<1x1x40x128xi32, #tpu.memory_space<hbm>>
    %dma_wait3A_22 = tpu.memref_squeeze %dma_wait3A_21 : memref<1x1x40x128xi32, #tpu.memory_space<hbm>> -> memref<40x128xi32, #tpu.memory_space<hbm>>
    %dma_wait3A_23 = arith.constant 0 : i32
    %dma_wait3A_24 = arith.constant 0 : i32
    %dma_wait3A_25 = tpu.memref_slice %arg6[%add3A, %dma_wait3A, %dma_wait3A_23, %dma_wait3A_24] : memref<32x25x40x128xi32, #tpu.memory_space<hbm>> -> memref<1x1x40x128xi32, #tpu.memory_space<hbm>>
    %dma_wait3A_26 = tpu.memref_squeeze %dma_wait3A_25 : memref<1x1x40x128xi32, #tpu.memory_space<hbm>> -> memref<40x128xi32, #tpu.memory_space<hbm>>
    tpu.wait_dma2 semaphore(%arg19 : memref<!tpu.dma_semaphore, #tpu.memory_space<semaphore_mem>>) src(%arg11 : memref<40x128xi32, #tpu.memory_space<vmem>>) dst(%dma_wait3A_26 : memref<40x128xi32, #tpu.memory_space<hbm>>)
    %dma_wait3A_27 = arith.constant 23 : i32
    %dma_wait3A_28 = arith.constant 0 : i32
    %dma_wait3A_29 = arith.constant 0 : i32
    %dma_wait3A_30 = tpu.memref_slice %arg7[%add3A, %dma_wait3A_27, %dma_wait3A_28, %dma_wait3A_29] : memref<32x25x40x128xi32, #tpu.memory_space<hbm>> -> memref<1x1x40x128xi32, #tpu.memory_space<hbm>>
    %dma_wait3A_31 = tpu.memref_squeeze %dma_wait3A_30 : memref<1x1x40x128xi32, #tpu.memory_space<hbm>> -> memref<40x128xi32, #tpu.memory_space<hbm>>
    %dma_wait3A_32 = arith.constant 0 : i32
    %dma_wait3A_33 = arith.constant 0 : i32
    %dma_wait3A_34 = tpu.memref_slice %arg7[%add3A, %dma_wait3A_27, %dma_wait3A_32, %dma_wait3A_33] : memref<32x25x40x128xi32, #tpu.memory_space<hbm>> -> memref<1x1x40x128xi32, #tpu.memory_space<hbm>>
    %dma_wait3A_35 = tpu.memref_squeeze %dma_wait3A_34 : memref<1x1x40x128xi32, #tpu.memory_space<hbm>> -> memref<40x128xi32, #tpu.memory_space<hbm>>
    tpu.wait_dma2 semaphore(%arg21 : memref<!tpu.dma_semaphore, #tpu.memory_space<semaphore_mem>>) src(%arg13 : memref<40x128xi32, #tpu.memory_space<vmem>>) dst(%dma_wait3A_35 : memref<40x128xi32, #tpu.memory_space<hbm>>)
    %dma_wait3A_36 = arith.constant 24 : i32
    %dma_wait3A_37 = arith.constant 0 : i32
    %dma_wait3A_38 = tpu.memref_slice %arg8[%dma_wait3A_36, %dma_wait3A_37] : memref<25x40xi32, #tpu.memory_space<vmem>> -> memref<1x40xi32, #tpu.memory_space<vmem>>
    %dma_wait3A_39 = tpu.memref_squeeze %dma_wait3A_38 : memref<1x40xi32, #tpu.memory_space<vmem>> -> memref<40xi32, #tpu.memory_space<vmem>>
    %dma_wait3A_40 = arith.constant 0 : i32
    %dma_wait3A_41 = arith.constant 0 : i32
    %dma_wait3A_42 = tpu.memref_slice %arg2[%dma_wait3A_40, %dma_wait3A_41] : memref<10000x128xi32, #tpu.memory_space<hbm>> -> memref<10000x128xi32, #tpu.memory_space<hbm>>
    tpu.wait_indirect_dma semaphore(%arg14 : memref<!tpu.dma_semaphore, #tpu.memory_space<semaphore_mem>>) src(%dma_wait3A_42 : memref<10000x128xi32, #tpu.memory_space<hbm>>) dst(%arg10 : memref<40x128xi32, #tpu.memory_space<vmem>>)
    %dma_wait3A_43 = arith.constant 24 : i32
    %dma_wait3A_44 = arith.constant 0 : i32
    %dma_wait3A_45 = tpu.memref_slice %arg9[%dma_wait3A_43, %dma_wait3A_44] : memref<25x40xi32, #tpu.memory_space<vmem>> -> memref<1x40xi32, #tpu.memory_space<vmem>>
    %dma_wait3A_46 = tpu.memref_squeeze %dma_wait3A_45 : memref<1x40xi32, #tpu.memory_space<vmem>> -> memref<40xi32, #tpu.memory_space<vmem>>
    %dma_wait3A_47 = arith.constant 0 : i32
    %dma_wait3A_48 = arith.constant 0 : i32
    %dma_wait3A_49 = tpu.memref_slice %arg3[%dma_wait3A_47, %dma_wait3A_48] : memref<10000x128xi32, #tpu.memory_space<hbm>> -> memref<10000x128xi32, #tpu.memory_space<hbm>>
    tpu.wait_indirect_dma semaphore(%arg16 : memref<!tpu.dma_semaphore, #tpu.memory_space<semaphore_mem>>) src(%dma_wait3A_49 : memref<10000x128xi32, #tpu.memory_space<hbm>>) dst(%arg12 : memref<40x128xi32, #tpu.memory_space<vmem>>)
    %dma_start3A_50 = arith.constant 24 : i32
    %dma_start3A_51 = arith.constant 0 : i32
    %dma_start3A_52 = arith.constant 0 : i32
    %dma_start3A_53 = tpu.memref_slice %arg6[%add3A, %dma_start3A_50, %dma_start3A_51, %dma_start3A_52] : memref<32x25x40x128xi32, #tpu.memory_space<hbm>> -> memref<1x1x40x128xi32, #tpu.memory_space<hbm>>
    %dma_start3A_54 = tpu.memref_squeeze %dma_start3A_53 : memref<1x1x40x128xi32, #tpu.memory_space<hbm>> -> memref<40x128xi32, #tpu.memory_space<hbm>>
    %dma_start3A_55 = arith.constant 0 : i32
    %dma_start3A_56 = arith.constant 0 : i32
    %dma_start3A_57 = tpu.memref_slice %arg6[%add3A, %dma_start3A_50, %dma_start3A_55, %dma_start3A_56] : memref<32x25x40x128xi32, #tpu.memory_space<hbm>> -> memref<1x1x40x128xi32, #tpu.memory_space<hbm>>
    %dma_start3A_58 = tpu.memref_squeeze %dma_start3A_57 : memref<1x1x40x128xi32, #tpu.memory_space<hbm>> -> memref<40x128xi32, #tpu.memory_space<hbm>>
    tpu.enqueue_dma source(%arg10 : memref<40x128xi32, #tpu.memory_space<vmem>>) target(%dma_start3A_58 : memref<40x128xi32, #tpu.memory_space<hbm>>) target_semaphore(%arg18 : memref<!tpu.dma_semaphore, #tpu.memory_space<semaphore_mem>>)
    %dma_start3A_59 = arith.constant 24 : i32
    %dma_start3A_60 = arith.constant 0 : i32
    %dma_start3A_61 = arith.constant 0 : i32
    %dma_start3A_62 = tpu.memref_slice %arg7[%add3A, %dma_start3A_59, %dma_start3A_60, %dma_start3A_61] : memref<32x25x40x128xi32, #tpu.memory_space<hbm>> -> memref<1x1x40x128xi32, #tpu.memory_space<hbm>>
    %dma_start3A_63 = tpu.memref_squeeze %dma_start3A_62 : memref<1x1x40x128xi32, #tpu.memory_space<hbm>> -> memref<40x128xi32, #tpu.memory_space<hbm>>
    %dma_start3A_64 = arith.constant 0 : i32
    %dma_start3A_65 = arith.constant 0 : i32
    %dma_start3A_66 = tpu.memref_slice %arg7[%add3A, %dma_start3A_59, %dma_start3A_64, %dma_start3A_65] : memref<32x25x40x128xi32, #tpu.memory_space<hbm>> -> memref<1x1x40x128xi32, #tpu.memory_space<hbm>>
    %dma_start3A_67 = tpu.memref_squeeze %dma_start3A_66 : memref<1x1x40x128xi32, #tpu.memory_space<hbm>> -> memref<40x128xi32, #tpu.memory_space<hbm>>
    tpu.enqueue_dma source(%arg12 : memref<40x128xi32, #tpu.memory_space<vmem>>) target(%dma_start3A_67 : memref<40x128xi32, #tpu.memory_space<hbm>>) target_semaphore(%arg20 : memref<!tpu.dma_semaphore, #tpu.memory_space<semaphore_mem>>)
    %dma_wait3A_68 = arith.constant 24 : i32
    %dma_wait3A_69 = arith.constant 0 : i32
    %dma_wait3A_70 = arith.constant 0 : i32
    %dma_wait3A_71 = tpu.memref_slice %arg6[%add3A, %dma_wait3A_68, %dma_wait3A_69, %dma_wait3A_70] : memref<32x25x40x128xi32, #tpu.memory_space<hbm>> -> memref<1x1x40x128xi32, #tpu.memory_space<hbm>>
    %dma_wait3A_72 = tpu.memref_squeeze %dma_wait3A_71 : memref<1x1x40x128xi32, #tpu.memory_space<hbm>> -> memref<40x128xi32, #tpu.memory_space<hbm>>
    %dma_wait3A_73 = arith.constant 0 : i32
    %dma_wait3A_74 = arith.constant 0 : i32
    %dma_wait3A_75 = tpu.memref_slice %arg6[%add3A, %dma_wait3A_68, %dma_wait3A_73, %dma_wait3A_74] : memref<32x25x40x128xi32, #tpu.memory_space<hbm>> -> memref<1x1x40x128xi32, #tpu.memory_space<hbm>>
    %dma_wait3A_76 = tpu.memref_squeeze %dma_wait3A_75 : memref<1x1x40x128xi32, #tpu.memory_space<hbm>> -> memref<40x128xi32, #tpu.memory_space<hbm>>
    tpu.wait_dma2 semaphore(%arg18 : memref<!tpu.dma_semaphore, #tpu.memory_space<semaphore_mem>>) src(%arg10 : memref<40x128xi32, #tpu.memory_space<vmem>>) dst(%dma_wait3A_76 : memref<40x128xi32, #tpu.memory_space<hbm>>)
    %dma_wait3A_77 = arith.constant 24 : i32
    %dma_wait3A_78 = arith.constant 0 : i32
    %dma_wait3A_79 = arith.constant 0 : i32
    %dma_wait3A_80 = tpu.memref_slice %arg7[%add3A, %dma_wait3A_77, %dma_wait3A_78, %dma_wait3A_79] : memref<32x25x40x128xi32, #tpu.memory_space<hbm>> -> memref<1x1x40x128xi32, #tpu.memory_space<hbm>>
    %dma_wait3A_81 = tpu.memref_squeeze %dma_wait3A_80 : memref<1x1x40x128xi32, #tpu.memory_space<hbm>> -> memref<40x128xi32, #tpu.memory_space<hbm>>
    %dma_wait3A_82 = arith.constant 0 : i32
    %dma_wait3A_83 = arith.constant 0 : i32
    %dma_wait3A_84 = tpu.memref_slice %arg7[%add3A, %dma_wait3A_77, %dma_wait3A_82, %dma_wait3A_83] : memref<32x25x40x128xi32, #tpu.memory_space<hbm>> -> memref<1x1x40x128xi32, #tpu.memory_space<hbm>>
    %dma_wait3A_85 = tpu.memref_squeeze %dma_wait3A_84 : memref<1x1x40x128xi32, #tpu.memory_space<hbm>> -> memref<40x128xi32, #tpu.memory_space<hbm>>
    tpu.wait_dma2 semaphore(%arg20 : memref<!tpu.dma_semaphore, #tpu.memory_space<semaphore_mem>>) src(%arg12 : memref<40x128xi32, #tpu.memory_space<vmem>>) dst(%dma_wait3A_85 : memref<40x128xi32, #tpu.memory_space<hbm>>)
    return
  }
}

#map = affine_map<(d0, d1) -> (0, 0, 0)>
#map1 = affine_map<(d0, d1) -> (0, 0)>
module attributes {stable_mosaic.version = 14 : i64} {
  func.func @sc_scatter(%arg0: i32, %arg1: i32, %arg2: memref<2x160000x128xf32, #tpu.memory_space<hbm>>, %arg3: memref<16x125x80xi32, #tpu.memory_space<hbm>>, %arg4: memref<640x128xf32, #tpu.memory_space<hbm>>, %arg5: memref<2x10240x128xf32, #tpu.memory_space<hbm>>, %arg6: memref<125x80xi32, #tpu.memory_space<vmem>>, %arg7: memref<80x128xf32, #tpu.memory_space<vmem>>, %arg8: memref<80x128xf32, #tpu.memory_space<vmem>>, %arg9: memref<10240x128xf32, #tpu.memory_space<vmem_shared>>, %arg10: memref<!tpu.dma_semaphore, #tpu.memory_space<semaphore_mem>>, %arg11: memref<!tpu.dma_semaphore, #tpu.memory_space<semaphore_mem>>, %arg12: memref<!tpu.dma_semaphore, #tpu.memory_space<semaphore_mem>>, %arg13: memref<!tpu.dma_semaphore, #tpu.memory_space<semaphore_mem>>) attributes {dimension_semantics = [#tpu.dimension_semantics<core_parallel>, #tpu.dimension_semantics<subcore_parallel>], iteration_bounds = array<i64: 2, 16>, scalar_prefetch = 0 : i64, scratch_operands = 8 : i64, tpu.core_type = #tpu.core_type<sc_vector_subcore>, window_params = [{transform_indices = #map}, {transform_indices = #map}, {transform_indices = #map1}, {transform_indices = #map}]} {
    %mul3A = arith.constant 640 : i32
    %mul3A_0 = arith.muli %arg1, %mul3A : i32
    "tpu.region"() ({
      %run_scoped3A = tpu.sem_alloc : memref<!tpu.dma_semaphore, #tpu.memory_space<semaphore_mem>>
      %dma_start3A_49 = arith.constant 0 : i32
      %dma_start3A_50 = tpu.memref_slice %arg9[%mul3A_0, %dma_start3A_49] : memref<10240x128xf32, #tpu.memory_space<vmem_shared>> -> memref<640x128xf32, #tpu.memory_space<vmem_shared>>
      tpu.enqueue_dma source(%arg4 : memref<640x128xf32, #tpu.memory_space<hbm>>) target(%dma_start3A_50 : memref<640x128xf32, #tpu.memory_space<vmem_shared>>) target_semaphore(%run_scoped3A : memref<!tpu.dma_semaphore, #tpu.memory_space<semaphore_mem>>)
      %dma_wait3A_51 = arith.constant 0 : i32
      %dma_wait3A_52 = tpu.memref_slice %arg9[%mul3A_0, %dma_wait3A_51] : memref<10240x128xf32, #tpu.memory_space<vmem_shared>> -> memref<640x128xf32, #tpu.memory_space<vmem_shared>>
      tpu.wait_dma2 semaphore(%run_scoped3A : memref<!tpu.dma_semaphore, #tpu.memory_space<semaphore_mem>>) src(%arg4 : memref<640x128xf32, #tpu.memory_space<hbm>>) dst(%dma_wait3A_52 : memref<640x128xf32, #tpu.memory_space<vmem_shared>>)
      tpu.yield
    }) : () -> ()
    %barrier3A = arith.constant 0 : index
    tpu.barrier barrier_id(%barrier3A)
    "tpu.region"() ({
      %run_scoped3A = tpu.sem_alloc : memref<!tpu.dma_semaphore, #tpu.memory_space<semaphore_mem>>
      %dma_start3A_49 = arith.constant 0 : i32
      %dma_start3A_50 = arith.constant 0 : i32
      %dma_start3A_51 = tpu.memref_slice %arg3[%arg1, %dma_start3A_49, %dma_start3A_50] : memref<16x125x80xi32, #tpu.memory_space<hbm>> -> memref<1x125x80xi32, #tpu.memory_space<hbm>>
      %dma_start3A_52 = tpu.memref_squeeze %dma_start3A_51 : memref<1x125x80xi32, #tpu.memory_space<hbm>> -> memref<125x80xi32, #tpu.memory_space<hbm>>
      %dma_start3A_53 = arith.constant 0 : i32
      %dma_start3A_54 = arith.constant 0 : i32
      %dma_start3A_55 = tpu.memref_slice %arg3[%arg1, %dma_start3A_53, %dma_start3A_54] : memref<16x125x80xi32, #tpu.memory_space<hbm>> -> memref<1x125x80xi32, #tpu.memory_space<hbm>>
      %dma_start3A_56 = tpu.memref_squeeze %dma_start3A_55 : memref<1x125x80xi32, #tpu.memory_space<hbm>> -> memref<125x80xi32, #tpu.memory_space<hbm>>
      tpu.enqueue_dma source(%dma_start3A_56 : memref<125x80xi32, #tpu.memory_space<hbm>>) target(%arg6 : memref<125x80xi32, #tpu.memory_space<vmem>>) target_semaphore(%run_scoped3A : memref<!tpu.dma_semaphore, #tpu.memory_space<semaphore_mem>>)
      %dma_wait3A_57 = arith.constant 0 : i32
      %dma_wait3A_58 = arith.constant 0 : i32
      %dma_wait3A_59 = tpu.memref_slice %arg3[%arg1, %dma_wait3A_57, %dma_wait3A_58] : memref<16x125x80xi32, #tpu.memory_space<hbm>> -> memref<1x125x80xi32, #tpu.memory_space<hbm>>
      %dma_wait3A_60 = tpu.memref_squeeze %dma_wait3A_59 : memref<1x125x80xi32, #tpu.memory_space<hbm>> -> memref<125x80xi32, #tpu.memory_space<hbm>>
      %dma_wait3A_61 = arith.constant 0 : i32
      %dma_wait3A_62 = arith.constant 0 : i32
      %dma_wait3A_63 = tpu.memref_slice %arg3[%arg1, %dma_wait3A_61, %dma_wait3A_62] : memref<16x125x80xi32, #tpu.memory_space<hbm>> -> memref<1x125x80xi32, #tpu.memory_space<hbm>>
      %dma_wait3A_64 = tpu.memref_squeeze %dma_wait3A_63 : memref<1x125x80xi32, #tpu.memory_space<hbm>> -> memref<125x80xi32, #tpu.memory_space<hbm>>
      tpu.wait_dma2 semaphore(%run_scoped3A : memref<!tpu.dma_semaphore, #tpu.memory_space<semaphore_mem>>) src(%dma_wait3A_64 : memref<125x80xi32, #tpu.memory_space<hbm>>) dst(%arg6 : memref<125x80xi32, #tpu.memory_space<vmem>>)
      tpu.yield
    }) : () -> ()
    %mul3A_1 = arith.constant 10000 : i32
    %mul3A_2 = arith.muli %arg1, %mul3A_1 : i32
    %add3A = arith.constant 0 : i32
    %add3A_3 = arith.addi %mul3A_2, %add3A : i32
    %dma_start3A = arith.constant 0 : i32
    %dma_start3A_4 = tpu.memref_slice %arg2[%arg0, %add3A_3, %dma_start3A] : memref<2x160000x128xf32, #tpu.memory_space<hbm>> -> memref<1x80x128xf32, #tpu.memory_space<hbm>>
    %dma_start3A_5 = tpu.memref_squeeze %dma_start3A_4 : memref<1x80x128xf32, #tpu.memory_space<hbm>> -> memref<80x128xf32, #tpu.memory_space<hbm>>
    %dma_start3A_6 = arith.constant 0 : i32
    %dma_start3A_7 = tpu.memref_slice %arg2[%arg0, %add3A_3, %dma_start3A_6] : memref<2x160000x128xf32, #tpu.memory_space<hbm>> -> memref<1x80x128xf32, #tpu.memory_space<hbm>>
    %dma_start3A_8 = tpu.memref_squeeze %dma_start3A_7 : memref<1x80x128xf32, #tpu.memory_space<hbm>> -> memref<80x128xf32, #tpu.memory_space<hbm>>
    tpu.enqueue_dma source(%dma_start3A_8 : memref<80x128xf32, #tpu.memory_space<hbm>>) target(%arg7 : memref<80x128xf32, #tpu.memory_space<vmem>>) target_semaphore(%arg10 : memref<!tpu.dma_semaphore, #tpu.memory_space<semaphore_mem>>)
    %scan3A = arith.constant 0 : i32
    %scan3A_9 = arith.constant 0 : i32
    %scan3A_10 = arith.constant 62 : i32
    %scan3A_11 = arith.addi %scan3A_9, %scan3A_10 : i32
    %scan3A_12 = arith.constant 1 : i32
    scf.for %scan3A_49 = %scan3A_9 to %scan3A_11 step %scan3A_12  : i32 {
      %mul3A_50 = arith.constant 2 : i32
      %mul3A_51 = arith.muli %mul3A_50, %scan3A_49 : i32
      %add3A_52 = arith.constant 0 : i32
      %add3A_53 = arith.addi %mul3A_51, %add3A_52 : i32
      %gt3A = arith.constant 0 : i32
      %gt3A_54 = arith.cmpi sgt, %add3A_53, %gt3A : i32
      %convert_element_type3A = arith.extui %gt3A_54 : i1 to i32
      %cond3A = arith.constant 0 : i32
      %cond3A_55 = arith.cmpi ne, %convert_element_type3A, %cond3A : i32
      scf.if %cond3A_55 {
        %sub3A = arith.constant 1 : i32
        %sub3A_125 = arith.subi %add3A_53, %sub3A : i32
        %dma_wait3A_126 = arith.constant 0 : i32
        %dma_wait3A_127 = tpu.memref_slice %arg6[%sub3A_125, %dma_wait3A_126] : memref<125x80xi32, #tpu.memory_space<vmem>> -> memref<1x80xi32, #tpu.memory_space<vmem>>
        %dma_wait3A_128 = tpu.memref_squeeze %dma_wait3A_127 : memref<1x80xi32, #tpu.memory_space<vmem>> -> memref<80xi32, #tpu.memory_space<vmem>>
        %dma_wait3A_129 = arith.constant 0 : i32
        %dma_wait3A_130 = arith.constant 0 : i32
        %dma_wait3A_131 = tpu.memref_slice %arg9[%dma_wait3A_129, %dma_wait3A_130] : memref<10240x128xf32, #tpu.memory_space<vmem_shared>> -> memref<10240x128xf32, #tpu.memory_space<vmem_shared>>
        tpu.wait_indirect_dma semaphore(%arg13 : memref<!tpu.dma_semaphore, #tpu.memory_space<semaphore_mem>>) src(%arg8 : memref<80x128xf32, #tpu.memory_space<vmem>>) dst(%dma_wait3A_131 : memref<10240x128xf32, #tpu.memory_space<vmem_shared>>)
      } else {
      }
      %add3A_56 = arith.constant 1 : i32
      %add3A_57 = arith.addi %add3A_53, %add3A_56 : i32
      %mul3A_58 = arith.constant 10000 : i32
      %mul3A_59 = arith.muli %arg1, %mul3A_58 : i32
      %mul3A_60 = arith.constant 80 : i32
      %mul3A_61 = arith.muli %add3A_57, %mul3A_60 : i32
      %add3A_62 = arith.addi %mul3A_59, %mul3A_61 : i32
      %dma_start3A_63 = arith.constant 0 : i32
      %dma_start3A_64 = tpu.memref_slice %arg2[%arg0, %add3A_62, %dma_start3A_63] : memref<2x160000x128xf32, #tpu.memory_space<hbm>> -> memref<1x80x128xf32, #tpu.memory_space<hbm>>
      %dma_start3A_65 = tpu.memref_squeeze %dma_start3A_64 : memref<1x80x128xf32, #tpu.memory_space<hbm>> -> memref<80x128xf32, #tpu.memory_space<hbm>>
      %dma_start3A_66 = arith.constant 0 : i32
      %dma_start3A_67 = tpu.memref_slice %arg2[%arg0, %add3A_62, %dma_start3A_66] : memref<2x160000x128xf32, #tpu.memory_space<hbm>> -> memref<1x80x128xf32, #tpu.memory_space<hbm>>
      %dma_start3A_68 = tpu.memref_squeeze %dma_start3A_67 : memref<1x80x128xf32, #tpu.memory_space<hbm>> -> memref<80x128xf32, #tpu.memory_space<hbm>>
      tpu.enqueue_dma source(%dma_start3A_68 : memref<80x128xf32, #tpu.memory_space<hbm>>) target(%arg8 : memref<80x128xf32, #tpu.memory_space<vmem>>) target_semaphore(%arg11 : memref<!tpu.dma_semaphore, #tpu.memory_space<semaphore_mem>>)
      %mul3A_69 = arith.constant 10000 : i32
      %mul3A_70 = arith.muli %arg1, %mul3A_69 : i32
      %mul3A_71 = arith.constant 80 : i32
      %mul3A_72 = arith.muli %add3A_53, %mul3A_71 : i32
      %add3A_73 = arith.addi %mul3A_70, %mul3A_72 : i32
      %dma_wait3A_74 = arith.constant 0 : i32
      %dma_wait3A_75 = tpu.memref_slice %arg2[%arg0, %add3A_73, %dma_wait3A_74] : memref<2x160000x128xf32, #tpu.memory_space<hbm>> -> memref<1x80x128xf32, #tpu.memory_space<hbm>>
      %dma_wait3A_76 = tpu.memref_squeeze %dma_wait3A_75 : memref<1x80x128xf32, #tpu.memory_space<hbm>> -> memref<80x128xf32, #tpu.memory_space<hbm>>
      %dma_wait3A_77 = arith.constant 0 : i32
      %dma_wait3A_78 = tpu.memref_slice %arg2[%arg0, %add3A_73, %dma_wait3A_77] : memref<2x160000x128xf32, #tpu.memory_space<hbm>> -> memref<1x80x128xf32, #tpu.memory_space<hbm>>
      %dma_wait3A_79 = tpu.memref_squeeze %dma_wait3A_78 : memref<1x80x128xf32, #tpu.memory_space<hbm>> -> memref<80x128xf32, #tpu.memory_space<hbm>>
      tpu.wait_dma2 semaphore(%arg10 : memref<!tpu.dma_semaphore, #tpu.memory_space<semaphore_mem>>) src(%dma_wait3A_79 : memref<80x128xf32, #tpu.memory_space<hbm>>) dst(%arg7 : memref<80x128xf32, #tpu.memory_space<vmem>>)
      %dma_start3A_80 = arith.constant 0 : i32
      %dma_start3A_81 = tpu.memref_slice %arg6[%add3A_53, %dma_start3A_80] : memref<125x80xi32, #tpu.memory_space<vmem>> -> memref<1x80xi32, #tpu.memory_space<vmem>>
      %dma_start3A_82 = tpu.memref_squeeze %dma_start3A_81 : memref<1x80xi32, #tpu.memory_space<vmem>> -> memref<80xi32, #tpu.memory_space<vmem>>
      %dma_start3A_83 = arith.constant 0 : i32
      %dma_start3A_84 = arith.constant 0 : i32
      %dma_start3A_85 = tpu.memref_slice %arg9[%dma_start3A_83, %dma_start3A_84] : memref<10240x128xf32, #tpu.memory_space<vmem_shared>> -> memref<10240x128xf32, #tpu.memory_space<vmem_shared>>
      tpu.enqueue_indirect_dma source(%arg7 : memref<80x128xf32, #tpu.memory_space<vmem>>) target(%dma_start3A_85 : memref<10240x128xf32, #tpu.memory_space<vmem_shared>>) offsets(%dma_start3A_82 : memref<80xi32, #tpu.memory_space<vmem>>) semaphore(%arg12 : memref<!tpu.dma_semaphore, #tpu.memory_space<semaphore_mem>>) {add = true}
      %mul3A_86 = arith.constant 2 : i32
      %mul3A_87 = arith.muli %mul3A_86, %scan3A_49 : i32
      %add3A_88 = arith.constant 1 : i32
      %add3A_89 = arith.addi %mul3A_87, %add3A_88 : i32
      %gt3A_90 = arith.constant 0 : i32
      %gt3A_91 = arith.cmpi sgt, %add3A_89, %gt3A_90 : i32
      %convert_element_type3A_92 = arith.extui %gt3A_91 : i1 to i32
      %cond3A_93 = arith.constant 0 : i32
      %cond3A_94 = arith.cmpi ne, %convert_element_type3A_92, %cond3A_93 : i32
      scf.if %cond3A_94 {
        %sub3A = arith.constant 1 : i32
        %sub3A_125 = arith.subi %add3A_89, %sub3A : i32
        %dma_wait3A_126 = arith.constant 0 : i32
        %dma_wait3A_127 = tpu.memref_slice %arg6[%sub3A_125, %dma_wait3A_126] : memref<125x80xi32, #tpu.memory_space<vmem>> -> memref<1x80xi32, #tpu.memory_space<vmem>>
        %dma_wait3A_128 = tpu.memref_squeeze %dma_wait3A_127 : memref<1x80xi32, #tpu.memory_space<vmem>> -> memref<80xi32, #tpu.memory_space<vmem>>
        %dma_wait3A_129 = arith.constant 0 : i32
        %dma_wait3A_130 = arith.constant 0 : i32
        %dma_wait3A_131 = tpu.memref_slice %arg9[%dma_wait3A_129, %dma_wait3A_130] : memref<10240x128xf32, #tpu.memory_space<vmem_shared>> -> memref<10240x128xf32, #tpu.memory_space<vmem_shared>>
        tpu.wait_indirect_dma semaphore(%arg12 : memref<!tpu.dma_semaphore, #tpu.memory_space<semaphore_mem>>) src(%arg7 : memref<80x128xf32, #tpu.memory_space<vmem>>) dst(%dma_wait3A_131 : memref<10240x128xf32, #tpu.memory_space<vmem_shared>>)
      } else {
      }
      %add3A_95 = arith.constant 1 : i32
      %add3A_96 = arith.addi %add3A_89, %add3A_95 : i32
      %mul3A_97 = arith.constant 10000 : i32
      %mul3A_98 = arith.muli %arg1, %mul3A_97 : i32
      %mul3A_99 = arith.constant 80 : i32
      %mul3A_100 = arith.muli %add3A_96, %mul3A_99 : i32
      %add3A_101 = arith.addi %mul3A_98, %mul3A_100 : i32
      %dma_start3A_102 = arith.constant 0 : i32
      %dma_start3A_103 = tpu.memref_slice %arg2[%arg0, %add3A_101, %dma_start3A_102] : memref<2x160000x128xf32, #tpu.memory_space<hbm>> -> memref<1x80x128xf32, #tpu.memory_space<hbm>>
      %dma_start3A_104 = tpu.memref_squeeze %dma_start3A_103 : memref<1x80x128xf32, #tpu.memory_space<hbm>> -> memref<80x128xf32, #tpu.memory_space<hbm>>
      %dma_start3A_105 = arith.constant 0 : i32
      %dma_start3A_106 = tpu.memref_slice %arg2[%arg0, %add3A_101, %dma_start3A_105] : memref<2x160000x128xf32, #tpu.memory_space<hbm>> -> memref<1x80x128xf32, #tpu.memory_space<hbm>>
      %dma_start3A_107 = tpu.memref_squeeze %dma_start3A_106 : memref<1x80x128xf32, #tpu.memory_space<hbm>> -> memref<80x128xf32, #tpu.memory_space<hbm>>
      tpu.enqueue_dma source(%dma_start3A_107 : memref<80x128xf32, #tpu.memory_space<hbm>>) target(%arg7 : memref<80x128xf32, #tpu.memory_space<vmem>>) target_semaphore(%arg10 : memref<!tpu.dma_semaphore, #tpu.memory_space<semaphore_mem>>)
      %mul3A_108 = arith.constant 10000 : i32
      %mul3A_109 = arith.muli %arg1, %mul3A_108 : i32
      %mul3A_110 = arith.constant 80 : i32
      %mul3A_111 = arith.muli %add3A_89, %mul3A_110 : i32
      %add3A_112 = arith.addi %mul3A_109, %mul3A_111 : i32
      %dma_wait3A_113 = arith.constant 0 : i32
      %dma_wait3A_114 = tpu.memref_slice %arg2[%arg0, %add3A_112, %dma_wait3A_113] : memref<2x160000x128xf32, #tpu.memory_space<hbm>> -> memref<1x80x128xf32, #tpu.memory_space<hbm>>
      %dma_wait3A_115 = tpu.memref_squeeze %dma_wait3A_114 : memref<1x80x128xf32, #tpu.memory_space<hbm>> -> memref<80x128xf32, #tpu.memory_space<hbm>>
      %dma_wait3A_116 = arith.constant 0 : i32
      %dma_wait3A_117 = tpu.memref_slice %arg2[%arg0, %add3A_112, %dma_wait3A_116] : memref<2x160000x128xf32, #tpu.memory_space<hbm>> -> memref<1x80x128xf32, #tpu.memory_space<hbm>>
      %dma_wait3A_118 = tpu.memref_squeeze %dma_wait3A_117 : memref<1x80x128xf32, #tpu.memory_space<hbm>> -> memref<80x128xf32, #tpu.memory_space<hbm>>
      tpu.wait_dma2 semaphore(%arg11 : memref<!tpu.dma_semaphore, #tpu.memory_space<semaphore_mem>>) src(%dma_wait3A_118 : memref<80x128xf32, #tpu.memory_space<hbm>>) dst(%arg8 : memref<80x128xf32, #tpu.memory_space<vmem>>)
      %dma_start3A_119 = arith.constant 0 : i32
      %dma_start3A_120 = tpu.memref_slice %arg6[%add3A_89, %dma_start3A_119] : memref<125x80xi32, #tpu.memory_space<vmem>> -> memref<1x80xi32, #tpu.memory_space<vmem>>
      %dma_start3A_121 = tpu.memref_squeeze %dma_start3A_120 : memref<1x80xi32, #tpu.memory_space<vmem>> -> memref<80xi32, #tpu.memory_space<vmem>>
      %dma_start3A_122 = arith.constant 0 : i32
      %dma_start3A_123 = arith.constant 0 : i32
      %dma_start3A_124 = tpu.memref_slice %arg9[%dma_start3A_122, %dma_start3A_123] : memref<10240x128xf32, #tpu.memory_space<vmem_shared>> -> memref<10240x128xf32, #tpu.memory_space<vmem_shared>>
      tpu.enqueue_indirect_dma source(%arg8 : memref<80x128xf32, #tpu.memory_space<vmem>>) target(%dma_start3A_124 : memref<10240x128xf32, #tpu.memory_space<vmem_shared>>) offsets(%dma_start3A_121 : memref<80xi32, #tpu.memory_space<vmem>>) semaphore(%arg13 : memref<!tpu.dma_semaphore, #tpu.memory_space<semaphore_mem>>) {add = true}
    }
    %scan3A_13 = arith.constant 62 : i32
    %dma_wait3A = arith.constant 123 : i32
    %dma_wait3A_14 = arith.constant 0 : i32
    %dma_wait3A_15 = tpu.memref_slice %arg6[%dma_wait3A, %dma_wait3A_14] : memref<125x80xi32, #tpu.memory_space<vmem>> -> memref<1x80xi32, #tpu.memory_space<vmem>>
    %dma_wait3A_16 = tpu.memref_squeeze %dma_wait3A_15 : memref<1x80xi32, #tpu.memory_space<vmem>> -> memref<80xi32, #tpu.memory_space<vmem>>
    %dma_wait3A_17 = arith.constant 0 : i32
    %dma_wait3A_18 = arith.constant 0 : i32
    %dma_wait3A_19 = tpu.memref_slice %arg9[%dma_wait3A_17, %dma_wait3A_18] : memref<10240x128xf32, #tpu.memory_space<vmem_shared>> -> memref<10240x128xf32, #tpu.memory_space<vmem_shared>>
    tpu.wait_indirect_dma semaphore(%arg13 : memref<!tpu.dma_semaphore, #tpu.memory_space<semaphore_mem>>) src(%arg8 : memref<80x128xf32, #tpu.memory_space<vmem>>) dst(%dma_wait3A_19 : memref<10240x128xf32, #tpu.memory_space<vmem_shared>>)
    %mul3A_20 = arith.constant 10000 : i32
    %mul3A_21 = arith.muli %arg1, %mul3A_20 : i32
    %add3A_22 = arith.constant 9920 : i32
    %add3A_23 = arith.addi %mul3A_21, %add3A_22 : i32
    %dma_wait3A_24 = arith.constant 0 : i32
    %dma_wait3A_25 = tpu.memref_slice %arg2[%arg0, %add3A_23, %dma_wait3A_24] : memref<2x160000x128xf32, #tpu.memory_space<hbm>> -> memref<1x80x128xf32, #tpu.memory_space<hbm>>
    %dma_wait3A_26 = tpu.memref_squeeze %dma_wait3A_25 : memref<1x80x128xf32, #tpu.memory_space<hbm>> -> memref<80x128xf32, #tpu.memory_space<hbm>>
    %dma_wait3A_27 = arith.constant 0 : i32
    %dma_wait3A_28 = tpu.memref_slice %arg2[%arg0, %add3A_23, %dma_wait3A_27] : memref<2x160000x128xf32, #tpu.memory_space<hbm>> -> memref<1x80x128xf32, #tpu.memory_space<hbm>>
    %dma_wait3A_29 = tpu.memref_squeeze %dma_wait3A_28 : memref<1x80x128xf32, #tpu.memory_space<hbm>> -> memref<80x128xf32, #tpu.memory_space<hbm>>
    tpu.wait_dma2 semaphore(%arg10 : memref<!tpu.dma_semaphore, #tpu.memory_space<semaphore_mem>>) src(%dma_wait3A_29 : memref<80x128xf32, #tpu.memory_space<hbm>>) dst(%arg7 : memref<80x128xf32, #tpu.memory_space<vmem>>)
    %dma_start3A_30 = arith.constant 124 : i32
    %dma_start3A_31 = arith.constant 0 : i32
    %dma_start3A_32 = tpu.memref_slice %arg6[%dma_start3A_30, %dma_start3A_31] : memref<125x80xi32, #tpu.memory_space<vmem>> -> memref<1x80xi32, #tpu.memory_space<vmem>>
    %dma_start3A_33 = tpu.memref_squeeze %dma_start3A_32 : memref<1x80xi32, #tpu.memory_space<vmem>> -> memref<80xi32, #tpu.memory_space<vmem>>
    %dma_start3A_34 = arith.constant 0 : i32
    %dma_start3A_35 = arith.constant 0 : i32
    %dma_start3A_36 = tpu.memref_slice %arg9[%dma_start3A_34, %dma_start3A_35] : memref<10240x128xf32, #tpu.memory_space<vmem_shared>> -> memref<10240x128xf32, #tpu.memory_space<vmem_shared>>
    tpu.enqueue_indirect_dma source(%arg7 : memref<80x128xf32, #tpu.memory_space<vmem>>) target(%dma_start3A_36 : memref<10240x128xf32, #tpu.memory_space<vmem_shared>>) offsets(%dma_start3A_33 : memref<80xi32, #tpu.memory_space<vmem>>) semaphore(%arg12 : memref<!tpu.dma_semaphore, #tpu.memory_space<semaphore_mem>>) {add = true}
    %dma_wait3A_37 = arith.constant 124 : i32
    %dma_wait3A_38 = arith.constant 0 : i32
    %dma_wait3A_39 = tpu.memref_slice %arg6[%dma_wait3A_37, %dma_wait3A_38] : memref<125x80xi32, #tpu.memory_space<vmem>> -> memref<1x80xi32, #tpu.memory_space<vmem>>
    %dma_wait3A_40 = tpu.memref_squeeze %dma_wait3A_39 : memref<1x80xi32, #tpu.memory_space<vmem>> -> memref<80xi32, #tpu.memory_space<vmem>>
    %dma_wait3A_41 = arith.constant 0 : i32
    %dma_wait3A_42 = arith.constant 0 : i32
    %dma_wait3A_43 = tpu.memref_slice %arg9[%dma_wait3A_41, %dma_wait3A_42] : memref<10240x128xf32, #tpu.memory_space<vmem_shared>> -> memref<10240x128xf32, #tpu.memory_space<vmem_shared>>
    tpu.wait_indirect_dma semaphore(%arg12 : memref<!tpu.dma_semaphore, #tpu.memory_space<semaphore_mem>>) src(%arg7 : memref<80x128xf32, #tpu.memory_space<vmem>>) dst(%dma_wait3A_43 : memref<10240x128xf32, #tpu.memory_space<vmem_shared>>)
    %barrier3A_44 = arith.constant 0 : index
    tpu.barrier barrier_id(%barrier3A_44)
    %mul3A_45 = arith.constant 640 : i32
    %mul3A_46 = arith.muli %arg1, %mul3A_45 : i32
    %mul3A_47 = arith.constant 640 : i32
    %mul3A_48 = arith.muli %arg1, %mul3A_47 : i32
    "tpu.region"() ({
      %run_scoped3A = tpu.sem_alloc : memref<!tpu.dma_semaphore, #tpu.memory_space<semaphore_mem>>
      %dma_start3A_49 = arith.constant 0 : i32
      %dma_start3A_50 = tpu.memref_slice %arg5[%arg0, %mul3A_48, %dma_start3A_49] : memref<2x10240x128xf32, #tpu.memory_space<hbm>> -> memref<1x640x128xf32, #tpu.memory_space<hbm>>
      %dma_start3A_51 = tpu.memref_squeeze %dma_start3A_50 : memref<1x640x128xf32, #tpu.memory_space<hbm>> -> memref<640x128xf32, #tpu.memory_space<hbm>>
      %dma_start3A_52 = arith.constant 0 : i32
      %dma_start3A_53 = tpu.memref_slice %arg9[%mul3A_46, %dma_start3A_52] : memref<10240x128xf32, #tpu.memory_space<vmem_shared>> -> memref<640x128xf32, #tpu.memory_space<vmem_shared>>
      tpu.enqueue_dma source(%dma_start3A_53 : memref<640x128xf32, #tpu.memory_space<vmem_shared>>) target(%dma_start3A_51 : memref<640x128xf32, #tpu.memory_space<hbm>>) target_semaphore(%run_scoped3A : memref<!tpu.dma_semaphore, #tpu.memory_space<semaphore_mem>>)
      %dma_wait3A_54 = arith.constant 0 : i32
      %dma_wait3A_55 = tpu.memref_slice %arg5[%arg0, %mul3A_48, %dma_wait3A_54] : memref<2x10240x128xf32, #tpu.memory_space<hbm>> -> memref<1x640x128xf32, #tpu.memory_space<hbm>>
      %dma_wait3A_56 = tpu.memref_squeeze %dma_wait3A_55 : memref<1x640x128xf32, #tpu.memory_space<hbm>> -> memref<640x128xf32, #tpu.memory_space<hbm>>
      %dma_wait3A_57 = arith.constant 0 : i32
      %dma_wait3A_58 = tpu.memref_slice %arg9[%mul3A_46, %dma_wait3A_57] : memref<10240x128xf32, #tpu.memory_space<vmem_shared>> -> memref<640x128xf32, #tpu.memory_space<vmem_shared>>
      tpu.wait_dma2 semaphore(%run_scoped3A : memref<!tpu.dma_semaphore, #tpu.memory_space<semaphore_mem>>) src(%dma_wait3A_58 : memref<640x128xf32, #tpu.memory_space<vmem_shared>>) dst(%dma_wait3A_56 : memref<640x128xf32, #tpu.memory_space<hbm>>)
      tpu.yield
    }) : () -> ()
    return
  }
}

#map = affine_map<(d0, d1) -> (0, 0)>
#map1 = affine_map<(d0, d1) -> (0, 0, 0)>
#map2 = affine_map<(d0, d1) -> (0, 0, 0, 0)>
module attributes {stable_mosaic.version = 14 : i64} {
  func.func @sc_gather(%arg0: i32, %arg1: i32, %arg2: memref<10000x128xi32, #tpu.memory_space<hbm>>, %arg3: memref<10000x128xi32, #tpu.memory_space<hbm>>, %arg4: memref<32x25x40xi32, #tpu.memory_space<hbm>>, %arg5: memref<32x25x40xi32, #tpu.memory_space<hbm>>, %arg6: memref<32x25x40x128xi32, #tpu.memory_space<hbm>>, %arg7: memref<32x25x40x128xi32, #tpu.memory_space<hbm>>, %arg8: memref<25x40xi32, #tpu.memory_space<vmem>>, %arg9: memref<25x40xi32, #tpu.memory_space<vmem>>, %arg10: memref<40x128xi32, #tpu.memory_space<vmem>>, %arg11: memref<40x128xi32, #tpu.memory_space<vmem>>, %arg12: memref<40x128xi32, #tpu.memory_space<vmem>>, %arg13: memref<40x128xi32, #tpu.memory_space<vmem>>, %arg14: memref<!tpu.dma_semaphore, #tpu.memory_space<semaphore_mem>>, %arg15: memref<!tpu.dma_semaphore, #tpu.memory_space<semaphore_mem>>, %arg16: memref<!tpu.dma_semaphore, #tpu.memory_space<semaphore_mem>>, %arg17: memref<!tpu.dma_semaphore, #tpu.memory_space<semaphore_mem>>, %arg18: memref<!tpu.dma_semaphore, #tpu.memory_space<semaphore_mem>>, %arg19: memref<!tpu.dma_semaphore, #tpu.memory_space<semaphore_mem>>, %arg20: memref<!tpu.dma_semaphore, #tpu.memory_space<semaphore_mem>>, %arg21: memref<!tpu.dma_semaphore, #tpu.memory_space<semaphore_mem>>) attributes {dimension_semantics = [#tpu.dimension_semantics<core_parallel>, #tpu.dimension_semantics<subcore_parallel>], iteration_bounds = array<i64: 2, 16>, scalar_prefetch = 0 : i64, scratch_operands = 14 : i64, tpu.core_type = #tpu.core_type<sc_vector_subcore>, window_params = [{transform_indices = #map}, {transform_indices = #map}, {transform_indices = #map1}, {transform_indices = #map1}, {transform_indices = #map2}, {transform_indices = #map2}]} {
    %mul3A = arith.constant 2 : i32
    %mul3A_0 = arith.muli %arg1, %mul3A : i32
    %add3A = arith.addi %mul3A_0, %arg0 : i32
    "tpu.region"() ({
      %run_scoped3A = tpu.sem_alloc : memref<!tpu.dma_semaphore, #tpu.memory_space<semaphore_mem>>
      %dma_start3A_86 = arith.constant 0 : i32
      %dma_start3A_87 = arith.constant 0 : i32
      %dma_start3A_88 = tpu.memref_slice %arg4[%add3A, %dma_start3A_86, %dma_start3A_87] : memref<32x25x40xi32, #tpu.memory_space<hbm>> -> memref<1x25x40xi32, #tpu.memory_space<hbm>>
      %dma_start3A_89 = tpu.memref_squeeze %dma_start3A_88 : memref<1x25x40xi32, #tpu.memory_space<hbm>> -> memref<25x40xi32, #tpu.memory_space<hbm>>
      %dma_start3A_90 = arith.constant 0 : i32
      %dma_start3A_91 = arith.constant 0 : i32
      %dma_start3A_92 = tpu.memref_slice %arg4[%add3A, %dma_start3A_90, %dma_start3A_91] : memref<32x25x40xi32, #tpu.memory_space<hbm>> -> memref<1x25x40xi32, #tpu.memory_space<hbm>>
      %dma_start3A_93 = tpu.memref_squeeze %dma_start3A_92 : memref<1x25x40xi32, #tpu.memory_space<hbm>> -> memref<25x40xi32, #tpu.memory_space<hbm>>
      tpu.enqueue_dma source(%dma_start3A_93 : memref<25x40xi32, #tpu.memory_space<hbm>>) target(%arg8 : memref<25x40xi32, #tpu.memory_space<vmem>>) target_semaphore(%run_scoped3A : memref<!tpu.dma_semaphore, #tpu.memory_space<semaphore_mem>>)
      %dma_wait3A_94 = arith.constant 0 : i32
      %dma_wait3A_95 = arith.constant 0 : i32
      %dma_wait3A_96 = tpu.memref_slice %arg4[%add3A, %dma_wait3A_94, %dma_wait3A_95] : memref<32x25x40xi32, #tpu.memory_space<hbm>> -> memref<1x25x40xi32, #tpu.memory_space<hbm>>
      %dma_wait3A_97 = tpu.memref_squeeze %dma_wait3A_96 : memref<1x25x40xi32, #tpu.memory_space<hbm>> -> memref<25x40xi32, #tpu.memory_space<hbm>>
      %dma_wait3A_98 = arith.constant 0 : i32
      %dma_wait3A_99 = arith.constant 0 : i32
      %dma_wait3A_100 = tpu.memref_slice %arg4[%add3A, %dma_wait3A_98, %dma_wait3A_99] : memref<32x25x40xi32, #tpu.memory_space<hbm>> -> memref<1x25x40xi32, #tpu.memory_space<hbm>>
      %dma_wait3A_101 = tpu.memref_squeeze %dma_wait3A_100 : memref<1x25x40xi32, #tpu.memory_space<hbm>> -> memref<25x40xi32, #tpu.memory_space<hbm>>
      tpu.wait_dma2 semaphore(%run_scoped3A : memref<!tpu.dma_semaphore, #tpu.memory_space<semaphore_mem>>) src(%dma_wait3A_101 : memref<25x40xi32, #tpu.memory_space<hbm>>) dst(%arg8 : memref<25x40xi32, #tpu.memory_space<vmem>>)
      tpu.yield
    }) : () -> ()
    "tpu.region"() ({
      %run_scoped3A = tpu.sem_alloc : memref<!tpu.dma_semaphore, #tpu.memory_space<semaphore_mem>>
      %dma_start3A_86 = arith.constant 0 : i32
      %dma_start3A_87 = arith.constant 0 : i32
      %dma_start3A_88 = tpu.memref_slice %arg5[%add3A, %dma_start3A_86, %dma_start3A_87] : memref<32x25x40xi32, #tpu.memory_space<hbm>> -> memref<1x25x40xi32, #tpu.memory_space<hbm>>
      %dma_start3A_89 = tpu.memref_squeeze %dma_start3A_88 : memref<1x25x40xi32, #tpu.memory_space<hbm>> -> memref<25x40xi32, #tpu.memory_space<hbm>>
      %dma_start3A_90 = arith.constant 0 : i32
      %dma_start3A_91 = arith.constant 0 : i32
      %dma_start3A_92 = tpu.memref_slice %arg5[%add3A, %dma_start3A_90, %dma_start3A_91] : memref<32x25x40xi32, #tpu.memory_space<hbm>> -> memref<1x25x40xi32, #tpu.memory_space<hbm>>
      %dma_start3A_93 = tpu.memref_squeeze %dma_start3A_92 : memref<1x25x40xi32, #tpu.memory_space<hbm>> -> memref<25x40xi32, #tpu.memory_space<hbm>>
      tpu.enqueue_dma source(%dma_start3A_93 : memref<25x40xi32, #tpu.memory_space<hbm>>) target(%arg9 : memref<25x40xi32, #tpu.memory_space<vmem>>) target_semaphore(%run_scoped3A : memref<!tpu.dma_semaphore, #tpu.memory_space<semaphore_mem>>)
      %dma_wait3A_94 = arith.constant 0 : i32
      %dma_wait3A_95 = arith.constant 0 : i32
      %dma_wait3A_96 = tpu.memref_slice %arg5[%add3A, %dma_wait3A_94, %dma_wait3A_95] : memref<32x25x40xi32, #tpu.memory_space<hbm>> -> memref<1x25x40xi32, #tpu.memory_space<hbm>>
      %dma_wait3A_97 = tpu.memref_squeeze %dma_wait3A_96 : memref<1x25x40xi32, #tpu.memory_space<hbm>> -> memref<25x40xi32, #tpu.memory_space<hbm>>
      %dma_wait3A_98 = arith.constant 0 : i32
      %dma_wait3A_99 = arith.constant 0 : i32
      %dma_wait3A_100 = tpu.memref_slice %arg5[%add3A, %dma_wait3A_98, %dma_wait3A_99] : memref<32x25x40xi32, #tpu.memory_space<hbm>> -> memref<1x25x40xi32, #tpu.memory_space<hbm>>
      %dma_wait3A_101 = tpu.memref_squeeze %dma_wait3A_100 : memref<1x25x40xi32, #tpu.memory_space<hbm>> -> memref<25x40xi32, #tpu.memory_space<hbm>>
      tpu.wait_dma2 semaphore(%run_scoped3A : memref<!tpu.dma_semaphore, #tpu.memory_space<semaphore_mem>>) src(%dma_wait3A_101 : memref<25x40xi32, #tpu.memory_space<hbm>>) dst(%arg9 : memref<25x40xi32, #tpu.memory_space<vmem>>)
      tpu.yield
    }) : () -> ()
    %dma_start3A = arith.constant 0 : i32
    %dma_start3A_1 = arith.constant 0 : i32
    %dma_start3A_2 = tpu.memref_slice %arg8[%dma_start3A, %dma_start3A_1] : memref<25x40xi32, #tpu.memory_space<vmem>> -> memref<1x40xi32, #tpu.memory_space<vmem>>
    %dma_start3A_3 = tpu.memref_squeeze %dma_start3A_2 : memref<1x40xi32, #tpu.memory_space<vmem>> -> memref<40xi32, #tpu.memory_space<vmem>>
    %dma_start3A_4 = arith.constant 0 : i32
    %dma_start3A_5 = arith.constant 0 : i32
    %dma_start3A_6 = tpu.memref_slice %arg2[%dma_start3A_4, %dma_start3A_5] : memref<10000x128xi32, #tpu.memory_space<hbm>> -> memref<10000x128xi32, #tpu.memory_space<hbm>>
    tpu.enqueue_indirect_dma source(%dma_start3A_6 : memref<10000x128xi32, #tpu.memory_space<hbm>>) target(%arg10 : memref<40x128xi32, #tpu.memory_space<vmem>>) offsets(%dma_start3A_3 : memref<40xi32, #tpu.memory_space<vmem>>) semaphore(%arg14 : memref<!tpu.dma_semaphore, #tpu.memory_space<semaphore_mem>>)
    %dma_start3A_7 = arith.constant 0 : i32
    %dma_start3A_8 = arith.constant 0 : i32
    %dma_start3A_9 = tpu.memref_slice %arg9[%dma_start3A_7, %dma_start3A_8] : memref<25x40xi32, #tpu.memory_space<vmem>> -> memref<1x40xi32, #tpu.memory_space<vmem>>
    %dma_start3A_10 = tpu.memref_squeeze %dma_start3A_9 : memref<1x40xi32, #tpu.memory_space<vmem>> -> memref<40xi32, #tpu.memory_space<vmem>>
    %dma_start3A_11 = arith.constant 0 : i32
    %dma_start3A_12 = arith.constant 0 : i32
    %dma_start3A_13 = tpu.memref_slice %arg3[%dma_start3A_11, %dma_start3A_12] : memref<10000x128xi32, #tpu.memory_space<hbm>> -> memref<10000x128xi32, #tpu.memory_space<hbm>>
    tpu.enqueue_indirect_dma source(%dma_start3A_13 : memref<10000x128xi32, #tpu.memory_space<hbm>>) target(%arg12 : memref<40x128xi32, #tpu.memory_space<vmem>>) offsets(%dma_start3A_10 : memref<40xi32, #tpu.memory_space<vmem>>) semaphore(%arg16 : memref<!tpu.dma_semaphore, #tpu.memory_space<semaphore_mem>>)
    %scan3A = arith.constant 0 : i32
    %scan3A_14 = arith.constant 0 : i32
    %scan3A_15 = arith.constant 12 : i32
    %scan3A_16 = arith.addi %scan3A_14, %scan3A_15 : i32
    %scan3A_17 = arith.constant 1 : i32
    scf.for %scan3A_86 = %scan3A_14 to %scan3A_16 step %scan3A_17  : i32 {
      %mul3A_87 = arith.constant 2 : i32
      %mul3A_88 = arith.muli %mul3A_87, %scan3A_86 : i32
      %add3A_89 = arith.constant 0 : i32
      %add3A_90 = arith.addi %mul3A_88, %add3A_89 : i32
      %gt3A = arith.constant 0 : i32
      %gt3A_91 = arith.cmpi sgt, %add3A_90, %gt3A : i32
      %convert_element_type3A = arith.extui %gt3A_91 : i1 to i32
      %cond3A = arith.constant 0 : i32
      %cond3A_92 = arith.cmpi ne, %convert_element_type3A, %cond3A : i32
      scf.if %cond3A_92 {
        %sub3A = arith.constant 1 : i32
        %sub3A_186 = arith.subi %add3A_90, %sub3A : i32
        %dma_wait3A_187 = arith.constant 0 : i32
        %dma_wait3A_188 = arith.constant 0 : i32
        %dma_wait3A_189 = tpu.memref_slice %arg6[%add3A, %sub3A_186, %dma_wait3A_187, %dma_wait3A_188] : memref<32x25x40x128xi32, #tpu.memory_space<hbm>> -> memref<1x1x40x128xi32, #tpu.memory_space<hbm>>
        %dma_wait3A_190 = tpu.memref_squeeze %dma_wait3A_189 : memref<1x1x40x128xi32, #tpu.memory_space<hbm>> -> memref<40x128xi32, #tpu.memory_space<hbm>>
        %dma_wait3A_191 = arith.constant 0 : i32
        %dma_wait3A_192 = arith.constant 0 : i32
        %dma_wait3A_193 = tpu.memref_slice %arg6[%add3A, %sub3A_186, %dma_wait3A_191, %dma_wait3A_192] : memref<32x25x40x128xi32, #tpu.memory_space<hbm>> -> memref<1x1x40x128xi32, #tpu.memory_space<hbm>>
        %dma_wait3A_194 = tpu.memref_squeeze %dma_wait3A_193 : memref<1x1x40x128xi32, #tpu.memory_space<hbm>> -> memref<40x128xi32, #tpu.memory_space<hbm>>
        tpu.wait_dma2 semaphore(%arg19 : memref<!tpu.dma_semaphore, #tpu.memory_space<semaphore_mem>>) src(%arg11 : memref<40x128xi32, #tpu.memory_space<vmem>>) dst(%dma_wait3A_194 : memref<40x128xi32, #tpu.memory_space<hbm>>)
        %dma_wait3A_195 = arith.constant 0 : i32
        %dma_wait3A_196 = arith.constant 0 : i32
        %dma_wait3A_197 = tpu.memref_slice %arg7[%add3A, %sub3A_186, %dma_wait3A_195, %dma_wait3A_196] : memref<32x25x40x128xi32, #tpu.memory_space<hbm>> -> memref<1x1x40x128xi32, #tpu.memory_space<hbm>>
        %dma_wait3A_198 = tpu.memref_squeeze %dma_wait3A_197 : memref<1x1x40x128xi32, #tpu.memory_space<hbm>> -> memref<40x128xi32, #tpu.memory_space<hbm>>
        %dma_wait3A_199 = arith.constant 0 : i32
        %dma_wait3A_200 = arith.constant 0 : i32
        %dma_wait3A_201 = tpu.memref_slice %arg7[%add3A, %sub3A_186, %dma_wait3A_199, %dma_wait3A_200] : memref<32x25x40x128xi32, #tpu.memory_space<hbm>> -> memref<1x1x40x128xi32, #tpu.memory_space<hbm>>
        %dma_wait3A_202 = tpu.memref_squeeze %dma_wait3A_201 : memref<1x1x40x128xi32, #tpu.memory_space<hbm>> -> memref<40x128xi32, #tpu.memory_space<hbm>>
        tpu.wait_dma2 semaphore(%arg21 : memref<!tpu.dma_semaphore, #tpu.memory_space<semaphore_mem>>) src(%arg13 : memref<40x128xi32, #tpu.memory_space<vmem>>) dst(%dma_wait3A_202 : memref<40x128xi32, #tpu.memory_space<hbm>>)
      } else {
      }
      %add3A_93 = arith.constant 1 : i32
      %add3A_94 = arith.addi %add3A_90, %add3A_93 : i32
      %dma_start3A_95 = arith.constant 0 : i32
      %dma_start3A_96 = tpu.memref_slice %arg8[%add3A_94, %dma_start3A_95] : memref<25x40xi32, #tpu.memory_space<vmem>> -> memref<1x40xi32, #tpu.memory_space<vmem>>
      %dma_start3A_97 = tpu.memref_squeeze %dma_start3A_96 : memref<1x40xi32, #tpu.memory_space<vmem>> -> memref<40xi32, #tpu.memory_space<vmem>>
      %dma_start3A_98 = arith.constant 0 : i32
      %dma_start3A_99 = arith.constant 0 : i32
      %dma_start3A_100 = tpu.memref_slice %arg2[%dma_start3A_98, %dma_start3A_99] : memref<10000x128xi32, #tpu.memory_space<hbm>> -> memref<10000x128xi32, #tpu.memory_space<hbm>>
      tpu.enqueue_indirect_dma source(%dma_start3A_100 : memref<10000x128xi32, #tpu.memory_space<hbm>>) target(%arg11 : memref<40x128xi32, #tpu.memory_space<vmem>>) offsets(%dma_start3A_97 : memref<40xi32, #tpu.memory_space<vmem>>) semaphore(%arg15 : memref<!tpu.dma_semaphore, #tpu.memory_space<semaphore_mem>>)
      %dma_start3A_101 = arith.constant 0 : i32
      %dma_start3A_102 = tpu.memref_slice %arg9[%add3A_94, %dma_start3A_101] : memref<25x40xi32, #tpu.memory_space<vmem>> -> memref<1x40xi32, #tpu.memory_space<vmem>>
      %dma_start3A_103 = tpu.memref_squeeze %dma_start3A_102 : memref<1x40xi32, #tpu.memory_space<vmem>> -> memref<40xi32, #tpu.memory_space<vmem>>
      %dma_start3A_104 = arith.constant 0 : i32
      %dma_start3A_105 = arith.constant 0 : i32
      %dma_start3A_106 = tpu.memref_slice %arg3[%dma_start3A_104, %dma_start3A_105] : memref<10000x128xi32, #tpu.memory_space<hbm>> -> memref<10000x128xi32, #tpu.memory_space<hbm>>
      tpu.enqueue_indirect_dma source(%dma_start3A_106 : memref<10000x128xi32, #tpu.memory_space<hbm>>) target(%arg13 : memref<40x128xi32, #tpu.memory_space<vmem>>) offsets(%dma_start3A_103 : memref<40xi32, #tpu.memory_space<vmem>>) semaphore(%arg17 : memref<!tpu.dma_semaphore, #tpu.memory_space<semaphore_mem>>)
      %dma_wait3A_107 = arith.constant 0 : i32
      %dma_wait3A_108 = tpu.memref_slice %arg8[%add3A_90, %dma_wait3A_107] : memref<25x40xi32, #tpu.memory_space<vmem>> -> memref<1x40xi32, #tpu.memory_space<vmem>>
      %dma_wait3A_109 = tpu.memref_squeeze %dma_wait3A_108 : memref<1x40xi32, #tpu.memory_space<vmem>> -> memref<40xi32, #tpu.memory_space<vmem>>
      %dma_wait3A_110 = arith.constant 0 : i32
      %dma_wait3A_111 = arith.constant 0 : i32
      %dma_wait3A_112 = tpu.memref_slice %arg2[%dma_wait3A_110, %dma_wait3A_111] : memref<10000x128xi32, #tpu.memory_space<hbm>> -> memref<10000x128xi32, #tpu.memory_space<hbm>>
      tpu.wait_indirect_dma semaphore(%arg14 : memref<!tpu.dma_semaphore, #tpu.memory_space<semaphore_mem>>) src(%dma_wait3A_112 : memref<10000x128xi32, #tpu.memory_space<hbm>>) dst(%arg10 : memref<40x128xi32, #tpu.memory_space<vmem>>)
      %dma_wait3A_113 = arith.constant 0 : i32
      %dma_wait3A_114 = tpu.memref_slice %arg9[%add3A_90, %dma_wait3A_113] : memref<25x40xi32, #tpu.memory_space<vmem>> -> memref<1x40xi32, #tpu.memory_space<vmem>>
      %dma_wait3A_115 = tpu.memref_squeeze %dma_wait3A_114 : memref<1x40xi32, #tpu.memory_space<vmem>> -> memref<40xi32, #tpu.memory_space<vmem>>
      %dma_wait3A_116 = arith.constant 0 : i32
      %dma_wait3A_117 = arith.constant 0 : i32
      %dma_wait3A_118 = tpu.memref_slice %arg3[%dma_wait3A_116, %dma_wait3A_117] : memref<10000x128xi32, #tpu.memory_space<hbm>> -> memref<10000x128xi32, #tpu.memory_space<hbm>>
      tpu.wait_indirect_dma semaphore(%arg16 : memref<!tpu.dma_semaphore, #tpu.memory_space<semaphore_mem>>) src(%dma_wait3A_118 : memref<10000x128xi32, #tpu.memory_space<hbm>>) dst(%arg12 : memref<40x128xi32, #tpu.memory_space<vmem>>)
      %dma_start3A_119 = arith.constant 0 : i32
      %dma_start3A_120 = arith.constant 0 : i32
      %dma_start3A_121 = tpu.memref_slice %arg6[%add3A, %add3A_90, %dma_start3A_119, %dma_start3A_120] : memref<32x25x40x128xi32, #tpu.memory_space<hbm>> -> memref<1x1x40x128xi32, #tpu.memory_space<hbm>>
      %dma_start3A_122 = tpu.memref_squeeze %dma_start3A_121 : memref<1x1x40x128xi32, #tpu.memory_space<hbm>> -> memref<40x128xi32, #tpu.memory_space<hbm>>
      %dma_start3A_123 = arith.constant 0 : i32
      %dma_start3A_124 = arith.constant 0 : i32
      %dma_start3A_125 = tpu.memref_slice %arg6[%add3A, %add3A_90, %dma_start3A_123, %dma_start3A_124] : memref<32x25x40x128xi32, #tpu.memory_space<hbm>> -> memref<1x1x40x128xi32, #tpu.memory_space<hbm>>
      %dma_start3A_126 = tpu.memref_squeeze %dma_start3A_125 : memref<1x1x40x128xi32, #tpu.memory_space<hbm>> -> memref<40x128xi32, #tpu.memory_space<hbm>>
      tpu.enqueue_dma source(%arg10 : memref<40x128xi32, #tpu.memory_space<vmem>>) target(%dma_start3A_126 : memref<40x128xi32, #tpu.memory_space<hbm>>) target_semaphore(%arg18 : memref<!tpu.dma_semaphore, #tpu.memory_space<semaphore_mem>>)
      %dma_start3A_127 = arith.constant 0 : i32
      %dma_start3A_128 = arith.constant 0 : i32
      %dma_start3A_129 = tpu.memref_slice %arg7[%add3A, %add3A_90, %dma_start3A_127, %dma_start3A_128] : memref<32x25x40x128xi32, #tpu.memory_space<hbm>> -> memref<1x1x40x128xi32, #tpu.memory_space<hbm>>
      %dma_start3A_130 = tpu.memref_squeeze %dma_start3A_129 : memref<1x1x40x128xi32, #tpu.memory_space<hbm>> -> memref<40x128xi32, #tpu.memory_space<hbm>>
      %dma_start3A_131 = arith.constant 0 : i32
      %dma_start3A_132 = arith.constant 0 : i32
      %dma_start3A_133 = tpu.memref_slice %arg7[%add3A, %add3A_90, %dma_start3A_131, %dma_start3A_132] : memref<32x25x40x128xi32, #tpu.memory_space<hbm>> -> memref<1x1x40x128xi32, #tpu.memory_space<hbm>>
      %dma_start3A_134 = tpu.memref_squeeze %dma_start3A_133 : memref<1x1x40x128xi32, #tpu.memory_space<hbm>> -> memref<40x128xi32, #tpu.memory_space<hbm>>
      tpu.enqueue_dma source(%arg12 : memref<40x128xi32, #tpu.memory_space<vmem>>) target(%dma_start3A_134 : memref<40x128xi32, #tpu.memory_space<hbm>>) target_semaphore(%arg20 : memref<!tpu.dma_semaphore, #tpu.memory_space<semaphore_mem>>)
      %mul3A_135 = arith.constant 2 : i32
      %mul3A_136 = arith.muli %mul3A_135, %scan3A_86 : i32
      %add3A_137 = arith.constant 1 : i32
      %add3A_138 = arith.addi %mul3A_136, %add3A_137 : i32
      %gt3A_139 = arith.constant 0 : i32
      %gt3A_140 = arith.cmpi sgt, %add3A_138, %gt3A_139 : i32
      %convert_element_type3A_141 = arith.extui %gt3A_140 : i1 to i32
      %cond3A_142 = arith.constant 0 : i32
      %cond3A_143 = arith.cmpi ne, %convert_element_type3A_141, %cond3A_142 : i32
      scf.if %cond3A_143 {
        %sub3A = arith.constant 1 : i32
        %sub3A_186 = arith.subi %add3A_138, %sub3A : i32
        %dma_wait3A_187 = arith.constant 0 : i32
        %dma_wait3A_188 = arith.constant 0 : i32
        %dma_wait3A_189 = tpu.memref_slice %arg6[%add3A, %sub3A_186, %dma_wait3A_187, %dma_wait3A_188] : memref<32x25x40x128xi32, #tpu.memory_space<hbm>> -> memref<1x1x40x128xi32, #tpu.memory_space<hbm>>
        %dma_wait3A_190 = tpu.memref_squeeze %dma_wait3A_189 : memref<1x1x40x128xi32, #tpu.memory_space<hbm>> -> memref<40x128xi32, #tpu.memory_space<hbm>>
        %dma_wait3A_191 = arith.constant 0 : i32
        %dma_wait3A_192 = arith.constant 0 : i32
        %dma_wait3A_193 = tpu.memref_slice %arg6[%add3A, %sub3A_186, %dma_wait3A_191, %dma_wait3A_192] : memref<32x25x40x128xi32, #tpu.memory_space<hbm>> -> memref<1x1x40x128xi32, #tpu.memory_space<hbm>>
        %dma_wait3A_194 = tpu.memref_squeeze %dma_wait3A_193 : memref<1x1x40x128xi32, #tpu.memory_space<hbm>> -> memref<40x128xi32, #tpu.memory_space<hbm>>
        tpu.wait_dma2 semaphore(%arg18 : memref<!tpu.dma_semaphore, #tpu.memory_space<semaphore_mem>>) src(%arg10 : memref<40x128xi32, #tpu.memory_space<vmem>>) dst(%dma_wait3A_194 : memref<40x128xi32, #tpu.memory_space<hbm>>)
        %dma_wait3A_195 = arith.constant 0 : i32
        %dma_wait3A_196 = arith.constant 0 : i32
        %dma_wait3A_197 = tpu.memref_slice %arg7[%add3A, %sub3A_186, %dma_wait3A_195, %dma_wait3A_196] : memref<32x25x40x128xi32, #tpu.memory_space<hbm>> -> memref<1x1x40x128xi32, #tpu.memory_space<hbm>>
        %dma_wait3A_198 = tpu.memref_squeeze %dma_wait3A_197 : memref<1x1x40x128xi32, #tpu.memory_space<hbm>> -> memref<40x128xi32, #tpu.memory_space<hbm>>
        %dma_wait3A_199 = arith.constant 0 : i32
        %dma_wait3A_200 = arith.constant 0 : i32
        %dma_wait3A_201 = tpu.memref_slice %arg7[%add3A, %sub3A_186, %dma_wait3A_199, %dma_wait3A_200] : memref<32x25x40x128xi32, #tpu.memory_space<hbm>> -> memref<1x1x40x128xi32, #tpu.memory_space<hbm>>
        %dma_wait3A_202 = tpu.memref_squeeze %dma_wait3A_201 : memref<1x1x40x128xi32, #tpu.memory_space<hbm>> -> memref<40x128xi32, #tpu.memory_space<hbm>>
        tpu.wait_dma2 semaphore(%arg20 : memref<!tpu.dma_semaphore, #tpu.memory_space<semaphore_mem>>) src(%arg12 : memref<40x128xi32, #tpu.memory_space<vmem>>) dst(%dma_wait3A_202 : memref<40x128xi32, #tpu.memory_space<hbm>>)
      } else {
      }
      %add3A_144 = arith.constant 1 : i32
      %add3A_145 = arith.addi %add3A_138, %add3A_144 : i32
      %dma_start3A_146 = arith.constant 0 : i32
      %dma_start3A_147 = tpu.memref_slice %arg8[%add3A_145, %dma_start3A_146] : memref<25x40xi32, #tpu.memory_space<vmem>> -> memref<1x40xi32, #tpu.memory_space<vmem>>
      %dma_start3A_148 = tpu.memref_squeeze %dma_start3A_147 : memref<1x40xi32, #tpu.memory_space<vmem>> -> memref<40xi32, #tpu.memory_space<vmem>>
      %dma_start3A_149 = arith.constant 0 : i32
      %dma_start3A_150 = arith.constant 0 : i32
      %dma_start3A_151 = tpu.memref_slice %arg2[%dma_start3A_149, %dma_start3A_150] : memref<10000x128xi32, #tpu.memory_space<hbm>> -> memref<10000x128xi32, #tpu.memory_space<hbm>>
      tpu.enqueue_indirect_dma source(%dma_start3A_151 : memref<10000x128xi32, #tpu.memory_space<hbm>>) target(%arg10 : memref<40x128xi32, #tpu.memory_space<vmem>>) offsets(%dma_start3A_148 : memref<40xi32, #tpu.memory_space<vmem>>) semaphore(%arg14 : memref<!tpu.dma_semaphore, #tpu.memory_space<semaphore_mem>>)
      %dma_start3A_152 = arith.constant 0 : i32
      %dma_start3A_153 = tpu.memref_slice %arg9[%add3A_145, %dma_start3A_152] : memref<25x40xi32, #tpu.memory_space<vmem>> -> memref<1x40xi32, #tpu.memory_space<vmem>>
      %dma_start3A_154 = tpu.memref_squeeze %dma_start3A_153 : memref<1x40xi32, #tpu.memory_space<vmem>> -> memref<40xi32, #tpu.memory_space<vmem>>
      %dma_start3A_155 = arith.constant 0 : i32
      %dma_start3A_156 = arith.constant 0 : i32
      %dma_start3A_157 = tpu.memref_slice %arg3[%dma_start3A_155, %dma_start3A_156] : memref<10000x128xi32, #tpu.memory_space<hbm>> -> memref<10000x128xi32, #tpu.memory_space<hbm>>
      tpu.enqueue_indirect_dma source(%dma_start3A_157 : memref<10000x128xi32, #tpu.memory_space<hbm>>) target(%arg12 : memref<40x128xi32, #tpu.memory_space<vmem>>) offsets(%dma_start3A_154 : memref<40xi32, #tpu.memory_space<vmem>>) semaphore(%arg16 : memref<!tpu.dma_semaphore, #tpu.memory_space<semaphore_mem>>)
      %dma_wait3A_158 = arith.constant 0 : i32
      %dma_wait3A_159 = tpu.memref_slice %arg8[%add3A_138, %dma_wait3A_158] : memref<25x40xi32, #tpu.memory_space<vmem>> -> memref<1x40xi32, #tpu.memory_space<vmem>>
      %dma_wait3A_160 = tpu.memref_squeeze %dma_wait3A_159 : memref<1x40xi32, #tpu.memory_space<vmem>> -> memref<40xi32, #tpu.memory_space<vmem>>
      %dma_wait3A_161 = arith.constant 0 : i32
      %dma_wait3A_162 = arith.constant 0 : i32
      %dma_wait3A_163 = tpu.memref_slice %arg2[%dma_wait3A_161, %dma_wait3A_162] : memref<10000x128xi32, #tpu.memory_space<hbm>> -> memref<10000x128xi32, #tpu.memory_space<hbm>>
      tpu.wait_indirect_dma semaphore(%arg15 : memref<!tpu.dma_semaphore, #tpu.memory_space<semaphore_mem>>) src(%dma_wait3A_163 : memref<10000x128xi32, #tpu.memory_space<hbm>>) dst(%arg11 : memref<40x128xi32, #tpu.memory_space<vmem>>)
      %dma_wait3A_164 = arith.constant 0 : i32
      %dma_wait3A_165 = tpu.memref_slice %arg9[%add3A_138, %dma_wait3A_164] : memref<25x40xi32, #tpu.memory_space<vmem>> -> memref<1x40xi32, #tpu.memory_space<vmem>>
      %dma_wait3A_166 = tpu.memref_squeeze %dma_wait3A_165 : memref<1x40xi32, #tpu.memory_space<vmem>> -> memref<40xi32, #tpu.memory_space<vmem>>
      %dma_wait3A_167 = arith.constant 0 : i32
      %dma_wait3A_168 = arith.constant 0 : i32
      %dma_wait3A_169 = tpu.memref_slice %arg3[%dma_wait3A_167, %dma_wait3A_168] : memref<10000x128xi32, #tpu.memory_space<hbm>> -> memref<10000x128xi32, #tpu.memory_space<hbm>>
      tpu.wait_indirect_dma semaphore(%arg17 : memref<!tpu.dma_semaphore, #tpu.memory_space<semaphore_mem>>) src(%dma_wait3A_169 : memref<10000x128xi32, #tpu.memory_space<hbm>>) dst(%arg13 : memref<40x128xi32, #tpu.memory_space<vmem>>)
      %dma_start3A_170 = arith.constant 0 : i32
      %dma_start3A_171 = arith.constant 0 : i32
      %dma_start3A_172 = tpu.memref_slice %arg6[%add3A, %add3A_138, %dma_start3A_170, %dma_start3A_171] : memref<32x25x40x128xi32, #tpu.memory_space<hbm>> -> memref<1x1x40x128xi32, #tpu.memory_space<hbm>>
      %dma_start3A_173 = tpu.memref_squeeze %dma_start3A_172 : memref<1x1x40x128xi32, #tpu.memory_space<hbm>> -> memref<40x128xi32, #tpu.memory_space<hbm>>
      %dma_start3A_174 = arith.constant 0 : i32
      %dma_start3A_175 = arith.constant 0 : i32
      %dma_start3A_176 = tpu.memref_slice %arg6[%add3A, %add3A_138, %dma_start3A_174, %dma_start3A_175] : memref<32x25x40x128xi32, #tpu.memory_space<hbm>> -> memref<1x1x40x128xi32, #tpu.memory_space<hbm>>
      %dma_start3A_177 = tpu.memref_squeeze %dma_start3A_176 : memref<1x1x40x128xi32, #tpu.memory_space<hbm>> -> memref<40x128xi32, #tpu.memory_space<hbm>>
      tpu.enqueue_dma source(%arg11 : memref<40x128xi32, #tpu.memory_space<vmem>>) target(%dma_start3A_177 : memref<40x128xi32, #tpu.memory_space<hbm>>) target_semaphore(%arg19 : memref<!tpu.dma_semaphore, #tpu.memory_space<semaphore_mem>>)
      %dma_start3A_178 = arith.constant 0 : i32
      %dma_start3A_179 = arith.constant 0 : i32
      %dma_start3A_180 = tpu.memref_slice %arg7[%add3A, %add3A_138, %dma_start3A_178, %dma_start3A_179] : memref<32x25x40x128xi32, #tpu.memory_space<hbm>> -> memref<1x1x40x128xi32, #tpu.memory_space<hbm>>
      %dma_start3A_181 = tpu.memref_squeeze %dma_start3A_180 : memref<1x1x40x128xi32, #tpu.memory_space<hbm>> -> memref<40x128xi32, #tpu.memory_space<hbm>>
      %dma_start3A_182 = arith.constant 0 : i32
      %dma_start3A_183 = arith.constant 0 : i32
      %dma_start3A_184 = tpu.memref_slice %arg7[%add3A, %add3A_138, %dma_start3A_182, %dma_start3A_183] : memref<32x25x40x128xi32, #tpu.memory_space<hbm>> -> memref<1x1x40x128xi32, #tpu.memory_space<hbm>>
      %dma_start3A_185 = tpu.memref_squeeze %dma_start3A_184 : memref<1x1x40x128xi32, #tpu.memory_space<hbm>> -> memref<40x128xi32, #tpu.memory_space<hbm>>
      tpu.enqueue_dma source(%arg13 : memref<40x128xi32, #tpu.memory_space<vmem>>) target(%dma_start3A_185 : memref<40x128xi32, #tpu.memory_space<hbm>>) target_semaphore(%arg21 : memref<!tpu.dma_semaphore, #tpu.memory_space<semaphore_mem>>)
    }
    %scan3A_18 = arith.constant 12 : i32
    %dma_wait3A = arith.constant 23 : i32
    %dma_wait3A_19 = arith.constant 0 : i32
    %dma_wait3A_20 = arith.constant 0 : i32
    %dma_wait3A_21 = tpu.memref_slice %arg6[%add3A, %dma_wait3A, %dma_wait3A_19, %dma_wait3A_20] : memref<32x25x40x128xi32, #tpu.memory_space<hbm>> -> memref<1x1x40x128xi32, #tpu.memory_space<hbm>>
    %dma_wait3A_22 = tpu.memref_squeeze %dma_wait3A_21 : memref<1x1x40x128xi32, #tpu.memory_space<hbm>> -> memref<40x128xi32, #tpu.memory_space<hbm>>
    %dma_wait3A_23 = arith.constant 0 : i32
    %dma_wait3A_24 = arith.constant 0 : i32
    %dma_wait3A_25 = tpu.memref_slice %arg6[%add3A, %dma_wait3A, %dma_wait3A_23, %dma_wait3A_24] : memref<32x25x40x128xi32, #tpu.memory_space<hbm>> -> memref<1x1x40x128xi32, #tpu.memory_space<hbm>>
    %dma_wait3A_26 = tpu.memref_squeeze %dma_wait3A_25 : memref<1x1x40x128xi32, #tpu.memory_space<hbm>> -> memref<40x128xi32, #tpu.memory_space<hbm>>
    tpu.wait_dma2 semaphore(%arg19 : memref<!tpu.dma_semaphore, #tpu.memory_space<semaphore_mem>>) src(%arg11 : memref<40x128xi32, #tpu.memory_space<vmem>>) dst(%dma_wait3A_26 : memref<40x128xi32, #tpu.memory_space<hbm>>)
    %dma_wait3A_27 = arith.constant 23 : i32
    %dma_wait3A_28 = arith.constant 0 : i32
    %dma_wait3A_29 = arith.constant 0 : i32
    %dma_wait3A_30 = tpu.memref_slice %arg7[%add3A, %dma_wait3A_27, %dma_wait3A_28, %dma_wait3A_29] : memref<32x25x40x128xi32, #tpu.memory_space<hbm>> -> memref<1x1x40x128xi32, #tpu.memory_space<hbm>>
    %dma_wait3A_31 = tpu.memref_squeeze %dma_wait3A_30 : memref<1x1x40x128xi32, #tpu.memory_space<hbm>> -> memref<40x128xi32, #tpu.memory_space<hbm>>
    %dma_wait3A_32 = arith.constant 0 : i32
    %dma_wait3A_33 = arith.constant 0 : i32
    %dma_wait3A_34 = tpu.memref_slice %arg7[%add3A, %dma_wait3A_27, %dma_wait3A_32, %dma_wait3A_33] : memref<32x25x40x128xi32, #tpu.memory_space<hbm>> -> memref<1x1x40x128xi32, #tpu.memory_space<hbm>>
    %dma_wait3A_35 = tpu.memref_squeeze %dma_wait3A_34 : memref<1x1x40x128xi32, #tpu.memory_space<hbm>> -> memref<40x128xi32, #tpu.memory_space<hbm>>
    tpu.wait_dma2 semaphore(%arg21 : memref<!tpu.dma_semaphore, #tpu.memory_space<semaphore_mem>>) src(%arg13 : memref<40x128xi32, #tpu.memory_space<vmem>>) dst(%dma_wait3A_35 : memref<40x128xi32, #tpu.memory_space<hbm>>)
    %dma_wait3A_36 = arith.constant 24 : i32
    %dma_wait3A_37 = arith.constant 0 : i32
    %dma_wait3A_38 = tpu.memref_slice %arg8[%dma_wait3A_36, %dma_wait3A_37] : memref<25x40xi32, #tpu.memory_space<vmem>> -> memref<1x40xi32, #tpu.memory_space<vmem>>
    %dma_wait3A_39 = tpu.memref_squeeze %dma_wait3A_38 : memref<1x40xi32, #tpu.memory_space<vmem>> -> memref<40xi32, #tpu.memory_space<vmem>>
    %dma_wait3A_40 = arith.constant 0 : i32
    %dma_wait3A_41 = arith.constant 0 : i32
    %dma_wait3A_42 = tpu.memref_slice %arg2[%dma_wait3A_40, %dma_wait3A_41] : memref<10000x128xi32, #tpu.memory_space<hbm>> -> memref<10000x128xi32, #tpu.memory_space<hbm>>
    tpu.wait_indirect_dma semaphore(%arg14 : memref<!tpu.dma_semaphore, #tpu.memory_space<semaphore_mem>>) src(%dma_wait3A_42 : memref<10000x128xi32, #tpu.memory_space<hbm>>) dst(%arg10 : memref<40x128xi32, #tpu.memory_space<vmem>>)
    %dma_wait3A_43 = arith.constant 24 : i32
    %dma_wait3A_44 = arith.constant 0 : i32
    %dma_wait3A_45 = tpu.memref_slice %arg9[%dma_wait3A_43, %dma_wait3A_44] : memref<25x40xi32, #tpu.memory_space<vmem>> -> memref<1x40xi32, #tpu.memory_space<vmem>>
    %dma_wait3A_46 = tpu.memref_squeeze %dma_wait3A_45 : memref<1x40xi32, #tpu.memory_space<vmem>> -> memref<40xi32, #tpu.memory_space<vmem>>
    %dma_wait3A_47 = arith.constant 0 : i32
    %dma_wait3A_48 = arith.constant 0 : i32
    %dma_wait3A_49 = tpu.memref_slice %arg3[%dma_wait3A_47, %dma_wait3A_48] : memref<10000x128xi32, #tpu.memory_space<hbm>> -> memref<10000x128xi32, #tpu.memory_space<hbm>>
    tpu.wait_indirect_dma semaphore(%arg16 : memref<!tpu.dma_semaphore, #tpu.memory_space<semaphore_mem>>) src(%dma_wait3A_49 : memref<10000x128xi32, #tpu.memory_space<hbm>>) dst(%arg12 : memref<40x128xi32, #tpu.memory_space<vmem>>)
    %dma_start3A_50 = arith.constant 24 : i32
    %dma_start3A_51 = arith.constant 0 : i32
    %dma_start3A_52 = arith.constant 0 : i32
    %dma_start3A_53 = tpu.memref_slice %arg6[%add3A, %dma_start3A_50, %dma_start3A_51, %dma_start3A_52] : memref<32x25x40x128xi32, #tpu.memory_space<hbm>> -> memref<1x1x40x128xi32, #tpu.memory_space<hbm>>
    %dma_start3A_54 = tpu.memref_squeeze %dma_start3A_53 : memref<1x1x40x128xi32, #tpu.memory_space<hbm>> -> memref<40x128xi32, #tpu.memory_space<hbm>>
    %dma_start3A_55 = arith.constant 0 : i32
    %dma_start3A_56 = arith.constant 0 : i32
    %dma_start3A_57 = tpu.memref_slice %arg6[%add3A, %dma_start3A_50, %dma_start3A_55, %dma_start3A_56] : memref<32x25x40x128xi32, #tpu.memory_space<hbm>> -> memref<1x1x40x128xi32, #tpu.memory_space<hbm>>
    %dma_start3A_58 = tpu.memref_squeeze %dma_start3A_57 : memref<1x1x40x128xi32, #tpu.memory_space<hbm>> -> memref<40x128xi32, #tpu.memory_space<hbm>>
    tpu.enqueue_dma source(%arg10 : memref<40x128xi32, #tpu.memory_space<vmem>>) target(%dma_start3A_58 : memref<40x128xi32, #tpu.memory_space<hbm>>) target_semaphore(%arg18 : memref<!tpu.dma_semaphore, #tpu.memory_space<semaphore_mem>>)
    %dma_start3A_59 = arith.constant 24 : i32
    %dma_start3A_60 = arith.constant 0 : i32
    %dma_start3A_61 = arith.constant 0 : i32
    %dma_start3A_62 = tpu.memref_slice %arg7[%add3A, %dma_start3A_59, %dma_start3A_60, %dma_start3A_61] : memref<32x25x40x128xi32, #tpu.memory_space<hbm>> -> memref<1x1x40x128xi32, #tpu.memory_space<hbm>>
    %dma_start3A_63 = tpu.memref_squeeze %dma_start3A_62 : memref<1x1x40x128xi32, #tpu.memory_space<hbm>> -> memref<40x128xi32, #tpu.memory_space<hbm>>
    %dma_start3A_64 = arith.constant 0 : i32
    %dma_start3A_65 = arith.constant 0 : i32
    %dma_start3A_66 = tpu.memref_slice %arg7[%add3A, %dma_start3A_59, %dma_start3A_64, %dma_start3A_65] : memref<32x25x40x128xi32, #tpu.memory_space<hbm>> -> memref<1x1x40x128xi32, #tpu.memory_space<hbm>>
    %dma_start3A_67 = tpu.memref_squeeze %dma_start3A_66 : memref<1x1x40x128xi32, #tpu.memory_space<hbm>> -> memref<40x128xi32, #tpu.memory_space<hbm>>
    tpu.enqueue_dma source(%arg12 : memref<40x128xi32, #tpu.memory_space<vmem>>) target(%dma_start3A_67 : memref<40x128xi32, #tpu.memory_space<hbm>>) target_semaphore(%arg20 : memref<!tpu.dma_semaphore, #tpu.memory_space<semaphore_mem>>)
    %dma_wait3A_68 = arith.constant 24 : i32
    %dma_wait3A_69 = arith.constant 0 : i32
    %dma_wait3A_70 = arith.constant 0 : i32
    %dma_wait3A_71 = tpu.memref_slice %arg6[%add3A, %dma_wait3A_68, %dma_wait3A_69, %dma_wait3A_70] : memref<32x25x40x128xi32, #tpu.memory_space<hbm>> -> memref<1x1x40x128xi32, #tpu.memory_space<hbm>>
    %dma_wait3A_72 = tpu.memref_squeeze %dma_wait3A_71 : memref<1x1x40x128xi32, #tpu.memory_space<hbm>> -> memref<40x128xi32, #tpu.memory_space<hbm>>
    %dma_wait3A_73 = arith.constant 0 : i32
    %dma_wait3A_74 = arith.constant 0 : i32
    %dma_wait3A_75 = tpu.memref_slice %arg6[%add3A, %dma_wait3A_68, %dma_wait3A_73, %dma_wait3A_74] : memref<32x25x40x128xi32, #tpu.memory_space<hbm>> -> memref<1x1x40x128xi32, #tpu.memory_space<hbm>>
    %dma_wait3A_76 = tpu.memref_squeeze %dma_wait3A_75 : memref<1x1x40x128xi32, #tpu.memory_space<hbm>> -> memref<40x128xi32, #tpu.memory_space<hbm>>
    tpu.wait_dma2 semaphore(%arg18 : memref<!tpu.dma_semaphore, #tpu.memory_space<semaphore_mem>>) src(%arg10 : memref<40x128xi32, #tpu.memory_space<vmem>>) dst(%dma_wait3A_76 : memref<40x128xi32, #tpu.memory_space<hbm>>)
    %dma_wait3A_77 = arith.constant 24 : i32
    %dma_wait3A_78 = arith.constant 0 : i32
    %dma_wait3A_79 = arith.constant 0 : i32
    %dma_wait3A_80 = tpu.memref_slice %arg7[%add3A, %dma_wait3A_77, %dma_wait3A_78, %dma_wait3A_79] : memref<32x25x40x128xi32, #tpu.memory_space<hbm>> -> memref<1x1x40x128xi32, #tpu.memory_space<hbm>>
    %dma_wait3A_81 = tpu.memref_squeeze %dma_wait3A_80 : memref<1x1x40x128xi32, #tpu.memory_space<hbm>> -> memref<40x128xi32, #tpu.memory_space<hbm>>
    %dma_wait3A_82 = arith.constant 0 : i32
    %dma_wait3A_83 = arith.constant 0 : i32
    %dma_wait3A_84 = tpu.memref_slice %arg7[%add3A, %dma_wait3A_77, %dma_wait3A_82, %dma_wait3A_83] : memref<32x25x40x128xi32, #tpu.memory_space<hbm>> -> memref<1x1x40x128xi32, #tpu.memory_space<hbm>>
    %dma_wait3A_85 = tpu.memref_squeeze %dma_wait3A_84 : memref<1x1x40x128xi32, #tpu.memory_space<hbm>> -> memref<40x128xi32, #tpu.memory_space<hbm>>
    tpu.wait_dma2 semaphore(%arg20 : memref<!tpu.dma_semaphore, #tpu.memory_space<semaphore_mem>>) src(%arg12 : memref<40x128xi32, #tpu.memory_space<vmem>>) dst(%dma_wait3A_85 : memref<40x128xi32, #tpu.memory_space<hbm>>)
    return
  }
}

module attributes {stable_mosaic.version = 14 : i64} {
  func.func @_proj_body(%arg0: i32, %arg1: memref<2000x256xf32, #tpu.memory_space<vmem>>, %arg2: memref<256x256xf32, #tpu.memory_space<vmem>>, %arg3: memref<256x256xf32, #tpu.memory_space<vmem>>, %arg4: memref<1x256xf32, #tpu.memory_space<vmem>>, %arg5: memref<2000x128xi32, #tpu.memory_space<vmem>>, %arg6: memref<2000x128xi32, #tpu.memory_space<vmem>>) attributes {dimension_semantics = [#tpu.dimension_semantics<arbitrary>], iteration_bounds = array<i64: 5>, scalar_prefetch = 0 : i64, scratch_operands = 0 : i64, tpu.core_type = #tpu.core_type<tc>, window_params = [{transform_indices = @transform_0, window_bounds = array<i64: 2000, 256>}, {pipeline_mode = #tpu.pipeline_mode<synchronous>, transform_indices = @transform_1, window_bounds = array<i64: 256, 256>}, {pipeline_mode = #tpu.pipeline_mode<synchronous>, transform_indices = @transform_2, window_bounds = array<i64: 256, 256>}, {pipeline_mode = #tpu.pipeline_mode<synchronous>, transform_indices = @transform_3, window_bounds = array<i64: 1, 256>}, {transform_indices = @transform_4, window_bounds = array<i64: 2000, 128>}, {transform_indices = @transform_5, window_bounds = array<i64: 2000, 128>}]} {
    %get3A = arith.constant 0 : index
    %get3A_0 = arith.constant 0 : index
    %get3A_1 = vector.load %arg1[%get3A, %get3A_0] : memref<2000x256xf32, #tpu.memory_space<vmem>>, vector<2000x256xf32>
    %get3A_2 = arith.constant 0 : index
    %get3A_3 = arith.constant 0 : index
    %get3A_4 = vector.load %arg2[%get3A_2, %get3A_3] : memref<256x256xf32, #tpu.memory_space<vmem>>, vector<256x256xf32>
    %dot_general3A = arith.constant dense<0.000000e+00> : vector<2000x256xf32>
    %dot_general3A_5 = tpu.matmul %get3A_1, %get3A_4, %dot_general3A {dimension_numbers = #tpu.dot_dimension_numbers<[1], [0], [0], [1], [0, 0, 1, 1], [], []>, transpose_lhs_hint = false} : vector<2000x256xf32>, vector<256x256xf32>, vector<2000x256xf32> -> vector<2000x256xf32>
    %get3A_6 = arith.constant 0 : index
    %get3A_7 = arith.constant 0 : index
    %get3A_8 = vector.load %arg3[%get3A_6, %get3A_7] : memref<256x256xf32, #tpu.memory_space<vmem>>, vector<256x256xf32>
    %dot_general3A_9 = arith.constant dense<0.000000e+00> : vector<2000x256xf32>
    %dot_general3A_10 = tpu.matmul %get3A_1, %get3A_8, %dot_general3A_9 {dimension_numbers = #tpu.dot_dimension_numbers<[1], [0], [0], [1], [0, 0, 1, 1], [], []>, transpose_lhs_hint = false} : vector<2000x256xf32>, vector<256x256xf32>, vector<2000x256xf32> -> vector<2000x256xf32>
    %get3A_11 = arith.constant 0 : index
    %get3A_12 = arith.constant 0 : index
    %get3A_13 = vector.load %arg4[%get3A_11, %get3A_12] : memref<1x256xf32, #tpu.memory_space<vmem>>, vector<1x256xf32>
    %add3A = vector.broadcast %get3A_13 : vector<1x256xf32> to vector<2000x256xf32>
    %add3A_14 = arith.addf %dot_general3A_10, %add3A : vector<2000x256xf32>
    %convert_element_type3A = arith.truncf %dot_general3A_5 : vector<2000x256xf32> to vector<2000x256xbf16>
    %slice3A = vector.extract_strided_slice %convert_element_type3A {offsets = [0, 0], sizes = [2000, 128], strides = [1, 1]} : vector<2000x256xbf16> to vector<2000x128xbf16>
    %bitcast_convert_type3A = tpu.bitcast %slice3A : vector<2000x128xbf16> -> vector<2000x128xi16>
    %convert_element_type3A_15 = arith.extui %bitcast_convert_type3A : vector<2000x128xi16> to vector<2000x128xi32>
    %slice3A_16 = vector.extract_strided_slice %convert_element_type3A {offsets = [0, 128], sizes = [2000, 128], strides = [1, 1]} : vector<2000x256xbf16> to vector<2000x128xbf16>
    %bitcast_convert_type3A_17 = tpu.bitcast %slice3A_16 : vector<2000x128xbf16> -> vector<2000x128xi16>
    %convert_element_type3A_18 = arith.extui %bitcast_convert_type3A_17 : vector<2000x128xi16> to vector<2000x128xi32>
    %shift_left3A = arith.constant 16 : i32
    %shift_left3A_19 = vector.broadcast %shift_left3A : i32 to vector<2000x128xi32>
    %shift_left3A_20 = arith.shli %convert_element_type3A_18, %shift_left3A_19 : vector<2000x128xi32>
    %or3A = arith.ori %convert_element_type3A_15, %shift_left3A_20 : vector<2000x128xi32>
    %bitcast_convert_type3A_21 = tpu.bitcast %or3A : vector<2000x128xi32> -> vector<2000x128xi32>
    %swap3A = arith.constant 0 : index
    %swap3A_22 = arith.constant 0 : index
    %swap3A_23 = vector.load %arg5[%swap3A, %swap3A_22] : memref<2000x128xi32, #tpu.memory_space<vmem>>, vector<2000x128xi32>
    tpu.vector_store %arg5[%swap3A, %swap3A_22], %bitcast_convert_type3A_21 {strides = array<i32>} : memref<2000x128xi32, #tpu.memory_space<vmem>>, vector<2000x128xi32>,
    %convert_element_type3A_24 = arith.truncf %add3A_14 : vector<2000x256xf32> to vector<2000x256xbf16>
    %slice3A_25 = vector.extract_strided_slice %convert_element_type3A_24 {offsets = [0, 0], sizes = [2000, 128], strides = [1, 1]} : vector<2000x256xbf16> to vector<2000x128xbf16>
    %bitcast_convert_type3A_26 = tpu.bitcast %slice3A_25 : vector<2000x128xbf16> -> vector<2000x128xi16>
    %convert_element_type3A_27 = arith.extui %bitcast_convert_type3A_26 : vector<2000x128xi16> to vector<2000x128xi32>
    %slice3A_28 = vector.extract_strided_slice %convert_element_type3A_24 {offsets = [0, 128], sizes = [2000, 128], strides = [1, 1]} : vector<2000x256xbf16> to vector<2000x128xbf16>
    %bitcast_convert_type3A_29 = tpu.bitcast %slice3A_28 : vector<2000x128xbf16> -> vector<2000x128xi16>
    %convert_element_type3A_30 = arith.extui %bitcast_convert_type3A_29 : vector<2000x128xi16> to vector<2000x128xi32>
    %shift_left3A_31 = arith.constant 16 : i32
    %shift_left3A_32 = vector.broadcast %shift_left3A_31 : i32 to vector<2000x128xi32>
    %shift_left3A_33 = arith.shli %convert_element_type3A_30, %shift_left3A_32 : vector<2000x128xi32>
    %or3A_34 = arith.ori %convert_element_type3A_27, %shift_left3A_33 : vector<2000x128xi32>
    %bitcast_convert_type3A_35 = tpu.bitcast %or3A_34 : vector<2000x128xi32> -> vector<2000x128xi32>
    %swap3A_36 = arith.constant 0 : index
    %swap3A_37 = arith.constant 0 : index
    %swap3A_38 = vector.load %arg6[%swap3A_36, %swap3A_37] : memref<2000x128xi32, #tpu.memory_space<vmem>>, vector<2000x128xi32>
    tpu.vector_store %arg6[%swap3A_36, %swap3A_37], %bitcast_convert_type3A_35 {strides = array<i32>} : memref<2000x128xi32, #tpu.memory_space<vmem>>, vector<2000x128xi32>,
    return
  }
  func.func @transform_0(%arg0: i32) -> (i32, i32) {
    %c0_i32 = arith.constant 0 : i32
    %c0_i32_0 = arith.constant 0 : i32
    return %arg0, %c0_i32 : i32, i32
  }
  func.func @transform_1(%arg0: i32) -> (i32, i32) {
    %c0_i32 = arith.constant 0 : i32
    %c0_i32_0 = arith.constant 0 : i32
    %c0_i32_1 = arith.constant 0 : i32
    return %c0_i32, %c0_i32_0 : i32, i32
  }
  func.func @transform_2(%arg0: i32) -> (i32, i32) {
    %c0_i32 = arith.constant 0 : i32
    %c0_i32_0 = arith.constant 0 : i32
    %c0_i32_1 = arith.constant 0 : i32
    return %c0_i32, %c0_i32_0 : i32, i32
  }
  func.func @transform_3(%arg0: i32) -> (i32, i32) {
    %c0_i32 = arith.constant 0 : i32
    %c0_i32_0 = arith.constant 0 : i32
    %c0_i32_1 = arith.constant 0 : i32
    return %c0_i32, %c0_i32_0 : i32, i32
  }
  func.func @transform_4(%arg0: i32) -> (i32, i32) {
    %c0_i32 = arith.constant 0 : i32
    %c0_i32_0 = arith.constant 0 : i32
    return %arg0, %c0_i32 : i32, i32
  }
  func.func @transform_5(%arg0: i32) -> (i32, i32) {
    %c0_i32 = arith.constant 0 : i32
    %c0_i32_0 = arith.constant 0 : i32
    return %arg0, %c0_i32 : i32, i32
  }
}

module attributes {stable_mosaic.version = 14 : i64} {
  func.func @_edge_body(%arg0: i32, %arg1: memref<2000x128xi32, #tpu.memory_space<vmem>>, %arg2: memref<2000x128xi32, #tpu.memory_space<vmem>>, %arg3: memref<2000x256xf32, #tpu.memory_space<vmem>>, %arg4: memref<256x256xf32, #tpu.memory_space<vmem>>, %arg5: memref<256x256xf32, #tpu.memory_space<vmem>>, %arg6: memref<256x256xf32, #tpu.memory_space<vmem>>, %arg7: memref<1x256xf32, #tpu.memory_space<vmem>>, %arg8: memref<1x256xf32, #tpu.memory_space<vmem>>, %arg9: memref<1x256xf32, #tpu.memory_space<vmem>>, %arg10: memref<1x256xf32, #tpu.memory_space<vmem>>, %arg11: memref<2000x256xf32, #tpu.memory_space<vmem>>, %arg12: memref<2x2000x128xf32, #tpu.memory_space<vmem>>) attributes {dimension_semantics = [#tpu.dimension_semantics<arbitrary>], iteration_bounds = array<i64: 16>, scalar_prefetch = 0 : i64, scratch_operands = 0 : i64, tpu.core_type = #tpu.core_type<tc>, window_params = [{transform_indices = @transform_0, window_bounds = array<i64: 2000, 128>}, {transform_indices = @transform_1, window_bounds = array<i64: 2000, 128>}, {transform_indices = @transform_2, window_bounds = array<i64: 2000, 256>}, {pipeline_mode = #tpu.pipeline_mode<synchronous>, transform_indices = @transform_3, window_bounds = array<i64: 256, 256>}, {pipeline_mode = #tpu.pipeline_mode<synchronous>, transform_indices = @transform_4, window_bounds = array<i64: 256, 256>}, {pipeline_mode = #tpu.pipeline_mode<synchronous>, transform_indices = @transform_5, window_bounds = array<i64: 256, 256>}, {pipeline_mode = #tpu.pipeline_mode<synchronous>, transform_indices = @transform_6, window_bounds = array<i64: 1, 256>}, {pipeline_mode = #tpu.pipeline_mode<synchronous>, transform_indices = @transform_7, window_bounds = array<i64: 1, 256>}, {pipeline_mode = #tpu.pipeline_mode<synchronous>, transform_indices = @transform_8, window_bounds = array<i64: 1, 256>}, {pipeline_mode = #tpu.pipeline_mode<synchronous>, transform_indices = @transform_9, window_bounds = array<i64: 1, 256>}, {transform_indices = @transform_10, window_bounds = array<i64: 2000, 256>}, {transform_indices = @transform_11, window_bounds = array<i64: 2, 2000, 128>}]} {
    %get3A = arith.constant 0 : index
    %get3A_0 = arith.constant 0 : index
    %get3A_1 = vector.load %arg3[%get3A, %get3A_0] : memref<2000x256xf32, #tpu.memory_space<vmem>>, vector<2000x256xf32>
    %get3A_2 = arith.constant 0 : index
    %get3A_3 = arith.constant 0 : index
    %get3A_4 = vector.load %arg1[%get3A_2, %get3A_3] : memref<2000x128xi32, #tpu.memory_space<vmem>>, vector<2000x128xi32>
    %shift_left3A = arith.constant 16 : i32
    %shift_left3A_5 = vector.broadcast %shift_left3A : i32 to vector<2000x128xi32>
    %shift_left3A_6 = arith.shli %get3A_4, %shift_left3A_5 : vector<2000x128xi32>
    %bitcast_convert_type3A = tpu.bitcast %shift_left3A_6 : vector<2000x128xi32> -> vector<2000x128xf32>
    %and3A = arith.constant -65536 : i32
    %and3A_7 = vector.broadcast %and3A : i32 to vector<2000x128xi32>
    %and3A_8 = arith.andi %get3A_4, %and3A_7 : vector<2000x128xi32>
    %bitcast_convert_type3A_9 = tpu.bitcast %and3A_8 : vector<2000x128xi32> -> vector<2000x128xf32>
    %get3A_10 = arith.constant 0 : index
    %get3A_11 = arith.constant 0 : index
    %get3A_12 = vector.load %arg2[%get3A_10, %get3A_11] : memref<2000x128xi32, #tpu.memory_space<vmem>>, vector<2000x128xi32>
    %shift_left3A_13 = arith.constant 16 : i32
    %shift_left3A_14 = vector.broadcast %shift_left3A_13 : i32 to vector<2000x128xi32>
    %shift_left3A_15 = arith.shli %get3A_12, %shift_left3A_14 : vector<2000x128xi32>
    %bitcast_convert_type3A_16 = tpu.bitcast %shift_left3A_15 : vector<2000x128xi32> -> vector<2000x128xf32>
    %and3A_17 = arith.constant -65536 : i32
    %and3A_18 = vector.broadcast %and3A_17 : i32 to vector<2000x128xi32>
    %and3A_19 = arith.andi %get3A_12, %and3A_18 : vector<2000x128xi32>
    %bitcast_convert_type3A_20 = tpu.bitcast %and3A_19 : vector<2000x128xi32> -> vector<2000x128xf32>
    %add3A = arith.addf %bitcast_convert_type3A, %bitcast_convert_type3A_16 : vector<2000x128xf32>
    %add3A_21 = arith.addf %bitcast_convert_type3A_9, %bitcast_convert_type3A_20 : vector<2000x128xf32>
    %concatenate3A = tpu.concatenate %add3A, %add3A_21 in 1 : vector<2000x128xf32>, vector<2000x128xf32> -> vector<2000x256xf32>
    %get3A_22 = arith.constant 0 : index
    %get3A_23 = arith.constant 0 : index
    %get3A_24 = vector.load %arg4[%get3A_22, %get3A_23] : memref<256x256xf32, #tpu.memory_space<vmem>>, vector<256x256xf32>
    %dot_general3A = arith.constant dense<0.000000e+00> : vector<2000x256xf32>
    %dot_general3A_25 = tpu.matmul %get3A_1, %get3A_24, %dot_general3A {dimension_numbers = #tpu.dot_dimension_numbers<[1], [0], [0], [1], [0, 0, 1, 1], [], []>, transpose_lhs_hint = false} : vector<2000x256xf32>, vector<256x256xf32>, vector<2000x256xf32> -> vector<2000x256xf32>
    %add3A_26 = arith.addf %concatenate3A, %dot_general3A_25 : vector<2000x256xf32>
    %max3A = arith.constant 0.000000e+00 : f32
    %max3A_27 = vector.broadcast %max3A : f32 to vector<2000x256xf32>
    %max3A_28 = arith.maximumf %add3A_26, %max3A_27 : vector<2000x256xf32>
    %get3A_29 = arith.constant 0 : index
    %get3A_30 = arith.constant 0 : index
    %get3A_31 = vector.load %arg5[%get3A_29, %get3A_30] : memref<256x256xf32, #tpu.memory_space<vmem>>, vector<256x256xf32>
    %dot_general3A_32 = arith.constant dense<0.000000e+00> : vector<2000x256xf32>
    %dot_general3A_33 = tpu.matmul %max3A_28, %get3A_31, %dot_general3A_32 {dimension_numbers = #tpu.dot_dimension_numbers<[1], [0], [0], [1], [0, 0, 1, 1], [], []>, transpose_lhs_hint = false} : vector<2000x256xf32>, vector<256x256xf32>, vector<2000x256xf32> -> vector<2000x256xf32>
    %get3A_34 = arith.constant 0 : index
    %get3A_35 = arith.constant 0 : index
    %get3A_36 = vector.load %arg7[%get3A_34, %get3A_35] : memref<1x256xf32, #tpu.memory_space<vmem>>, vector<1x256xf32>
    %add3A_37 = vector.broadcast %get3A_36 : vector<1x256xf32> to vector<2000x256xf32>
    %add3A_38 = arith.addf %dot_general3A_33, %add3A_37 : vector<2000x256xf32>
    %max3A_39 = arith.constant 0.000000e+00 : f32
    %max3A_40 = vector.broadcast %max3A_39 : f32 to vector<2000x256xf32>
    %max3A_41 = arith.maximumf %add3A_38, %max3A_40 : vector<2000x256xf32>
    %get3A_42 = arith.constant 0 : index
    %get3A_43 = arith.constant 0 : index
    %get3A_44 = vector.load %arg6[%get3A_42, %get3A_43] : memref<256x256xf32, #tpu.memory_space<vmem>>, vector<256x256xf32>
    %dot_general3A_45 = arith.constant dense<0.000000e+00> : vector<2000x256xf32>
    %dot_general3A_46 = tpu.matmul %max3A_41, %get3A_44, %dot_general3A_45 {dimension_numbers = #tpu.dot_dimension_numbers<[1], [0], [0], [1], [0, 0, 1, 1], [], []>, transpose_lhs_hint = false} : vector<2000x256xf32>, vector<256x256xf32>, vector<2000x256xf32> -> vector<2000x256xf32>
    %get3A_47 = arith.constant 0 : index
    %get3A_48 = arith.constant 0 : index
    %get3A_49 = vector.load %arg8[%get3A_47, %get3A_48] : memref<1x256xf32, #tpu.memory_space<vmem>>, vector<1x256xf32>
    %add3A_50 = vector.broadcast %get3A_49 : vector<1x256xf32> to vector<2000x256xf32>
    %add3A_51 = arith.addf %dot_general3A_46, %add3A_50 : vector<2000x256xf32>
    %get3A_52 = arith.constant 0 : index
    %get3A_53 = arith.constant 0 : index
    %get3A_54 = vector.load %arg9[%get3A_52, %get3A_53] : memref<1x256xf32, #tpu.memory_space<vmem>>, vector<1x256xf32>
    %get3A_55 = arith.constant 0 : index
    %get3A_56 = arith.constant 0 : index
    %get3A_57 = vector.load %arg10[%get3A_55, %get3A_56] : memref<1x256xf32, #tpu.memory_space<vmem>>, vector<1x256xf32>
    %reduce_sum3A = arith.constant dense<0.000000e+00> : vector<2000xf32>
    %reduce_sum3A_58 = vector.multi_reduction <add>, %add3A_51, %reduce_sum3A [1] : vector<2000x256xf32> to vector<2000xf32>
    %broadcast_in_dim3A = vector.shape_cast %reduce_sum3A_58 : vector<2000xf32> to vector<2000x1xf32>
    %div3A = arith.constant 2.560000e+02 : f32
    %div3A_59 = vector.broadcast %div3A : f32 to vector<2000x1xf32>
    %div3A_60 = arith.divf %broadcast_in_dim3A, %div3A_59 : vector<2000x1xf32>
    %jit3A = arith.constant 0 : i32
    %reduce_sum3A_61 = arith.constant dense<0.000000e+00> : vector<2000xf32>
    %reduce_sum3A_62 = vector.multi_reduction <add>, %add3A_51, %reduce_sum3A_61 [1] : vector<2000x256xf32> to vector<2000xf32>
    %broadcast_in_dim3A_63 = vector.shape_cast %reduce_sum3A_62 : vector<2000xf32> to vector<2000x1xf32>
    %div3A_64 = arith.constant 2.560000e+02 : f32
    %div3A_65 = vector.broadcast %div3A_64 : f32 to vector<2000x1xf32>
    %div3A_66 = arith.divf %broadcast_in_dim3A_63, %div3A_65 : vector<2000x1xf32>
    %sub3A = vector.broadcast %div3A_66 : vector<2000x1xf32> to vector<2000x256xf32>
    %sub3A_67 = arith.subf %add3A_51, %sub3A : vector<2000x256xf32>
    %square3A = arith.mulf %sub3A_67, %sub3A_67 : vector<2000x256xf32>
    %convert_element_type3A = arith.sitofp %jit3A : i32 to f32
    %sub3A_68 = arith.constant 2.560000e+02 : f32
    %sub3A_69 = arith.subf %sub3A_68, %convert_element_type3A : f32
    %reduce_sum3A_70 = arith.constant dense<0.000000e+00> : vector<2000xf32>
    %reduce_sum3A_71 = vector.multi_reduction <add>, %square3A, %reduce_sum3A_70 [1] : vector<2000x256xf32> to vector<2000xf32>
    %broadcast_in_dim3A_72 = vector.shape_cast %reduce_sum3A_71 : vector<2000xf32> to vector<2000x1xf32>
    %div3A_73 = vector.broadcast %sub3A_69 : f32 to vector<2000x1xf32>
    %div3A_74 = arith.divf %broadcast_in_dim3A_72, %div3A_73 : vector<2000x1xf32>
    %gt3A = arith.constant 0.000000e+00 : f32
    %gt3A_75 = arith.cmpf ogt, %sub3A_69, %gt3A : f32
    %jit3A_76 = arith.constant 0x7FC00000 : f32
    %broadcast_in_dim3A_77 = vector.broadcast %jit3A_76 : f32 to vector<2000x1xf32>
    %select_n3A = arith.select %gt3A_75, %div3A_74, %broadcast_in_dim3A_77 : vector<2000x1xf32>
    %sub3A_78 = vector.broadcast %div3A_60 : vector<2000x1xf32> to vector<2000x256xf32>
    %sub3A_79 = arith.subf %add3A_51, %sub3A_78 : vector<2000x256xf32>
    %add3A_80 = arith.constant 9.99999974E-6 : f32
    %add3A_81 = vector.broadcast %add3A_80 : f32 to vector<2000x1xf32>
    %add3A_82 = arith.addf %select_n3A, %add3A_81 : vector<2000x1xf32>
    %sqrt3A = math.sqrt %add3A_82 : vector<2000x1xf32>
    %div3A_83 = vector.broadcast %sqrt3A : vector<2000x1xf32> to vector<2000x256xf32>
    %div3A_84 = arith.divf %sub3A_79, %div3A_83 : vector<2000x256xf32>
    %mul3A = vector.broadcast %get3A_54 : vector<1x256xf32> to vector<2000x256xf32>
    %mul3A_85 = arith.mulf %div3A_84, %mul3A : vector<2000x256xf32>
    %add3A_86 = vector.broadcast %get3A_57 : vector<1x256xf32> to vector<2000x256xf32>
    %add3A_87 = arith.addf %mul3A_85, %add3A_86 : vector<2000x256xf32>
    %add3A_88 = arith.addf %add3A_87, %get3A_1 : vector<2000x256xf32>
    %swap3A = arith.constant 0 : index
    %swap3A_89 = arith.constant 0 : index
    %swap3A_90 = vector.load %arg11[%swap3A, %swap3A_89] : memref<2000x256xf32, #tpu.memory_space<vmem>>, vector<2000x256xf32>
    tpu.vector_store %arg11[%swap3A, %swap3A_89], %add3A_88 {strides = array<i32>} : memref<2000x256xf32, #tpu.memory_space<vmem>>, vector<2000x256xf32>,
    %slice3A = vector.extract_strided_slice %add3A_87 {offsets = [0, 0], sizes = [2000, 128], strides = [1, 1]} : vector<2000x256xf32> to vector<2000x128xf32>
    %swap3A_91 = arith.constant 0 : index
    %swap3A_92 = arith.constant 0 : index
    %swap3A_93 = arith.constant 0 : index
    %swap3A_94 = vector.load %arg12[%swap3A_91, %swap3A_92, %swap3A_93] : memref<2x2000x128xf32, #tpu.memory_space<vmem>>, vector<1x2000x128xf32>
    %swap3A_95 = vector.shape_cast %swap3A_94 : vector<1x2000x128xf32> to vector<2000x128xf32>
    %swap3A_96 = vector.shape_cast %slice3A : vector<2000x128xf32> to vector<1x2000x128xf32>
    tpu.vector_store %arg12[%swap3A_91, %swap3A_92, %swap3A_93], %swap3A_96 {strides = array<i32>} : memref<2x2000x128xf32, #tpu.memory_space<vmem>>, vector<1x2000x128xf32>,
    %slice3A_97 = vector.extract_strided_slice %add3A_87 {offsets = [0, 128], sizes = [2000, 128], strides = [1, 1]} : vector<2000x256xf32> to vector<2000x128xf32>
    %swap3A_98 = arith.constant 1 : index
    %swap3A_99 = arith.constant 0 : index
    %swap3A_100 = arith.constant 0 : index
    %swap3A_101 = vector.load %arg12[%swap3A_98, %swap3A_99, %swap3A_100] : memref<2x2000x128xf32, #tpu.memory_space<vmem>>, vector<1x2000x128xf32>
    %swap3A_102 = vector.shape_cast %swap3A_101 : vector<1x2000x128xf32> to vector<2000x128xf32>
    %swap3A_103 = vector.shape_cast %slice3A_97 : vector<2000x128xf32> to vector<1x2000x128xf32>
    tpu.vector_store %arg12[%swap3A_98, %swap3A_99, %swap3A_100], %swap3A_103 {strides = array<i32>} : memref<2x2000x128xf32, #tpu.memory_space<vmem>>, vector<1x2000x128xf32>,
    return
  }
  func.func @transform_0(%arg0: i32) -> (i32, i32) {
    %c0_i32 = arith.constant 0 : i32
    %c0_i32_0 = arith.constant 0 : i32
    return %arg0, %c0_i32 : i32, i32
  }
  func.func @transform_1(%arg0: i32) -> (i32, i32) {
    %c0_i32 = arith.constant 0 : i32
    %c0_i32_0 = arith.constant 0 : i32
    return %arg0, %c0_i32 : i32, i32
  }
  func.func @transform_2(%arg0: i32) -> (i32, i32) {
    %add3A = arith.constant 0 : i32
    %add3A_0 = arith.addi %add3A, %arg0 : i32
    %c0_i32 = arith.constant 0 : i32
    %c0_i32_1 = arith.constant 0 : i32
    return %add3A_0, %c0_i32 : i32, i32
  }
  func.func @transform_3(%arg0: i32) -> (i32, i32) {
    %c0_i32 = arith.constant 0 : i32
    %c0_i32_0 = arith.constant 0 : i32
    %c0_i32_1 = arith.constant 0 : i32
    return %c0_i32, %c0_i32_0 : i32, i32
  }
  func.func @transform_4(%arg0: i32) -> (i32, i32) {
    %c0_i32 = arith.constant 0 : i32
    %c0_i32_0 = arith.constant 0 : i32
    %c0_i32_1 = arith.constant 0 : i32
    return %c0_i32, %c0_i32_0 : i32, i32
  }
  func.func @transform_5(%arg0: i32) -> (i32, i32) {
    %c0_i32 = arith.constant 0 : i32
    %c0_i32_0 = arith.constant 0 : i32
    %c0_i32_1 = arith.constant 0 : i32
    return %c0_i32, %c0_i32_0 : i32, i32
  }
  func.func @transform_6(%arg0: i32) -> (i32, i32) {
    %c0_i32 = arith.constant 0 : i32
    %c0_i32_0 = arith.constant 0 : i32
    %c0_i32_1 = arith.constant 0 : i32
    return %c0_i32, %c0_i32_0 : i32, i32
  }
  func.func @transform_7(%arg0: i32) -> (i32, i32) {
    %c0_i32 = arith.constant 0 : i32
    %c0_i32_0 = arith.constant 0 : i32
    %c0_i32_1 = arith.constant 0 : i32
    return %c0_i32, %c0_i32_0 : i32, i32
  }
  func.func @transform_8(%arg0: i32) -> (i32, i32) {
    %c0_i32 = arith.constant 0 : i32
    %c0_i32_0 = arith.constant 0 : i32
    %c0_i32_1 = arith.constant 0 : i32
    return %c0_i32, %c0_i32_0 : i32, i32
  }
  func.func @transform_9(%arg0: i32) -> (i32, i32) {
    %c0_i32 = arith.constant 0 : i32
    %c0_i32_0 = arith.constant 0 : i32
    %c0_i32_1 = arith.constant 0 : i32
    return %c0_i32, %c0_i32_0 : i32, i32
  }
  func.func @transform_10(%arg0: i32) -> (i32, i32) {
    %add3A = arith.constant 0 : i32
    %add3A_0 = arith.addi %add3A, %arg0 : i32
    %c0_i32 = arith.constant 0 : i32
    %c0_i32_1 = arith.constant 0 : i32
    return %add3A_0, %c0_i32 : i32, i32
  }
  func.func @transform_11(%arg0: i32) -> (i32, i32, i32) {
    %add3A = arith.constant 0 : i32
    %add3A_0 = arith.addi %add3A, %arg0 : i32
    %c0_i32 = arith.constant 0 : i32
    %c0_i32_1 = arith.constant 0 : i32
    %c0_i32_2 = arith.constant 0 : i32
    return %c0_i32, %add3A_0, %c0_i32_1 : i32, i32, i32
  }
}

module attributes {stable_mosaic.version = 14 : i64} {
  func.func @_edge_body(%arg0: i32, %arg1: memref<2000x128xi32, #tpu.memory_space<vmem>>, %arg2: memref<2000x128xi32, #tpu.memory_space<vmem>>, %arg3: memref<2000x256xf32, #tpu.memory_space<vmem>>, %arg4: memref<256x256xf32, #tpu.memory_space<vmem>>, %arg5: memref<256x256xf32, #tpu.memory_space<vmem>>, %arg6: memref<256x256xf32, #tpu.memory_space<vmem>>, %arg7: memref<1x256xf32, #tpu.memory_space<vmem>>, %arg8: memref<1x256xf32, #tpu.memory_space<vmem>>, %arg9: memref<1x256xf32, #tpu.memory_space<vmem>>, %arg10: memref<1x256xf32, #tpu.memory_space<vmem>>, %arg11: memref<160000x256xf32, #tpu.memory_space<any>>, %arg12: memref<2x160000x128xf32, #tpu.memory_space<any>>, %arg13: memref<2000x256xf32, #tpu.memory_space<vmem>>, %arg14: memref<2x2000x128xf32, #tpu.memory_space<vmem>>) attributes {dimension_semantics = [#tpu.dimension_semantics<arbitrary>], iteration_bounds = array<i64: 16>, scalar_prefetch = 0 : i64, scratch_operands = 0 : i64, tpu.core_type = #tpu.core_type<tc>, window_params = [{transform_indices = @transform_0, window_bounds = array<i64: 2000, 128>}, {transform_indices = @transform_1, window_bounds = array<i64: 2000, 128>}, {transform_indices = @transform_2, window_bounds = array<i64: 2000, 256>}, {pipeline_mode = #tpu.pipeline_mode<synchronous>, transform_indices = @transform_3, window_bounds = array<i64: 256, 256>}, {pipeline_mode = #tpu.pipeline_mode<synchronous>, transform_indices = @transform_4, window_bounds = array<i64: 256, 256>}, {pipeline_mode = #tpu.pipeline_mode<synchronous>, transform_indices = @transform_5, window_bounds = array<i64: 256, 256>}, {pipeline_mode = #tpu.pipeline_mode<synchronous>, transform_indices = @transform_6, window_bounds = array<i64: 1, 256>}, {pipeline_mode = #tpu.pipeline_mode<synchronous>, transform_indices = @transform_7, window_bounds = array<i64: 1, 256>}, {pipeline_mode = #tpu.pipeline_mode<synchronous>, transform_indices = @transform_8, window_bounds = array<i64: 1, 256>}, {pipeline_mode = #tpu.pipeline_mode<synchronous>, transform_indices = @transform_9, window_bounds = array<i64: 1, 256>}, {}, {}, {transform_indices = @transform_12, window_bounds = array<i64: 2000, 256>}, {transform_indices = @transform_13, window_bounds = array<i64: 2, 2000, 128>}]} {
    %get3A = arith.constant 0 : index
    %get3A_0 = arith.constant 0 : index
    %get3A_1 = vector.load %arg3[%get3A, %get3A_0] : memref<2000x256xf32, #tpu.memory_space<vmem>>, vector<2000x256xf32>
    %get3A_2 = arith.constant 0 : index
    %get3A_3 = arith.constant 0 : index
    %get3A_4 = vector.load %arg1[%get3A_2, %get3A_3] : memref<2000x128xi32, #tpu.memory_space<vmem>>, vector<2000x128xi32>
    %shift_left3A = arith.constant 16 : i32
    %shift_left3A_5 = vector.broadcast %shift_left3A : i32 to vector<2000x128xi32>
    %shift_left3A_6 = arith.shli %get3A_4, %shift_left3A_5 : vector<2000x128xi32>
    %bitcast_convert_type3A = tpu.bitcast %shift_left3A_6 : vector<2000x128xi32> -> vector<2000x128xf32>
    %and3A = arith.constant -65536 : i32
    %and3A_7 = vector.broadcast %and3A : i32 to vector<2000x128xi32>
    %and3A_8 = arith.andi %get3A_4, %and3A_7 : vector<2000x128xi32>
    %bitcast_convert_type3A_9 = tpu.bitcast %and3A_8 : vector<2000x128xi32> -> vector<2000x128xf32>
    %get3A_10 = arith.constant 0 : index
    %get3A_11 = arith.constant 0 : index
    %get3A_12 = vector.load %arg2[%get3A_10, %get3A_11] : memref<2000x128xi32, #tpu.memory_space<vmem>>, vector<2000x128xi32>
    %shift_left3A_13 = arith.constant 16 : i32
    %shift_left3A_14 = vector.broadcast %shift_left3A_13 : i32 to vector<2000x128xi32>
    %shift_left3A_15 = arith.shli %get3A_12, %shift_left3A_14 : vector<2000x128xi32>
    %bitcast_convert_type3A_16 = tpu.bitcast %shift_left3A_15 : vector<2000x128xi32> -> vector<2000x128xf32>
    %and3A_17 = arith.constant -65536 : i32
    %and3A_18 = vector.broadcast %and3A_17 : i32 to vector<2000x128xi32>
    %and3A_19 = arith.andi %get3A_12, %and3A_18 : vector<2000x128xi32>
    %bitcast_convert_type3A_20 = tpu.bitcast %and3A_19 : vector<2000x128xi32> -> vector<2000x128xf32>
    %add3A = arith.addf %bitcast_convert_type3A, %bitcast_convert_type3A_16 : vector<2000x128xf32>
    %add3A_21 = arith.addf %bitcast_convert_type3A_9, %bitcast_convert_type3A_20 : vector<2000x128xf32>
    %concatenate3A = tpu.concatenate %add3A, %add3A_21 in 1 : vector<2000x128xf32>, vector<2000x128xf32> -> vector<2000x256xf32>
    %get3A_22 = arith.constant 0 : index
    %get3A_23 = arith.constant 0 : index
    %get3A_24 = vector.load %arg4[%get3A_22, %get3A_23] : memref<256x256xf32, #tpu.memory_space<vmem>>, vector<256x256xf32>
    %dot_general3A = arith.constant dense<0.000000e+00> : vector<2000x256xf32>
    %dot_general3A_25 = tpu.matmul %get3A_1, %get3A_24, %dot_general3A {dimension_numbers = #tpu.dot_dimension_numbers<[1], [0], [0], [1], [0, 0, 1, 1], [], []>, transpose_lhs_hint = false} : vector<2000x256xf32>, vector<256x256xf32>, vector<2000x256xf32> -> vector<2000x256xf32>
    %add3A_26 = arith.addf %concatenate3A, %dot_general3A_25 : vector<2000x256xf32>
    %max3A = arith.constant 0.000000e+00 : f32
    %max3A_27 = vector.broadcast %max3A : f32 to vector<2000x256xf32>
    %max3A_28 = arith.maximumf %add3A_26, %max3A_27 : vector<2000x256xf32>
    %get3A_29 = arith.constant 0 : index
    %get3A_30 = arith.constant 0 : index
    %get3A_31 = vector.load %arg5[%get3A_29, %get3A_30] : memref<256x256xf32, #tpu.memory_space<vmem>>, vector<256x256xf32>
    %dot_general3A_32 = arith.constant dense<0.000000e+00> : vector<2000x256xf32>
    %dot_general3A_33 = tpu.matmul %max3A_28, %get3A_31, %dot_general3A_32 {dimension_numbers = #tpu.dot_dimension_numbers<[1], [0], [0], [1], [0, 0, 1, 1], [], []>, transpose_lhs_hint = false} : vector<2000x256xf32>, vector<256x256xf32>, vector<2000x256xf32> -> vector<2000x256xf32>
    %get3A_34 = arith.constant 0 : index
    %get3A_35 = arith.constant 0 : index
    %get3A_36 = vector.load %arg7[%get3A_34, %get3A_35] : memref<1x256xf32, #tpu.memory_space<vmem>>, vector<1x256xf32>
    %add3A_37 = vector.broadcast %get3A_36 : vector<1x256xf32> to vector<2000x256xf32>
    %add3A_38 = arith.addf %dot_general3A_33, %add3A_37 : vector<2000x256xf32>
    %max3A_39 = arith.constant 0.000000e+00 : f32
    %max3A_40 = vector.broadcast %max3A_39 : f32 to vector<2000x256xf32>
    %max3A_41 = arith.maximumf %add3A_38, %max3A_40 : vector<2000x256xf32>
    %get3A_42 = arith.constant 0 : index
    %get3A_43 = arith.constant 0 : index
    %get3A_44 = vector.load %arg6[%get3A_42, %get3A_43] : memref<256x256xf32, #tpu.memory_space<vmem>>, vector<256x256xf32>
    %dot_general3A_45 = arith.constant dense<0.000000e+00> : vector<2000x256xf32>
    %dot_general3A_46 = tpu.matmul %max3A_41, %get3A_44, %dot_general3A_45 {dimension_numbers = #tpu.dot_dimension_numbers<[1], [0], [0], [1], [0, 0, 1, 1], [], []>, transpose_lhs_hint = false} : vector<2000x256xf32>, vector<256x256xf32>, vector<2000x256xf32> -> vector<2000x256xf32>
    %get3A_47 = arith.constant 0 : index
    %get3A_48 = arith.constant 0 : index
    %get3A_49 = vector.load %arg8[%get3A_47, %get3A_48] : memref<1x256xf32, #tpu.memory_space<vmem>>, vector<1x256xf32>
    %add3A_50 = vector.broadcast %get3A_49 : vector<1x256xf32> to vector<2000x256xf32>
    %add3A_51 = arith.addf %dot_general3A_46, %add3A_50 : vector<2000x256xf32>
    %get3A_52 = arith.constant 0 : index
    %get3A_53 = arith.constant 0 : index
    %get3A_54 = vector.load %arg9[%get3A_52, %get3A_53] : memref<1x256xf32, #tpu.memory_space<vmem>>, vector<1x256xf32>
    %get3A_55 = arith.constant 0 : index
    %get3A_56 = arith.constant 0 : index
    %get3A_57 = vector.load %arg10[%get3A_55, %get3A_56] : memref<1x256xf32, #tpu.memory_space<vmem>>, vector<1x256xf32>
    %reduce_sum3A = arith.constant dense<0.000000e+00> : vector<2000xf32>
    %reduce_sum3A_58 = vector.multi_reduction <add>, %add3A_51, %reduce_sum3A [1] : vector<2000x256xf32> to vector<2000xf32>
    %broadcast_in_dim3A = vector.shape_cast %reduce_sum3A_58 : vector<2000xf32> to vector<2000x1xf32>
    %div3A = arith.constant 2.560000e+02 : f32
    %div3A_59 = vector.broadcast %div3A : f32 to vector<2000x1xf32>
    %div3A_60 = arith.divf %broadcast_in_dim3A, %div3A_59 : vector<2000x1xf32>
    %jit3A = arith.constant 0 : i32
    %reduce_sum3A_61 = arith.constant dense<0.000000e+00> : vector<2000xf32>
    %reduce_sum3A_62 = vector.multi_reduction <add>, %add3A_51, %reduce_sum3A_61 [1] : vector<2000x256xf32> to vector<2000xf32>
    %broadcast_in_dim3A_63 = vector.shape_cast %reduce_sum3A_62 : vector<2000xf32> to vector<2000x1xf32>
    %div3A_64 = arith.constant 2.560000e+02 : f32
    %div3A_65 = vector.broadcast %div3A_64 : f32 to vector<2000x1xf32>
    %div3A_66 = arith.divf %broadcast_in_dim3A_63, %div3A_65 : vector<2000x1xf32>
    %sub3A = vector.broadcast %div3A_66 : vector<2000x1xf32> to vector<2000x256xf32>
    %sub3A_67 = arith.subf %add3A_51, %sub3A : vector<2000x256xf32>
    %square3A = arith.mulf %sub3A_67, %sub3A_67 : vector<2000x256xf32>
    %convert_element_type3A = arith.sitofp %jit3A : i32 to f32
    %sub3A_68 = arith.constant 2.560000e+02 : f32
    %sub3A_69 = arith.subf %sub3A_68, %convert_element_type3A : f32
    %reduce_sum3A_70 = arith.constant dense<0.000000e+00> : vector<2000xf32>
    %reduce_sum3A_71 = vector.multi_reduction <add>, %square3A, %reduce_sum3A_70 [1] : vector<2000x256xf32> to vector<2000xf32>
    %broadcast_in_dim3A_72 = vector.shape_cast %reduce_sum3A_71 : vector<2000xf32> to vector<2000x1xf32>
    %div3A_73 = vector.broadcast %sub3A_69 : f32 to vector<2000x1xf32>
    %div3A_74 = arith.divf %broadcast_in_dim3A_72, %div3A_73 : vector<2000x1xf32>
    %gt3A = arith.constant 0.000000e+00 : f32
    %gt3A_75 = arith.cmpf ogt, %sub3A_69, %gt3A : f32
    %jit3A_76 = arith.constant 0x7FC00000 : f32
    %broadcast_in_dim3A_77 = vector.broadcast %jit3A_76 : f32 to vector<2000x1xf32>
    %select_n3A = arith.select %gt3A_75, %div3A_74, %broadcast_in_dim3A_77 : vector<2000x1xf32>
    %sub3A_78 = vector.broadcast %div3A_60 : vector<2000x1xf32> to vector<2000x256xf32>
    %sub3A_79 = arith.subf %add3A_51, %sub3A_78 : vector<2000x256xf32>
    %add3A_80 = arith.constant 9.99999974E-6 : f32
    %add3A_81 = vector.broadcast %add3A_80 : f32 to vector<2000x1xf32>
    %add3A_82 = arith.addf %select_n3A, %add3A_81 : vector<2000x1xf32>
    %sqrt3A = math.sqrt %add3A_82 : vector<2000x1xf32>
    %div3A_83 = vector.broadcast %sqrt3A : vector<2000x1xf32> to vector<2000x256xf32>
    %div3A_84 = arith.divf %sub3A_79, %div3A_83 : vector<2000x256xf32>
    %mul3A = vector.broadcast %get3A_54 : vector<1x256xf32> to vector<2000x256xf32>
    %mul3A_85 = arith.mulf %div3A_84, %mul3A : vector<2000x256xf32>
    %add3A_86 = vector.broadcast %get3A_57 : vector<1x256xf32> to vector<2000x256xf32>
    %add3A_87 = arith.addf %mul3A_85, %add3A_86 : vector<2000x256xf32>
    %add3A_88 = arith.addf %add3A_87, %get3A_1 : vector<2000x256xf32>
    %swap3A = arith.constant 0 : index
    %swap3A_89 = arith.constant 0 : index
    %swap3A_90 = vector.load %arg13[%swap3A, %swap3A_89] : memref<2000x256xf32, #tpu.memory_space<vmem>>, vector<2000x256xf32>
    tpu.vector_store %arg13[%swap3A, %swap3A_89], %add3A_88 {strides = array<i32>} : memref<2000x256xf32, #tpu.memory_space<vmem>>, vector<2000x256xf32>,
    %slice3A = vector.extract_strided_slice %add3A_87 {offsets = [0, 0], sizes = [2000, 128], strides = [1, 1]} : vector<2000x256xf32> to vector<2000x128xf32>
    %swap3A_91 = arith.constant 0 : index
    %swap3A_92 = arith.constant 0 : index
    %swap3A_93 = arith.constant 0 : index
    %swap3A_94 = vector.load %arg14[%swap3A_91, %swap3A_92, %swap3A_93] : memref<2x2000x128xf32, #tpu.memory_space<vmem>>, vector<1x2000x128xf32>
    %swap3A_95 = vector.shape_cast %swap3A_94 : vector<1x2000x128xf32> to vector<2000x128xf32>
    %swap3A_96 = vector.shape_cast %slice3A : vector<2000x128xf32> to vector<1x2000x128xf32>
    tpu.vector_store %arg14[%swap3A_91, %swap3A_92, %swap3A_93], %swap3A_96 {strides = array<i32>} : memref<2x2000x128xf32, #tpu.memory_space<vmem>>, vector<1x2000x128xf32>,
    %slice3A_97 = vector.extract_strided_slice %add3A_87 {offsets = [0, 128], sizes = [2000, 128], strides = [1, 1]} : vector<2000x256xf32> to vector<2000x128xf32>
    %swap3A_98 = arith.constant 1 : index
    %swap3A_99 = arith.constant 0 : index
    %swap3A_100 = arith.constant 0 : index
    %swap3A_101 = vector.load %arg14[%swap3A_98, %swap3A_99, %swap3A_100] : memref<2x2000x128xf32, #tpu.memory_space<vmem>>, vector<1x2000x128xf32>
    %swap3A_102 = vector.shape_cast %swap3A_101 : vector<1x2000x128xf32> to vector<2000x128xf32>
    %swap3A_103 = vector.shape_cast %slice3A_97 : vector<2000x128xf32> to vector<1x2000x128xf32>
    tpu.vector_store %arg14[%swap3A_98, %swap3A_99, %swap3A_100], %swap3A_103 {strides = array<i32>} : memref<2x2000x128xf32, #tpu.memory_space<vmem>>, vector<1x2000x128xf32>,
    return
  }
  func.func @transform_0(%arg0: i32) -> (i32, i32) {
    %c0_i32 = arith.constant 0 : i32
    %c0_i32_0 = arith.constant 0 : i32
    return %arg0, %c0_i32 : i32, i32
  }
  func.func @transform_1(%arg0: i32) -> (i32, i32) {
    %c0_i32 = arith.constant 0 : i32
    %c0_i32_0 = arith.constant 0 : i32
    return %arg0, %c0_i32 : i32, i32
  }
  func.func @transform_2(%arg0: i32) -> (i32, i32) {
    %add3A = arith.constant 16 : i32
    %add3A_0 = arith.addi %add3A, %arg0 : i32
    %c0_i32 = arith.constant 0 : i32
    %c0_i32_1 = arith.constant 0 : i32
    return %add3A_0, %c0_i32 : i32, i32
  }
  func.func @transform_3(%arg0: i32) -> (i32, i32) {
    %c0_i32 = arith.constant 0 : i32
    %c0_i32_0 = arith.constant 0 : i32
    %c0_i32_1 = arith.constant 0 : i32
    return %c0_i32, %c0_i32_0 : i32, i32
  }
  func.func @transform_4(%arg0: i32) -> (i32, i32) {
    %c0_i32 = arith.constant 0 : i32
    %c0_i32_0 = arith.constant 0 : i32
    %c0_i32_1 = arith.constant 0 : i32
    return %c0_i32, %c0_i32_0 : i32, i32
  }
  func.func @transform_5(%arg0: i32) -> (i32, i32) {
    %c0_i32 = arith.constant 0 : i32
    %c0_i32_0 = arith.constant 0 : i32
    %c0_i32_1 = arith.constant 0 : i32
    return %c0_i32, %c0_i32_0 : i32, i32
  }
  func.func @transform_6(%arg0: i32) -> (i32, i32) {
    %c0_i32 = arith.constant 0 : i32
    %c0_i32_0 = arith.constant 0 : i32
    %c0_i32_1 = arith.constant 0 : i32
    return %c0_i32, %c0_i32_0 : i32, i32
  }
  func.func @transform_7(%arg0: i32) -> (i32, i32) {
    %c0_i32 = arith.constant 0 : i32
    %c0_i32_0 = arith.constant 0 : i32
    %c0_i32_1 = arith.constant 0 : i32
    return %c0_i32, %c0_i32_0 : i32, i32
  }
  func.func @transform_8(%arg0: i32) -> (i32, i32) {
    %c0_i32 = arith.constant 0 : i32
    %c0_i32_0 = arith.constant 0 : i32
    %c0_i32_1 = arith.constant 0 : i32
    return %c0_i32, %c0_i32_0 : i32, i32
  }
  func.func @transform_9(%arg0: i32) -> (i32, i32) {
    %c0_i32 = arith.constant 0 : i32
    %c0_i32_0 = arith.constant 0 : i32
    %c0_i32_1 = arith.constant 0 : i32
    return %c0_i32, %c0_i32_0 : i32, i32
  }
  func.func @transform_12(%arg0: i32) -> (i32, i32) {
    %add3A = arith.constant 16 : i32
    %add3A_0 = arith.addi %add3A, %arg0 : i32
    %c0_i32 = arith.constant 0 : i32
    %c0_i32_1 = arith.constant 0 : i32
    return %add3A_0, %c0_i32 : i32, i32
  }
  func.func @transform_13(%arg0: i32) -> (i32, i32, i32) {
    %add3A = arith.constant 16 : i32
    %add3A_0 = arith.addi %add3A, %arg0 : i32
    %c0_i32 = arith.constant 0 : i32
    %c0_i32_1 = arith.constant 0 : i32
    %c0_i32_2 = arith.constant 0 : i32
    return %c0_i32, %add3A_0, %c0_i32_1 : i32, i32, i32
  }
}

module attributes {stable_mosaic.version = 14 : i64} {
  func.func @_edge_body(%arg0: i32, %arg1: memref<2000x128xi32, #tpu.memory_space<vmem>>, %arg2: memref<2000x128xi32, #tpu.memory_space<vmem>>, %arg3: memref<2000x256xf32, #tpu.memory_space<vmem>>, %arg4: memref<256x256xf32, #tpu.memory_space<vmem>>, %arg5: memref<256x256xf32, #tpu.memory_space<vmem>>, %arg6: memref<256x256xf32, #tpu.memory_space<vmem>>, %arg7: memref<1x256xf32, #tpu.memory_space<vmem>>, %arg8: memref<1x256xf32, #tpu.memory_space<vmem>>, %arg9: memref<1x256xf32, #tpu.memory_space<vmem>>, %arg10: memref<1x256xf32, #tpu.memory_space<vmem>>, %arg11: memref<160000x256xf32, #tpu.memory_space<any>>, %arg12: memref<2x160000x128xf32, #tpu.memory_space<any>>, %arg13: memref<2000x256xf32, #tpu.memory_space<vmem>>, %arg14: memref<2x2000x128xf32, #tpu.memory_space<vmem>>) attributes {dimension_semantics = [#tpu.dimension_semantics<arbitrary>], iteration_bounds = array<i64: 16>, scalar_prefetch = 0 : i64, scratch_operands = 0 : i64, tpu.core_type = #tpu.core_type<tc>, window_params = [{transform_indices = @transform_0, window_bounds = array<i64: 2000, 128>}, {transform_indices = @transform_1, window_bounds = array<i64: 2000, 128>}, {transform_indices = @transform_2, window_bounds = array<i64: 2000, 256>}, {pipeline_mode = #tpu.pipeline_mode<synchronous>, transform_indices = @transform_3, window_bounds = array<i64: 256, 256>}, {pipeline_mode = #tpu.pipeline_mode<synchronous>, transform_indices = @transform_4, window_bounds = array<i64: 256, 256>}, {pipeline_mode = #tpu.pipeline_mode<synchronous>, transform_indices = @transform_5, window_bounds = array<i64: 256, 256>}, {pipeline_mode = #tpu.pipeline_mode<synchronous>, transform_indices = @transform_6, window_bounds = array<i64: 1, 256>}, {pipeline_mode = #tpu.pipeline_mode<synchronous>, transform_indices = @transform_7, window_bounds = array<i64: 1, 256>}, {pipeline_mode = #tpu.pipeline_mode<synchronous>, transform_indices = @transform_8, window_bounds = array<i64: 1, 256>}, {pipeline_mode = #tpu.pipeline_mode<synchronous>, transform_indices = @transform_9, window_bounds = array<i64: 1, 256>}, {}, {}, {transform_indices = @transform_12, window_bounds = array<i64: 2000, 256>}, {transform_indices = @transform_13, window_bounds = array<i64: 2, 2000, 128>}]} {
    %get3A = arith.constant 0 : index
    %get3A_0 = arith.constant 0 : index
    %get3A_1 = vector.load %arg3[%get3A, %get3A_0] : memref<2000x256xf32, #tpu.memory_space<vmem>>, vector<2000x256xf32>
    %get3A_2 = arith.constant 0 : index
    %get3A_3 = arith.constant 0 : index
    %get3A_4 = vector.load %arg1[%get3A_2, %get3A_3] : memref<2000x128xi32, #tpu.memory_space<vmem>>, vector<2000x128xi32>
    %shift_left3A = arith.constant 16 : i32
    %shift_left3A_5 = vector.broadcast %shift_left3A : i32 to vector<2000x128xi32>
    %shift_left3A_6 = arith.shli %get3A_4, %shift_left3A_5 : vector<2000x128xi32>
    %bitcast_convert_type3A = tpu.bitcast %shift_left3A_6 : vector<2000x128xi32> -> vector<2000x128xf32>
    %and3A = arith.constant -65536 : i32
    %and3A_7 = vector.broadcast %and3A : i32 to vector<2000x128xi32>
    %and3A_8 = arith.andi %get3A_4, %and3A_7 : vector<2000x128xi32>
    %bitcast_convert_type3A_9 = tpu.bitcast %and3A_8 : vector<2000x128xi32> -> vector<2000x128xf32>
    %get3A_10 = arith.constant 0 : index
    %get3A_11 = arith.constant 0 : index
    %get3A_12 = vector.load %arg2[%get3A_10, %get3A_11] : memref<2000x128xi32, #tpu.memory_space<vmem>>, vector<2000x128xi32>
    %shift_left3A_13 = arith.constant 16 : i32
    %shift_left3A_14 = vector.broadcast %shift_left3A_13 : i32 to vector<2000x128xi32>
    %shift_left3A_15 = arith.shli %get3A_12, %shift_left3A_14 : vector<2000x128xi32>
    %bitcast_convert_type3A_16 = tpu.bitcast %shift_left3A_15 : vector<2000x128xi32> -> vector<2000x128xf32>
    %and3A_17 = arith.constant -65536 : i32
    %and3A_18 = vector.broadcast %and3A_17 : i32 to vector<2000x128xi32>
    %and3A_19 = arith.andi %get3A_12, %and3A_18 : vector<2000x128xi32>
    %bitcast_convert_type3A_20 = tpu.bitcast %and3A_19 : vector<2000x128xi32> -> vector<2000x128xf32>
    %add3A = arith.addf %bitcast_convert_type3A, %bitcast_convert_type3A_16 : vector<2000x128xf32>
    %add3A_21 = arith.addf %bitcast_convert_type3A_9, %bitcast_convert_type3A_20 : vector<2000x128xf32>
    %concatenate3A = tpu.concatenate %add3A, %add3A_21 in 1 : vector<2000x128xf32>, vector<2000x128xf32> -> vector<2000x256xf32>
    %get3A_22 = arith.constant 0 : index
    %get3A_23 = arith.constant 0 : index
    %get3A_24 = vector.load %arg4[%get3A_22, %get3A_23] : memref<256x256xf32, #tpu.memory_space<vmem>>, vector<256x256xf32>
    %dot_general3A = arith.constant dense<0.000000e+00> : vector<2000x256xf32>
    %dot_general3A_25 = tpu.matmul %get3A_1, %get3A_24, %dot_general3A {dimension_numbers = #tpu.dot_dimension_numbers<[1], [0], [0], [1], [0, 0, 1, 1], [], []>, transpose_lhs_hint = false} : vector<2000x256xf32>, vector<256x256xf32>, vector<2000x256xf32> -> vector<2000x256xf32>
    %add3A_26 = arith.addf %concatenate3A, %dot_general3A_25 : vector<2000x256xf32>
    %max3A = arith.constant 0.000000e+00 : f32
    %max3A_27 = vector.broadcast %max3A : f32 to vector<2000x256xf32>
    %max3A_28 = arith.maximumf %add3A_26, %max3A_27 : vector<2000x256xf32>
    %get3A_29 = arith.constant 0 : index
    %get3A_30 = arith.constant 0 : index
    %get3A_31 = vector.load %arg5[%get3A_29, %get3A_30] : memref<256x256xf32, #tpu.memory_space<vmem>>, vector<256x256xf32>
    %dot_general3A_32 = arith.constant dense<0.000000e+00> : vector<2000x256xf32>
    %dot_general3A_33 = tpu.matmul %max3A_28, %get3A_31, %dot_general3A_32 {dimension_numbers = #tpu.dot_dimension_numbers<[1], [0], [0], [1], [0, 0, 1, 1], [], []>, transpose_lhs_hint = false} : vector<2000x256xf32>, vector<256x256xf32>, vector<2000x256xf32> -> vector<2000x256xf32>
    %get3A_34 = arith.constant 0 : index
    %get3A_35 = arith.constant 0 : index
    %get3A_36 = vector.load %arg7[%get3A_34, %get3A_35] : memref<1x256xf32, #tpu.memory_space<vmem>>, vector<1x256xf32>
    %add3A_37 = vector.broadcast %get3A_36 : vector<1x256xf32> to vector<2000x256xf32>
    %add3A_38 = arith.addf %dot_general3A_33, %add3A_37 : vector<2000x256xf32>
    %max3A_39 = arith.constant 0.000000e+00 : f32
    %max3A_40 = vector.broadcast %max3A_39 : f32 to vector<2000x256xf32>
    %max3A_41 = arith.maximumf %add3A_38, %max3A_40 : vector<2000x256xf32>
    %get3A_42 = arith.constant 0 : index
    %get3A_43 = arith.constant 0 : index
    %get3A_44 = vector.load %arg6[%get3A_42, %get3A_43] : memref<256x256xf32, #tpu.memory_space<vmem>>, vector<256x256xf32>
    %dot_general3A_45 = arith.constant dense<0.000000e+00> : vector<2000x256xf32>
    %dot_general3A_46 = tpu.matmul %max3A_41, %get3A_44, %dot_general3A_45 {dimension_numbers = #tpu.dot_dimension_numbers<[1], [0], [0], [1], [0, 0, 1, 1], [], []>, transpose_lhs_hint = false} : vector<2000x256xf32>, vector<256x256xf32>, vector<2000x256xf32> -> vector<2000x256xf32>
    %get3A_47 = arith.constant 0 : index
    %get3A_48 = arith.constant 0 : index
    %get3A_49 = vector.load %arg8[%get3A_47, %get3A_48] : memref<1x256xf32, #tpu.memory_space<vmem>>, vector<1x256xf32>
    %add3A_50 = vector.broadcast %get3A_49 : vector<1x256xf32> to vector<2000x256xf32>
    %add3A_51 = arith.addf %dot_general3A_46, %add3A_50 : vector<2000x256xf32>
    %get3A_52 = arith.constant 0 : index
    %get3A_53 = arith.constant 0 : index
    %get3A_54 = vector.load %arg9[%get3A_52, %get3A_53] : memref<1x256xf32, #tpu.memory_space<vmem>>, vector<1x256xf32>
    %get3A_55 = arith.constant 0 : index
    %get3A_56 = arith.constant 0 : index
    %get3A_57 = vector.load %arg10[%get3A_55, %get3A_56] : memref<1x256xf32, #tpu.memory_space<vmem>>, vector<1x256xf32>
    %reduce_sum3A = arith.constant dense<0.000000e+00> : vector<2000xf32>
    %reduce_sum3A_58 = vector.multi_reduction <add>, %add3A_51, %reduce_sum3A [1] : vector<2000x256xf32> to vector<2000xf32>
    %broadcast_in_dim3A = vector.shape_cast %reduce_sum3A_58 : vector<2000xf32> to vector<2000x1xf32>
    %div3A = arith.constant 2.560000e+02 : f32
    %div3A_59 = vector.broadcast %div3A : f32 to vector<2000x1xf32>
    %div3A_60 = arith.divf %broadcast_in_dim3A, %div3A_59 : vector<2000x1xf32>
    %jit3A = arith.constant 0 : i32
    %reduce_sum3A_61 = arith.constant dense<0.000000e+00> : vector<2000xf32>
    %reduce_sum3A_62 = vector.multi_reduction <add>, %add3A_51, %reduce_sum3A_61 [1] : vector<2000x256xf32> to vector<2000xf32>
    %broadcast_in_dim3A_63 = vector.shape_cast %reduce_sum3A_62 : vector<2000xf32> to vector<2000x1xf32>
    %div3A_64 = arith.constant 2.560000e+02 : f32
    %div3A_65 = vector.broadcast %div3A_64 : f32 to vector<2000x1xf32>
    %div3A_66 = arith.divf %broadcast_in_dim3A_63, %div3A_65 : vector<2000x1xf32>
    %sub3A = vector.broadcast %div3A_66 : vector<2000x1xf32> to vector<2000x256xf32>
    %sub3A_67 = arith.subf %add3A_51, %sub3A : vector<2000x256xf32>
    %square3A = arith.mulf %sub3A_67, %sub3A_67 : vector<2000x256xf32>
    %convert_element_type3A = arith.sitofp %jit3A : i32 to f32
    %sub3A_68 = arith.constant 2.560000e+02 : f32
    %sub3A_69 = arith.subf %sub3A_68, %convert_element_type3A : f32
    %reduce_sum3A_70 = arith.constant dense<0.000000e+00> : vector<2000xf32>
    %reduce_sum3A_71 = vector.multi_reduction <add>, %square3A, %reduce_sum3A_70 [1] : vector<2000x256xf32> to vector<2000xf32>
    %broadcast_in_dim3A_72 = vector.shape_cast %reduce_sum3A_71 : vector<2000xf32> to vector<2000x1xf32>
    %div3A_73 = vector.broadcast %sub3A_69 : f32 to vector<2000x1xf32>
    %div3A_74 = arith.divf %broadcast_in_dim3A_72, %div3A_73 : vector<2000x1xf32>
    %gt3A = arith.constant 0.000000e+00 : f32
    %gt3A_75 = arith.cmpf ogt, %sub3A_69, %gt3A : f32
    %jit3A_76 = arith.constant 0x7FC00000 : f32
    %broadcast_in_dim3A_77 = vector.broadcast %jit3A_76 : f32 to vector<2000x1xf32>
    %select_n3A = arith.select %gt3A_75, %div3A_74, %broadcast_in_dim3A_77 : vector<2000x1xf32>
    %sub3A_78 = vector.broadcast %div3A_60 : vector<2000x1xf32> to vector<2000x256xf32>
    %sub3A_79 = arith.subf %add3A_51, %sub3A_78 : vector<2000x256xf32>
    %add3A_80 = arith.constant 9.99999974E-6 : f32
    %add3A_81 = vector.broadcast %add3A_80 : f32 to vector<2000x1xf32>
    %add3A_82 = arith.addf %select_n3A, %add3A_81 : vector<2000x1xf32>
    %sqrt3A = math.sqrt %add3A_82 : vector<2000x1xf32>
    %div3A_83 = vector.broadcast %sqrt3A : vector<2000x1xf32> to vector<2000x256xf32>
    %div3A_84 = arith.divf %sub3A_79, %div3A_83 : vector<2000x256xf32>
    %mul3A = vector.broadcast %get3A_54 : vector<1x256xf32> to vector<2000x256xf32>
    %mul3A_85 = arith.mulf %div3A_84, %mul3A : vector<2000x256xf32>
    %add3A_86 = vector.broadcast %get3A_57 : vector<1x256xf32> to vector<2000x256xf32>
    %add3A_87 = arith.addf %mul3A_85, %add3A_86 : vector<2000x256xf32>
    %add3A_88 = arith.addf %add3A_87, %get3A_1 : vector<2000x256xf32>
    %swap3A = arith.constant 0 : index
    %swap3A_89 = arith.constant 0 : index
    %swap3A_90 = vector.load %arg13[%swap3A, %swap3A_89] : memref<2000x256xf32, #tpu.memory_space<vmem>>, vector<2000x256xf32>
    tpu.vector_store %arg13[%swap3A, %swap3A_89], %add3A_88 {strides = array<i32>} : memref<2000x256xf32, #tpu.memory_space<vmem>>, vector<2000x256xf32>,
    %slice3A = vector.extract_strided_slice %add3A_87 {offsets = [0, 0], sizes = [2000, 128], strides = [1, 1]} : vector<2000x256xf32> to vector<2000x128xf32>
    %swap3A_91 = arith.constant 0 : index
    %swap3A_92 = arith.constant 0 : index
    %swap3A_93 = arith.constant 0 : index
    %swap3A_94 = vector.load %arg14[%swap3A_91, %swap3A_92, %swap3A_93] : memref<2x2000x128xf32, #tpu.memory_space<vmem>>, vector<1x2000x128xf32>
    %swap3A_95 = vector.shape_cast %swap3A_94 : vector<1x2000x128xf32> to vector<2000x128xf32>
    %swap3A_96 = vector.shape_cast %slice3A : vector<2000x128xf32> to vector<1x2000x128xf32>
    tpu.vector_store %arg14[%swap3A_91, %swap3A_92, %swap3A_93], %swap3A_96 {strides = array<i32>} : memref<2x2000x128xf32, #tpu.memory_space<vmem>>, vector<1x2000x128xf32>,
    %slice3A_97 = vector.extract_strided_slice %add3A_87 {offsets = [0, 128], sizes = [2000, 128], strides = [1, 1]} : vector<2000x256xf32> to vector<2000x128xf32>
    %swap3A_98 = arith.constant 1 : index
    %swap3A_99 = arith.constant 0 : index
    %swap3A_100 = arith.constant 0 : index
    %swap3A_101 = vector.load %arg14[%swap3A_98, %swap3A_99, %swap3A_100] : memref<2x2000x128xf32, #tpu.memory_space<vmem>>, vector<1x2000x128xf32>
    %swap3A_102 = vector.shape_cast %swap3A_101 : vector<1x2000x128xf32> to vector<2000x128xf32>
    %swap3A_103 = vector.shape_cast %slice3A_97 : vector<2000x128xf32> to vector<1x2000x128xf32>
    tpu.vector_store %arg14[%swap3A_98, %swap3A_99, %swap3A_100], %swap3A_103 {strides = array<i32>} : memref<2x2000x128xf32, #tpu.memory_space<vmem>>, vector<1x2000x128xf32>,
    return
  }
  func.func @transform_0(%arg0: i32) -> (i32, i32) {
    %c0_i32 = arith.constant 0 : i32
    %c0_i32_0 = arith.constant 0 : i32
    return %arg0, %c0_i32 : i32, i32
  }
  func.func @transform_1(%arg0: i32) -> (i32, i32) {
    %c0_i32 = arith.constant 0 : i32
    %c0_i32_0 = arith.constant 0 : i32
    return %arg0, %c0_i32 : i32, i32
  }
  func.func @transform_2(%arg0: i32) -> (i32, i32) {
    %add3A = arith.constant 32 : i32
    %add3A_0 = arith.addi %add3A, %arg0 : i32
    %c0_i32 = arith.constant 0 : i32
    %c0_i32_1 = arith.constant 0 : i32
    return %add3A_0, %c0_i32 : i32, i32
  }
  func.func @transform_3(%arg0: i32) -> (i32, i32) {
    %c0_i32 = arith.constant 0 : i32
    %c0_i32_0 = arith.constant 0 : i32
    %c0_i32_1 = arith.constant 0 : i32
    return %c0_i32, %c0_i32_0 : i32, i32
  }
  func.func @transform_4(%arg0: i32) -> (i32, i32) {
    %c0_i32 = arith.constant 0 : i32
    %c0_i32_0 = arith.constant 0 : i32
    %c0_i32_1 = arith.constant 0 : i32
    return %c0_i32, %c0_i32_0 : i32, i32
  }
  func.func @transform_5(%arg0: i32) -> (i32, i32) {
    %c0_i32 = arith.constant 0 : i32
    %c0_i32_0 = arith.constant 0 : i32
    %c0_i32_1 = arith.constant 0 : i32
    return %c0_i32, %c0_i32_0 : i32, i32
  }
  func.func @transform_6(%arg0: i32) -> (i32, i32) {
    %c0_i32 = arith.constant 0 : i32
    %c0_i32_0 = arith.constant 0 : i32
    %c0_i32_1 = arith.constant 0 : i32
    return %c0_i32, %c0_i32_0 : i32, i32
  }
  func.func @transform_7(%arg0: i32) -> (i32, i32) {
    %c0_i32 = arith.constant 0 : i32
    %c0_i32_0 = arith.constant 0 : i32
    %c0_i32_1 = arith.constant 0 : i32
    return %c0_i32, %c0_i32_0 : i32, i32
  }
  func.func @transform_8(%arg0: i32) -> (i32, i32) {
    %c0_i32 = arith.constant 0 : i32
    %c0_i32_0 = arith.constant 0 : i32
    %c0_i32_1 = arith.constant 0 : i32
    return %c0_i32, %c0_i32_0 : i32, i32
  }
  func.func @transform_9(%arg0: i32) -> (i32, i32) {
    %c0_i32 = arith.constant 0 : i32
    %c0_i32_0 = arith.constant 0 : i32
    %c0_i32_1 = arith.constant 0 : i32
    return %c0_i32, %c0_i32_0 : i32, i32
  }
  func.func @transform_12(%arg0: i32) -> (i32, i32) {
    %add3A = arith.constant 32 : i32
    %add3A_0 = arith.addi %add3A, %arg0 : i32
    %c0_i32 = arith.constant 0 : i32
    %c0_i32_1 = arith.constant 0 : i32
    return %add3A_0, %c0_i32 : i32, i32
  }
  func.func @transform_13(%arg0: i32) -> (i32, i32, i32) {
    %add3A = arith.constant 32 : i32
    %add3A_0 = arith.addi %add3A, %arg0 : i32
    %c0_i32 = arith.constant 0 : i32
    %c0_i32_1 = arith.constant 0 : i32
    %c0_i32_2 = arith.constant 0 : i32
    return %c0_i32, %add3A_0, %c0_i32_1 : i32, i32, i32
  }
}

module attributes {stable_mosaic.version = 14 : i64} {
  func.func @_edge_body(%arg0: i32, %arg1: memref<2000x128xi32, #tpu.memory_space<vmem>>, %arg2: memref<2000x128xi32, #tpu.memory_space<vmem>>, %arg3: memref<2000x256xf32, #tpu.memory_space<vmem>>, %arg4: memref<256x256xf32, #tpu.memory_space<vmem>>, %arg5: memref<256x256xf32, #tpu.memory_space<vmem>>, %arg6: memref<256x256xf32, #tpu.memory_space<vmem>>, %arg7: memref<1x256xf32, #tpu.memory_space<vmem>>, %arg8: memref<1x256xf32, #tpu.memory_space<vmem>>, %arg9: memref<1x256xf32, #tpu.memory_space<vmem>>, %arg10: memref<1x256xf32, #tpu.memory_space<vmem>>, %arg11: memref<160000x256xf32, #tpu.memory_space<any>>, %arg12: memref<2x160000x128xf32, #tpu.memory_space<any>>, %arg13: memref<2000x256xf32, #tpu.memory_space<vmem>>, %arg14: memref<2x2000x128xf32, #tpu.memory_space<vmem>>) attributes {dimension_semantics = [#tpu.dimension_semantics<arbitrary>], iteration_bounds = array<i64: 16>, scalar_prefetch = 0 : i64, scratch_operands = 0 : i64, tpu.core_type = #tpu.core_type<tc>, window_params = [{transform_indices = @transform_0, window_bounds = array<i64: 2000, 128>}, {transform_indices = @transform_1, window_bounds = array<i64: 2000, 128>}, {transform_indices = @transform_2, window_bounds = array<i64: 2000, 256>}, {pipeline_mode = #tpu.pipeline_mode<synchronous>, transform_indices = @transform_3, window_bounds = array<i64: 256, 256>}, {pipeline_mode = #tpu.pipeline_mode<synchronous>, transform_indices = @transform_4, window_bounds = array<i64: 256, 256>}, {pipeline_mode = #tpu.pipeline_mode<synchronous>, transform_indices = @transform_5, window_bounds = array<i64: 256, 256>}, {pipeline_mode = #tpu.pipeline_mode<synchronous>, transform_indices = @transform_6, window_bounds = array<i64: 1, 256>}, {pipeline_mode = #tpu.pipeline_mode<synchronous>, transform_indices = @transform_7, window_bounds = array<i64: 1, 256>}, {pipeline_mode = #tpu.pipeline_mode<synchronous>, transform_indices = @transform_8, window_bounds = array<i64: 1, 256>}, {pipeline_mode = #tpu.pipeline_mode<synchronous>, transform_indices = @transform_9, window_bounds = array<i64: 1, 256>}, {}, {}, {transform_indices = @transform_12, window_bounds = array<i64: 2000, 256>}, {transform_indices = @transform_13, window_bounds = array<i64: 2, 2000, 128>}]} {
    %get3A = arith.constant 0 : index
    %get3A_0 = arith.constant 0 : index
    %get3A_1 = vector.load %arg3[%get3A, %get3A_0] : memref<2000x256xf32, #tpu.memory_space<vmem>>, vector<2000x256xf32>
    %get3A_2 = arith.constant 0 : index
    %get3A_3 = arith.constant 0 : index
    %get3A_4 = vector.load %arg1[%get3A_2, %get3A_3] : memref<2000x128xi32, #tpu.memory_space<vmem>>, vector<2000x128xi32>
    %shift_left3A = arith.constant 16 : i32
    %shift_left3A_5 = vector.broadcast %shift_left3A : i32 to vector<2000x128xi32>
    %shift_left3A_6 = arith.shli %get3A_4, %shift_left3A_5 : vector<2000x128xi32>
    %bitcast_convert_type3A = tpu.bitcast %shift_left3A_6 : vector<2000x128xi32> -> vector<2000x128xf32>
    %and3A = arith.constant -65536 : i32
    %and3A_7 = vector.broadcast %and3A : i32 to vector<2000x128xi32>
    %and3A_8 = arith.andi %get3A_4, %and3A_7 : vector<2000x128xi32>
    %bitcast_convert_type3A_9 = tpu.bitcast %and3A_8 : vector<2000x128xi32> -> vector<2000x128xf32>
    %get3A_10 = arith.constant 0 : index
    %get3A_11 = arith.constant 0 : index
    %get3A_12 = vector.load %arg2[%get3A_10, %get3A_11] : memref<2000x128xi32, #tpu.memory_space<vmem>>, vector<2000x128xi32>
    %shift_left3A_13 = arith.constant 16 : i32
    %shift_left3A_14 = vector.broadcast %shift_left3A_13 : i32 to vector<2000x128xi32>
    %shift_left3A_15 = arith.shli %get3A_12, %shift_left3A_14 : vector<2000x128xi32>
    %bitcast_convert_type3A_16 = tpu.bitcast %shift_left3A_15 : vector<2000x128xi32> -> vector<2000x128xf32>
    %and3A_17 = arith.constant -65536 : i32
    %and3A_18 = vector.broadcast %and3A_17 : i32 to vector<2000x128xi32>
    %and3A_19 = arith.andi %get3A_12, %and3A_18 : vector<2000x128xi32>
    %bitcast_convert_type3A_20 = tpu.bitcast %and3A_19 : vector<2000x128xi32> -> vector<2000x128xf32>
    %add3A = arith.addf %bitcast_convert_type3A, %bitcast_convert_type3A_16 : vector<2000x128xf32>
    %add3A_21 = arith.addf %bitcast_convert_type3A_9, %bitcast_convert_type3A_20 : vector<2000x128xf32>
    %concatenate3A = tpu.concatenate %add3A, %add3A_21 in 1 : vector<2000x128xf32>, vector<2000x128xf32> -> vector<2000x256xf32>
    %get3A_22 = arith.constant 0 : index
    %get3A_23 = arith.constant 0 : index
    %get3A_24 = vector.load %arg4[%get3A_22, %get3A_23] : memref<256x256xf32, #tpu.memory_space<vmem>>, vector<256x256xf32>
    %dot_general3A = arith.constant dense<0.000000e+00> : vector<2000x256xf32>
    %dot_general3A_25 = tpu.matmul %get3A_1, %get3A_24, %dot_general3A {dimension_numbers = #tpu.dot_dimension_numbers<[1], [0], [0], [1], [0, 0, 1, 1], [], []>, transpose_lhs_hint = false} : vector<2000x256xf32>, vector<256x256xf32>, vector<2000x256xf32> -> vector<2000x256xf32>
    %add3A_26 = arith.addf %concatenate3A, %dot_general3A_25 : vector<2000x256xf32>
    %max3A = arith.constant 0.000000e+00 : f32
    %max3A_27 = vector.broadcast %max3A : f32 to vector<2000x256xf32>
    %max3A_28 = arith.maximumf %add3A_26, %max3A_27 : vector<2000x256xf32>
    %get3A_29 = arith.constant 0 : index
    %get3A_30 = arith.constant 0 : index
    %get3A_31 = vector.load %arg5[%get3A_29, %get3A_30] : memref<256x256xf32, #tpu.memory_space<vmem>>, vector<256x256xf32>
    %dot_general3A_32 = arith.constant dense<0.000000e+00> : vector<2000x256xf32>
    %dot_general3A_33 = tpu.matmul %max3A_28, %get3A_31, %dot_general3A_32 {dimension_numbers = #tpu.dot_dimension_numbers<[1], [0], [0], [1], [0, 0, 1, 1], [], []>, transpose_lhs_hint = false} : vector<2000x256xf32>, vector<256x256xf32>, vector<2000x256xf32> -> vector<2000x256xf32>
    %get3A_34 = arith.constant 0 : index
    %get3A_35 = arith.constant 0 : index
    %get3A_36 = vector.load %arg7[%get3A_34, %get3A_35] : memref<1x256xf32, #tpu.memory_space<vmem>>, vector<1x256xf32>
    %add3A_37 = vector.broadcast %get3A_36 : vector<1x256xf32> to vector<2000x256xf32>
    %add3A_38 = arith.addf %dot_general3A_33, %add3A_37 : vector<2000x256xf32>
    %max3A_39 = arith.constant 0.000000e+00 : f32
    %max3A_40 = vector.broadcast %max3A_39 : f32 to vector<2000x256xf32>
    %max3A_41 = arith.maximumf %add3A_38, %max3A_40 : vector<2000x256xf32>
    %get3A_42 = arith.constant 0 : index
    %get3A_43 = arith.constant 0 : index
    %get3A_44 = vector.load %arg6[%get3A_42, %get3A_43] : memref<256x256xf32, #tpu.memory_space<vmem>>, vector<256x256xf32>
    %dot_general3A_45 = arith.constant dense<0.000000e+00> : vector<2000x256xf32>
    %dot_general3A_46 = tpu.matmul %max3A_41, %get3A_44, %dot_general3A_45 {dimension_numbers = #tpu.dot_dimension_numbers<[1], [0], [0], [1], [0, 0, 1, 1], [], []>, transpose_lhs_hint = false} : vector<2000x256xf32>, vector<256x256xf32>, vector<2000x256xf32> -> vector<2000x256xf32>
    %get3A_47 = arith.constant 0 : index
    %get3A_48 = arith.constant 0 : index
    %get3A_49 = vector.load %arg8[%get3A_47, %get3A_48] : memref<1x256xf32, #tpu.memory_space<vmem>>, vector<1x256xf32>
    %add3A_50 = vector.broadcast %get3A_49 : vector<1x256xf32> to vector<2000x256xf32>
    %add3A_51 = arith.addf %dot_general3A_46, %add3A_50 : vector<2000x256xf32>
    %get3A_52 = arith.constant 0 : index
    %get3A_53 = arith.constant 0 : index
    %get3A_54 = vector.load %arg9[%get3A_52, %get3A_53] : memref<1x256xf32, #tpu.memory_space<vmem>>, vector<1x256xf32>
    %get3A_55 = arith.constant 0 : index
    %get3A_56 = arith.constant 0 : index
    %get3A_57 = vector.load %arg10[%get3A_55, %get3A_56] : memref<1x256xf32, #tpu.memory_space<vmem>>, vector<1x256xf32>
    %reduce_sum3A = arith.constant dense<0.000000e+00> : vector<2000xf32>
    %reduce_sum3A_58 = vector.multi_reduction <add>, %add3A_51, %reduce_sum3A [1] : vector<2000x256xf32> to vector<2000xf32>
    %broadcast_in_dim3A = vector.shape_cast %reduce_sum3A_58 : vector<2000xf32> to vector<2000x1xf32>
    %div3A = arith.constant 2.560000e+02 : f32
    %div3A_59 = vector.broadcast %div3A : f32 to vector<2000x1xf32>
    %div3A_60 = arith.divf %broadcast_in_dim3A, %div3A_59 : vector<2000x1xf32>
    %jit3A = arith.constant 0 : i32
    %reduce_sum3A_61 = arith.constant dense<0.000000e+00> : vector<2000xf32>
    %reduce_sum3A_62 = vector.multi_reduction <add>, %add3A_51, %reduce_sum3A_61 [1] : vector<2000x256xf32> to vector<2000xf32>
    %broadcast_in_dim3A_63 = vector.shape_cast %reduce_sum3A_62 : vector<2000xf32> to vector<2000x1xf32>
    %div3A_64 = arith.constant 2.560000e+02 : f32
    %div3A_65 = vector.broadcast %div3A_64 : f32 to vector<2000x1xf32>
    %div3A_66 = arith.divf %broadcast_in_dim3A_63, %div3A_65 : vector<2000x1xf32>
    %sub3A = vector.broadcast %div3A_66 : vector<2000x1xf32> to vector<2000x256xf32>
    %sub3A_67 = arith.subf %add3A_51, %sub3A : vector<2000x256xf32>
    %square3A = arith.mulf %sub3A_67, %sub3A_67 : vector<2000x256xf32>
    %convert_element_type3A = arith.sitofp %jit3A : i32 to f32
    %sub3A_68 = arith.constant 2.560000e+02 : f32
    %sub3A_69 = arith.subf %sub3A_68, %convert_element_type3A : f32
    %reduce_sum3A_70 = arith.constant dense<0.000000e+00> : vector<2000xf32>
    %reduce_sum3A_71 = vector.multi_reduction <add>, %square3A, %reduce_sum3A_70 [1] : vector<2000x256xf32> to vector<2000xf32>
    %broadcast_in_dim3A_72 = vector.shape_cast %reduce_sum3A_71 : vector<2000xf32> to vector<2000x1xf32>
    %div3A_73 = vector.broadcast %sub3A_69 : f32 to vector<2000x1xf32>
    %div3A_74 = arith.divf %broadcast_in_dim3A_72, %div3A_73 : vector<2000x1xf32>
    %gt3A = arith.constant 0.000000e+00 : f32
    %gt3A_75 = arith.cmpf ogt, %sub3A_69, %gt3A : f32
    %jit3A_76 = arith.constant 0x7FC00000 : f32
    %broadcast_in_dim3A_77 = vector.broadcast %jit3A_76 : f32 to vector<2000x1xf32>
    %select_n3A = arith.select %gt3A_75, %div3A_74, %broadcast_in_dim3A_77 : vector<2000x1xf32>
    %sub3A_78 = vector.broadcast %div3A_60 : vector<2000x1xf32> to vector<2000x256xf32>
    %sub3A_79 = arith.subf %add3A_51, %sub3A_78 : vector<2000x256xf32>
    %add3A_80 = arith.constant 9.99999974E-6 : f32
    %add3A_81 = vector.broadcast %add3A_80 : f32 to vector<2000x1xf32>
    %add3A_82 = arith.addf %select_n3A, %add3A_81 : vector<2000x1xf32>
    %sqrt3A = math.sqrt %add3A_82 : vector<2000x1xf32>
    %div3A_83 = vector.broadcast %sqrt3A : vector<2000x1xf32> to vector<2000x256xf32>
    %div3A_84 = arith.divf %sub3A_79, %div3A_83 : vector<2000x256xf32>
    %mul3A = vector.broadcast %get3A_54 : vector<1x256xf32> to vector<2000x256xf32>
    %mul3A_85 = arith.mulf %div3A_84, %mul3A : vector<2000x256xf32>
    %add3A_86 = vector.broadcast %get3A_57 : vector<1x256xf32> to vector<2000x256xf32>
    %add3A_87 = arith.addf %mul3A_85, %add3A_86 : vector<2000x256xf32>
    %add3A_88 = arith.addf %add3A_87, %get3A_1 : vector<2000x256xf32>
    %swap3A = arith.constant 0 : index
    %swap3A_89 = arith.constant 0 : index
    %swap3A_90 = vector.load %arg13[%swap3A, %swap3A_89] : memref<2000x256xf32, #tpu.memory_space<vmem>>, vector<2000x256xf32>
    tpu.vector_store %arg13[%swap3A, %swap3A_89], %add3A_88 {strides = array<i32>} : memref<2000x256xf32, #tpu.memory_space<vmem>>, vector<2000x256xf32>,
    %slice3A = vector.extract_strided_slice %add3A_87 {offsets = [0, 0], sizes = [2000, 128], strides = [1, 1]} : vector<2000x256xf32> to vector<2000x128xf32>
    %swap3A_91 = arith.constant 0 : index
    %swap3A_92 = arith.constant 0 : index
    %swap3A_93 = arith.constant 0 : index
    %swap3A_94 = vector.load %arg14[%swap3A_91, %swap3A_92, %swap3A_93] : memref<2x2000x128xf32, #tpu.memory_space<vmem>>, vector<1x2000x128xf32>
    %swap3A_95 = vector.shape_cast %swap3A_94 : vector<1x2000x128xf32> to vector<2000x128xf32>
    %swap3A_96 = vector.shape_cast %slice3A : vector<2000x128xf32> to vector<1x2000x128xf32>
    tpu.vector_store %arg14[%swap3A_91, %swap3A_92, %swap3A_93], %swap3A_96 {strides = array<i32>} : memref<2x2000x128xf32, #tpu.memory_space<vmem>>, vector<1x2000x128xf32>,
    %slice3A_97 = vector.extract_strided_slice %add3A_87 {offsets = [0, 128], sizes = [2000, 128], strides = [1, 1]} : vector<2000x256xf32> to vector<2000x128xf32>
    %swap3A_98 = arith.constant 1 : index
    %swap3A_99 = arith.constant 0 : index
    %swap3A_100 = arith.constant 0 : index
    %swap3A_101 = vector.load %arg14[%swap3A_98, %swap3A_99, %swap3A_100] : memref<2x2000x128xf32, #tpu.memory_space<vmem>>, vector<1x2000x128xf32>
    %swap3A_102 = vector.shape_cast %swap3A_101 : vector<1x2000x128xf32> to vector<2000x128xf32>
    %swap3A_103 = vector.shape_cast %slice3A_97 : vector<2000x128xf32> to vector<1x2000x128xf32>
    tpu.vector_store %arg14[%swap3A_98, %swap3A_99, %swap3A_100], %swap3A_103 {strides = array<i32>} : memref<2x2000x128xf32, #tpu.memory_space<vmem>>, vector<1x2000x128xf32>,
    return
  }
  func.func @transform_0(%arg0: i32) -> (i32, i32) {
    %c0_i32 = arith.constant 0 : i32
    %c0_i32_0 = arith.constant 0 : i32
    return %arg0, %c0_i32 : i32, i32
  }
  func.func @transform_1(%arg0: i32) -> (i32, i32) {
    %c0_i32 = arith.constant 0 : i32
    %c0_i32_0 = arith.constant 0 : i32
    return %arg0, %c0_i32 : i32, i32
  }
  func.func @transform_2(%arg0: i32) -> (i32, i32) {
    %add3A = arith.constant 48 : i32
    %add3A_0 = arith.addi %add3A, %arg0 : i32
    %c0_i32 = arith.constant 0 : i32
    %c0_i32_1 = arith.constant 0 : i32
    return %add3A_0, %c0_i32 : i32, i32
  }
  func.func @transform_3(%arg0: i32) -> (i32, i32) {
    %c0_i32 = arith.constant 0 : i32
    %c0_i32_0 = arith.constant 0 : i32
    %c0_i32_1 = arith.constant 0 : i32
    return %c0_i32, %c0_i32_0 : i32, i32
  }
  func.func @transform_4(%arg0: i32) -> (i32, i32) {
    %c0_i32 = arith.constant 0 : i32
    %c0_i32_0 = arith.constant 0 : i32
    %c0_i32_1 = arith.constant 0 : i32
    return %c0_i32, %c0_i32_0 : i32, i32
  }
  func.func @transform_5(%arg0: i32) -> (i32, i32) {
    %c0_i32 = arith.constant 0 : i32
    %c0_i32_0 = arith.constant 0 : i32
    %c0_i32_1 = arith.constant 0 : i32
    return %c0_i32, %c0_i32_0 : i32, i32
  }
  func.func @transform_6(%arg0: i32) -> (i32, i32) {
    %c0_i32 = arith.constant 0 : i32
    %c0_i32_0 = arith.constant 0 : i32
    %c0_i32_1 = arith.constant 0 : i32
    return %c0_i32, %c0_i32_0 : i32, i32
  }
  func.func @transform_7(%arg0: i32) -> (i32, i32) {
    %c0_i32 = arith.constant 0 : i32
    %c0_i32_0 = arith.constant 0 : i32
    %c0_i32_1 = arith.constant 0 : i32
    return %c0_i32, %c0_i32_0 : i32, i32
  }
  func.func @transform_8(%arg0: i32) -> (i32, i32) {
    %c0_i32 = arith.constant 0 : i32
    %c0_i32_0 = arith.constant 0 : i32
    %c0_i32_1 = arith.constant 0 : i32
    return %c0_i32, %c0_i32_0 : i32, i32
  }
  func.func @transform_9(%arg0: i32) -> (i32, i32) {
    %c0_i32 = arith.constant 0 : i32
    %c0_i32_0 = arith.constant 0 : i32
    %c0_i32_1 = arith.constant 0 : i32
    return %c0_i32, %c0_i32_0 : i32, i32
  }
  func.func @transform_12(%arg0: i32) -> (i32, i32) {
    %add3A = arith.constant 48 : i32
    %add3A_0 = arith.addi %add3A, %arg0 : i32
    %c0_i32 = arith.constant 0 : i32
    %c0_i32_1 = arith.constant 0 : i32
    return %add3A_0, %c0_i32 : i32, i32
  }
  func.func @transform_13(%arg0: i32) -> (i32, i32, i32) {
    %add3A = arith.constant 48 : i32
    %add3A_0 = arith.addi %add3A, %arg0 : i32
    %c0_i32 = arith.constant 0 : i32
    %c0_i32_1 = arith.constant 0 : i32
    %c0_i32_2 = arith.constant 0 : i32
    return %c0_i32, %add3A_0, %c0_i32_1 : i32, i32, i32
  }
}

module attributes {stable_mosaic.version = 14 : i64} {
  func.func @_edge_body(%arg0: i32, %arg1: memref<2000x128xi32, #tpu.memory_space<vmem>>, %arg2: memref<2000x128xi32, #tpu.memory_space<vmem>>, %arg3: memref<2000x256xf32, #tpu.memory_space<vmem>>, %arg4: memref<256x256xf32, #tpu.memory_space<vmem>>, %arg5: memref<256x256xf32, #tpu.memory_space<vmem>>, %arg6: memref<256x256xf32, #tpu.memory_space<vmem>>, %arg7: memref<1x256xf32, #tpu.memory_space<vmem>>, %arg8: memref<1x256xf32, #tpu.memory_space<vmem>>, %arg9: memref<1x256xf32, #tpu.memory_space<vmem>>, %arg10: memref<1x256xf32, #tpu.memory_space<vmem>>, %arg11: memref<160000x256xf32, #tpu.memory_space<any>>, %arg12: memref<2x160000x128xf32, #tpu.memory_space<any>>, %arg13: memref<2000x256xf32, #tpu.memory_space<vmem>>, %arg14: memref<2x2000x128xf32, #tpu.memory_space<vmem>>) attributes {dimension_semantics = [#tpu.dimension_semantics<arbitrary>], iteration_bounds = array<i64: 16>, scalar_prefetch = 0 : i64, scratch_operands = 0 : i64, tpu.core_type = #tpu.core_type<tc>, window_params = [{transform_indices = @transform_0, window_bounds = array<i64: 2000, 128>}, {transform_indices = @transform_1, window_bounds = array<i64: 2000, 128>}, {transform_indices = @transform_2, window_bounds = array<i64: 2000, 256>}, {pipeline_mode = #tpu.pipeline_mode<synchronous>, transform_indices = @transform_3, window_bounds = array<i64: 256, 256>}, {pipeline_mode = #tpu.pipeline_mode<synchronous>, transform_indices = @transform_4, window_bounds = array<i64: 256, 256>}, {pipeline_mode = #tpu.pipeline_mode<synchronous>, transform_indices = @transform_5, window_bounds = array<i64: 256, 256>}, {pipeline_mode = #tpu.pipeline_mode<synchronous>, transform_indices = @transform_6, window_bounds = array<i64: 1, 256>}, {pipeline_mode = #tpu.pipeline_mode<synchronous>, transform_indices = @transform_7, window_bounds = array<i64: 1, 256>}, {pipeline_mode = #tpu.pipeline_mode<synchronous>, transform_indices = @transform_8, window_bounds = array<i64: 1, 256>}, {pipeline_mode = #tpu.pipeline_mode<synchronous>, transform_indices = @transform_9, window_bounds = array<i64: 1, 256>}, {}, {}, {transform_indices = @transform_12, window_bounds = array<i64: 2000, 256>}, {transform_indices = @transform_13, window_bounds = array<i64: 2, 2000, 128>}]} {
    %get3A = arith.constant 0 : index
    %get3A_0 = arith.constant 0 : index
    %get3A_1 = vector.load %arg3[%get3A, %get3A_0] : memref<2000x256xf32, #tpu.memory_space<vmem>>, vector<2000x256xf32>
    %get3A_2 = arith.constant 0 : index
    %get3A_3 = arith.constant 0 : index
    %get3A_4 = vector.load %arg1[%get3A_2, %get3A_3] : memref<2000x128xi32, #tpu.memory_space<vmem>>, vector<2000x128xi32>
    %shift_left3A = arith.constant 16 : i32
    %shift_left3A_5 = vector.broadcast %shift_left3A : i32 to vector<2000x128xi32>
    %shift_left3A_6 = arith.shli %get3A_4, %shift_left3A_5 : vector<2000x128xi32>
    %bitcast_convert_type3A = tpu.bitcast %shift_left3A_6 : vector<2000x128xi32> -> vector<2000x128xf32>
    %and3A = arith.constant -65536 : i32
    %and3A_7 = vector.broadcast %and3A : i32 to vector<2000x128xi32>
    %and3A_8 = arith.andi %get3A_4, %and3A_7 : vector<2000x128xi32>
    %bitcast_convert_type3A_9 = tpu.bitcast %and3A_8 : vector<2000x128xi32> -> vector<2000x128xf32>
    %get3A_10 = arith.constant 0 : index
    %get3A_11 = arith.constant 0 : index
    %get3A_12 = vector.load %arg2[%get3A_10, %get3A_11] : memref<2000x128xi32, #tpu.memory_space<vmem>>, vector<2000x128xi32>
    %shift_left3A_13 = arith.constant 16 : i32
    %shift_left3A_14 = vector.broadcast %shift_left3A_13 : i32 to vector<2000x128xi32>
    %shift_left3A_15 = arith.shli %get3A_12, %shift_left3A_14 : vector<2000x128xi32>
    %bitcast_convert_type3A_16 = tpu.bitcast %shift_left3A_15 : vector<2000x128xi32> -> vector<2000x128xf32>
    %and3A_17 = arith.constant -65536 : i32
    %and3A_18 = vector.broadcast %and3A_17 : i32 to vector<2000x128xi32>
    %and3A_19 = arith.andi %get3A_12, %and3A_18 : vector<2000x128xi32>
    %bitcast_convert_type3A_20 = tpu.bitcast %and3A_19 : vector<2000x128xi32> -> vector<2000x128xf32>
    %add3A = arith.addf %bitcast_convert_type3A, %bitcast_convert_type3A_16 : vector<2000x128xf32>
    %add3A_21 = arith.addf %bitcast_convert_type3A_9, %bitcast_convert_type3A_20 : vector<2000x128xf32>
    %concatenate3A = tpu.concatenate %add3A, %add3A_21 in 1 : vector<2000x128xf32>, vector<2000x128xf32> -> vector<2000x256xf32>
    %get3A_22 = arith.constant 0 : index
    %get3A_23 = arith.constant 0 : index
    %get3A_24 = vector.load %arg4[%get3A_22, %get3A_23] : memref<256x256xf32, #tpu.memory_space<vmem>>, vector<256x256xf32>
    %dot_general3A = arith.constant dense<0.000000e+00> : vector<2000x256xf32>
    %dot_general3A_25 = tpu.matmul %get3A_1, %get3A_24, %dot_general3A {dimension_numbers = #tpu.dot_dimension_numbers<[1], [0], [0], [1], [0, 0, 1, 1], [], []>, transpose_lhs_hint = false} : vector<2000x256xf32>, vector<256x256xf32>, vector<2000x256xf32> -> vector<2000x256xf32>
    %add3A_26 = arith.addf %concatenate3A, %dot_general3A_25 : vector<2000x256xf32>
    %max3A = arith.constant 0.000000e+00 : f32
    %max3A_27 = vector.broadcast %max3A : f32 to vector<2000x256xf32>
    %max3A_28 = arith.maximumf %add3A_26, %max3A_27 : vector<2000x256xf32>
    %get3A_29 = arith.constant 0 : index
    %get3A_30 = arith.constant 0 : index
    %get3A_31 = vector.load %arg5[%get3A_29, %get3A_30] : memref<256x256xf32, #tpu.memory_space<vmem>>, vector<256x256xf32>
    %dot_general3A_32 = arith.constant dense<0.000000e+00> : vector<2000x256xf32>
    %dot_general3A_33 = tpu.matmul %max3A_28, %get3A_31, %dot_general3A_32 {dimension_numbers = #tpu.dot_dimension_numbers<[1], [0], [0], [1], [0, 0, 1, 1], [], []>, transpose_lhs_hint = false} : vector<2000x256xf32>, vector<256x256xf32>, vector<2000x256xf32> -> vector<2000x256xf32>
    %get3A_34 = arith.constant 0 : index
    %get3A_35 = arith.constant 0 : index
    %get3A_36 = vector.load %arg7[%get3A_34, %get3A_35] : memref<1x256xf32, #tpu.memory_space<vmem>>, vector<1x256xf32>
    %add3A_37 = vector.broadcast %get3A_36 : vector<1x256xf32> to vector<2000x256xf32>
    %add3A_38 = arith.addf %dot_general3A_33, %add3A_37 : vector<2000x256xf32>
    %max3A_39 = arith.constant 0.000000e+00 : f32
    %max3A_40 = vector.broadcast %max3A_39 : f32 to vector<2000x256xf32>
    %max3A_41 = arith.maximumf %add3A_38, %max3A_40 : vector<2000x256xf32>
    %get3A_42 = arith.constant 0 : index
    %get3A_43 = arith.constant 0 : index
    %get3A_44 = vector.load %arg6[%get3A_42, %get3A_43] : memref<256x256xf32, #tpu.memory_space<vmem>>, vector<256x256xf32>
    %dot_general3A_45 = arith.constant dense<0.000000e+00> : vector<2000x256xf32>
    %dot_general3A_46 = tpu.matmul %max3A_41, %get3A_44, %dot_general3A_45 {dimension_numbers = #tpu.dot_dimension_numbers<[1], [0], [0], [1], [0, 0, 1, 1], [], []>, transpose_lhs_hint = false} : vector<2000x256xf32>, vector<256x256xf32>, vector<2000x256xf32> -> vector<2000x256xf32>
    %get3A_47 = arith.constant 0 : index
    %get3A_48 = arith.constant 0 : index
    %get3A_49 = vector.load %arg8[%get3A_47, %get3A_48] : memref<1x256xf32, #tpu.memory_space<vmem>>, vector<1x256xf32>
    %add3A_50 = vector.broadcast %get3A_49 : vector<1x256xf32> to vector<2000x256xf32>
    %add3A_51 = arith.addf %dot_general3A_46, %add3A_50 : vector<2000x256xf32>
    %get3A_52 = arith.constant 0 : index
    %get3A_53 = arith.constant 0 : index
    %get3A_54 = vector.load %arg9[%get3A_52, %get3A_53] : memref<1x256xf32, #tpu.memory_space<vmem>>, vector<1x256xf32>
    %get3A_55 = arith.constant 0 : index
    %get3A_56 = arith.constant 0 : index
    %get3A_57 = vector.load %arg10[%get3A_55, %get3A_56] : memref<1x256xf32, #tpu.memory_space<vmem>>, vector<1x256xf32>
    %reduce_sum3A = arith.constant dense<0.000000e+00> : vector<2000xf32>
    %reduce_sum3A_58 = vector.multi_reduction <add>, %add3A_51, %reduce_sum3A [1] : vector<2000x256xf32> to vector<2000xf32>
    %broadcast_in_dim3A = vector.shape_cast %reduce_sum3A_58 : vector<2000xf32> to vector<2000x1xf32>
    %div3A = arith.constant 2.560000e+02 : f32
    %div3A_59 = vector.broadcast %div3A : f32 to vector<2000x1xf32>
    %div3A_60 = arith.divf %broadcast_in_dim3A, %div3A_59 : vector<2000x1xf32>
    %jit3A = arith.constant 0 : i32
    %reduce_sum3A_61 = arith.constant dense<0.000000e+00> : vector<2000xf32>
    %reduce_sum3A_62 = vector.multi_reduction <add>, %add3A_51, %reduce_sum3A_61 [1] : vector<2000x256xf32> to vector<2000xf32>
    %broadcast_in_dim3A_63 = vector.shape_cast %reduce_sum3A_62 : vector<2000xf32> to vector<2000x1xf32>
    %div3A_64 = arith.constant 2.560000e+02 : f32
    %div3A_65 = vector.broadcast %div3A_64 : f32 to vector<2000x1xf32>
    %div3A_66 = arith.divf %broadcast_in_dim3A_63, %div3A_65 : vector<2000x1xf32>
    %sub3A = vector.broadcast %div3A_66 : vector<2000x1xf32> to vector<2000x256xf32>
    %sub3A_67 = arith.subf %add3A_51, %sub3A : vector<2000x256xf32>
    %square3A = arith.mulf %sub3A_67, %sub3A_67 : vector<2000x256xf32>
    %convert_element_type3A = arith.sitofp %jit3A : i32 to f32
    %sub3A_68 = arith.constant 2.560000e+02 : f32
    %sub3A_69 = arith.subf %sub3A_68, %convert_element_type3A : f32
    %reduce_sum3A_70 = arith.constant dense<0.000000e+00> : vector<2000xf32>
    %reduce_sum3A_71 = vector.multi_reduction <add>, %square3A, %reduce_sum3A_70 [1] : vector<2000x256xf32> to vector<2000xf32>
    %broadcast_in_dim3A_72 = vector.shape_cast %reduce_sum3A_71 : vector<2000xf32> to vector<2000x1xf32>
    %div3A_73 = vector.broadcast %sub3A_69 : f32 to vector<2000x1xf32>
    %div3A_74 = arith.divf %broadcast_in_dim3A_72, %div3A_73 : vector<2000x1xf32>
    %gt3A = arith.constant 0.000000e+00 : f32
    %gt3A_75 = arith.cmpf ogt, %sub3A_69, %gt3A : f32
    %jit3A_76 = arith.constant 0x7FC00000 : f32
    %broadcast_in_dim3A_77 = vector.broadcast %jit3A_76 : f32 to vector<2000x1xf32>
    %select_n3A = arith.select %gt3A_75, %div3A_74, %broadcast_in_dim3A_77 : vector<2000x1xf32>
    %sub3A_78 = vector.broadcast %div3A_60 : vector<2000x1xf32> to vector<2000x256xf32>
    %sub3A_79 = arith.subf %add3A_51, %sub3A_78 : vector<2000x256xf32>
    %add3A_80 = arith.constant 9.99999974E-6 : f32
    %add3A_81 = vector.broadcast %add3A_80 : f32 to vector<2000x1xf32>
    %add3A_82 = arith.addf %select_n3A, %add3A_81 : vector<2000x1xf32>
    %sqrt3A = math.sqrt %add3A_82 : vector<2000x1xf32>
    %div3A_83 = vector.broadcast %sqrt3A : vector<2000x1xf32> to vector<2000x256xf32>
    %div3A_84 = arith.divf %sub3A_79, %div3A_83 : vector<2000x256xf32>
    %mul3A = vector.broadcast %get3A_54 : vector<1x256xf32> to vector<2000x256xf32>
    %mul3A_85 = arith.mulf %div3A_84, %mul3A : vector<2000x256xf32>
    %add3A_86 = vector.broadcast %get3A_57 : vector<1x256xf32> to vector<2000x256xf32>
    %add3A_87 = arith.addf %mul3A_85, %add3A_86 : vector<2000x256xf32>
    %add3A_88 = arith.addf %add3A_87, %get3A_1 : vector<2000x256xf32>
    %swap3A = arith.constant 0 : index
    %swap3A_89 = arith.constant 0 : index
    %swap3A_90 = vector.load %arg13[%swap3A, %swap3A_89] : memref<2000x256xf32, #tpu.memory_space<vmem>>, vector<2000x256xf32>
    tpu.vector_store %arg13[%swap3A, %swap3A_89], %add3A_88 {strides = array<i32>} : memref<2000x256xf32, #tpu.memory_space<vmem>>, vector<2000x256xf32>,
    %slice3A = vector.extract_strided_slice %add3A_87 {offsets = [0, 0], sizes = [2000, 128], strides = [1, 1]} : vector<2000x256xf32> to vector<2000x128xf32>
    %swap3A_91 = arith.constant 0 : index
    %swap3A_92 = arith.constant 0 : index
    %swap3A_93 = arith.constant 0 : index
    %swap3A_94 = vector.load %arg14[%swap3A_91, %swap3A_92, %swap3A_93] : memref<2x2000x128xf32, #tpu.memory_space<vmem>>, vector<1x2000x128xf32>
    %swap3A_95 = vector.shape_cast %swap3A_94 : vector<1x2000x128xf32> to vector<2000x128xf32>
    %swap3A_96 = vector.shape_cast %slice3A : vector<2000x128xf32> to vector<1x2000x128xf32>
    tpu.vector_store %arg14[%swap3A_91, %swap3A_92, %swap3A_93], %swap3A_96 {strides = array<i32>} : memref<2x2000x128xf32, #tpu.memory_space<vmem>>, vector<1x2000x128xf32>,
    %slice3A_97 = vector.extract_strided_slice %add3A_87 {offsets = [0, 128], sizes = [2000, 128], strides = [1, 1]} : vector<2000x256xf32> to vector<2000x128xf32>
    %swap3A_98 = arith.constant 1 : index
    %swap3A_99 = arith.constant 0 : index
    %swap3A_100 = arith.constant 0 : index
    %swap3A_101 = vector.load %arg14[%swap3A_98, %swap3A_99, %swap3A_100] : memref<2x2000x128xf32, #tpu.memory_space<vmem>>, vector<1x2000x128xf32>
    %swap3A_102 = vector.shape_cast %swap3A_101 : vector<1x2000x128xf32> to vector<2000x128xf32>
    %swap3A_103 = vector.shape_cast %slice3A_97 : vector<2000x128xf32> to vector<1x2000x128xf32>
    tpu.vector_store %arg14[%swap3A_98, %swap3A_99, %swap3A_100], %swap3A_103 {strides = array<i32>} : memref<2x2000x128xf32, #tpu.memory_space<vmem>>, vector<1x2000x128xf32>,
    return
  }
  func.func @transform_0(%arg0: i32) -> (i32, i32) {
    %c0_i32 = arith.constant 0 : i32
    %c0_i32_0 = arith.constant 0 : i32
    return %arg0, %c0_i32 : i32, i32
  }
  func.func @transform_1(%arg0: i32) -> (i32, i32) {
    %c0_i32 = arith.constant 0 : i32
    %c0_i32_0 = arith.constant 0 : i32
    return %arg0, %c0_i32 : i32, i32
  }
  func.func @transform_2(%arg0: i32) -> (i32, i32) {
    %add3A = arith.constant 64 : i32
    %add3A_0 = arith.addi %add3A, %arg0 : i32
    %c0_i32 = arith.constant 0 : i32
    %c0_i32_1 = arith.constant 0 : i32
    return %add3A_0, %c0_i32 : i32, i32
  }
  func.func @transform_3(%arg0: i32) -> (i32, i32) {
    %c0_i32 = arith.constant 0 : i32
    %c0_i32_0 = arith.constant 0 : i32
    %c0_i32_1 = arith.constant 0 : i32
    return %c0_i32, %c0_i32_0 : i32, i32
  }
  func.func @transform_4(%arg0: i32) -> (i32, i32) {
    %c0_i32 = arith.constant 0 : i32
    %c0_i32_0 = arith.constant 0 : i32
    %c0_i32_1 = arith.constant 0 : i32
    return %c0_i32, %c0_i32_0 : i32, i32
  }
  func.func @transform_5(%arg0: i32) -> (i32, i32) {
    %c0_i32 = arith.constant 0 : i32
    %c0_i32_0 = arith.constant 0 : i32
    %c0_i32_1 = arith.constant 0 : i32
    return %c0_i32, %c0_i32_0 : i32, i32
  }
  func.func @transform_6(%arg0: i32) -> (i32, i32) {
    %c0_i32 = arith.constant 0 : i32
    %c0_i32_0 = arith.constant 0 : i32
    %c0_i32_1 = arith.constant 0 : i32
    return %c0_i32, %c0_i32_0 : i32, i32
  }
  func.func @transform_7(%arg0: i32) -> (i32, i32) {
    %c0_i32 = arith.constant 0 : i32
    %c0_i32_0 = arith.constant 0 : i32
    %c0_i32_1 = arith.constant 0 : i32
    return %c0_i32, %c0_i32_0 : i32, i32
  }
  func.func @transform_8(%arg0: i32) -> (i32, i32) {
    %c0_i32 = arith.constant 0 : i32
    %c0_i32_0 = arith.constant 0 : i32
    %c0_i32_1 = arith.constant 0 : i32
    return %c0_i32, %c0_i32_0 : i32, i32
  }
  func.func @transform_9(%arg0: i32) -> (i32, i32) {
    %c0_i32 = arith.constant 0 : i32
    %c0_i32_0 = arith.constant 0 : i32
    %c0_i32_1 = arith.constant 0 : i32
    return %c0_i32, %c0_i32_0 : i32, i32
  }
  func.func @transform_12(%arg0: i32) -> (i32, i32) {
    %add3A = arith.constant 64 : i32
    %add3A_0 = arith.addi %add3A, %arg0 : i32
    %c0_i32 = arith.constant 0 : i32
    %c0_i32_1 = arith.constant 0 : i32
    return %add3A_0, %c0_i32 : i32, i32
  }
  func.func @transform_13(%arg0: i32) -> (i32, i32, i32) {
    %add3A = arith.constant 64 : i32
    %add3A_0 = arith.addi %add3A, %arg0 : i32
    %c0_i32 = arith.constant 0 : i32
    %c0_i32_1 = arith.constant 0 : i32
    %c0_i32_2 = arith.constant 0 : i32
    return %c0_i32, %add3A_0, %c0_i32_1 : i32, i32, i32
  }
}

module attributes {stable_mosaic.version = 14 : i64} {
  func.func @_node_body(%arg0: i32, %arg1: memref<2000x256xf32, #tpu.memory_space<vmem>>, %arg2: memref<1x2000x128xf32, #tpu.memory_space<vmem>>, %arg3: memref<1x2000x128xf32, #tpu.memory_space<vmem>>, %arg4: memref<256x256xf32, #tpu.memory_space<vmem>>, %arg5: memref<128x256xf32, #tpu.memory_space<vmem>>, %arg6: memref<128x256xf32, #tpu.memory_space<vmem>>, %arg7: memref<256x256xf32, #tpu.memory_space<vmem>>, %arg8: memref<256x256xf32, #tpu.memory_space<vmem>>, %arg9: memref<1x256xf32, #tpu.memory_space<vmem>>, %arg10: memref<1x256xf32, #tpu.memory_space<vmem>>, %arg11: memref<1x256xf32, #tpu.memory_space<vmem>>, %arg12: memref<1x256xf32, #tpu.memory_space<vmem>>, %arg13: memref<1x256xf32, #tpu.memory_space<vmem>>, %arg14: memref<2000x256xf32, #tpu.memory_space<vmem>>) attributes {dimension_semantics = [#tpu.dimension_semantics<arbitrary>], iteration_bounds = array<i64: 5>, scalar_prefetch = 0 : i64, scratch_operands = 0 : i64, tpu.core_type = #tpu.core_type<tc>, window_params = [{transform_indices = @transform_0, window_bounds = array<i64: 2000, 256>}, {transform_indices = @transform_1, window_bounds = array<i64: 1, 2000, 128>}, {transform_indices = @transform_2, window_bounds = array<i64: 1, 2000, 128>}, {pipeline_mode = #tpu.pipeline_mode<synchronous>, transform_indices = @transform_3, window_bounds = array<i64: 256, 256>}, {pipeline_mode = #tpu.pipeline_mode<synchronous>, transform_indices = @transform_4, window_bounds = array<i64: 128, 256>}, {pipeline_mode = #tpu.pipeline_mode<synchronous>, transform_indices = @transform_5, window_bounds = array<i64: 128, 256>}, {pipeline_mode = #tpu.pipeline_mode<synchronous>, transform_indices = @transform_6, window_bounds = array<i64: 256, 256>}, {pipeline_mode = #tpu.pipeline_mode<synchronous>, transform_indices = @transform_7, window_bounds = array<i64: 256, 256>}, {pipeline_mode = #tpu.pipeline_mode<synchronous>, transform_indices = @transform_8, window_bounds = array<i64: 1, 256>}, {pipeline_mode = #tpu.pipeline_mode<synchronous>, transform_indices = @transform_9, window_bounds = array<i64: 1, 256>}, {pipeline_mode = #tpu.pipeline_mode<synchronous>, transform_indices = @transform_10, window_bounds = array<i64: 1, 256>}, {pipeline_mode = #tpu.pipeline_mode<synchronous>, transform_indices = @transform_11, window_bounds = array<i64: 1, 256>}, {pipeline_mode = #tpu.pipeline_mode<synchronous>, transform_indices = @transform_12, window_bounds = array<i64: 1, 256>}, {transform_indices = @transform_13, window_bounds = array<i64: 2000, 256>}]} {
    %get3A = arith.constant 0 : index
    %get3A_0 = arith.constant 0 : index
    %get3A_1 = vector.load %arg1[%get3A, %get3A_0] : memref<2000x256xf32, #tpu.memory_space<vmem>>, vector<2000x256xf32>
    %get3A_2 = arith.constant 0 : index
    %get3A_3 = arith.constant 0 : index
    %get3A_4 = arith.constant 0 : index
    %get3A_5 = vector.load %arg2[%get3A_2, %get3A_3, %get3A_4] : memref<1x2000x128xf32, #tpu.memory_space<vmem>>, vector<1x2000x128xf32>
    %get3A_6 = vector.shape_cast %get3A_5 : vector<1x2000x128xf32> to vector<2000x128xf32>
    %get3A_7 = arith.constant 0 : index
    %get3A_8 = arith.constant 0 : index
    %get3A_9 = arith.constant 0 : index
    %get3A_10 = vector.load %arg3[%get3A_7, %get3A_8, %get3A_9] : memref<1x2000x128xf32, #tpu.memory_space<vmem>>, vector<1x2000x128xf32>
    %get3A_11 = vector.shape_cast %get3A_10 : vector<1x2000x128xf32> to vector<2000x128xf32>
    %get3A_12 = arith.constant 0 : index
    %get3A_13 = arith.constant 0 : index
    %get3A_14 = vector.load %arg4[%get3A_12, %get3A_13] : memref<256x256xf32, #tpu.memory_space<vmem>>, vector<256x256xf32>
    %dot_general3A = arith.constant dense<0.000000e+00> : vector<2000x256xf32>
    %dot_general3A_15 = tpu.matmul %get3A_1, %get3A_14, %dot_general3A {dimension_numbers = #tpu.dot_dimension_numbers<[1], [0], [0], [1], [0, 0, 1, 1], [], []>, transpose_lhs_hint = false} : vector<2000x256xf32>, vector<256x256xf32>, vector<2000x256xf32> -> vector<2000x256xf32>
    %get3A_16 = arith.constant 0 : index
    %get3A_17 = arith.constant 0 : index
    %get3A_18 = vector.load %arg5[%get3A_16, %get3A_17] : memref<128x256xf32, #tpu.memory_space<vmem>>, vector<128x256xf32>
    %dot_general3A_19 = arith.constant dense<0.000000e+00> : vector<2000x256xf32>
    %dot_general3A_20 = tpu.matmul %get3A_6, %get3A_18, %dot_general3A_19 {dimension_numbers = #tpu.dot_dimension_numbers<[1], [0], [0], [1], [0, 0, 1, 1], [], []>, transpose_lhs_hint = false} : vector<2000x128xf32>, vector<128x256xf32>, vector<2000x256xf32> -> vector<2000x256xf32>
    %add3A = arith.addf %dot_general3A_15, %dot_general3A_20 : vector<2000x256xf32>
    %get3A_21 = arith.constant 0 : index
    %get3A_22 = arith.constant 0 : index
    %get3A_23 = vector.load %arg6[%get3A_21, %get3A_22] : memref<128x256xf32, #tpu.memory_space<vmem>>, vector<128x256xf32>
    %dot_general3A_24 = arith.constant dense<0.000000e+00> : vector<2000x256xf32>
    %dot_general3A_25 = tpu.matmul %get3A_11, %get3A_23, %dot_general3A_24 {dimension_numbers = #tpu.dot_dimension_numbers<[1], [0], [0], [1], [0, 0, 1, 1], [], []>, transpose_lhs_hint = false} : vector<2000x128xf32>, vector<128x256xf32>, vector<2000x256xf32> -> vector<2000x256xf32>
    %add3A_26 = arith.addf %add3A, %dot_general3A_25 : vector<2000x256xf32>
    %get3A_27 = arith.constant 0 : index
    %get3A_28 = arith.constant 0 : index
    %get3A_29 = vector.load %arg9[%get3A_27, %get3A_28] : memref<1x256xf32, #tpu.memory_space<vmem>>, vector<1x256xf32>
    %add3A_30 = vector.broadcast %get3A_29 : vector<1x256xf32> to vector<2000x256xf32>
    %add3A_31 = arith.addf %add3A_26, %add3A_30 : vector<2000x256xf32>
    %max3A = arith.constant 0.000000e+00 : f32
    %max3A_32 = vector.broadcast %max3A : f32 to vector<2000x256xf32>
    %max3A_33 = arith.maximumf %add3A_31, %max3A_32 : vector<2000x256xf32>
    %get3A_34 = arith.constant 0 : index
    %get3A_35 = arith.constant 0 : index
    %get3A_36 = vector.load %arg7[%get3A_34, %get3A_35] : memref<256x256xf32, #tpu.memory_space<vmem>>, vector<256x256xf32>
    %dot_general3A_37 = arith.constant dense<0.000000e+00> : vector<2000x256xf32>
    %dot_general3A_38 = tpu.matmul %max3A_33, %get3A_36, %dot_general3A_37 {dimension_numbers = #tpu.dot_dimension_numbers<[1], [0], [0], [1], [0, 0, 1, 1], [], []>, transpose_lhs_hint = false} : vector<2000x256xf32>, vector<256x256xf32>, vector<2000x256xf32> -> vector<2000x256xf32>
    %get3A_39 = arith.constant 0 : index
    %get3A_40 = arith.constant 0 : index
    %get3A_41 = vector.load %arg10[%get3A_39, %get3A_40] : memref<1x256xf32, #tpu.memory_space<vmem>>, vector<1x256xf32>
    %add3A_42 = vector.broadcast %get3A_41 : vector<1x256xf32> to vector<2000x256xf32>
    %add3A_43 = arith.addf %dot_general3A_38, %add3A_42 : vector<2000x256xf32>
    %max3A_44 = arith.constant 0.000000e+00 : f32
    %max3A_45 = vector.broadcast %max3A_44 : f32 to vector<2000x256xf32>
    %max3A_46 = arith.maximumf %add3A_43, %max3A_45 : vector<2000x256xf32>
    %get3A_47 = arith.constant 0 : index
    %get3A_48 = arith.constant 0 : index
    %get3A_49 = vector.load %arg8[%get3A_47, %get3A_48] : memref<256x256xf32, #tpu.memory_space<vmem>>, vector<256x256xf32>
    %dot_general3A_50 = arith.constant dense<0.000000e+00> : vector<2000x256xf32>
    %dot_general3A_51 = tpu.matmul %max3A_46, %get3A_49, %dot_general3A_50 {dimension_numbers = #tpu.dot_dimension_numbers<[1], [0], [0], [1], [0, 0, 1, 1], [], []>, transpose_lhs_hint = false} : vector<2000x256xf32>, vector<256x256xf32>, vector<2000x256xf32> -> vector<2000x256xf32>
    %get3A_52 = arith.constant 0 : index
    %get3A_53 = arith.constant 0 : index
    %get3A_54 = vector.load %arg11[%get3A_52, %get3A_53] : memref<1x256xf32, #tpu.memory_space<vmem>>, vector<1x256xf32>
    %add3A_55 = vector.broadcast %get3A_54 : vector<1x256xf32> to vector<2000x256xf32>
    %add3A_56 = arith.addf %dot_general3A_51, %add3A_55 : vector<2000x256xf32>
    %get3A_57 = arith.constant 0 : index
    %get3A_58 = arith.constant 0 : index
    %get3A_59 = vector.load %arg12[%get3A_57, %get3A_58] : memref<1x256xf32, #tpu.memory_space<vmem>>, vector<1x256xf32>
    %get3A_60 = arith.constant 0 : index
    %get3A_61 = arith.constant 0 : index
    %get3A_62 = vector.load %arg13[%get3A_60, %get3A_61] : memref<1x256xf32, #tpu.memory_space<vmem>>, vector<1x256xf32>
    %reduce_sum3A = arith.constant dense<0.000000e+00> : vector<2000xf32>
    %reduce_sum3A_63 = vector.multi_reduction <add>, %add3A_56, %reduce_sum3A [1] : vector<2000x256xf32> to vector<2000xf32>
    %broadcast_in_dim3A = vector.shape_cast %reduce_sum3A_63 : vector<2000xf32> to vector<2000x1xf32>
    %div3A = arith.constant 2.560000e+02 : f32
    %div3A_64 = vector.broadcast %div3A : f32 to vector<2000x1xf32>
    %div3A_65 = arith.divf %broadcast_in_dim3A, %div3A_64 : vector<2000x1xf32>
    %jit3A = arith.constant 0 : i32
    %reduce_sum3A_66 = arith.constant dense<0.000000e+00> : vector<2000xf32>
    %reduce_sum3A_67 = vector.multi_reduction <add>, %add3A_56, %reduce_sum3A_66 [1] : vector<2000x256xf32> to vector<2000xf32>
    %broadcast_in_dim3A_68 = vector.shape_cast %reduce_sum3A_67 : vector<2000xf32> to vector<2000x1xf32>
    %div3A_69 = arith.constant 2.560000e+02 : f32
    %div3A_70 = vector.broadcast %div3A_69 : f32 to vector<2000x1xf32>
    %div3A_71 = arith.divf %broadcast_in_dim3A_68, %div3A_70 : vector<2000x1xf32>
    %sub3A = vector.broadcast %div3A_71 : vector<2000x1xf32> to vector<2000x256xf32>
    %sub3A_72 = arith.subf %add3A_56, %sub3A : vector<2000x256xf32>
    %square3A = arith.mulf %sub3A_72, %sub3A_72 : vector<2000x256xf32>
    %convert_element_type3A = arith.sitofp %jit3A : i32 to f32
    %sub3A_73 = arith.constant 2.560000e+02 : f32
    %sub3A_74 = arith.subf %sub3A_73, %convert_element_type3A : f32
    %reduce_sum3A_75 = arith.constant dense<0.000000e+00> : vector<2000xf32>
    %reduce_sum3A_76 = vector.multi_reduction <add>, %square3A, %reduce_sum3A_75 [1] : vector<2000x256xf32> to vector<2000xf32>
    %broadcast_in_dim3A_77 = vector.shape_cast %reduce_sum3A_76 : vector<2000xf32> to vector<2000x1xf32>
    %div3A_78 = vector.broadcast %sub3A_74 : f32 to vector<2000x1xf32>
    %div3A_79 = arith.divf %broadcast_in_dim3A_77, %div3A_78 : vector<2000x1xf32>
    %gt3A = arith.constant 0.000000e+00 : f32
    %gt3A_80 = arith.cmpf ogt, %sub3A_74, %gt3A : f32
    %jit3A_81 = arith.constant 0x7FC00000 : f32
    %broadcast_in_dim3A_82 = vector.broadcast %jit3A_81 : f32 to vector<2000x1xf32>
    %select_n3A = arith.select %gt3A_80, %div3A_79, %broadcast_in_dim3A_82 : vector<2000x1xf32>
    %sub3A_83 = vector.broadcast %div3A_65 : vector<2000x1xf32> to vector<2000x256xf32>
    %sub3A_84 = arith.subf %add3A_56, %sub3A_83 : vector<2000x256xf32>
    %add3A_85 = arith.constant 9.99999974E-6 : f32
    %add3A_86 = vector.broadcast %add3A_85 : f32 to vector<2000x1xf32>
    %add3A_87 = arith.addf %select_n3A, %add3A_86 : vector<2000x1xf32>
    %sqrt3A = math.sqrt %add3A_87 : vector<2000x1xf32>
    %div3A_88 = vector.broadcast %sqrt3A : vector<2000x1xf32> to vector<2000x256xf32>
    %div3A_89 = arith.divf %sub3A_84, %div3A_88 : vector<2000x256xf32>
    %mul3A = vector.broadcast %get3A_59 : vector<1x256xf32> to vector<2000x256xf32>
    %mul3A_90 = arith.mulf %div3A_89, %mul3A : vector<2000x256xf32>
    %add3A_91 = vector.broadcast %get3A_62 : vector<1x256xf32> to vector<2000x256xf32>
    %add3A_92 = arith.addf %mul3A_90, %add3A_91 : vector<2000x256xf32>
    %add3A_93 = arith.addf %add3A_92, %get3A_1 : vector<2000x256xf32>
    %swap3A = arith.constant 0 : index
    %swap3A_94 = arith.constant 0 : index
    %swap3A_95 = vector.load %arg14[%swap3A, %swap3A_94] : memref<2000x256xf32, #tpu.memory_space<vmem>>, vector<2000x256xf32>
    tpu.vector_store %arg14[%swap3A, %swap3A_94], %add3A_93 {strides = array<i32>} : memref<2000x256xf32, #tpu.memory_space<vmem>>, vector<2000x256xf32>,
    return
  }
  func.func @transform_0(%arg0: i32) -> (i32, i32) {
    %c0_i32 = arith.constant 0 : i32
    %c0_i32_0 = arith.constant 0 : i32
    return %arg0, %c0_i32 : i32, i32
  }
  func.func @transform_1(%arg0: i32) -> (i32, i32, i32) {
    %c0_i32 = arith.constant 0 : i32
    %c0_i32_0 = arith.constant 0 : i32
    %c0_i32_1 = arith.constant 0 : i32
    return %c0_i32, %arg0, %c0_i32_0 : i32, i32, i32
  }
  func.func @transform_2(%arg0: i32) -> (i32, i32, i32) {
    %c1_i32 = arith.constant 1 : i32
    %c0_i32 = arith.constant 0 : i32
    %c0_i32_0 = arith.constant 0 : i32
    return %c1_i32, %arg0, %c0_i32 : i32, i32, i32
  }
  func.func @transform_3(%arg0: i32) -> (i32, i32) {
    %c0_i32 = arith.constant 0 : i32
    %c0_i32_0 = arith.constant 0 : i32
    %c0_i32_1 = arith.constant 0 : i32
    return %c0_i32, %c0_i32_0 : i32, i32
  }
  func.func @transform_4(%arg0: i32) -> (i32, i32) {
    %c0_i32 = arith.constant 0 : i32
    %c0_i32_0 = arith.constant 0 : i32
    %c0_i32_1 = arith.constant 0 : i32
    return %c0_i32, %c0_i32_0 : i32, i32
  }
  func.func @transform_5(%arg0: i32) -> (i32, i32) {
    %c0_i32 = arith.constant 0 : i32
    %c0_i32_0 = arith.constant 0 : i32
    %c0_i32_1 = arith.constant 0 : i32
    return %c0_i32, %c0_i32_0 : i32, i32
  }
  func.func @transform_6(%arg0: i32) -> (i32, i32) {
    %c0_i32 = arith.constant 0 : i32
    %c0_i32_0 = arith.constant 0 : i32
    %c0_i32_1 = arith.constant 0 : i32
    return %c0_i32, %c0_i32_0 : i32, i32
  }
  func.func @transform_7(%arg0: i32) -> (i32, i32) {
    %c0_i32 = arith.constant 0 : i32
    %c0_i32_0 = arith.constant 0 : i32
    %c0_i32_1 = arith.constant 0 : i32
    return %c0_i32, %c0_i32_0 : i32, i32
  }
  func.func @transform_8(%arg0: i32) -> (i32, i32) {
    %c0_i32 = arith.constant 0 : i32
    %c0_i32_0 = arith.constant 0 : i32
    %c0_i32_1 = arith.constant 0 : i32
    return %c0_i32, %c0_i32_0 : i32, i32
  }
  func.func @transform_9(%arg0: i32) -> (i32, i32) {
    %c0_i32 = arith.constant 0 : i32
    %c0_i32_0 = arith.constant 0 : i32
    %c0_i32_1 = arith.constant 0 : i32
    return %c0_i32, %c0_i32_0 : i32, i32
  }
  func.func @transform_10(%arg0: i32) -> (i32, i32) {
    %c0_i32 = arith.constant 0 : i32
    %c0_i32_0 = arith.constant 0 : i32
    %c0_i32_1 = arith.constant 0 : i32
    return %c0_i32, %c0_i32_0 : i32, i32
  }
  func.func @transform_11(%arg0: i32) -> (i32, i32) {
    %c0_i32 = arith.constant 0 : i32
    %c0_i32_0 = arith.constant 0 : i32
    %c0_i32_1 = arith.constant 0 : i32
    return %c0_i32, %c0_i32_0 : i32, i32
  }
  func.func @transform_12(%arg0: i32) -> (i32, i32) {
    %c0_i32 = arith.constant 0 : i32
    %c0_i32_0 = arith.constant 0 : i32
    %c0_i32_1 = arith.constant 0 : i32
    return %c0_i32, %c0_i32_0 : i32, i32
  }
  func.func @transform_13(%arg0: i32) -> (i32, i32) {
    %c0_i32 = arith.constant 0 : i32
    %c0_i32_0 = arith.constant 0 : i32
    return %arg0, %c0_i32 : i32, i32
  }
}

</mosaic_0001>

<sc_bundles>
// kernel: kernel.15.cloned.1.call-start
scs
__scs_entry_jumppad:
0x0: {  	(pc) =	sbr.rel $0x88, $3  }
0x1: {  	(tag) =	ssettag $0x0;
	lr =	simm.s32 $0x1  }
0x2: {  	[smem:$0x3F8D] =	sst lr;
	_ =	strace $0xD0000000  }
0x3: {  	_ = 	snop  }
0x4: {  	_ = 	snop  }
0x5: {  	_ = 	snop  }
0x6: {  	_ = 	snop  }
0x7: {  	_ = 	snop  }
__scs_overlays_trampoline_lowered:
0x8: {  	[smem:$0x3F9C] =	sst s0  }
0x9: {  	[smem:$0x3F9D] =	sst s1  }
0xa: {  	[smem:$0x3F9E] =	sst s2  }
0xb: {  	[smem:$0x3F9F] =	sst s3  }
0xc: {  	[smem:$0x3FA0] =	sst s4  }
0xd: {  	[smem:$0x3FA1] =	sst s5  }
0xe: {  	[smem:$0x3FA2] =	sst s6  }
0xf: {  	[smem:$0x3FA3] =	sst s7  }
0x10: {  	[smem:$0x3FA4] =	sst s8  }
0x11: {  	[smem:$0x3FA5] =	sst s9;
	s0 =	simm.s32 @!p0 $0x0  }
0x12: {  	s1 =	sld [smem:$0x3F8B];
	s0 =	simm.s32 @p0 $0x1  }
0x13: {  	[smem:$0x3FA6] =	sst s0;
	s0 =	simm.s32 @!p1 $0x0  }
0x14: {  	s2 =	sld [smem:$0x3F8A];
	s0 =	simm.s32 @p1 $0x1  }
0x15: {  	[smem:$0x3FA7] =	sst s0;
	s0 =	simm.s32 @!p2 $0x0  }
0x16: {  	s3 =	sld [smem:$0x3FDB];
	s0 =	simm.s32 @p2 $0x1  }
0x17: {  	s4 =	simm.s32 $0x1BF5;
	[smem:$0x3FA9] =	sst s0  }
0x18: {  	s0 =	sld [smem:$0x3F8C];
	_ =	swait.ge [sflag:s4], $0x0  }
0x19: {  	s7 =	sld [smem:$0x3F8D]  }
0x1a: {  	s8 =	sadd.s32 $0xFFFFE003, lr  }
0x1b: {  	s9 =	sadd.s32 $0xFFFFFEF7, lr;
	s5 =	simm.s32 $0xFFFFFFFF;
	p2 =	slt.u32 s8, $0xFFFFF086  }
0x1c: {  	p1 =	slt.u32 s9, $0xF7A;
	s5 =	simm.s32 @!p2 $0x0  }
0x1d: {  	s5 =	simm.s32 @p1 $0x1;
	p0 =	seq.s32 s7, s2  }
0x1e: {  	s7 =	smul.u32 @!p0 $0xF7A, s2;
	p2 =	seq.s32 @!p0 s5, $0x0  }
0x1f: {  	s9 =	smul.u32 $0xF7A, s1;
	s8 =	simm.s32 @!p0 $0x1BF5;
	p2 =	por !p2, p0  }
0x20: {  	[sflag:s8] =	ssyncset.s32 @!p0 $0xFFFFF086;
	s6 =	sadd.s32 @!p0 s3, s7;
	s7 =	simm.s32 @!p0 $0x108  }
0x21: {  	s3 =	sadd.s32 s3, s9;
	s6 =	sadd.s32 @!p0 $0x88, s6;
	s7 =	simm.s32 @p2 $0x1082  }
0x22: {  	[simem:s7], [sflag:s8] =	dma.local @!p0 [hbm:s6], $0xF7A  }
0x23: {  	s9 =	sor.u32 $0xD0000000, s2;
	s6 =	simm.s32 $0x108;
	_ =	swait.ge @!p0 [sflag:s8], $0x0  }
0x24: {  	s3 =	sadd.s32 $0x88, s3;
	s6 =	simm.s32 @!p1 $0x1082;
	[sflag:s4] =	ssyncset.s32 $0xFFFFF086  }
0x25: {  	[simem:s6], [sflag:s4] =	dma.local [hbm:s3], $0xF7A  }
0x26: {  	[smem:$0x3F8D] =	sst s1;
	(tag) =	ssettag s2;
	_ =	strace s9  }
0x27: {  	s1 =	sld [smem:$0x3F9D]  }
0x28: {  	s2 =	sld [smem:$0x3F9E]  }
0x29: {  	s4 =	sld [smem:$0x3FA0]  }
0x2a: {  	p0 =	seq.s32 s5, $0x0;
	s5 =	sld [smem:$0x3FA1]  }
0x2b: {  	s6 =	sld [smem:$0x3FA2]  }
0x2c: {  	s7 =	sld [smem:$0x3FA3]  }
0x2d: {  	s3 =	simm.s32 $0x108;
	s8 =	sld [smem:$0x3FA4]  }
0x2e: {  	s3 =	simm.s32 @!p0 $0x1082;
	s9 =	sld [smem:$0x3FA5]  }
0x2f: {  	lr =	sadd.s32 s0, s3;
	s0 =	sld [smem:$0x3F9C]  }
0x30: {  	s3 =	sld [smem:$0x3F9F]  }
0x31: {  	[smem:$0x3FA8] =	sst s10  }
0x32: {  	s10 =	sld [smem:$0x3FA6];
	_ =	sdelay $0x3  }
0x33: {  	p0 =	seq.s32 s10, $0x1;
	s10 =	sld [smem:$0x3FA8];
	_ =	sdelay $0x3  }
0x34: {  	[smem:$0x3FA8] =	sst s10  }
0x35: {  	s10 =	sld [smem:$0x3FA7];
	_ =	sdelay $0x3  }
0x36: {  	p1 =	seq.s32 s10, $0x1;
	s10 =	sld [smem:$0x3FA8];
	_ =	sdelay $0x3  }
0x37: {  	[smem:$0x3FA8] =	sst s10  }
0x38: {  	s10 =	sld [smem:$0x3FA9]  }
0x39: {  	_ = 	snop;
	(pc) =	sbr.ind lr, $3  }
0x3a: {  	_ = 	snop  }
0x3b: {  	_ = 	snop  }
0x3c: {  	p2 =	seq.s32 s10, $0x1;
	s10 =	sld [smem:$0x3FA8]  }
0x3d: {  	_ =	shalt  }
0x3e: {  	_ =	shalt  }
0x3f: {  	_ =	shalt  }
0x40: {  	_ =	shalt  }
0x41: {  	_ =	shalt  }
0x42: {  	_ =	shalt  }
0x43: {  	_ =	shalt  }
0x44: {  	_ =	shalt  }
0x45: {  	_ =	shalt  }
0x46: {  	_ =	shalt  }
0x47: {  	_ =	shalt  }
0x48: {  	_ =	shalt  }
0x49: {  	_ =	shalt  }
0x4a: {  	_ =	shalt  }
0x4b: {  	_ =	shalt  }
0x4c: {  	_ =	shalt  }
0x4d: {  	_ =	shalt  }
0x4e: {  	_ =	shalt  }
0x4f: {  	_ =	shalt  }
0x50: {  	_ =	shalt  }
0x51: {  	_ =	shalt  }
0x52: {  	_ =	shalt  }
0x53: {  	_ =	shalt  }
0x54: {  	_ =	shalt  }
0x55: {  	_ =	shalt  }
0x56: {  	_ =	shalt  }
0x57: {  	_ =	shalt  }
0x58: {  	_ =	shalt  }
0x59: {  	_ =	shalt  }
0x5a: {  	_ =	shalt  }
0x5b: {  	_ =	shalt  }
0x5c: {  	_ =	shalt  }
0x5d: {  	_ =	shalt  }
0x5e: {  	_ =	shalt  }
0x5f: {  	_ =	shalt  }
0x60: {  	_ =	shalt  }
0x61: {  	_ =	shalt  }
0x62: {  	_ =	shalt  }
0x63: {  	_ =	shalt  }
0x64: {  	_ =	shalt  }
0x65: {  	_ =	shalt  }
0x66: {  	_ =	shalt  }
0x67: {  	_ =	shalt  }
0x68: {  	_ =	shalt  }
0x69: {  	_ =	shalt  }
0x6a: {  	_ =	shalt  }
0x6b: {  	_ =	shalt  }
0x6c: {  	_ =	shalt  }
0x6d: {  	_ =	shalt  }
0x6e: {  	_ =	shalt  }
0x6f: {  	_ =	shalt  }
0x70: {  	_ =	shalt  }
0x71: {  	_ =	shalt  }
0x72: {  	_ =	shalt  }
0x73: {  	_ =	shalt  }
0x74: {  	_ =	shalt  }
0x75: {  	_ =	shalt  }
0x76: {  	_ =	shalt  }
0x77: {  	_ =	shalt  }
0x78: {  	_ =	shalt  }
0x79: {  	_ =	shalt  }
0x7a: {  	_ =	shalt  }
0x7b: {  	_ =	shalt  }
0x7c: {  	_ =	shalt  }
0x7d: {  	_ =	shalt  }
0x7e: {  	_ =	shalt  }
0x7f: {  	_ =	shalt  }
0x80: {  	_ =	shalt  }
0x81: {  	_ =	shalt  }
0x82: {  	_ =	shalt  }
0x83: {  	_ =	shalt  }
0x84: {  	_ =	shalt  }
0x85: {  	_ =	shalt  }
0x86: {  	_ =	shalt  }
0x87: {  	_ =	shalt  }
.Lfunc_end0:
.L_simem_size_0:
called_computation_lowered:
.L_overlay_start_0:
0x88: {  	s2 =	sld [smem:$0x3FD9]  }
0x89: {  	s3 =	sld [smem:$0x3FFE];
	_ =	sdelay $0x1  }
0x8a: {  	s1 =	srdreg.scid  }
0x8b: {  	s0 =	sand.u32 $0x1, s1  }
0x8c: {  	s14 =	sshll.u32 s0, $0xA;
	s2 =	sadd.s32 s3, s2  }
0x8d: {  	s2 =	sadd.s32 s2, s14  }
0x8e: {  	[smem:$0x3FB4] =	sst s2  }
0x8f: {  	_ = 	snop  }
0x90: {  	s2 =	sld [smem:$0x3FD0];
	_ =	sdelay $0x2  }
0x91: {  	s15 =	simm.s32 $0xE;
	s4 =	simm.s32 $0x10  }
0x92: {  	[smem:s4], [sflag:s15] =	dma.local [hbm:s2], $0x1  }
0x93: {  	_ =	swait.eq [sflag:s15], $0x1  }
0x94: {  	[sflag:s15] =	ssyncset.done $0x0  }
0x95: {  	s16 =	sld [smem:$0x10];
	[sflag:s15] =	ssyncadd.s32 $0xFFFFFFFF  }
0x96: {  	s17 =	sld [smem:$0x11];
	(tm) =	ssettm $0x1  }
0x97: {  	s18 =	sld [smem:$0x3FFB];
	_ =	sdelay $0x3  }
0x98: {  	_ =	strace s18  }
0x99: {  	s4 =	sld [smem:$0x3FFC];
	_ =	sdelay $0x3  }
0x9a: {  	_ =	strace s4  }
0x9b: {  	s4 =	sld [smem:$0x3FFD];
	_ =	sdelay $0x3  }
0x9c: {  	_ =	strace s4  }
0x9d: {  	_ =	strace $0x8FFFFFFF  }
0x9e: {  	s19 =	sld [smem:$0x3FDB];
	_ =	sdelay $0x1  }
0x9f: {  	s5 =	simm.s32 $_scs_section_size  }
0xa0: {  	s6 =	simm.s32 $_size__tile_overlayer_lowered;
	s7 =	simm.s32 $_tile_overlayer_lowered  }
0xa1: {  	s22 =	simm.s32 $0x1BFF;
	s21 =	sshll.u32 s7, $0x1;
	s4 =	sadd.s32 s5, s19  }
0xa2: {  	s8 =	simm.s32 $0x0;
	s20 =	sshll.u32 s6, $0x1;
	s6 =	sadd.s32 s21, s4  }
0xa3: {  	[timem:s8], [sflag:s22] =	dma.local [hbm:s6], s20  }
0xa4: {  	_ =	swait.ge [sflag:s22], s20  }
0xa5: {  	s5 =	ssub.s32 $0x0, s20;
	[sflag:s22] =	ssyncset.done $0x0  }
0xa6: {  	[sflag:s22] =	ssyncadd.s32 s5;
	_ =	sdelay $0x1  }
0xa7: {  	s23 =	simm.s32 $0x1B8B  }
0xa8: {  	_ =	swait.ge [sflag:s23], $0x1  }
0xa9: {  	[sflag:s23] =	ssyncset.done $0x0  }
0xaa: {  	s25 =	simm.s32 $0x1B8E;
	s24 =	sld [smem:$0x3FFE];
	[sflag:s23] =	ssyncadd.s32 $0xFFFFFFFF  }
0xab: {  	s26 =	simm.s32 $execute0_lowered;
	[smem:$0x3FD2] =	sst s25  }
0xac: {  	s6 =	sshll.u32 s26, $0x1;
	_ =	strace $0x80000046;
	[dreg:$0x1] =	wrdreg $0xFFFFFFFF  }
0xad: {  	s28 =	simm.s32 $_size_execute0_lowered;
	s4 =	sadd.s32 s4, s6;
	[dreg:$0x0] =	wrdreg $0x0  }
0xae: {  	s6 =	sshll.u32 s28, $0x1;
	[dreg:$0x2] =	wrdreg s4  }
0xaf: {  	[dreg:$0x3] =	wrdreg s6  }
0xb0: {  	[dreg:$0x4] =	wrdreg $0xC0  }
0xb1: {  	_ =	task [dreg:s8], $0x5FFFF  }
0xb2: {  	[dreg:$0x1] =	wrdreg $0xFFFFFFFF  }
0xb3: {  	[dreg:$0x0] =	wrdreg $0x60  }
0xb4: {  	[dreg:$0x2] =	wrdreg s16  }
0xb5: {  	[dreg:$0x3] =	wrdreg s24  }
0xb6: {  	[dreg:$0x4] =	wrdreg s17  }
0xb7: {  	[dreg:$0x5] =	wrdreg $0x9  }
0xb8: {  	_ =	task.clear_ibuf [dreg:s8], $0x6FFFF;
	_ =	strace $0x90000046  }
0xb9: {  	s29 =	simm.s32 $0x9;
	_ =	strace $0x80000048  }
0xba: {  	_ =	swait.ge [sflag:s29], $0x1  }
0xbb: {  	[sflag:s29] =	ssyncadd.s32 $0xFFFFFFFF  }
0xbc: {  	_ =	strace $0x90000048  }
0xbd: {  	_ =	sfence  }
0xbe: {  	s30 =	sld [smem:$0x0];
	_ =	sdelay $0x2  }
0xbf: {  	s31 =	sshll.u32 s1, $0xD;
	s1 =	sshrl.u32 s1, $0x2  }
0xc0: {  	s3 =	sand.u32 $0x4000, s31;
	s1 =	sadd.s32 s1, s30  }
0xc1: {  	s0 =	sor.u32 s3, s0;
	s1 =	sshll.u32 s1, $0x11  }
0xc2: {  	s0 =	sor.u32 s1, s0  }
0xc3: {  	s0 =	sadd.s32 $0x8F2B, s0  }
0xc4: {  	[sflag:s0] =	ssyncadd.remote.s32 $0x1  }
0xc5: {  	_ =	sfence.sel $0xFFFF  }
0xc6: {  	[dreg:$0x0] =	wrdreg $0xFFFFFFFF;
	(pc) =	sbr.abs _section_cstart, $3  }
0xc7: {  	[dreg:$0x1] =	wrdreg $0xFFFFFFFF  }
0xc8: {  	_ =	task.clear_ibuf [dreg:s8], $0x2FFFF;
	_ =	strace $0x9FFFFFFF  }
0xc9: {  	(tm) =	ssettm $0x7FFFFFFF  }
tec
execute0_lowered:
.L_overlay_start_1:
0x0: {  	(tag) =	ssettag $0x1  }
0x1: {  	s1 =	rddreg [dreg:$0x0]  }
0x2: {  	s0 =	rddreg [dreg:$0x1]  }
0x3: {  	s3 =	rddreg [dreg:$0x2]  }
0x4: {  	s4 =	simm.s32 $0x0;
	s2 =	srdreg.scid;
	s10 =	stileid.u32  }
0x5: {  	s28 =	simm.s32 $0x5C00;
	s29 =	simm.s32 $0x1;
	s30 =	simm.s32 $0x3  }
0x6: {  	s31 =	simm.s32 $0x5;
	[smem:$0x7FF] =	sst s4;
	s2 =	sand.u32 $0x1, s2  }
0x7: {  	s5 =	sshll.u32 s10, $0x1;
	s10 =	smul.u32 $0x3E800, s10;
	_ =	strace $0x80000047  }
0x8: {  	s6 =	sor.u32 s2, s5;
	s18 =	ssub.s32 $0x2, s2;
	s2 =	smul.u32 $0x1F400, s2  }
0x9: {  	s5 =	sadd.s32 $0xF400, s0;
	s7 =	sshll.u32 s6, $0x9;
	s8 =	smul.u32 $0x1F400, s6  }
0xa: {  	s6 =	sadd.s32 $0x36600, s0;
	s9 =	sshrl.u32 s18, $0x1;
	s7 =	sadd.s32 s7, s0  }
0xb: {  	s0 =	ssub.s32 s18, s9;
	s22 =	sadd.s32 s2, s10;
	s8 =	sshrl.u32 s8, $0x3  }
0xc: {  	s11 =	sadd.s32 $0x7400, s7;
	s7 =	sadd.s32 $0xB400, s7;
	s0 =	smax.u32 s0, $0x1  }
0xd: {  	s25 =	sadd.s32 $0x3C00, s22;
	s16 =	sadd.s32 $0x2800, s22;
	[dreg:$0x4] =	wrdreg s11  }
0xe: {  	s22 =	simm.s32 $0x2000;
	s19 =	sadd.s32 $0x3C00, s8;
	[dreg:$0x5] =	wrdreg s7  }
0xf: {  	[dreg:$0x8] =	wrdreg s0;
	s23 =	sadd.s32 s3, s8;
	s24 =	sadd.s32 $0x280, s8  }
0x10: {  	s8 =	sadd.s32 s6, s8;
	s7 =	sshrl.u32 s25, $0x3;
	s25 =	simm.s32 $0x3400  }
0x11: {  	s0 =	simm.s32 $0x7;
	s20 =	sadd.s32 s3, s19;
	[dreg:$0x9] =	wrdreg s23  }
0x12: {  	s21 =	sadd.s32 s6, s19;
	[dreg:$0xa] =	wrdreg s8;
	s26 =	sadd.s32 s3, s24  }
0x13: {  	s2 =	sadd.s32 s6, s24;
	s13 =	sadd.s32 s7, s6;
	[dreg:$0x6] =	wrdreg s20  }
0x14: {  	s18 =	sadd.s32 s7, s3;
	s19 =	simm.s32 $0x9;
	[dreg:$0x7] =	wrdreg s21  }
0x15: {  	s23 =	simm.s32 $0x4800;
	s24 =	simm.s32 $0x6;
	[dreg:$0xb] =	wrdreg s26  }
0x16: {  	s7 =	simm.s32 $0x8;
	s8 =	simm.s32 $0x0;
	[dreg:$0xc] =	wrdreg s2  }
0x17: {  	s21 =	simm.s32 $0x28;
	s26 =	simm.s32 $0x2;
	s2 =	simm.s32 $0x4  }
.LBB2_1:
0x18: {  	s9 =	rddreg [dreg:$0x4]  }
0x19: {  	[tilespmem:s4], [sflag:$0x9] =	stream.linear.gather [hbm4b:s9+s4], $0xC80, $0x38;
	[tilespmem:$0x7000] =	vst v63  }
0x1a: {  	_ =	swait.ge [sflag:s19], $0xC80  }
0x1b: {  	[sflag:s19] =	ssyncset.done $0x0  }
0x1c: {  	s10 =	simm.s32 $0x1000;
	s20 =	rddreg [dreg:$0x5];
	[sflag:s19] =	ssyncadd.s32 $0xFFFFF380  }
0x1d: {  	[tilespmem:s10], [sflag:$0x9] =	stream.linear.gather [hbm4b:s20+s4], $0xC80, $0x38;
	[tilespmem:$0x7000] =	vst v63  }
0x1e: {  	_ =	swait.ge [sflag:s19], $0xC80  }
0x1f: {  	[sflag:s19] =	ssyncset.done $0x0  }
0x20: {  	[sflag:s19] =	ssyncadd.s32 $0xFFFFF380  }
0x21: {  	[tilespmem:s22], [sflag:$0x1] =	stream.indirect.gather [hbm4b:s1+s21], $0x80, s4, s21, $0xb8;
	[tilespmem:$0x7000] =	vst v63  }
0x22: {  	_ = 	snop  }
0x23: {  	[tilespmem:s23], [sflag:$0x3] =	stream.indirect.gather [hbm4b:s5+s21], $0x80, s10, s21, $0xb8;
	[tilespmem:$0x7000] =	vst v63  }
0x24: {  	s10 =	simm.s32 $0x80  }
0x25: {  	[tilespmem:s25], [sflag:$0x2] =	stream.indirect.gather [hbm4b:s1+s21], $0x80, s10, s21, $0xb8;
	[tilespmem:$0x7000] =	vst v63  }
0x26: {  	s11 =	simm.s32 $0x1080  }
0x27: {  	[tilespmem:s28], [sflag:$0x4] =	stream.indirect.gather [hbm4b:s5+s21], $0x80, s11, s21, $0xb8;
	[tilespmem:$0x7000] =	vst v63  }
0x28: {  	_ =	swait.ge [sflag:s29], $0x1400  }
0x29: {  	[sflag:s29] =	ssyncset.done $0x0  }
0x2a: {  	[sflag:s29] =	ssyncadd.s32 $0xFFFFEC00  }
0x2b: {  	_ =	swait.ge [sflag:s30], $0x1400  }
0x2c: {  	[sflag:s30] =	ssyncset.done $0x0  }
0x2d: {  	s12 =	rddreg [dreg:$0x9];
	[sflag:s30] =	ssyncadd.s32 $0xFFFFEC00  }
0x2e: {  	[hbm4b:s12+s4] =	stream.linear.scatter [tilespmem:s22], [sflag:$0x5], $0x1400, $0x38;
	[tilespmem:$0x7000] =	vst v63  }
0x2f: {  	s14 =	rddreg [dreg:$0xa]  }
0x30: {  	[hbm4b:s14+s4] =	stream.linear.scatter [tilespmem:s23], [sflag:$0x7], $0x1400, $0x38;
	[tilespmem:$0x7000] =	vst v63  }
0x31: {  	_ =	swait.ge [sflag:s31], $0x1400  }
0x32: {  	[sflag:s31] =	ssyncset.done $0x0  }
0x33: {  	[sflag:s31] =	ssyncadd.s32 $0xFFFFEC00  }
0x34: {  	_ =	swait.ge [sflag:s0], $0x1400  }
0x35: {  	[sflag:s0] =	ssyncset.done $0x0  }
0x36: {  	s15 =	simm.s32 $0x100;
	[sflag:s0] =	ssyncadd.s32 $0xFFFFEC00  }
0x37: {  	[tilespmem:s22], [sflag:$0x1] =	stream.indirect.gather [hbm4b:s1+s21], $0x80, s15, s21, $0xb8;
	[tilespmem:$0x7000] =	vst v63  }
0x38: {  	s17 =	simm.s32 $0x1100  }
0x39: {  	[tilespmem:s23], [sflag:$0x3] =	stream.indirect.gather [hbm4b:s5+s21], $0x80, s17, s21, $0xb8;
	[tilespmem:$0x7000] =	vst v63  }
0x3a: {  	_ =	swait.ge [sflag:s26], $0x1400  }
0x3b: {  	[sflag:s26] =	ssyncset.done $0x0  }
0x3c: {  	[sflag:s26] =	ssyncadd.s32 $0xFFFFEC00  }
0x3d: {  	_ =	swait.ge [sflag:s2], $0x1400  }
0x3e: {  	[sflag:s2] =	ssyncset.done $0x0  }
0x3f: {  	s20 =	rddreg [dreg:$0xb];
	[sflag:s2] =	ssyncadd.s32 $0xFFFFEC00  }
0x40: {  	[hbm4b:s20+s4] =	stream.linear.scatter [tilespmem:s25], [sflag:$0x6], $0x1400, $0x38;
	[tilespmem:$0x7000] =	vst v63  }
0x41: {  	s10 =	rddreg [dreg:$0xc]  }
0x42: {  	[hbm4b:s10+s4] =	stream.linear.scatter [tilespmem:s28], [sflag:$0x8], $0x1400, $0x38;
	[tilespmem:$0x7000] =	vst v63  }
0x43: {  	_ =	swait.ge [sflag:s24], $0x1400  }
0x44: {  	[sflag:s24] =	ssyncset.done $0x0  }
0x45: {  	[sflag:s24] =	ssyncadd.s32 $0xFFFFEC00  }
0x46: {  	_ =	swait.ge [sflag:s7], $0x1400  }
0x47: {  	[sflag:s7] =	ssyncset.done $0x0  }
0x48: {  	s11 =	simm.s32 $0x180;
	[sflag:s7] =	ssyncadd.s32 $0xFFFFEC00  }
0x49: {  	[tilespmem:s25], [sflag:$0x2] =	stream.indirect.gather [hbm4b:s1+s21], $0x80, s11, s21, $0xb8;
	[tilespmem:$0x7000] =	vst v63  }
0x4a: {  	s12 =	simm.s32 $0x1180  }
0x4b: {  	[tilespmem:s28], [sflag:$0x4] =	stream.indirect.gather [hbm4b:s5+s21], $0x80, s12, s21, $0xb8;
	[tilespmem:$0x7000] =	vst v63  }
0x4c: {  	_ =	swait.ge [sflag:s29], $0x1400  }
0x4d: {  	[sflag:s29] =	ssyncset.done $0x0  }
0x4e: {  	[sflag:s29] =	ssyncadd.s32 $0xFFFFEC00  }
0x4f: {  	_ =	swait.ge [sflag:s30], $0x1400  }
0x50: {  	s14 =	sshrl.u32 s16, $0x3;
	[sflag:s30] =	ssyncset.done $0x0  }
0x51: {  	s15 =	sadd.s32 s3, s14;
	[sflag:s30] =	ssyncadd.s32 $0xFFFFEC00  }
0x52: {  	[hbm4b:s15+s4] =	stream.linear.scatter [tilespmem:s22], [sflag:$0x5], $0x1400, $0x38;
	[tilespmem:$0x7000] =	vst v63  }
0x53: {  	s9 =	sadd.s32 s6, s14  }
0x54: {  	[hbm4b:s9+s4] =	stream.linear.scatter [tilespmem:s23], [sflag:$0x7], $0x1400, $0x38;
	[tilespmem:$0x7000] =	vst v63  }
0x55: {  	_ =	swait.ge [sflag:s31], $0x1400  }
0x56: {  	[sflag:s31] =	ssyncset.done $0x0  }
0x57: {  	[sflag:s31] =	ssyncadd.s32 $0xFFFFEC00  }
0x58: {  	_ =	swait.ge [sflag:s0], $0x1400  }
0x59: {  	[sflag:s0] =	ssyncset.done $0x0  }
0x5a: {  	s17 =	simm.s32 $0x200;
	[sflag:s0] =	ssyncadd.s32 $0xFFFFEC00  }
0x5b: {  	[tilespmem:s22], [sflag:$0x1] =	stream.indirect.gather [hbm4b:s1+s21], $0x80, s17, s21, $0xb8;
	[tilespmem:$0x7000] =	vst v63  }
0x5c: {  	s20 =	simm.s32 $0x1200  }
0x5d: {  	[tilespmem:s23], [sflag:$0x3] =	stream.indirect.gather [hbm4b:s5+s21], $0x80, s20, s21, $0xb8;
	[tilespmem:$0x7000] =	vst v63  }
0x5e: {  	_ =	swait.ge [sflag:s26], $0x1400  }
0x5f: {  	[sflag:s26] =	ssyncset.done $0x0  }
0x60: {  	[sflag:s26] =	ssyncadd.s32 $0xFFFFEC00  }
0x61: {  	s10 =	sadd.s32 $0x2800, s16;
	_ =	swait.ge [sflag:s2], $0x1400  }
0x62: {  	s11 =	sadd.s32 $0x500, s13;
	s12 =	sadd.s32 $0x500, s18;
	[sflag:s2] =	ssyncset.done $0x0  }
0x63: {  	s9 =	simm.s32 $0x400;
	s17 =	smov.u32 s13;
	[sflag:s2] =	ssyncadd.s32 $0xFFFFEC00  }
0x64: {  	[hbm4b:s18+s4] =	stream.linear.scatter [tilespmem:s25], [sflag:$0x6], $0x1400, $0x38;
	[tilespmem:$0x7000] =	vst v63  }
.LBB2_2:
0x65: {  	[hbm4b:s17+s4] =	stream.linear.scatter [tilespmem:s28], [sflag:$0x8], $0x1400, $0x38;
	[tilespmem:$0x7000] =	vst v63  }
0x66: {  	s14 =	smov.u32 s9;
	s17 =	smov.u32 s11  }
0x67: {  	p0 =	sne.s32 s9, $0x2800;
	s9 =	sadd.s32 $0x400, s9;
	_ =	swait.ge [sflag:s24], $0x1400  }
0x68: {  	[sflag:s24] =	ssyncset.done $0x0  }
0x69: {  	[sflag:s24] =	ssyncadd.s32 $0xFFFFEC00  }
0x6a: {  	_ =	swait.ge [sflag:s7], $0x1400  }
0x6b: {  	s14 =	sshra.s32 s14, $0x2;
	[sflag:s7] =	ssyncset.done $0x0  }
0x6c: {  	s15 =	sadd.s32 $0x180, s14;
	[sflag:s7] =	ssyncadd.s32 $0xFFFFEC00  }
0x6d: {  	[tilespmem:s25], [sflag:$0x2] =	stream.indirect.gather [hbm4b:s1+s21], $0x80, s15, s21, $0xb8;
	[tilespmem:$0x7000] =	vst v63  }
0x6e: {  	s15 =	sadd.s32 $0x1180, s14  }
0x6f: {  	[tilespmem:s28], [sflag:$0x4] =	stream.indirect.gather [hbm4b:s5+s21], $0x80, s15, s21, $0xb8;
	[tilespmem:$0x7000] =	vst v63  }
0x70: {  	_ =	swait.ge [sflag:s29], $0x1400  }
0x71: {  	[sflag:s29] =	ssyncset.done $0x0  }
0x72: {  	[sflag:s29] =	ssyncadd.s32 $0xFFFFEC00  }
0x73: {  	_ =	swait.ge [sflag:s30], $0x1400  }
0x74: {  	s15 =	sshrl.u32 s10, $0x3;
	[sflag:s30] =	ssyncset.done $0x0  }
0x75: {  	s20 =	sadd.s32 s3, s15;
	[sflag:s30] =	ssyncadd.s32 $0xFFFFEC00  }
0x76: {  	[hbm4b:s20+s4] =	stream.linear.scatter [tilespmem:s22], [sflag:$0x5], $0x1400, $0x38;
	[tilespmem:$0x7000] =	vst v63  }
0x77: {  	s15 =	sadd.s32 s6, s15  }
0x78: {  	[hbm4b:s15+s4] =	stream.linear.scatter [tilespmem:s23], [sflag:$0x7], $0x1400, $0x38;
	[tilespmem:$0x7000] =	vst v63  }
0x79: {  	_ =	swait.ge [sflag:s31], $0x1400  }
0x7a: {  	[sflag:s31] =	ssyncset.done $0x0  }
0x7b: {  	[sflag:s31] =	ssyncadd.s32 $0xFFFFEC00  }
0x7c: {  	_ =	swait.ge [sflag:s0], $0x1400  }
0x7d: {  	[sflag:s0] =	ssyncset.done $0x0  }
0x7e: {  	s15 =	sadd.s32 $0x200, s14;
	[sflag:s0] =	ssyncadd.s32 $0xFFFFEC00  }
0x7f: {  	[tilespmem:s22], [sflag:$0x1] =	stream.indirect.gather [hbm4b:s1+s21], $0x80, s15, s21, $0xb8;
	[tilespmem:$0x7000] =	vst v63  }
0x80: {  	s14 =	sadd.s32 $0x1200, s14  }
0x81: {  	[tilespmem:s23], [sflag:$0x3] =	stream.indirect.gather [hbm4b:s5+s21], $0x80, s14, s21, $0xb8;
	[tilespmem:$0x7000] =	vst v63  }
0x82: {  	_ =	swait.ge [sflag:s26], $0x1400  }
0x83: {  	[sflag:s26] =	ssyncset.done $0x0  }
0x84: {  	[sflag:s26] =	ssyncadd.s32 $0xFFFFEC00  }
.Ltmp0:
0x85: {  	_ =	swait.ge [sflag:s2], $0x1400;
	(pc) =	sbr.rel @p0 .LBB2_2-.Ltmp0, $4  }
0x86: {  	[sflag:s2] =	ssyncset.done $0x0  }
0x87: {  	[sflag:s2] =	ssyncadd.s32 $0xFFFFEC00  }
0x88: {  	[hbm4b:s12+s4] =	stream.linear.scatter [tilespmem:s25], [sflag:$0x6], $0x1400, $0x38;
	[tilespmem:$0x7000] =	vst v63  }
0x89: {  	s11 =	sadd.s32 $0x500, s11;
	s10 =	sadd.s32 $0x2800, s10;
	s12 =	sadd.s32 $0x500, s12  }
0x8a: {  	[hbm4b:s17+s4] =	stream.linear.scatter [tilespmem:s28], [sflag:$0x8], $0x1400, $0x38;
	[tilespmem:$0x7000] =	vst v63  }
0x8b: {  	_ =	swait.ge [sflag:s24], $0x1400  }
0x8c: {  	[sflag:s24] =	ssyncset.done $0x0  }
0x8d: {  	[sflag:s24] =	ssyncadd.s32 $0xFFFFEC00  }
0x8e: {  	_ =	swait.ge [sflag:s7], $0x1400  }
0x8f: {  	[sflag:s7] =	ssyncset.done $0x0  }
0x90: {  	[sflag:s7] =	ssyncadd.s32 $0xFFFFEC00  }
0x91: {  	_ =	swait.ge [sflag:s29], $0x1400  }
0x92: {  	[sflag:s29] =	ssyncset.done $0x0  }
0x93: {  	[sflag:s29] =	ssyncadd.s32 $0xFFFFEC00  }
0x94: {  	_ =	swait.ge [sflag:s30], $0x1400  }
0x95: {  	[sflag:s30] =	ssyncset.done $0x0  }
0x96: {  	s9 =	rddreg [dreg:$0x6];
	[sflag:s30] =	ssyncadd.s32 $0xFFFFEC00  }
0x97: {  	[hbm4b:s9+s4] =	stream.linear.scatter [tilespmem:s22], [sflag:$0x5], $0x1400, $0x38;
	[tilespmem:$0x7000] =	vst v63  }
0x98: {  	s17 =	rddreg [dreg:$0x7]  }
0x99: {  	[hbm4b:s17+s4] =	stream.linear.scatter [tilespmem:s23], [sflag:$0x7], $0x1400, $0x38;
	[tilespmem:$0x7000] =	vst v63  }
0x9a: {  	_ =	swait.ge [sflag:s31], $0x1400  }
0x9b: {  	[sflag:s31] =	ssyncset.done $0x0  }
0x9c: {  	[sflag:s31] =	ssyncadd.s32 $0xFFFFEC00  }
0x9d: {  	_ =	swait.ge [sflag:s0], $0x1400  }
0x9e: {  	s8 =	sadd.s32 $0x1, s8;
	s20 =	rddreg [dreg:$0x8]  }
0x9f: {  	p0 =	sne.s32 s8, s20  }
.Ltmp1:
0xa0: {  	_ = 	snop;
	(pc) =	sbr.rel @p0 .LBB2_1-.Ltmp1, $3  }
0xa1: {  	_ =	sdelay $0x1  }
0xa2: {  	[sflag:s0] =	ssyncset.done $0x0  }
0xa3: {  	[sflag:s0] =	ssyncadd.s32 $0xFFFFEC00  }
0xa4: {  	_ =	sfence.sel $0x180000  }
0xa5: {  	[bflag:$0x0] =	sbarrier.arrive $0xFFFF  }
0xa6: {  	_ =	strace $0x90000047  }
0xa7: {  	s0 =	stileid.u32;
	[bflag:$0x2] =	sbarrier.arrive $0xFFFF  }
0xa8: {  	p0 =	sne.s32 s0, $0x0;
	s0 =	rddreg [dreg:$0x3]  }
0xa9: {  	s0 =	sadd.s32 @!p0 $0x100000, s0  }
0xaa: {  	[sflag:s0] =	ssyncadd.tile.s32 @!p0 $0x1;
	_ =	shalt  }
.Lfunc_end2:
_tile_overlayer_lowered:
.L_overlay_start_2:
0xab: {  	(tag) =	ssettag $0x2  }
0xac: {  	s0 =	rddreg [dreg:$0x0];
	s2 =	stileid.u32  }
0xad: {  	s1 =	rddreg [dreg:$0x1];
	p0 =	sne.s32 s2, $0x0  }
0xae: {  	s3 =	rddreg [dreg:$0x2];
	[bflag:$0x3] =	sbarrier.arrive $0xFFFF;
	s2 =	simm.s32 @!p0 $0x1C09  }
0xaf: {  	[timem:s3], [sflag:s2] =	dma.local @!p0 [hbm:s0], s1  }
0xb0: {  	s0 =	simm.s32 @!p0 $0x9  }
0xb1: {  	_ =	swait.ge @!p0 [sflag:s0], s1  }
0xb2: {  	s1 =	ssub.s32 @!p0 $0x0, s1;
	[sflag:s0] =	ssyncset.done @!p0 $0x0  }
0xb3: {  	[sflag:s0] =	ssyncadd.s32 @!p0 s1  }
0xb4: {  	[bflag:$0x3] =	sbarrier.arrive $0xFFFF  }
0xb5: {  	_ =	shalt  }

// kernel: kernel.18.cloned.1.call-start
scs
__scs_entry_jumppad:
0x0: {  	(pc) =	sbr.rel $0x88, $3  }
0x1: {  	(tag) =	ssettag $0x0;
	lr =	simm.s32 $0x1  }
0x2: {  	[smem:$0x3F8D] =	sst lr;
	_ =	strace $0xD0000000  }
0x3: {  	_ = 	snop  }
0x4: {  	_ = 	snop  }
0x5: {  	_ = 	snop  }
0x6: {  	_ = 	snop  }
0x7: {  	_ = 	snop  }
__scs_overlays_trampoline_lowered:
0x8: {  	[smem:$0x3F9C] =	sst s0  }
0x9: {  	[smem:$0x3F9D] =	sst s1  }
0xa: {  	[smem:$0x3F9E] =	sst s2  }
0xb: {  	[smem:$0x3F9F] =	sst s3  }
0xc: {  	[smem:$0x3FA0] =	sst s4  }
0xd: {  	[smem:$0x3FA1] =	sst s5  }
0xe: {  	[smem:$0x3FA2] =	sst s6  }
0xf: {  	[smem:$0x3FA3] =	sst s7  }
0x10: {  	[smem:$0x3FA4] =	sst s8  }
0x11: {  	[smem:$0x3FA5] =	sst s9;
	s0 =	simm.s32 @!p0 $0x0  }
0x12: {  	s1 =	sld [smem:$0x3F8B];
	s0 =	simm.s32 @p0 $0x1  }
0x13: {  	[smem:$0x3FA6] =	sst s0;
	s0 =	simm.s32 @!p1 $0x0  }
0x14: {  	s2 =	sld [smem:$0x3F8A];
	s0 =	simm.s32 @p1 $0x1  }
0x15: {  	[smem:$0x3FA7] =	sst s0;
	s0 =	simm.s32 @!p2 $0x0  }
0x16: {  	s3 =	sld [smem:$0x3FDB];
	s0 =	simm.s32 @p2 $0x1  }
0x17: {  	s4 =	simm.s32 $0x1BF5;
	[smem:$0x3FA9] =	sst s0  }
0x18: {  	s0 =	sld [smem:$0x3F8C];
	_ =	swait.ge [sflag:s4], $0x0  }
0x19: {  	s7 =	sld [smem:$0x3F8D]  }
0x1a: {  	s8 =	sadd.s32 $0xFFFFE003, lr  }
0x1b: {  	s9 =	sadd.s32 $0xFFFFFEF7, lr;
	s5 =	simm.s32 $0xFFFFFFFF;
	p2 =	slt.u32 s8, $0xFFFFF086  }
0x1c: {  	p1 =	slt.u32 s9, $0xF7A;
	s5 =	simm.s32 @!p2 $0x0  }
0x1d: {  	s5 =	simm.s32 @p1 $0x1;
	p0 =	seq.s32 s7, s2  }
0x1e: {  	s7 =	smul.u32 @!p0 $0xF7A, s2;
	p2 =	seq.s32 @!p0 s5, $0x0  }
0x1f: {  	s9 =	smul.u32 $0xF7A, s1;
	s8 =	simm.s32 @!p0 $0x1BF5;
	p2 =	por !p2, p0  }
0x20: {  	[sflag:s8] =	ssyncset.s32 @!p0 $0xFFFFF086;
	s6 =	sadd.s32 @!p0 s3, s7;
	s7 =	simm.s32 @!p0 $0x108  }
0x21: {  	s3 =	sadd.s32 s3, s9;
	s6 =	sadd.s32 @!p0 $0x88, s6;
	s7 =	simm.s32 @p2 $0x1082  }
0x22: {  	[simem:s7], [sflag:s8] =	dma.local @!p0 [hbm:s6], $0xF7A  }
0x23: {  	s9 =	sor.u32 $0xD0000000, s2;
	s6 =	simm.s32 $0x108;
	_ =	swait.ge @!p0 [sflag:s8], $0x0  }
0x24: {  	s3 =	sadd.s32 $0x88, s3;
	s6 =	simm.s32 @!p1 $0x1082;
	[sflag:s4] =	ssyncset.s32 $0xFFFFF086  }
0x25: {  	[simem:s6], [sflag:s4] =	dma.local [hbm:s3], $0xF7A  }
0x26: {  	[smem:$0x3F8D] =	sst s1;
	(tag) =	ssettag s2;
	_ =	strace s9  }
0x27: {  	s1 =	sld [smem:$0x3F9D]  }
0x28: {  	s2 =	sld [smem:$0x3F9E]  }
0x29: {  	s4 =	sld [smem:$0x3FA0]  }
0x2a: {  	p0 =	seq.s32 s5, $0x0;
	s5 =	sld [smem:$0x3FA1]  }
0x2b: {  	s6 =	sld [smem:$0x3FA2]  }
0x2c: {  	s7 =	sld [smem:$0x3FA3]  }
0x2d: {  	s3 =	simm.s32 $0x108;
	s8 =	sld [smem:$0x3FA4]  }
0x2e: {  	s3 =	simm.s32 @!p0 $0x1082;
	s9 =	sld [smem:$0x3FA5]  }
0x2f: {  	lr =	sadd.s32 s0, s3;
	s0 =	sld [smem:$0x3F9C]  }
0x30: {  	s3 =	sld [smem:$0x3F9F]  }
0x31: {  	[smem:$0x3FA8] =	sst s10  }
0x32: {  	s10 =	sld [smem:$0x3FA6];
	_ =	sdelay $0x3  }
0x33: {  	p0 =	seq.s32 s10, $0x1;
	s10 =	sld [smem:$0x3FA8];
	_ =	sdelay $0x3  }
0x34: {  	[smem:$0x3FA8] =	sst s10  }
0x35: {  	s10 =	sld [smem:$0x3FA7];
	_ =	sdelay $0x3  }
0x36: {  	p1 =	seq.s32 s10, $0x1;
	s10 =	sld [smem:$0x3FA8];
	_ =	sdelay $0x3  }
0x37: {  	[smem:$0x3FA8] =	sst s10  }
0x38: {  	s10 =	sld [smem:$0x3FA9]  }
0x39: {  	_ = 	snop;
	(pc) =	sbr.ind lr, $3  }
0x3a: {  	_ = 	snop  }
0x3b: {  	_ = 	snop  }
0x3c: {  	p2 =	seq.s32 s10, $0x1;
	s10 =	sld [smem:$0x3FA8]  }
0x3d: {  	_ =	shalt  }
0x3e: {  	_ =	shalt  }
0x3f: {  	_ =	shalt  }
0x40: {  	_ =	shalt  }
0x41: {  	_ =	shalt  }
0x42: {  	_ =	shalt  }
0x43: {  	_ =	shalt  }
0x44: {  	_ =	shalt  }
0x45: {  	_ =	shalt  }
0x46: {  	_ =	shalt  }
0x47: {  	_ =	shalt  }
0x48: {  	_ =	shalt  }
0x49: {  	_ =	shalt  }
0x4a: {  	_ =	shalt  }
0x4b: {  	_ =	shalt  }
0x4c: {  	_ =	shalt  }
0x4d: {  	_ =	shalt  }
0x4e: {  	_ =	shalt  }
0x4f: {  	_ =	shalt  }
0x50: {  	_ =	shalt  }
0x51: {  	_ =	shalt  }
0x52: {  	_ =	shalt  }
0x53: {  	_ =	shalt  }
0x54: {  	_ =	shalt  }
0x55: {  	_ =	shalt  }
0x56: {  	_ =	shalt  }
0x57: {  	_ =	shalt  }
0x58: {  	_ =	shalt  }
0x59: {  	_ =	shalt  }
0x5a: {  	_ =	shalt  }
0x5b: {  	_ =	shalt  }
0x5c: {  	_ =	shalt  }
0x5d: {  	_ =	shalt  }
0x5e: {  	_ =	shalt  }
0x5f: {  	_ =	shalt  }
0x60: {  	_ =	shalt  }
0x61: {  	_ =	shalt  }
0x62: {  	_ =	shalt  }
0x63: {  	_ =	shalt  }
0x64: {  	_ =	shalt  }
0x65: {  	_ =	shalt  }
0x66: {  	_ =	shalt  }
0x67: {  	_ =	shalt  }
0x68: {  	_ =	shalt  }
0x69: {  	_ =	shalt  }
0x6a: {  	_ =	shalt  }
0x6b: {  	_ =	shalt  }
0x6c: {  	_ =	shalt  }
0x6d: {  	_ =	shalt  }
0x6e: {  	_ =	shalt  }
0x6f: {  	_ =	shalt  }
0x70: {  	_ =	shalt  }
0x71: {  	_ =	shalt  }
0x72: {  	_ =	shalt  }
0x73: {  	_ =	shalt  }
0x74: {  	_ =	shalt  }
0x75: {  	_ =	shalt  }
0x76: {  	_ =	shalt  }
0x77: {  	_ =	shalt  }
0x78: {  	_ =	shalt  }
0x79: {  	_ =	shalt  }
0x7a: {  	_ =	shalt  }
0x7b: {  	_ =	shalt  }
0x7c: {  	_ =	shalt  }
0x7d: {  	_ =	shalt  }
0x7e: {  	_ =	shalt  }
0x7f: {  	_ =	shalt  }
0x80: {  	_ =	shalt  }
0x81: {  	_ =	shalt  }
0x82: {  	_ =	shalt  }
0x83: {  	_ =	shalt  }
0x84: {  	_ =	shalt  }
0x85: {  	_ =	shalt  }
0x86: {  	_ =	shalt  }
0x87: {  	_ =	shalt  }
.Lfunc_end0:
.L_simem_size_0:
called_computation.1_lowered:
.L_overlay_start_0:
0x88: {  	s2 =	sld [smem:$0x3FD9]  }
0x89: {  	s3 =	sld [smem:$0x3FFE];
	_ =	sdelay $0x1  }
0x8a: {  	s1 =	srdreg.scid  }
0x8b: {  	s0 =	sand.u32 $0x1, s1  }
0x8c: {  	s15 =	sshll.u32 s0, $0xA;
	s2 =	sadd.s32 s3, s2  }
0x8d: {  	s2 =	sadd.s32 s2, s15  }
0x8e: {  	[smem:$0x3FB4] =	sst s2  }
0x8f: {  	_ = 	snop  }
0x90: {  	s2 =	sld [smem:$0x3FD0];
	_ =	sdelay $0x2  }
0x91: {  	s16 =	simm.s32 $0xE;
	s4 =	simm.s32 $0x10  }
0x92: {  	[smem:s4], [sflag:s16] =	dma.local [hbm:s2], $0x1  }
0x93: {  	_ =	swait.eq [sflag:s16], $0x1  }
0x94: {  	[sflag:s16] =	ssyncset.done $0x0  }
0x95: {  	[sflag:s16] =	ssyncadd.s32 $0xFFFFFFFF  }
0x96: {  	s17 =	sld [smem:$0x10];
	(tm) =	ssettm $0x1  }
0x97: {  	s18 =	sld [smem:$0x3FFB];
	_ =	sdelay $0x3  }
0x98: {  	_ =	strace s18  }
0x99: {  	s2 =	sld [smem:$0x3FFC];
	_ =	sdelay $0x3  }
0x9a: {  	_ =	strace s2  }
0x9b: {  	s2 =	sld [smem:$0x3FFD];
	_ =	sdelay $0x3  }
0x9c: {  	_ =	strace s2  }
0x9d: {  	_ =	strace $0x8FFFFFFF  }
0x9e: {  	s19 =	sld [smem:$0x3FDB];
	_ =	sdelay $0x1  }
0x9f: {  	s20 =	simm.s32 $_scs_section_size  }
0xa0: {  	s5 =	simm.s32 $_size__tile_overlayer_lowered;
	s6 =	simm.s32 $_tile_overlayer_lowered  }
0xa1: {  	s7 =	simm.s32 $0x1BFF;
	s21 =	sshll.u32 s6, $0x1;
	s4 =	sadd.s32 s20, s19  }
0xa2: {  	s22 =	simm.s32 $0x0;
	s5 =	sshll.u32 s5, $0x1;
	s6 =	sadd.s32 s21, s4  }
0xa3: {  	[timem:s22], [sflag:s7] =	dma.local [hbm:s6], s5  }
0xa4: {  	_ =	swait.ge [sflag:s7], s5  }
0xa5: {  	s5 =	ssub.s32 $0x0, s5;
	[sflag:s7] =	ssyncset.done $0x0  }
0xa6: {  	[sflag:s7] =	ssyncadd.s32 s5;
	_ =	sdelay $0x1  }
0xa7: {  	s23 =	simm.s32 $0x1B8B  }
0xa8: {  	_ =	swait.ge [sflag:s23], $0x1  }
0xa9: {  	[sflag:s23] =	ssyncset.done $0x0  }
0xaa: {  	[sflag:s23] =	ssyncadd.s32 $0xFFFFFFFF  }
0xab: {  	s5 =	sld [smem:$0x0]  }
0xac: {  	s6 =	sand.u32 $0xFFFFFFFE, s1  }
0xad: {  	p0 =	sne.s32 s1, s6  }
0xae: {  	s6 =	sshll.u32 @p0 s6, $0xE  }
0xaf: {  	s6 =	sadd.s32 @p0 $0x11B8D, s6;
	s7 =	sshll.u32 @p0 s5, $0x11  }
0xb0: {  	s6 =	sor.u32 @p0 s7, s6  }
0xb1: {  	[sflag:s6] =	ssyncadd.remote.s32 @p0 $0x1;
	_ =	sdelay $0x1  }
0xb2: {  	s6 =	simm.s32 @p0 $0x1B8D  }
0xb3: {  	_ =	swait.eq @p0 [sflag:s6], $0x1  }
0xb4: {  	[sflag:s6] =	ssyncadd.s32 @p0 $0xFFFFFFFF  }
0xb5: {  	s7 =	sshll.u32 @!p0 s1, $0xE  }
0xb6: {  	s7 =	sor.u32 @!p0 $0x4000, s7;
	s6 =	simm.s32 @!p0 $0x1B8D  }
0xb7: {  	s5 =	sshll.u32 @!p0 s5, $0x11;
	s7 =	sadd.s32 @!p0 $0x11B8D, s7;
	_ =	swait.eq @!p0 [sflag:s6], $0x1  }
0xb8: {  	s5 =	sor.u32 @!p0 s5, s7;
	[sflag:s6] =	ssyncadd.s32 @!p0 $0xFFFFFFFF  }
0xb9: {  	s25 =	simm.s32 $0x1B8E;
	s24 =	sld [smem:$0x3FFE];
	[sflag:s5] =	ssyncadd.remote.s32 @!p0 $0x1  }
0xba: {  	s26 =	simm.s32 $execute0_lowered;
	[smem:$0x3FD2] =	sst s25  }
0xbb: {  	s6 =	sshll.u32 s26, $0x1;
	_ =	strace $0x80000049;
	[dreg:$0x1] =	wrdreg $0xFFFFFFFF  }
0xbc: {  	s28 =	simm.s32 $_size_execute0_lowered;
	s4 =	sadd.s32 s4, s6;
	[dreg:$0x0] =	wrdreg $0x0  }
0xbd: {  	s6 =	sshll.u32 s28, $0x1;
	[dreg:$0x2] =	wrdreg s4  }
0xbe: {  	[dreg:$0x3] =	wrdreg s6  }
0xbf: {  	[dreg:$0x4] =	wrdreg $0xC0  }
0xc0: {  	_ =	task [dreg:s22], $0x5FFFF  }
0xc1: {  	[dreg:$0x1] =	wrdreg $0xFFFFFFFF  }
0xc2: {  	[dreg:$0x0] =	wrdreg $0x60  }
0xc3: {  	[dreg:$0x2] =	wrdreg s17  }
0xc4: {  	[dreg:$0x3] =	wrdreg s24  }
0xc5: {  	[dreg:$0x4] =	wrdreg $0xA  }
0xc6: {  	_ =	task.clear_ibuf [dreg:s22], $0x5FFFF;
	_ =	strace $0x90000049  }
0xc7: {  	s29 =	simm.s32 $0xA;
	_ =	strace $0x8000004B  }
0xc8: {  	_ =	swait.ge [sflag:s29], $0x1  }
0xc9: {  	[sflag:s29] =	ssyncadd.s32 $0xFFFFFFFF  }
0xca: {  	_ =	strace $0x9000004B  }
0xcb: {  	_ =	sfence  }
0xcc: {  	s30 =	sld [smem:$0x0];
	_ =	sdelay $0x2  }
0xcd: {  	s31 =	sshll.u32 s1, $0xD;
	s1 =	sshrl.u32 s1, $0x2  }
0xce: {  	s4 =	sand.u32 $0x4000, s31;
	s1 =	sadd.s32 s1, s30  }
0xcf: {  	s0 =	sor.u32 s4, s0;
	s1 =	sshll.u32 s1, $0x11  }
0xd0: {  	s0 =	sor.u32 s1, s0  }
0xd1: {  	s0 =	sadd.s32 $0x8F2B, s0  }
0xd2: {  	[sflag:s0] =	ssyncadd.remote.s32 $0x1  }
0xd3: {  	_ =	sfence.sel $0xFFFF  }
0xd4: {  	[dreg:$0x0] =	wrdreg $0xFFFFFFFF;
	(pc) =	sbr.abs _section_cstart, $3  }
0xd5: {  	[dreg:$0x1] =	wrdreg $0xFFFFFFFF  }
0xd6: {  	_ =	task.clear_ibuf [dreg:s22], $0x2FFFF;
	_ =	strace $0x9FFFFFFF  }
0xd7: {  	(tm) =	ssettm $0x7FFFFFFF  }
tec
execute0_lowered:
.L_overlay_start_1:
0x0: {  	(tag) =	ssettag $0x1  }
0x1: {  	s2 =	rddreg [dreg:$0x0]  }
0x2: {  	s0 =	rddreg [dreg:$0x1];
	s1 =	srdreg.scid  }
0x3: {  	s10 =	stileid.u32;
	s3 =	simm.s32 $0x0;
	s28 =	simm.s32 $0x5C00  }
0x4: {  	s29 =	simm.s32 $0x1;
	s30 =	simm.s32 $0x3;
	s31 =	simm.s32 $0x5  }
0x5: {  	s1 =	sand.u32 $0x1, s1;
	s4 =	sshll.u32 s10, $0x1;
	[smem:$0x7FF] =	sst s3  }
0x6: {  	s10 =	smul.u32 $0x3E800, s10;
	s5 =	sor.u32 s1, s4;
	_ =	strace $0x8000004A  }
0x7: {  	s4 =	sadd.s32 $0xF400, s0;
	s18 =	ssub.s32 $0x2, s1;
	s1 =	smul.u32 $0x1F400, s1  }
0x8: {  	s6 =	sshll.u32 s5, $0x9;
	s8 =	smul.u32 $0x1F400, s5;
	s5 =	sadd.s32 $0xD3600, s0  }
0x9: {  	s9 =	sshrl.u32 s18, $0x1;
	s7 =	sadd.s32 s6, s0;
	s6 =	sadd.s32 $0x150600, s0  }
0xa: {  	s0 =	ssub.s32 s18, s9;
	s22 =	sadd.s32 s1, s10;
	s8 =	sshrl.u32 s8, $0x3  }
0xb: {  	s11 =	sadd.s32 $0xB7600, s7;
	s7 =	sadd.s32 $0xB3600, s7;
	s0 =	smax.u32 s0, $0x1  }
0xc: {  	s25 =	sadd.s32 $0x3C00, s22;
	s16 =	sadd.s32 $0x2800, s22;
	[dreg:$0x3] =	wrdreg s11  }
0xd: {  	s22 =	simm.s32 $0x2000;
	s19 =	sadd.s32 $0x3C00, s8;
	[dreg:$0x4] =	wrdreg s7  }
0xe: {  	[dreg:$0x7] =	wrdreg s0;
	s23 =	sadd.s32 s5, s8;
	s24 =	sadd.s32 $0x280, s8  }
0xf: {  	s8 =	sadd.s32 s6, s8;
	s7 =	sshrl.u32 s25, $0x3;
	s25 =	simm.s32 $0x3400  }
0x10: {  	s0 =	simm.s32 $0x7;
	s20 =	sadd.s32 s5, s19;
	[dreg:$0x8] =	wrdreg s23  }
0x11: {  	s21 =	sadd.s32 s6, s19;
	[dreg:$0x9] =	wrdreg s8;
	s26 =	sadd.s32 s5, s24  }
0x12: {  	s1 =	sadd.s32 s6, s24;
	s13 =	sadd.s32 s7, s6;
	[dreg:$0x5] =	wrdreg s20  }
0x13: {  	s18 =	sadd.s32 s7, s5;
	s19 =	simm.s32 $0x9;
	[dreg:$0x6] =	wrdreg s21  }
0x14: {  	s23 =	simm.s32 $0x4800;
	s24 =	simm.s32 $0x6;
	[dreg:$0xa] =	wrdreg s26  }
0x15: {  	s7 =	simm.s32 $0x8;
	s8 =	simm.s32 $0x0;
	[dreg:$0xb] =	wrdreg s1  }
0x16: {  	s21 =	simm.s32 $0x28;
	s26 =	simm.s32 $0x2;
	s1 =	simm.s32 $0x4  }
.LBB2_1:
0x17: {  	s9 =	rddreg [dreg:$0x3]  }
0x18: {  	[tilespmem:s3], [sflag:$0x9] =	stream.linear.gather [hbm4b:s9+s3], $0xC80, $0x38;
	[tilespmem:$0x7000] =	vst v63  }
0x19: {  	_ =	swait.ge [sflag:s19], $0xC80  }
0x1a: {  	[sflag:s19] =	ssyncset.done $0x0  }
0x1b: {  	s10 =	simm.s32 $0x1000;
	s20 =	rddreg [dreg:$0x4];
	[sflag:s19] =	ssyncadd.s32 $0xFFFFF380  }
0x1c: {  	[tilespmem:s10], [sflag:$0x9] =	stream.linear.gather [hbm4b:s20+s3], $0xC80, $0x38;
	[tilespmem:$0x7000] =	vst v63  }
0x1d: {  	_ =	swait.ge [sflag:s19], $0xC80  }
0x1e: {  	[sflag:s19] =	ssyncset.done $0x0  }
0x1f: {  	[sflag:s19] =	ssyncadd.s32 $0xFFFFF380  }
0x20: {  	[tilespmem:s22], [sflag:$0x1] =	stream.indirect.gather [hbm4b:s2+s21], $0x80, s3, s21, $0xb8;
	[tilespmem:$0x7000] =	vst v63  }
0x21: {  	_ = 	snop  }
0x22: {  	[tilespmem:s23], [sflag:$0x3] =	stream.indirect.gather [hbm4b:s4+s21], $0x80, s10, s21, $0xb8;
	[tilespmem:$0x7000] =	vst v63  }
0x23: {  	s10 =	simm.s32 $0x80  }
0x24: {  	[tilespmem:s25], [sflag:$0x2] =	stream.indirect.gather [hbm4b:s2+s21], $0x80, s10, s21, $0xb8;
	[tilespmem:$0x7000] =	vst v63  }
0x25: {  	s11 =	simm.s32 $0x1080  }
0x26: {  	[tilespmem:s28], [sflag:$0x4] =	stream.indirect.gather [hbm4b:s4+s21], $0x80, s11, s21, $0xb8;
	[tilespmem:$0x7000] =	vst v63  }
0x27: {  	_ =	swait.ge [sflag:s29], $0x1400  }
0x28: {  	[sflag:s29] =	ssyncset.done $0x0  }
0x29: {  	[sflag:s29] =	ssyncadd.s32 $0xFFFFEC00  }
0x2a: {  	_ =	swait.ge [sflag:s30], $0x1400  }
0x2b: {  	[sflag:s30] =	ssyncset.done $0x0  }
0x2c: {  	s12 =	rddreg [dreg:$0x8];
	[sflag:s30] =	ssyncadd.s32 $0xFFFFEC00  }
0x2d: {  	[hbm4b:s12+s3] =	stream.linear.scatter [tilespmem:s22], [sflag:$0x5], $0x1400, $0x38;
	[tilespmem:$0x7000] =	vst v63  }
0x2e: {  	s14 =	rddreg [dreg:$0x9]  }
0x2f: {  	[hbm4b:s14+s3] =	stream.linear.scatter [tilespmem:s23], [sflag:$0x7], $0x1400, $0x38;
	[tilespmem:$0x7000] =	vst v63  }
0x30: {  	_ =	swait.ge [sflag:s31], $0x1400  }
0x31: {  	[sflag:s31] =	ssyncset.done $0x0  }
0x32: {  	[sflag:s31] =	ssyncadd.s32 $0xFFFFEC00  }
0x33: {  	_ =	swait.ge [sflag:s0], $0x1400  }
0x34: {  	[sflag:s0] =	ssyncset.done $0x0  }
0x35: {  	s15 =	simm.s32 $0x100;
	[sflag:s0] =	ssyncadd.s32 $0xFFFFEC00  }
0x36: {  	[tilespmem:s22], [sflag:$0x1] =	stream.indirect.gather [hbm4b:s2+s21], $0x80, s15, s21, $0xb8;
	[tilespmem:$0x7000] =	vst v63  }
0x37: {  	s17 =	simm.s32 $0x1100  }
0x38: {  	[tilespmem:s23], [sflag:$0x3] =	stream.indirect.gather [hbm4b:s4+s21], $0x80, s17, s21, $0xb8;
	[tilespmem:$0x7000] =	vst v63  }
0x39: {  	_ =	swait.ge [sflag:s26], $0x1400  }
0x3a: {  	[sflag:s26] =	ssyncset.done $0x0  }
0x3b: {  	[sflag:s26] =	ssyncadd.s32 $0xFFFFEC00  }
0x3c: {  	_ =	swait.ge [sflag:s1], $0x1400  }
0x3d: {  	[sflag:s1] =	ssyncset.done $0x0  }
0x3e: {  	s20 =	rddreg [dreg:$0xa];
	[sflag:s1] =	ssyncadd.s32 $0xFFFFEC00  }
0x3f: {  	[hbm4b:s20+s3] =	stream.linear.scatter [tilespmem:s25], [sflag:$0x6], $0x1400, $0x38;
	[tilespmem:$0x7000] =	vst v63  }
0x40: {  	s10 =	rddreg [dreg:$0xb]  }
0x41: {  	[hbm4b:s10+s3] =	stream.linear.scatter [tilespmem:s28], [sflag:$0x8], $0x1400, $0x38;
	[tilespmem:$0x7000] =	vst v63  }
0x42: {  	_ =	swait.ge [sflag:s24], $0x1400  }
0x43: {  	[sflag:s24] =	ssyncset.done $0x0  }
0x44: {  	[sflag:s24] =	ssyncadd.s32 $0xFFFFEC00  }
0x45: {  	_ =	swait.ge [sflag:s7], $0x1400  }
0x46: {  	[sflag:s7] =	ssyncset.done $0x0  }
0x47: {  	s11 =	simm.s32 $0x180;
	[sflag:s7] =	ssyncadd.s32 $0xFFFFEC00  }
0x48: {  	[tilespmem:s25], [sflag:$0x2] =	stream.indirect.gather [hbm4b:s2+s21], $0x80, s11, s21, $0xb8;
	[tilespmem:$0x7000] =	vst v63  }
0x49: {  	s12 =	simm.s32 $0x1180  }
0x4a: {  	[tilespmem:s28], [sflag:$0x4] =	stream.indirect.gather [hbm4b:s4+s21], $0x80, s12, s21, $0xb8;
	[tilespmem:$0x7000] =	vst v63  }
0x4b: {  	_ =	swait.ge [sflag:s29], $0x1400  }
0x4c: {  	[sflag:s29] =	ssyncset.done $0x0  }
0x4d: {  	[sflag:s29] =	ssyncadd.s32 $0xFFFFEC00  }
0x4e: {  	_ =	swait.ge [sflag:s30], $0x1400  }
0x4f: {  	s14 =	sshrl.u32 s16, $0x3;
	[sflag:s30] =	ssyncset.done $0x0  }
0x50: {  	s15 =	sadd.s32 s5, s14;
	[sflag:s30] =	ssyncadd.s32 $0xFFFFEC00  }
0x51: {  	[hbm4b:s15+s3] =	stream.linear.scatter [tilespmem:s22], [sflag:$0x5], $0x1400, $0x38;
	[tilespmem:$0x7000] =	vst v63  }
0x52: {  	s9 =	sadd.s32 s6, s14  }
0x53: {  	[hbm4b:s9+s3] =	stream.linear.scatter [tilespmem:s23], [sflag:$0x7], $0x1400, $0x38;
	[tilespmem:$0x7000] =	vst v63  }
0x54: {  	_ =	swait.ge [sflag:s31], $0x1400  }
0x55: {  	[sflag:s31] =	ssyncset.done $0x0  }
0x56: {  	[sflag:s31] =	ssyncadd.s32 $0xFFFFEC00  }
0x57: {  	_ =	swait.ge [sflag:s0], $0x1400  }
0x58: {  	[sflag:s0] =	ssyncset.done $0x0  }
0x59: {  	s17 =	simm.s32 $0x200;
	[sflag:s0] =	ssyncadd.s32 $0xFFFFEC00  }
0x5a: {  	[tilespmem:s22], [sflag:$0x1] =	stream.indirect.gather [hbm4b:s2+s21], $0x80, s17, s21, $0xb8;
	[tilespmem:$0x7000] =	vst v63  }
0x5b: {  	s20 =	simm.s32 $0x1200  }
0x5c: {  	[tilespmem:s23], [sflag:$0x3] =	stream.indirect.gather [hbm4b:s4+s21], $0x80, s20, s21, $0xb8;
	[tilespmem:$0x7000] =	vst v63  }
0x5d: {  	_ =	swait.ge [sflag:s26], $0x1400  }
0x5e: {  	[sflag:s26] =	ssyncset.done $0x0  }
0x5f: {  	[sflag:s26] =	ssyncadd.s32 $0xFFFFEC00  }
0x60: {  	s10 =	sadd.s32 $0x2800, s16;
	_ =	swait.ge [sflag:s1], $0x1400  }
0x61: {  	s11 =	sadd.s32 $0x500, s13;
	s12 =	sadd.s32 $0x500, s18;
	[sflag:s1] =	ssyncset.done $0x0  }
0x62: {  	s9 =	simm.s32 $0x400;
	s17 =	smov.u32 s13;
	[sflag:s1] =	ssyncadd.s32 $0xFFFFEC00  }
0x63: {  	[hbm4b:s18+s3] =	stream.linear.scatter [tilespmem:s25], [sflag:$0x6], $0x1400, $0x38;
	[tilespmem:$0x7000] =	vst v63  }
.LBB2_2:
0x64: {  	[hbm4b:s17+s3] =	stream.linear.scatter [tilespmem:s28], [sflag:$0x8], $0x1400, $0x38;
	[tilespmem:$0x7000] =	vst v63  }
0x65: {  	s14 =	smov.u32 s9;
	s17 =	smov.u32 s11  }
0x66: {  	p0 =	sne.s32 s9, $0x2800;
	s9 =	sadd.s32 $0x400, s9;
	_ =	swait.ge [sflag:s24], $0x1400  }
0x67: {  	[sflag:s24] =	ssyncset.done $0x0  }
0x68: {  	[sflag:s24] =	ssyncadd.s32 $0xFFFFEC00  }
0x69: {  	_ =	swait.ge [sflag:s7], $0x1400  }
0x6a: {  	s14 =	sshra.s32 s14, $0x2;
	[sflag:s7] =	ssyncset.done $0x0  }
0x6b: {  	s15 =	sadd.s32 $0x180, s14;
	[sflag:s7] =	ssyncadd.s32 $0xFFFFEC00  }
0x6c: {  	[tilespmem:s25], [sflag:$0x2] =	stream.indirect.gather [hbm4b:s2+s21], $0x80, s15, s21, $0xb8;
	[tilespmem:$0x7000] =	vst v63  }
0x6d: {  	s15 =	sadd.s32 $0x1180, s14  }
0x6e: {  	[tilespmem:s28], [sflag:$0x4] =	stream.indirect.gather [hbm4b:s4+s21], $0x80, s15, s21, $0xb8;
	[tilespmem:$0x7000] =	vst v63  }
0x6f: {  	_ =	swait.ge [sflag:s29], $0x1400  }
0x70: {  	[sflag:s29] =	ssyncset.done $0x0  }
0x71: {  	[sflag:s29] =	ssyncadd.s32 $0xFFFFEC00  }
0x72: {  	_ =	swait.ge [sflag:s30], $0x1400  }
0x73: {  	s15 =	sshrl.u32 s10, $0x3;
	[sflag:s30] =	ssyncset.done $0x0  }
0x74: {  	s20 =	sadd.s32 s5, s15;
	[sflag:s30] =	ssyncadd.s32 $0xFFFFEC00  }
0x75: {  	[hbm4b:s20+s3] =	stream.linear.scatter [tilespmem:s22], [sflag:$0x5], $0x1400, $0x38;
	[tilespmem:$0x7000] =	vst v63  }
0x76: {  	s15 =	sadd.s32 s6, s15  }
0x77: {  	[hbm4b:s15+s3] =	stream.linear.scatter [tilespmem:s23], [sflag:$0x7], $0x1400, $0x38;
	[tilespmem:$0x7000] =	vst v63  }
0x78: {  	_ =	swait.ge [sflag:s31], $0x1400  }
0x79: {  	[sflag:s31] =	ssyncset.done $0x0  }
0x7a: {  	[sflag:s31] =	ssyncadd.s32 $0xFFFFEC00  }
0x7b: {  	_ =	swait.ge [sflag:s0], $0x1400  }
0x7c: {  	[sflag:s0] =	ssyncset.done $0x0  }
0x7d: {  	s15 =	sadd.s32 $0x200, s14;
	[sflag:s0] =	ssyncadd.s32 $0xFFFFEC00  }
0x7e: {  	[tilespmem:s22], [sflag:$0x1] =	stream.indirect.gather [hbm4b:s2+s21], $0x80, s15, s21, $0xb8;
	[tilespmem:$0x7000] =	vst v63  }
0x7f: {  	s14 =	sadd.s32 $0x1200, s14  }
0x80: {  	[tilespmem:s23], [sflag:$0x3] =	stream.indirect.gather [hbm4b:s4+s21], $0x80, s14, s21, $0xb8;
	[tilespmem:$0x7000] =	vst v63  }
0x81: {  	_ =	swait.ge [sflag:s26], $0x1400  }
0x82: {  	[sflag:s26] =	ssyncset.done $0x0  }
0x83: {  	[sflag:s26] =	ssyncadd.s32 $0xFFFFEC00  }
.Ltmp0:
0x84: {  	_ =	swait.ge [sflag:s1], $0x1400;
	(pc) =	sbr.rel @p0 .LBB2_2-.Ltmp0, $4  }
0x85: {  	[sflag:s1] =	ssyncset.done $0x0  }
0x86: {  	[sflag:s1] =	ssyncadd.s32 $0xFFFFEC00  }
0x87: {  	[hbm4b:s12+s3] =	stream.linear.scatter [tilespmem:s25], [sflag:$0x6], $0x1400, $0x38;
	[tilespmem:$0x7000] =	vst v63  }
0x88: {  	s11 =	sadd.s32 $0x500, s11;
	s10 =	sadd.s32 $0x2800, s10;
	s12 =	sadd.s32 $0x500, s12  }
0x89: {  	[hbm4b:s17+s3] =	stream.linear.scatter [tilespmem:s28], [sflag:$0x8], $0x1400, $0x38;
	[tilespmem:$0x7000] =	vst v63  }
0x8a: {  	_ =	swait.ge [sflag:s24], $0x1400  }
0x8b: {  	[sflag:s24] =	ssyncset.done $0x0  }
0x8c: {  	[sflag:s24] =	ssyncadd.s32 $0xFFFFEC00  }
0x8d: {  	_ =	swait.ge [sflag:s7], $0x1400  }
0x8e: {  	[sflag:s7] =	ssyncset.done $0x0  }
0x8f: {  	[sflag:s7] =	ssyncadd.s32 $0xFFFFEC00  }
0x90: {  	_ =	swait.ge [sflag:s29], $0x1400  }
0x91: {  	[sflag:s29] =	ssyncset.done $0x0  }
0x92: {  	[sflag:s29] =	ssyncadd.s32 $0xFFFFEC00  }
0x93: {  	_ =	swait.ge [sflag:s30], $0x1400  }
0x94: {  	[sflag:s30] =	ssyncset.done $0x0  }
0x95: {  	s9 =	rddreg [dreg:$0x5];
	[sflag:s30] =	ssyncadd.s32 $0xFFFFEC00  }
0x96: {  	[hbm4b:s9+s3] =	stream.linear.scatter [tilespmem:s22], [sflag:$0x5], $0x1400, $0x38;
	[tilespmem:$0x7000] =	vst v63  }
0x97: {  	s17 =	rddreg [dreg:$0x6]  }
0x98: {  	[hbm4b:s17+s3] =	stream.linear.scatter [tilespmem:s23], [sflag:$0x7], $0x1400, $0x38;
	[tilespmem:$0x7000] =	vst v63  }
0x99: {  	_ =	swait.ge [sflag:s31], $0x1400  }
0x9a: {  	[sflag:s31] =	ssyncset.done $0x0  }
0x9b: {  	[sflag:s31] =	ssyncadd.s32 $0xFFFFEC00  }
0x9c: {  	_ =	swait.ge [sflag:s0], $0x1400  }
0x9d: {  	s8 =	sadd.s32 $0x1, s8;
	s20 =	rddreg [dreg:$0x7]  }
0x9e: {  	p0 =	sne.s32 s8, s20  }
.Ltmp1:
0x9f: {  	_ = 	snop;
	(pc) =	sbr.rel @p0 .LBB2_1-.Ltmp1, $3  }
0xa0: {  	_ =	sdelay $0x1  }
0xa1: {  	[sflag:s0] =	ssyncset.done $0x0  }
0xa2: {  	[sflag:s0] =	ssyncadd.s32 $0xFFFFEC00  }
0xa3: {  	_ =	sfence.sel $0x180000  }
0xa4: {  	[bflag:$0x0] =	sbarrier.arrive $0xFFFF  }
0xa5: {  	_ =	strace $0x9000004A  }
0xa6: {  	s0 =	stileid.u32;
	[bflag:$0x2] =	sbarrier.arrive $0xFFFF  }
0xa7: {  	p0 =	sne.s32 s0, $0x0;
	s0 =	rddreg [dreg:$0x2]  }
0xa8: {  	s0 =	sadd.s32 @!p0 $0x100000, s0  }
0xa9: {  	[sflag:s0] =	ssyncadd.tile.s32 @!p0 $0x1;
	_ =	shalt  }
.Lfunc_end2:
_tile_overlayer_lowered:
.L_overlay_start_2:
0xaa: {  	(tag) =	ssettag $0x2  }
0xab: {  	s0 =	rddreg [dreg:$0x0];
	s2 =	stileid.u32  }
0xac: {  	s1 =	rddreg [dreg:$0x1];
	p0 =	sne.s32 s2, $0x0  }
0xad: {  	s3 =	rddreg [dreg:$0x2];
	[bflag:$0x3] =	sbarrier.arrive $0xFFFF;
	s2 =	simm.s32 @!p0 $0x1C09  }
0xae: {  	[timem:s3], [sflag:s2] =	dma.local @!p0 [hbm:s0], s1  }
0xaf: {  	s0 =	simm.s32 @!p0 $0x9  }
0xb0: {  	_ =	swait.ge @!p0 [sflag:s0], s1  }
0xb1: {  	s1 =	ssub.s32 @!p0 $0x0, s1;
	[sflag:s0] =	ssyncset.done @!p0 $0x0  }
0xb2: {  	[sflag:s0] =	ssyncadd.s32 @!p0 s1  }
0xb3: {  	[bflag:$0x3] =	sbarrier.arrive $0xFFFF  }
0xb4: {  	_ =	shalt  }

// kernel: kernel.21.cloned.1.call-start
scs
__scs_entry_jumppad:
0x0: {  	(pc) =	sbr.rel $0x88, $3  }
0x1: {  	(tag) =	ssettag $0x0;
	lr =	simm.s32 $0x1  }
0x2: {  	[smem:$0x3F8D] =	sst lr;
	_ =	strace $0xD0000000  }
0x3: {  	_ = 	snop  }
0x4: {  	_ = 	snop  }
0x5: {  	_ = 	snop  }
0x6: {  	_ = 	snop  }
0x7: {  	_ = 	snop  }
__scs_overlays_trampoline_lowered:
0x8: {  	[smem:$0x3F9C] =	sst s0  }
0x9: {  	[smem:$0x3F9D] =	sst s1  }
0xa: {  	[smem:$0x3F9E] =	sst s2  }
0xb: {  	[smem:$0x3F9F] =	sst s3  }
0xc: {  	[smem:$0x3FA0] =	sst s4  }
0xd: {  	[smem:$0x3FA1] =	sst s5  }
0xe: {  	[smem:$0x3FA2] =	sst s6  }
0xf: {  	[smem:$0x3FA3] =	sst s7  }
0x10: {  	[smem:$0x3FA4] =	sst s8  }
0x11: {  	[smem:$0x3FA5] =	sst s9;
	s0 =	simm.s32 @!p0 $0x0  }
0x12: {  	s1 =	sld [smem:$0x3F8B];
	s0 =	simm.s32 @p0 $0x1  }
0x13: {  	[smem:$0x3FA6] =	sst s0;
	s0 =	simm.s32 @!p1 $0x0  }
0x14: {  	s2 =	sld [smem:$0x3F8A];
	s0 =	simm.s32 @p1 $0x1  }
0x15: {  	[smem:$0x3FA7] =	sst s0;
	s0 =	simm.s32 @!p2 $0x0  }
0x16: {  	s3 =	sld [smem:$0x3FDB];
	s0 =	simm.s32 @p2 $0x1  }
0x17: {  	s4 =	simm.s32 $0x1BF5;
	[smem:$0x3FA9] =	sst s0  }
0x18: {  	s0 =	sld [smem:$0x3F8C];
	_ =	swait.ge [sflag:s4], $0x0  }
0x19: {  	s7 =	sld [smem:$0x3F8D]  }
0x1a: {  	s8 =	sadd.s32 $0xFFFFE003, lr  }
0x1b: {  	s9 =	sadd.s32 $0xFFFFFEF7, lr;
	s5 =	simm.s32 $0xFFFFFFFF;
	p2 =	slt.u32 s8, $0xFFFFF086  }
0x1c: {  	p1 =	slt.u32 s9, $0xF7A;
	s5 =	simm.s32 @!p2 $0x0  }
0x1d: {  	s5 =	simm.s32 @p1 $0x1;
	p0 =	seq.s32 s7, s2  }
0x1e: {  	s7 =	smul.u32 @!p0 $0xF7A, s2;
	p2 =	seq.s32 @!p0 s5, $0x0  }
0x1f: {  	s9 =	smul.u32 $0xF7A, s1;
	s8 =	simm.s32 @!p0 $0x1BF5;
	p2 =	por !p2, p0  }
0x20: {  	[sflag:s8] =	ssyncset.s32 @!p0 $0xFFFFF086;
	s6 =	sadd.s32 @!p0 s3, s7;
	s7 =	simm.s32 @!p0 $0x108  }
0x21: {  	s3 =	sadd.s32 s3, s9;
	s6 =	sadd.s32 @!p0 $0x88, s6;
	s7 =	simm.s32 @p2 $0x1082  }
0x22: {  	[simem:s7], [sflag:s8] =	dma.local @!p0 [hbm:s6], $0xF7A  }
0x23: {  	s9 =	sor.u32 $0xD0000000, s2;
	s6 =	simm.s32 $0x108;
	_ =	swait.ge @!p0 [sflag:s8], $0x0  }
0x24: {  	s3 =	sadd.s32 $0x88, s3;
	s6 =	simm.s32 @!p1 $0x1082;
	[sflag:s4] =	ssyncset.s32 $0xFFFFF086  }
0x25: {  	[simem:s6], [sflag:s4] =	dma.local [hbm:s3], $0xF7A  }
0x26: {  	[smem:$0x3F8D] =	sst s1;
	(tag) =	ssettag s2;
	_ =	strace s9  }
0x27: {  	s1 =	sld [smem:$0x3F9D]  }
0x28: {  	s2 =	sld [smem:$0x3F9E]  }
0x29: {  	s4 =	sld [smem:$0x3FA0]  }
0x2a: {  	p0 =	seq.s32 s5, $0x0;
	s5 =	sld [smem:$0x3FA1]  }
0x2b: {  	s6 =	sld [smem:$0x3FA2]  }
0x2c: {  	s7 =	sld [smem:$0x3FA3]  }
0x2d: {  	s3 =	simm.s32 $0x108;
	s8 =	sld [smem:$0x3FA4]  }
0x2e: {  	s3 =	simm.s32 @!p0 $0x1082;
	s9 =	sld [smem:$0x3FA5]  }
0x2f: {  	lr =	sadd.s32 s0, s3;
	s0 =	sld [smem:$0x3F9C]  }
0x30: {  	s3 =	sld [smem:$0x3F9F]  }
0x31: {  	[smem:$0x3FA8] =	sst s10  }
0x32: {  	s10 =	sld [smem:$0x3FA6];
	_ =	sdelay $0x3  }
0x33: {  	p0 =	seq.s32 s10, $0x1;
	s10 =	sld [smem:$0x3FA8];
	_ =	sdelay $0x3  }
0x34: {  	[smem:$0x3FA8] =	sst s10  }
0x35: {  	s10 =	sld [smem:$0x3FA7];
	_ =	sdelay $0x3  }
0x36: {  	p1 =	seq.s32 s10, $0x1;
	s10 =	sld [smem:$0x3FA8];
	_ =	sdelay $0x3  }
0x37: {  	[smem:$0x3FA8] =	sst s10  }
0x38: {  	s10 =	sld [smem:$0x3FA9]  }
0x39: {  	_ = 	snop;
	(pc) =	sbr.ind lr, $3  }
0x3a: {  	_ = 	snop  }
0x3b: {  	_ = 	snop  }
0x3c: {  	p2 =	seq.s32 s10, $0x1;
	s10 =	sld [smem:$0x3FA8]  }
0x3d: {  	_ =	shalt  }
0x3e: {  	_ =	shalt  }
0x3f: {  	_ =	shalt  }
0x40: {  	_ =	shalt  }
0x41: {  	_ =	shalt  }
0x42: {  	_ =	shalt  }
0x43: {  	_ =	shalt  }
0x44: {  	_ =	shalt  }
0x45: {  	_ =	shalt  }
0x46: {  	_ =	shalt  }
0x47: {  	_ =	shalt  }
0x48: {  	_ =	shalt  }
0x49: {  	_ =	shalt  }
0x4a: {  	_ =	shalt  }
0x4b: {  	_ =	shalt  }
0x4c: {  	_ =	shalt  }
0x4d: {  	_ =	shalt  }
0x4e: {  	_ =	shalt  }
0x4f: {  	_ =	shalt  }
0x50: {  	_ =	shalt  }
0x51: {  	_ =	shalt  }
0x52: {  	_ =	shalt  }
0x53: {  	_ =	shalt  }
0x54: {  	_ =	shalt  }
0x55: {  	_ =	shalt  }
0x56: {  	_ =	shalt  }
0x57: {  	_ =	shalt  }
0x58: {  	_ =	shalt  }
0x59: {  	_ =	shalt  }
0x5a: {  	_ =	shalt  }
0x5b: {  	_ =	shalt  }
0x5c: {  	_ =	shalt  }
0x5d: {  	_ =	shalt  }
0x5e: {  	_ =	shalt  }
0x5f: {  	_ =	shalt  }
0x60: {  	_ =	shalt  }
0x61: {  	_ =	shalt  }
0x62: {  	_ =	shalt  }
0x63: {  	_ =	shalt  }
0x64: {  	_ =	shalt  }
0x65: {  	_ =	shalt  }
0x66: {  	_ =	shalt  }
0x67: {  	_ =	shalt  }
0x68: {  	_ =	shalt  }
0x69: {  	_ =	shalt  }
0x6a: {  	_ =	shalt  }
0x6b: {  	_ =	shalt  }
0x6c: {  	_ =	shalt  }
0x6d: {  	_ =	shalt  }
0x6e: {  	_ =	shalt  }
0x6f: {  	_ =	shalt  }
0x70: {  	_ =	shalt  }
0x71: {  	_ =	shalt  }
0x72: {  	_ =	shalt  }
0x73: {  	_ =	shalt  }
0x74: {  	_ =	shalt  }
0x75: {  	_ =	shalt  }
0x76: {  	_ =	shalt  }
0x77: {  	_ =	shalt  }
0x78: {  	_ =	shalt  }
0x79: {  	_ =	shalt  }
0x7a: {  	_ =	shalt  }
0x7b: {  	_ =	shalt  }
0x7c: {  	_ =	shalt  }
0x7d: {  	_ =	shalt  }
0x7e: {  	_ =	shalt  }
0x7f: {  	_ =	shalt  }
0x80: {  	_ =	shalt  }
0x81: {  	_ =	shalt  }
0x82: {  	_ =	shalt  }
0x83: {  	_ =	shalt  }
0x84: {  	_ =	shalt  }
0x85: {  	_ =	shalt  }
0x86: {  	_ =	shalt  }
0x87: {  	_ =	shalt  }
.Lfunc_end0:
.L_simem_size_0:
called_computation.2_lowered:
.L_overlay_start_0:
0x88: {  	s2 =	sld [smem:$0x3FD9]  }
0x89: {  	s3 =	sld [smem:$0x3FFE];
	_ =	sdelay $0x1  }
0x8a: {  	s1 =	srdreg.scid  }
0x8b: {  	s0 =	sand.u32 $0x1, s1  }
0x8c: {  	s15 =	sshll.u32 s0, $0xA;
	s2 =	sadd.s32 s3, s2  }
0x8d: {  	s2 =	sadd.s32 s2, s15  }
0x8e: {  	[smem:$0x3FB4] =	sst s2  }
0x8f: {  	_ = 	snop  }
0x90: {  	s2 =	sld [smem:$0x3FD0];
	_ =	sdelay $0x2  }
0x91: {  	s16 =	simm.s32 $0xE;
	s4 =	simm.s32 $0x10  }
0x92: {  	[smem:s4], [sflag:s16] =	dma.local [hbm:s2], $0x1  }
0x93: {  	_ =	swait.eq [sflag:s16], $0x1  }
0x94: {  	[sflag:s16] =	ssyncset.done $0x0  }
0x95: {  	[sflag:s16] =	ssyncadd.s32 $0xFFFFFFFF  }
0x96: {  	s17 =	sld [smem:$0x10];
	(tm) =	ssettm $0x1  }
0x97: {  	s18 =	sld [smem:$0x3FFB];
	_ =	sdelay $0x3  }
0x98: {  	_ =	strace s18  }
0x99: {  	s2 =	sld [smem:$0x3FFC];
	_ =	sdelay $0x3  }
0x9a: {  	_ =	strace s2  }
0x9b: {  	s2 =	sld [smem:$0x3FFD];
	_ =	sdelay $0x3  }
0x9c: {  	_ =	strace s2  }
0x9d: {  	_ =	strace $0x8FFFFFFF  }
0x9e: {  	s19 =	sld [smem:$0x3FDB];
	_ =	sdelay $0x1  }
0x9f: {  	s20 =	simm.s32 $_scs_section_size  }
0xa0: {  	s5 =	simm.s32 $_size__tile_overlayer_lowered;
	s6 =	simm.s32 $_tile_overlayer_lowered  }
0xa1: {  	s7 =	simm.s32 $0x1BFF;
	s21 =	sshll.u32 s6, $0x1;
	s4 =	sadd.s32 s20, s19  }
0xa2: {  	s22 =	simm.s32 $0x0;
	s5 =	sshll.u32 s5, $0x1;
	s6 =	sadd.s32 s21, s4  }
0xa3: {  	[timem:s22], [sflag:s7] =	dma.local [hbm:s6], s5  }
0xa4: {  	_ =	swait.ge [sflag:s7], s5  }
0xa5: {  	s5 =	ssub.s32 $0x0, s5;
	[sflag:s7] =	ssyncset.done $0x0  }
0xa6: {  	[sflag:s7] =	ssyncadd.s32 s5;
	_ =	sdelay $0x1  }
0xa7: {  	s23 =	simm.s32 $0x1B8B  }
0xa8: {  	_ =	swait.ge [sflag:s23], $0x1  }
0xa9: {  	[sflag:s23] =	ssyncset.done $0x0  }
0xaa: {  	[sflag:s23] =	ssyncadd.s32 $0xFFFFFFFF  }
0xab: {  	s5 =	sld [smem:$0x0]  }
0xac: {  	s6 =	sand.u32 $0xFFFFFFFE, s1  }
0xad: {  	p0 =	sne.s32 s1, s6  }
0xae: {  	s6 =	sshll.u32 @p0 s6, $0xE  }
0xaf: {  	s6 =	sadd.s32 @p0 $0x11B8D, s6;
	s7 =	sshll.u32 @p0 s5, $0x11  }
0xb0: {  	s6 =	sor.u32 @p0 s7, s6  }
0xb1: {  	[sflag:s6] =	ssyncadd.remote.s32 @p0 $0x1;
	_ =	sdelay $0x1  }
0xb2: {  	s6 =	simm.s32 @p0 $0x1B8D  }
0xb3: {  	_ =	swait.eq @p0 [sflag:s6], $0x1  }
0xb4: {  	[sflag:s6] =	ssyncadd.s32 @p0 $0xFFFFFFFF  }
0xb5: {  	s7 =	sshll.u32 @!p0 s1, $0xE  }
0xb6: {  	s7 =	sor.u32 @!p0 $0x4000, s7;
	s6 =	simm.s32 @!p0 $0x1B8D  }
0xb7: {  	s5 =	sshll.u32 @!p0 s5, $0x11;
	s7 =	sadd.s32 @!p0 $0x11B8D, s7;
	_ =	swait.eq @!p0 [sflag:s6], $0x1  }
0xb8: {  	s5 =	sor.u32 @!p0 s5, s7;
	[sflag:s6] =	ssyncadd.s32 @!p0 $0xFFFFFFFF  }
0xb9: {  	s25 =	simm.s32 $0x1B8E;
	s24 =	sld [smem:$0x3FFE];
	[sflag:s5] =	ssyncadd.remote.s32 @!p0 $0x1  }
0xba: {  	s26 =	simm.s32 $execute0_lowered;
	[smem:$0x3FD2] =	sst s25  }
0xbb: {  	s6 =	sshll.u32 s26, $0x1;
	_ =	strace $0x8000004C;
	[dreg:$0x1] =	wrdreg $0xFFFFFFFF  }
0xbc: {  	s28 =	simm.s32 $_size_execute0_lowered;
	s4 =	sadd.s32 s4, s6;
	[dreg:$0x0] =	wrdreg $0x0  }
0xbd: {  	s6 =	sshll.u32 s28, $0x1;
	[dreg:$0x2] =	wrdreg s4  }
0xbe: {  	[dreg:$0x3] =	wrdreg s6  }
0xbf: {  	[dreg:$0x4] =	wrdreg $0xC0  }
0xc0: {  	_ =	task [dreg:s22], $0x5FFFF  }
0xc1: {  	[dreg:$0x1] =	wrdreg $0xFFFFFFFF  }
0xc2: {  	[dreg:$0x0] =	wrdreg $0x60  }
0xc3: {  	[dreg:$0x2] =	wrdreg s17  }
0xc4: {  	[dreg:$0x3] =	wrdreg s24  }
0xc5: {  	[dreg:$0x4] =	wrdreg $0xB  }
0xc6: {  	_ =	task.clear_ibuf [dreg:s22], $0x5FFFF;
	_ =	strace $0x9000004C  }
0xc7: {  	s29 =	simm.s32 $0xB;
	_ =	strace $0x8000004E  }
0xc8: {  	_ =	swait.ge [sflag:s29], $0x1  }
0xc9: {  	[sflag:s29] =	ssyncadd.s32 $0xFFFFFFFF  }
0xca: {  	_ =	strace $0x9000004E  }
0xcb: {  	_ =	sfence  }
0xcc: {  	s30 =	sld [smem:$0x0];
	_ =	sdelay $0x2  }
0xcd: {  	s31 =	sshll.u32 s1, $0xD;
	s1 =	sshrl.u32 s1, $0x2  }
0xce: {  	s4 =	sand.u32 $0x4000, s31;
	s1 =	sadd.s32 s1, s30  }
0xcf: {  	s0 =	sor.u32 s4, s0;
	s1 =	sshll.u32 s1, $0x11  }
0xd0: {  	s0 =	sor.u32 s1, s0  }
0xd1: {  	s0 =	sadd.s32 $0x8F2B, s0  }
0xd2: {  	[sflag:s0] =	ssyncadd.remote.s32 $0x1  }
0xd3: {  	_ =	sfence.sel $0xFFFF  }
0xd4: {  	[dreg:$0x0] =	wrdreg $0xFFFFFFFF;
	(pc) =	sbr.abs _section_cstart, $3  }
0xd5: {  	[dreg:$0x1] =	wrdreg $0xFFFFFFFF  }
0xd6: {  	_ =	task.clear_ibuf [dreg:s22], $0x2FFFF;
	_ =	strace $0x9FFFFFFF  }
0xd7: {  	(tm) =	ssettm $0x7FFFFFFF  }
tec
execute0_lowered:
.L_overlay_start_1:
0x0: {  	(tag) =	ssettag $0x1  }
0x1: {  	s2 =	rddreg [dreg:$0x0]  }
0x2: {  	s0 =	rddreg [dreg:$0x1];
	s1 =	srdreg.scid  }
0x3: {  	s10 =	stileid.u32;
	s3 =	simm.s32 $0x0;
	s28 =	simm.s32 $0x5C00  }
0x4: {  	s29 =	simm.s32 $0x1;
	s30 =	simm.s32 $0x3;
	s31 =	simm.s32 $0x5  }
0x5: {  	s1 =	sand.u32 $0x1, s1;
	s4 =	sshll.u32 s10, $0x1;
	[smem:$0x7FF] =	sst s3  }
0x6: {  	s10 =	smul.u32 $0x3E800, s10;
	s5 =	sor.u32 s1, s4;
	_ =	strace $0x8000004D  }
0x7: {  	s4 =	sadd.s32 $0xF400, s0;
	s18 =	ssub.s32 $0x2, s1;
	s1 =	smul.u32 $0x1F400, s1  }
0x8: {  	s6 =	sshll.u32 s5, $0x9;
	s8 =	smul.u32 $0x1F400, s5;
	s5 =	sadd.s32 $0x1CD600, s0  }
0x9: {  	s9 =	sshrl.u32 s18, $0x1;
	s7 =	sadd.s32 s6, s0;
	s6 =	sadd.s32 $0x24A600, s0  }
0xa: {  	s0 =	ssub.s32 s18, s9;
	s22 =	sadd.s32 s1, s10;
	s8 =	sshrl.u32 s8, $0x3  }
0xb: {  	s11 =	sadd.s32 $0xBF600, s7;
	s7 =	sadd.s32 $0xBB600, s7;
	s0 =	smax.u32 s0, $0x1  }
0xc: {  	s25 =	sadd.s32 $0x3C00, s22;
	s16 =	sadd.s32 $0x2800, s22;
	[dreg:$0x3] =	wrdreg s11  }
0xd: {  	s22 =	simm.s32 $0x2000;
	s19 =	sadd.s32 $0x3C00, s8;
	[dreg:$0x4] =	wrdreg s7  }
0xe: {  	[dreg:$0x7] =	wrdreg s0;
	s23 =	sadd.s32 s5, s8;
	s24 =	sadd.s32 $0x280, s8  }
0xf: {  	s8 =	sadd.s32 s6, s8;
	s7 =	sshrl.u32 s25, $0x3;
	s25 =	simm.s32 $0x3400  }
0x10: {  	s0 =	simm.s32 $0x7;
	s20 =	sadd.s32 s5, s19;
	[dreg:$0x8] =	wrdreg s23  }
0x11: {  	s21 =	sadd.s32 s6, s19;
	[dreg:$0x9] =	wrdreg s8;
	s26 =	sadd.s32 s5, s24  }
0x12: {  	s1 =	sadd.s32 s6, s24;
	s13 =	sadd.s32 s7, s6;
	[dreg:$0x5] =	wrdreg s20  }
0x13: {  	s18 =	sadd.s32 s7, s5;
	s19 =	simm.s32 $0x9;
	[dreg:$0x6] =	wrdreg s21  }
0x14: {  	s23 =	simm.s32 $0x4800;
	s24 =	simm.s32 $0x6;
	[dreg:$0xa] =	wrdreg s26  }
0x15: {  	s7 =	simm.s32 $0x8;
	s8 =	simm.s32 $0x0;
	[dreg:$0xb] =	wrdreg s1  }
0x16: {  	s21 =	simm.s32 $0x28;
	s26 =	simm.s32 $0x2;
	s1 =	simm.s32 $0x4  }
.LBB2_1:
0x17: {  	s9 =	rddreg [dreg:$0x3]  }
0x18: {  	[tilespmem:s3], [sflag:$0x9] =	stream.linear.gather [hbm4b:s9+s3], $0xC80, $0x38;
	[tilespmem:$0x7000] =	vst v63  }
0x19: {  	_ =	swait.ge [sflag:s19], $0xC80  }
0x1a: {  	[sflag:s19] =	ssyncset.done $0x0  }
0x1b: {  	s10 =	simm.s32 $0x1000;
	s20 =	rddreg [dreg:$0x4];
	[sflag:s19] =	ssyncadd.s32 $0xFFFFF380  }
0x1c: {  	[tilespmem:s10], [sflag:$0x9] =	stream.linear.gather [hbm4b:s20+s3], $0xC80, $0x38;
	[tilespmem:$0x7000] =	vst v63  }
0x1d: {  	_ =	swait.ge [sflag:s19], $0xC80  }
0x1e: {  	[sflag:s19] =	ssyncset.done $0x0  }
0x1f: {  	[sflag:s19] =	ssyncadd.s32 $0xFFFFF380  }
0x20: {  	[tilespmem:s22], [sflag:$0x1] =	stream.indirect.gather [hbm4b:s2+s21], $0x80, s3, s21, $0xb8;
	[tilespmem:$0x7000] =	vst v63  }
0x21: {  	_ = 	snop  }
0x22: {  	[tilespmem:s23], [sflag:$0x3] =	stream.indirect.gather [hbm4b:s4+s21], $0x80, s10, s21, $0xb8;
	[tilespmem:$0x7000] =	vst v63  }
0x23: {  	s10 =	simm.s32 $0x80  }
0x24: {  	[tilespmem:s25], [sflag:$0x2] =	stream.indirect.gather [hbm4b:s2+s21], $0x80, s10, s21, $0xb8;
	[tilespmem:$0x7000] =	vst v63  }
0x25: {  	s11 =	simm.s32 $0x1080  }
0x26: {  	[tilespmem:s28], [sflag:$0x4] =	stream.indirect.gather [hbm4b:s4+s21], $0x80, s11, s21, $0xb8;
	[tilespmem:$0x7000] =	vst v63  }
0x27: {  	_ =	swait.ge [sflag:s29], $0x1400  }
0x28: {  	[sflag:s29] =	ssyncset.done $0x0  }
0x29: {  	[sflag:s29] =	ssyncadd.s32 $0xFFFFEC00  }
0x2a: {  	_ =	swait.ge [sflag:s30], $0x1400  }
0x2b: {  	[sflag:s30] =	ssyncset.done $0x0  }
0x2c: {  	s12 =	rddreg [dreg:$0x8];
	[sflag:s30] =	ssyncadd.s32 $0xFFFFEC00  }
0x2d: {  	[hbm4b:s12+s3] =	stream.linear.scatter [tilespmem:s22], [sflag:$0x5], $0x1400, $0x38;
	[tilespmem:$0x7000] =	vst v63  }
0x2e: {  	s14 =	rddreg [dreg:$0x9]  }
0x2f: {  	[hbm4b:s14+s3] =	stream.linear.scatter [tilespmem:s23], [sflag:$0x7], $0x1400, $0x38;
	[tilespmem:$0x7000] =	vst v63  }
0x30: {  	_ =	swait.ge [sflag:s31], $0x1400  }
0x31: {  	[sflag:s31] =	ssyncset.done $0x0  }
0x32: {  	[sflag:s31] =	ssyncadd.s32 $0xFFFFEC00  }
0x33: {  	_ =	swait.ge [sflag:s0], $0x1400  }
0x34: {  	[sflag:s0] =	ssyncset.done $0x0  }
0x35: {  	s15 =	simm.s32 $0x100;
	[sflag:s0] =	ssyncadd.s32 $0xFFFFEC00  }
0x36: {  	[tilespmem:s22], [sflag:$0x1] =	stream.indirect.gather [hbm4b:s2+s21], $0x80, s15, s21, $0xb8;
	[tilespmem:$0x7000] =	vst v63  }
0x37: {  	s17 =	simm.s32 $0x1100  }
0x38: {  	[tilespmem:s23], [sflag:$0x3] =	stream.indirect.gather [hbm4b:s4+s21], $0x80, s17, s21, $0xb8;
	[tilespmem:$0x7000] =	vst v63  }
0x39: {  	_ =	swait.ge [sflag:s26], $0x1400  }
0x3a: {  	[sflag:s26] =	ssyncset.done $0x0  }
0x3b: {  	[sflag:s26] =	ssyncadd.s32 $0xFFFFEC00  }
0x3c: {  	_ =	swait.ge [sflag:s1], $0x1400  }
0x3d: {  	[sflag:s1] =	ssyncset.done $0x0  }
0x3e: {  	s20 =	rddreg [dreg:$0xa];
	[sflag:s1] =	ssyncadd.s32 $0xFFFFEC00  }
0x3f: {  	[hbm4b:s20+s3] =	stream.linear.scatter [tilespmem:s25], [sflag:$0x6], $0x1400, $0x38;
	[tilespmem:$0x7000] =	vst v63  }
0x40: {  	s10 =	rddreg [dreg:$0xb]  }
0x41: {  	[hbm4b:s10+s3] =	stream.linear.scatter [tilespmem:s28], [sflag:$0x8], $0x1400, $0x38;
	[tilespmem:$0x7000] =	vst v63  }
0x42: {  	_ =	swait.ge [sflag:s24], $0x1400  }
0x43: {  	[sflag:s24] =	ssyncset.done $0x0  }
0x44: {  	[sflag:s24] =	ssyncadd.s32 $0xFFFFEC00  }
0x45: {  	_ =	swait.ge [sflag:s7], $0x1400  }
0x46: {  	[sflag:s7] =	ssyncset.done $0x0  }
0x47: {  	s11 =	simm.s32 $0x180;
	[sflag:s7] =	ssyncadd.s32 $0xFFFFEC00  }
0x48: {  	[tilespmem:s25], [sflag:$0x2] =	stream.indirect.gather [hbm4b:s2+s21], $0x80, s11, s21, $0xb8;
	[tilespmem:$0x7000] =	vst v63  }
0x49: {  	s12 =	simm.s32 $0x1180  }
0x4a: {  	[tilespmem:s28], [sflag:$0x4] =	stream.indirect.gather [hbm4b:s4+s21], $0x80, s12, s21, $0xb8;
	[tilespmem:$0x7000] =	vst v63  }
0x4b: {  	_ =	swait.ge [sflag:s29], $0x1400  }
0x4c: {  	[sflag:s29] =	ssyncset.done $0x0  }
0x4d: {  	[sflag:s29] =	ssyncadd.s32 $0xFFFFEC00  }
0x4e: {  	_ =	swait.ge [sflag:s30], $0x1400  }
0x4f: {  	s14 =	sshrl.u32 s16, $0x3;
	[sflag:s30] =	ssyncset.done $0x0  }
0x50: {  	s15 =	sadd.s32 s5, s14;
	[sflag:s30] =	ssyncadd.s32 $0xFFFFEC00  }
0x51: {  	[hbm4b:s15+s3] =	stream.linear.scatter [tilespmem:s22], [sflag:$0x5], $0x1400, $0x38;
	[tilespmem:$0x7000] =	vst v63  }
0x52: {  	s9 =	sadd.s32 s6, s14  }
0x53: {  	[hbm4b:s9+s3] =	stream.linear.scatter [tilespmem:s23], [sflag:$0x7], $0x1400, $0x38;
	[tilespmem:$0x7000] =	vst v63  }
0x54: {  	_ =	swait.ge [sflag:s31], $0x1400  }
0x55: {  	[sflag:s31] =	ssyncset.done $0x0  }
0x56: {  	[sflag:s31] =	ssyncadd.s32 $0xFFFFEC00  }
0x57: {  	_ =	swait.ge [sflag:s0], $0x1400  }
0x58: {  	[sflag:s0] =	ssyncset.done $0x0  }
0x59: {  	s17 =	simm.s32 $0x200;
	[sflag:s0] =	ssyncadd.s32 $0xFFFFEC00  }
0x5a: {  	[tilespmem:s22], [sflag:$0x1] =	stream.indirect.gather [hbm4b:s2+s21], $0x80, s17, s21, $0xb8;
	[tilespmem:$0x7000] =	vst v63  }
0x5b: {  	s20 =	simm.s32 $0x1200  }
0x5c: {  	[tilespmem:s23], [sflag:$0x3] =	stream.indirect.gather [hbm4b:s4+s21], $0x80, s20, s21, $0xb8;
	[tilespmem:$0x7000] =	vst v63  }
0x5d: {  	_ =	swait.ge [sflag:s26], $0x1400  }
0x5e: {  	[sflag:s26] =	ssyncset.done $0x0  }
0x5f: {  	[sflag:s26] =	ssyncadd.s32 $0xFFFFEC00  }
0x60: {  	s10 =	sadd.s32 $0x2800, s16;
	_ =	swait.ge [sflag:s1], $0x1400  }
0x61: {  	s11 =	sadd.s32 $0x500, s13;
	s12 =	sadd.s32 $0x500, s18;
	[sflag:s1] =	ssyncset.done $0x0  }
0x62: {  	s9 =	simm.s32 $0x400;
	s17 =	smov.u32 s13;
	[sflag:s1] =	ssyncadd.s32 $0xFFFFEC00  }
0x63: {  	[hbm4b:s18+s3] =	stream.linear.scatter [tilespmem:s25], [sflag:$0x6], $0x1400, $0x38;
	[tilespmem:$0x7000] =	vst v63  }
.LBB2_2:
0x64: {  	[hbm4b:s17+s3] =	stream.linear.scatter [tilespmem:s28], [sflag:$0x8], $0x1400, $0x38;
	[tilespmem:$0x7000] =	vst v63  }
0x65: {  	s14 =	smov.u32 s9;
	s17 =	smov.u32 s11  }
0x66: {  	p0 =	sne.s32 s9, $0x2800;
	s9 =	sadd.s32 $0x400, s9;
	_ =	swait.ge [sflag:s24], $0x1400  }
0x67: {  	[sflag:s24] =	ssyncset.done $0x0  }
0x68: {  	[sflag:s24] =	ssyncadd.s32 $0xFFFFEC00  }
0x69: {  	_ =	swait.ge [sflag:s7], $0x1400  }
0x6a: {  	s14 =	sshra.s32 s14, $0x2;
	[sflag:s7] =	ssyncset.done $0x0  }
0x6b: {  	s15 =	sadd.s32 $0x180, s14;
	[sflag:s7] =	ssyncadd.s32 $0xFFFFEC00  }
0x6c: {  	[tilespmem:s25], [sflag:$0x2] =	stream.indirect.gather [hbm4b:s2+s21], $0x80, s15, s21, $0xb8;
	[tilespmem:$0x7000] =	vst v63  }
0x6d: {  	s15 =	sadd.s32 $0x1180, s14  }
0x6e: {  	[tilespmem:s28], [sflag:$0x4] =	stream.indirect.gather [hbm4b:s4+s21], $0x80, s15, s21, $0xb8;
	[tilespmem:$0x7000] =	vst v63  }
0x6f: {  	_ =	swait.ge [sflag:s29], $0x1400  }
0x70: {  	[sflag:s29] =	ssyncset.done $0x0  }
0x71: {  	[sflag:s29] =	ssyncadd.s32 $0xFFFFEC00  }
0x72: {  	_ =	swait.ge [sflag:s30], $0x1400  }
0x73: {  	s15 =	sshrl.u32 s10, $0x3;
	[sflag:s30] =	ssyncset.done $0x0  }
0x74: {  	s20 =	sadd.s32 s5, s15;
	[sflag:s30] =	ssyncadd.s32 $0xFFFFEC00  }
0x75: {  	[hbm4b:s20+s3] =	stream.linear.scatter [tilespmem:s22], [sflag:$0x5], $0x1400, $0x38;
	[tilespmem:$0x7000] =	vst v63  }
0x76: {  	s15 =	sadd.s32 s6, s15  }
0x77: {  	[hbm4b:s15+s3] =	stream.linear.scatter [tilespmem:s23], [sflag:$0x7], $0x1400, $0x38;
	[tilespmem:$0x7000] =	vst v63  }
0x78: {  	_ =	swait.ge [sflag:s31], $0x1400  }
0x79: {  	[sflag:s31] =	ssyncset.done $0x0  }
0x7a: {  	[sflag:s31] =	ssyncadd.s32 $0xFFFFEC00  }
0x7b: {  	_ =	swait.ge [sflag:s0], $0x1400  }
0x7c: {  	[sflag:s0] =	ssyncset.done $0x0  }
0x7d: {  	s15 =	sadd.s32 $0x200, s14;
	[sflag:s0] =	ssyncadd.s32 $0xFFFFEC00  }
0x7e: {  	[tilespmem:s22], [sflag:$0x1] =	stream.indirect.gather [hbm4b:s2+s21], $0x80, s15, s21, $0xb8;
	[tilespmem:$0x7000] =	vst v63  }
0x7f: {  	s14 =	sadd.s32 $0x1200, s14  }
0x80: {  	[tilespmem:s23], [sflag:$0x3] =	stream.indirect.gather [hbm4b:s4+s21], $0x80, s14, s21, $0xb8;
	[tilespmem:$0x7000] =	vst v63  }
0x81: {  	_ =	swait.ge [sflag:s26], $0x1400  }
0x82: {  	[sflag:s26] =	ssyncset.done $0x0  }
0x83: {  	[sflag:s26] =	ssyncadd.s32 $0xFFFFEC00  }
.Ltmp0:
0x84: {  	_ =	swait.ge [sflag:s1], $0x1400;
	(pc) =	sbr.rel @p0 .LBB2_2-.Ltmp0, $4  }
0x85: {  	[sflag:s1] =	ssyncset.done $0x0  }
0x86: {  	[sflag:s1] =	ssyncadd.s32 $0xFFFFEC00  }
0x87: {  	[hbm4b:s12+s3] =	stream.linear.scatter [tilespmem:s25], [sflag:$0x6], $0x1400, $0x38;
	[tilespmem:$0x7000] =	vst v63  }
0x88: {  	s11 =	sadd.s32 $0x500, s11;
	s10 =	sadd.s32 $0x2800, s10;
	s12 =	sadd.s32 $0x500, s12  }
0x89: {  	[hbm4b:s17+s3] =	stream.linear.scatter [tilespmem:s28], [sflag:$0x8], $0x1400, $0x38;
	[tilespmem:$0x7000] =	vst v63  }
0x8a: {  	_ =	swait.ge [sflag:s24], $0x1400  }
0x8b: {  	[sflag:s24] =	ssyncset.done $0x0  }
0x8c: {  	[sflag:s24] =	ssyncadd.s32 $0xFFFFEC00  }
0x8d: {  	_ =	swait.ge [sflag:s7], $0x1400  }
0x8e: {  	[sflag:s7] =	ssyncset.done $0x0  }
0x8f: {  	[sflag:s7] =	ssyncadd.s32 $0xFFFFEC00  }
0x90: {  	_ =	swait.ge [sflag:s29], $0x1400  }
0x91: {  	[sflag:s29] =	ssyncset.done $0x0  }
0x92: {  	[sflag:s29] =	ssyncadd.s32 $0xFFFFEC00  }
0x93: {  	_ =	swait.ge [sflag:s30], $0x1400  }
0x94: {  	[sflag:s30] =	ssyncset.done $0x0  }
0x95: {  	s9 =	rddreg [dreg:$0x5];
	[sflag:s30] =	ssyncadd.s32 $0xFFFFEC00  }
0x96: {  	[hbm4b:s9+s3] =	stream.linear.scatter [tilespmem:s22], [sflag:$0x5], $0x1400, $0x38;
	[tilespmem:$0x7000] =	vst v63  }
0x97: {  	s17 =	rddreg [dreg:$0x6]  }
0x98: {  	[hbm4b:s17+s3] =	stream.linear.scatter [tilespmem:s23], [sflag:$0x7], $0x1400, $0x38;
	[tilespmem:$0x7000] =	vst v63  }
0x99: {  	_ =	swait.ge [sflag:s31], $0x1400  }
0x9a: {  	[sflag:s31] =	ssyncset.done $0x0  }
0x9b: {  	[sflag:s31] =	ssyncadd.s32 $0xFFFFEC00  }
0x9c: {  	_ =	swait.ge [sflag:s0], $0x1400  }
0x9d: {  	s8 =	sadd.s32 $0x1, s8;
	s20 =	rddreg [dreg:$0x7]  }
0x9e: {  	p0 =	sne.s32 s8, s20  }
.Ltmp1:
0x9f: {  	_ = 	snop;
	(pc) =	sbr.rel @p0 .LBB2_1-.Ltmp1, $3  }
0xa0: {  	_ =	sdelay $0x1  }
0xa1: {  	[sflag:s0] =	ssyncset.done $0x0  }
0xa2: {  	[sflag:s0] =	ssyncadd.s32 $0xFFFFEC00  }
0xa3: {  	_ =	sfence.sel $0x180000  }
0xa4: {  	[bflag:$0x0] =	sbarrier.arrive $0xFFFF  }
0xa5: {  	_ =	strace $0x9000004D  }
0xa6: {  	s0 =	stileid.u32;
	[bflag:$0x2] =	sbarrier.arrive $0xFFFF  }
0xa7: {  	p0 =	sne.s32 s0, $0x0;
	s0 =	rddreg [dreg:$0x2]  }
0xa8: {  	s0 =	sadd.s32 @!p0 $0x100000, s0  }
0xa9: {  	[sflag:s0] =	ssyncadd.tile.s32 @!p0 $0x1;
	_ =	shalt  }
.Lfunc_end2:
_tile_overlayer_lowered:
.L_overlay_start_2:
0xaa: {  	(tag) =	ssettag $0x2  }
0xab: {  	s0 =	rddreg [dreg:$0x0];
	s2 =	stileid.u32  }
0xac: {  	s1 =	rddreg [dreg:$0x1];
	p0 =	sne.s32 s2, $0x0  }
0xad: {  	s3 =	rddreg [dreg:$0x2];
	[bflag:$0x3] =	sbarrier.arrive $0xFFFF;
	s2 =	simm.s32 @!p0 $0x1C09  }
0xae: {  	[timem:s3], [sflag:s2] =	dma.local @!p0 [hbm:s0], s1  }
0xaf: {  	s0 =	simm.s32 @!p0 $0x9  }
0xb0: {  	_ =	swait.ge @!p0 [sflag:s0], s1  }
0xb1: {  	s1 =	ssub.s32 @!p0 $0x0, s1;
	[sflag:s0] =	ssyncset.done @!p0 $0x0  }
0xb2: {  	[sflag:s0] =	ssyncadd.s32 @!p0 s1  }
0xb3: {  	[bflag:$0x3] =	sbarrier.arrive $0xFFFF  }
0xb4: {  	_ =	shalt  }

// kernel: kernel.24.cloned.1.call-start
scs
__scs_entry_jumppad:
0x0: {  	(pc) =	sbr.rel $0x88, $3  }
0x1: {  	(tag) =	ssettag $0x0;
	lr =	simm.s32 $0x1  }
0x2: {  	[smem:$0x3F8D] =	sst lr;
	_ =	strace $0xD0000000  }
0x3: {  	_ = 	snop  }
0x4: {  	_ = 	snop  }
0x5: {  	_ = 	snop  }
0x6: {  	_ = 	snop  }
0x7: {  	_ = 	snop  }
__scs_overlays_trampoline_lowered:
0x8: {  	[smem:$0x3F9C] =	sst s0  }
0x9: {  	[smem:$0x3F9D] =	sst s1  }
0xa: {  	[smem:$0x3F9E] =	sst s2  }
0xb: {  	[smem:$0x3F9F] =	sst s3  }
0xc: {  	[smem:$0x3FA0] =	sst s4  }
0xd: {  	[smem:$0x3FA1] =	sst s5  }
0xe: {  	[smem:$0x3FA2] =	sst s6  }
0xf: {  	[smem:$0x3FA3] =	sst s7  }
0x10: {  	[smem:$0x3FA4] =	sst s8  }
0x11: {  	[smem:$0x3FA5] =	sst s9;
	s0 =	simm.s32 @!p0 $0x0  }
0x12: {  	s1 =	sld [smem:$0x3F8B];
	s0 =	simm.s32 @p0 $0x1  }
0x13: {  	[smem:$0x3FA6] =	sst s0;
	s0 =	simm.s32 @!p1 $0x0  }
0x14: {  	s2 =	sld [smem:$0x3F8A];
	s0 =	simm.s32 @p1 $0x1  }
0x15: {  	[smem:$0x3FA7] =	sst s0;
	s0 =	simm.s32 @!p2 $0x0  }
0x16: {  	s3 =	sld [smem:$0x3FDB];
	s0 =	simm.s32 @p2 $0x1  }
0x17: {  	s4 =	simm.s32 $0x1BF5;
	[smem:$0x3FA9] =	sst s0  }
0x18: {  	s0 =	sld [smem:$0x3F8C];
	_ =	swait.ge [sflag:s4], $0x0  }
0x19: {  	s7 =	sld [smem:$0x3F8D]  }
0x1a: {  	s8 =	sadd.s32 $0xFFFFE003, lr  }
0x1b: {  	s9 =	sadd.s32 $0xFFFFFEF7, lr;
	s5 =	simm.s32 $0xFFFFFFFF;
	p2 =	slt.u32 s8, $0xFFFFF086  }
0x1c: {  	p1 =	slt.u32 s9, $0xF7A;
	s5 =	simm.s32 @!p2 $0x0  }
0x1d: {  	s5 =	simm.s32 @p1 $0x1;
	p0 =	seq.s32 s7, s2  }
0x1e: {  	s7 =	smul.u32 @!p0 $0xF7A, s2;
	p2 =	seq.s32 @!p0 s5, $0x0  }
0x1f: {  	s9 =	smul.u32 $0xF7A, s1;
	s8 =	simm.s32 @!p0 $0x1BF5;
	p2 =	por !p2, p0  }
0x20: {  	[sflag:s8] =	ssyncset.s32 @!p0 $0xFFFFF086;
	s6 =	sadd.s32 @!p0 s3, s7;
	s7 =	simm.s32 @!p0 $0x108  }
0x21: {  	s3 =	sadd.s32 s3, s9;
	s6 =	sadd.s32 @!p0 $0x88, s6;
	s7 =	simm.s32 @p2 $0x1082  }
0x22: {  	[simem:s7], [sflag:s8] =	dma.local @!p0 [hbm:s6], $0xF7A  }
0x23: {  	s9 =	sor.u32 $0xD0000000, s2;
	s6 =	simm.s32 $0x108;
	_ =	swait.ge @!p0 [sflag:s8], $0x0  }
0x24: {  	s3 =	sadd.s32 $0x88, s3;
	s6 =	simm.s32 @!p1 $0x1082;
	[sflag:s4] =	ssyncset.s32 $0xFFFFF086  }
0x25: {  	[simem:s6], [sflag:s4] =	dma.local [hbm:s3], $0xF7A  }
0x26: {  	[smem:$0x3F8D] =	sst s1;
	(tag) =	ssettag s2;
	_ =	strace s9  }
0x27: {  	s1 =	sld [smem:$0x3F9D]  }
0x28: {  	s2 =	sld [smem:$0x3F9E]  }
0x29: {  	s4 =	sld [smem:$0x3FA0]  }
0x2a: {  	p0 =	seq.s32 s5, $0x0;
	s5 =	sld [smem:$0x3FA1]  }
0x2b: {  	s6 =	sld [smem:$0x3FA2]  }
0x2c: {  	s7 =	sld [smem:$0x3FA3]  }
0x2d: {  	s3 =	simm.s32 $0x108;
	s8 =	sld [smem:$0x3FA4]  }
0x2e: {  	s3 =	simm.s32 @!p0 $0x1082;
	s9 =	sld [smem:$0x3FA5]  }
0x2f: {  	lr =	sadd.s32 s0, s3;
	s0 =	sld [smem:$0x3F9C]  }
0x30: {  	s3 =	sld [smem:$0x3F9F]  }
0x31: {  	[smem:$0x3FA8] =	sst s10  }
0x32: {  	s10 =	sld [smem:$0x3FA6];
	_ =	sdelay $0x3  }
0x33: {  	p0 =	seq.s32 s10, $0x1;
	s10 =	sld [smem:$0x3FA8];
	_ =	sdelay $0x3  }
0x34: {  	[smem:$0x3FA8] =	sst s10  }
0x35: {  	s10 =	sld [smem:$0x3FA7];
	_ =	sdelay $0x3  }
0x36: {  	p1 =	seq.s32 s10, $0x1;
	s10 =	sld [smem:$0x3FA8];
	_ =	sdelay $0x3  }
0x37: {  	[smem:$0x3FA8] =	sst s10  }
0x38: {  	s10 =	sld [smem:$0x3FA9]  }
0x39: {  	_ = 	snop;
	(pc) =	sbr.ind lr, $3  }
0x3a: {  	_ = 	snop  }
0x3b: {  	_ = 	snop  }
0x3c: {  	p2 =	seq.s32 s10, $0x1;
	s10 =	sld [smem:$0x3FA8]  }
0x3d: {  	_ =	shalt  }
0x3e: {  	_ =	shalt  }
0x3f: {  	_ =	shalt  }
0x40: {  	_ =	shalt  }
0x41: {  	_ =	shalt  }
0x42: {  	_ =	shalt  }
0x43: {  	_ =	shalt  }
0x44: {  	_ =	shalt  }
0x45: {  	_ =	shalt  }
0x46: {  	_ =	shalt  }
0x47: {  	_ =	shalt  }
0x48: {  	_ =	shalt  }
0x49: {  	_ =	shalt  }
0x4a: {  	_ =	shalt  }
0x4b: {  	_ =	shalt  }
0x4c: {  	_ =	shalt  }
0x4d: {  	_ =	shalt  }
0x4e: {  	_ =	shalt  }
0x4f: {  	_ =	shalt  }
0x50: {  	_ =	shalt  }
0x51: {  	_ =	shalt  }
0x52: {  	_ =	shalt  }
0x53: {  	_ =	shalt  }
0x54: {  	_ =	shalt  }
0x55: {  	_ =	shalt  }
0x56: {  	_ =	shalt  }
0x57: {  	_ =	shalt  }
0x58: {  	_ =	shalt  }
0x59: {  	_ =	shalt  }
0x5a: {  	_ =	shalt  }
0x5b: {  	_ =	shalt  }
0x5c: {  	_ =	shalt  }
0x5d: {  	_ =	shalt  }
0x5e: {  	_ =	shalt  }
0x5f: {  	_ =	shalt  }
0x60: {  	_ =	shalt  }
0x61: {  	_ =	shalt  }
0x62: {  	_ =	shalt  }
0x63: {  	_ =	shalt  }
0x64: {  	_ =	shalt  }
0x65: {  	_ =	shalt  }
0x66: {  	_ =	shalt  }
0x67: {  	_ =	shalt  }
0x68: {  	_ =	shalt  }
0x69: {  	_ =	shalt  }
0x6a: {  	_ =	shalt  }
0x6b: {  	_ =	shalt  }
0x6c: {  	_ =	shalt  }
0x6d: {  	_ =	shalt  }
0x6e: {  	_ =	shalt  }
0x6f: {  	_ =	shalt  }
0x70: {  	_ =	shalt  }
0x71: {  	_ =	shalt  }
0x72: {  	_ =	shalt  }
0x73: {  	_ =	shalt  }
0x74: {  	_ =	shalt  }
0x75: {  	_ =	shalt  }
0x76: {  	_ =	shalt  }
0x77: {  	_ =	shalt  }
0x78: {  	_ =	shalt  }
0x79: {  	_ =	shalt  }
0x7a: {  	_ =	shalt  }
0x7b: {  	_ =	shalt  }
0x7c: {  	_ =	shalt  }
0x7d: {  	_ =	shalt  }
0x7e: {  	_ =	shalt  }
0x7f: {  	_ =	shalt  }
0x80: {  	_ =	shalt  }
0x81: {  	_ =	shalt  }
0x82: {  	_ =	shalt  }
0x83: {  	_ =	shalt  }
0x84: {  	_ =	shalt  }
0x85: {  	_ =	shalt  }
0x86: {  	_ =	shalt  }
0x87: {  	_ =	shalt  }
.Lfunc_end0:
.L_simem_size_0:
called_computation.3_lowered:
.L_overlay_start_0:
0x88: {  	s2 =	sld [smem:$0x3FD9]  }
0x89: {  	s3 =	sld [smem:$0x3FFE];
	_ =	sdelay $0x1  }
0x8a: {  	s1 =	srdreg.scid  }
0x8b: {  	s0 =	sand.u32 $0x1, s1  }
0x8c: {  	s15 =	sshll.u32 s0, $0xA;
	s2 =	sadd.s32 s3, s2  }
0x8d: {  	s2 =	sadd.s32 s2, s15  }
0x8e: {  	[smem:$0x3FB4] =	sst s2  }
0x8f: {  	_ = 	snop  }
0x90: {  	s2 =	sld [smem:$0x3FD0];
	_ =	sdelay $0x2  }
0x91: {  	s16 =	simm.s32 $0xE;
	s4 =	simm.s32 $0x10  }
0x92: {  	[smem:s4], [sflag:s16] =	dma.local [hbm:s2], $0x1  }
0x93: {  	_ =	swait.eq [sflag:s16], $0x1  }
0x94: {  	[sflag:s16] =	ssyncset.done $0x0  }
0x95: {  	[sflag:s16] =	ssyncadd.s32 $0xFFFFFFFF  }
0x96: {  	s17 =	sld [smem:$0x10];
	(tm) =	ssettm $0x1  }
0x97: {  	s18 =	sld [smem:$0x3FFB];
	_ =	sdelay $0x3  }
0x98: {  	_ =	strace s18  }
0x99: {  	s2 =	sld [smem:$0x3FFC];
	_ =	sdelay $0x3  }
0x9a: {  	_ =	strace s2  }
0x9b: {  	s2 =	sld [smem:$0x3FFD];
	_ =	sdelay $0x3  }
0x9c: {  	_ =	strace s2  }
0x9d: {  	_ =	strace $0x8FFFFFFF  }
0x9e: {  	s19 =	sld [smem:$0x3FDB];
	_ =	sdelay $0x1  }
0x9f: {  	s20 =	simm.s32 $_scs_section_size  }
0xa0: {  	s5 =	simm.s32 $_size__tile_overlayer_lowered;
	s6 =	simm.s32 $_tile_overlayer_lowered  }
0xa1: {  	s7 =	simm.s32 $0x1BFF;
	s21 =	sshll.u32 s6, $0x1;
	s4 =	sadd.s32 s20, s19  }
0xa2: {  	s22 =	simm.s32 $0x0;
	s5 =	sshll.u32 s5, $0x1;
	s6 =	sadd.s32 s21, s4  }
0xa3: {  	[timem:s22], [sflag:s7] =	dma.local [hbm:s6], s5  }
0xa4: {  	_ =	swait.ge [sflag:s7], s5  }
0xa5: {  	s5 =	ssub.s32 $0x0, s5;
	[sflag:s7] =	ssyncset.done $0x0  }
0xa6: {  	[sflag:s7] =	ssyncadd.s32 s5;
	_ =	sdelay $0x1  }
0xa7: {  	s23 =	simm.s32 $0x1B8B  }
0xa8: {  	_ =	swait.ge [sflag:s23], $0x1  }
0xa9: {  	[sflag:s23] =	ssyncset.done $0x0  }
0xaa: {  	[sflag:s23] =	ssyncadd.s32 $0xFFFFFFFF  }
0xab: {  	s5 =	sld [smem:$0x0]  }
0xac: {  	s6 =	sand.u32 $0xFFFFFFFE, s1  }
0xad: {  	p0 =	sne.s32 s1, s6  }
0xae: {  	s6 =	sshll.u32 @p0 s6, $0xE  }
0xaf: {  	s6 =	sadd.s32 @p0 $0x11B8D, s6;
	s7 =	sshll.u32 @p0 s5, $0x11  }
0xb0: {  	s6 =	sor.u32 @p0 s7, s6  }
0xb1: {  	[sflag:s6] =	ssyncadd.remote.s32 @p0 $0x1;
	_ =	sdelay $0x1  }
0xb2: {  	s6 =	simm.s32 @p0 $0x1B8D  }
0xb3: {  	_ =	swait.eq @p0 [sflag:s6], $0x1  }
0xb4: {  	[sflag:s6] =	ssyncadd.s32 @p0 $0xFFFFFFFF  }
0xb5: {  	s7 =	sshll.u32 @!p0 s1, $0xE  }
0xb6: {  	s7 =	sor.u32 @!p0 $0x4000, s7;
	s6 =	simm.s32 @!p0 $0x1B8D  }
0xb7: {  	s5 =	sshll.u32 @!p0 s5, $0x11;
	s7 =	sadd.s32 @!p0 $0x11B8D, s7;
	_ =	swait.eq @!p0 [sflag:s6], $0x1  }
0xb8: {  	s5 =	sor.u32 @!p0 s5, s7;
	[sflag:s6] =	ssyncadd.s32 @!p0 $0xFFFFFFFF  }
0xb9: {  	s25 =	simm.s32 $0x1B8E;
	s24 =	sld [smem:$0x3FFE];
	[sflag:s5] =	ssyncadd.remote.s32 @!p0 $0x1  }
0xba: {  	s26 =	simm.s32 $execute0_lowered;
	[smem:$0x3FD2] =	sst s25  }
0xbb: {  	s6 =	sshll.u32 s26, $0x1;
	_ =	strace $0x8000004F;
	[dreg:$0x1] =	wrdreg $0xFFFFFFFF  }
0xbc: {  	s28 =	simm.s32 $_size_execute0_lowered;
	s4 =	sadd.s32 s4, s6;
	[dreg:$0x0] =	wrdreg $0x0  }
0xbd: {  	s6 =	sshll.u32 s28, $0x1;
	[dreg:$0x2] =	wrdreg s4  }
0xbe: {  	[dreg:$0x3] =	wrdreg s6  }
0xbf: {  	[dreg:$0x4] =	wrdreg $0xC0  }
0xc0: {  	_ =	task [dreg:s22], $0x5FFFF  }
0xc1: {  	[dreg:$0x1] =	wrdreg $0xFFFFFFFF  }
0xc2: {  	[dreg:$0x0] =	wrdreg $0x60  }
0xc3: {  	[dreg:$0x2] =	wrdreg s17  }
0xc4: {  	[dreg:$0x3] =	wrdreg s24  }
0xc5: {  	[dreg:$0x4] =	wrdreg $0xC  }
0xc6: {  	_ =	task.clear_ibuf [dreg:s22], $0x5FFFF;
	_ =	strace $0x9000004F  }
0xc7: {  	s29 =	simm.s32 $0xC;
	_ =	strace $0x80000051  }
0xc8: {  	_ =	swait.ge [sflag:s29], $0x1  }
0xc9: {  	[sflag:s29] =	ssyncadd.s32 $0xFFFFFFFF  }
0xca: {  	_ =	strace $0x90000051  }
0xcb: {  	_ =	sfence  }
0xcc: {  	s30 =	sld [smem:$0x0];
	_ =	sdelay $0x2  }
0xcd: {  	s31 =	sshll.u32 s1, $0xD;
	s1 =	sshrl.u32 s1, $0x2  }
0xce: {  	s4 =	sand.u32 $0x4000, s31;
	s1 =	sadd.s32 s1, s30  }
0xcf: {  	s0 =	sor.u32 s4, s0;
	s1 =	sshll.u32 s1, $0x11  }
0xd0: {  	s0 =	sor.u32 s1, s0  }
0xd1: {  	s0 =	sadd.s32 $0x8F2B, s0  }
0xd2: {  	[sflag:s0] =	ssyncadd.remote.s32 $0x1  }
0xd3: {  	_ =	sfence.sel $0xFFFF  }
0xd4: {  	[dreg:$0x0] =	wrdreg $0xFFFFFFFF;
	(pc) =	sbr.abs _section_cstart, $3  }
0xd5: {  	[dreg:$0x1] =	wrdreg $0xFFFFFFFF  }
0xd6: {  	_ =	task.clear_ibuf [dreg:s22], $0x2FFFF;
	_ =	strace $0x9FFFFFFF  }
0xd7: {  	(tm) =	ssettm $0x7FFFFFFF  }
tec
execute0_lowered:
.L_overlay_start_1:
0x0: {  	(tag) =	ssettag $0x1  }
0x1: {  	s2 =	rddreg [dreg:$0x0]  }
0x2: {  	s0 =	rddreg [dreg:$0x1];
	s1 =	srdreg.scid  }
0x3: {  	s10 =	stileid.u32;
	s3 =	simm.s32 $0x0;
	s28 =	simm.s32 $0x5C00  }
0x4: {  	s29 =	simm.s32 $0x1;
	s30 =	simm.s32 $0x3;
	s31 =	simm.s32 $0x5  }
0x5: {  	s1 =	sand.u32 $0x1, s1;
	s4 =	sshll.u32 s10, $0x1;
	[smem:$0x7FF] =	sst s3  }
0x6: {  	s10 =	smul.u32 $0x3E800, s10;
	s5 =	sor.u32 s1, s4;
	_ =	strace $0x80000050  }
0x7: {  	s4 =	sadd.s32 $0xF400, s0;
	s18 =	ssub.s32 $0x2, s1;
	s1 =	smul.u32 $0x1F400, s1  }
0x8: {  	s6 =	sshll.u32 s5, $0x9;
	s8 =	smul.u32 $0x1F400, s5;
	s5 =	sadd.s32 $0x2C7600, s0  }
0x9: {  	s9 =	sshrl.u32 s18, $0x1;
	s7 =	sadd.s32 s6, s0;
	s6 =	sadd.s32 $0x344600, s0  }
0xa: {  	s0 =	ssub.s32 s18, s9;
	s22 =	sadd.s32 s1, s10;
	s8 =	sshrl.u32 s8, $0x3  }
0xb: {  	s11 =	sadd.s32 $0xC7600, s7;
	s7 =	sadd.s32 $0xC3600, s7;
	s0 =	smax.u32 s0, $0x1  }
0xc: {  	s25 =	sadd.s32 $0x3C00, s22;
	s16 =	sadd.s32 $0x2800, s22;
	[dreg:$0x3] =	wrdreg s11  }
0xd: {  	s22 =	simm.s32 $0x2000;
	s19 =	sadd.s32 $0x3C00, s8;
	[dreg:$0x4] =	wrdreg s7  }
0xe: {  	[dreg:$0x7] =	wrdreg s0;
	s23 =	sadd.s32 s5, s8;
	s24 =	sadd.s32 $0x280, s8  }
0xf: {  	s8 =	sadd.s32 s6, s8;
	s7 =	sshrl.u32 s25, $0x3;
	s25 =	simm.s32 $0x3400  }
0x10: {  	s0 =	simm.s32 $0x7;
	s20 =	sadd.s32 s5, s19;
	[dreg:$0x8] =	wrdreg s23  }
0x11: {  	s21 =	sadd.s32 s6, s19;
	[dreg:$0x9] =	wrdreg s8;
	s26 =	sadd.s32 s5, s24  }
0x12: {  	s1 =	sadd.s32 s6, s24;
	s13 =	sadd.s32 s7, s6;
	[dreg:$0x5] =	wrdreg s20  }
0x13: {  	s18 =	sadd.s32 s7, s5;
	s19 =	simm.s32 $0x9;
	[dreg:$0x6] =	wrdreg s21  }
0x14: {  	s23 =	simm.s32 $0x4800;
	s24 =	simm.s32 $0x6;
	[dreg:$0xa] =	wrdreg s26  }
0x15: {  	s7 =	simm.s32 $0x8;
	s8 =	simm.s32 $0x0;
	[dreg:$0xb] =	wrdreg s1  }
0x16: {  	s21 =	simm.s32 $0x28;
	s26 =	simm.s32 $0x2;
	s1 =	simm.s32 $0x4  }
.LBB2_1:
0x17: {  	s9 =	rddreg [dreg:$0x3]  }
0x18: {  	[tilespmem:s3], [sflag:$0x9] =	stream.linear.gather [hbm4b:s9+s3], $0xC80, $0x38;
	[tilespmem:$0x7000] =	vst v63  }
0x19: {  	_ =	swait.ge [sflag:s19], $0xC80  }
0x1a: {  	[sflag:s19] =	ssyncset.done $0x0  }
0x1b: {  	s10 =	simm.s32 $0x1000;
	s20 =	rddreg [dreg:$0x4];
	[sflag:s19] =	ssyncadd.s32 $0xFFFFF380  }
0x1c: {  	[tilespmem:s10], [sflag:$0x9] =	stream.linear.gather [hbm4b:s20+s3], $0xC80, $0x38;
	[tilespmem:$0x7000] =	vst v63  }
0x1d: {  	_ =	swait.ge [sflag:s19], $0xC80  }
0x1e: {  	[sflag:s19] =	ssyncset.done $0x0  }
0x1f: {  	[sflag:s19] =	ssyncadd.s32 $0xFFFFF380  }
0x20: {  	[tilespmem:s22], [sflag:$0x1] =	stream.indirect.gather [hbm4b:s2+s21], $0x80, s3, s21, $0xb8;
	[tilespmem:$0x7000] =	vst v63  }
0x21: {  	_ = 	snop  }
0x22: {  	[tilespmem:s23], [sflag:$0x3] =	stream.indirect.gather [hbm4b:s4+s21], $0x80, s10, s21, $0xb8;
	[tilespmem:$0x7000] =	vst v63  }
0x23: {  	s10 =	simm.s32 $0x80  }
0x24: {  	[tilespmem:s25], [sflag:$0x2] =	stream.indirect.gather [hbm4b:s2+s21], $0x80, s10, s21, $0xb8;
	[tilespmem:$0x7000] =	vst v63  }
0x25: {  	s11 =	simm.s32 $0x1080  }
0x26: {  	[tilespmem:s28], [sflag:$0x4] =	stream.indirect.gather [hbm4b:s4+s21], $0x80, s11, s21, $0xb8;
	[tilespmem:$0x7000] =	vst v63  }
0x27: {  	_ =	swait.ge [sflag:s29], $0x1400  }
0x28: {  	[sflag:s29] =	ssyncset.done $0x0  }
0x29: {  	[sflag:s29] =	ssyncadd.s32 $0xFFFFEC00  }
0x2a: {  	_ =	swait.ge [sflag:s30], $0x1400  }
0x2b: {  	[sflag:s30] =	ssyncset.done $0x0  }
0x2c: {  	s12 =	rddreg [dreg:$0x8];
	[sflag:s30] =	ssyncadd.s32 $0xFFFFEC00  }
0x2d: {  	[hbm4b:s12+s3] =	stream.linear.scatter [tilespmem:s22], [sflag:$0x5], $0x1400, $0x38;
	[tilespmem:$0x7000] =	vst v63  }
0x2e: {  	s14 =	rddreg [dreg:$0x9]  }
0x2f: {  	[hbm4b:s14+s3] =	stream.linear.scatter [tilespmem:s23], [sflag:$0x7], $0x1400, $0x38;
	[tilespmem:$0x7000] =	vst v63  }
0x30: {  	_ =	swait.ge [sflag:s31], $0x1400  }
0x31: {  	[sflag:s31] =	ssyncset.done $0x0  }
0x32: {  	[sflag:s31] =	ssyncadd.s32 $0xFFFFEC00  }
0x33: {  	_ =	swait.ge [sflag:s0], $0x1400  }
0x34: {  	[sflag:s0] =	ssyncset.done $0x0  }
0x35: {  	s15 =	simm.s32 $0x100;
	[sflag:s0] =	ssyncadd.s32 $0xFFFFEC00  }
0x36: {  	[tilespmem:s22], [sflag:$0x1] =	stream.indirect.gather [hbm4b:s2+s21], $0x80, s15, s21, $0xb8;
	[tilespmem:$0x7000] =	vst v63  }
0x37: {  	s17 =	simm.s32 $0x1100  }
0x38: {  	[tilespmem:s23], [sflag:$0x3] =	stream.indirect.gather [hbm4b:s4+s21], $0x80, s17, s21, $0xb8;
	[tilespmem:$0x7000] =	vst v63  }
0x39: {  	_ =	swait.ge [sflag:s26], $0x1400  }
0x3a: {  	[sflag:s26] =	ssyncset.done $0x0  }
0x3b: {  	[sflag:s26] =	ssyncadd.s32 $0xFFFFEC00  }
0x3c: {  	_ =	swait.ge [sflag:s1], $0x1400  }
0x3d: {  	[sflag:s1] =	ssyncset.done $0x0  }
0x3e: {  	s20 =	rddreg [dreg:$0xa];
	[sflag:s1] =	ssyncadd.s32 $0xFFFFEC00  }
0x3f: {  	[hbm4b:s20+s3] =	stream.linear.scatter [tilespmem:s25], [sflag:$0x6], $0x1400, $0x38;
	[tilespmem:$0x7000] =	vst v63  }
0x40: {  	s10 =	rddreg [dreg:$0xb]  }
0x41: {  	[hbm4b:s10+s3] =	stream.linear.scatter [tilespmem:s28], [sflag:$0x8], $0x1400, $0x38;
	[tilespmem:$0x7000] =	vst v63  }
0x42: {  	_ =	swait.ge [sflag:s24], $0x1400  }
0x43: {  	[sflag:s24] =	ssyncset.done $0x0  }
0x44: {  	[sflag:s24] =	ssyncadd.s32 $0xFFFFEC00  }
0x45: {  	_ =	swait.ge [sflag:s7], $0x1400  }
0x46: {  	[sflag:s7] =	ssyncset.done $0x0  }
0x47: {  	s11 =	simm.s32 $0x180;
	[sflag:s7] =	ssyncadd.s32 $0xFFFFEC00  }
0x48: {  	[tilespmem:s25], [sflag:$0x2] =	stream.indirect.gather [hbm4b:s2+s21], $0x80, s11, s21, $0xb8;
	[tilespmem:$0x7000] =	vst v63  }
0x49: {  	s12 =	simm.s32 $0x1180  }
0x4a: {  	[tilespmem:s28], [sflag:$0x4] =	stream.indirect.gather [hbm4b:s4+s21], $0x80, s12, s21, $0xb8;
	[tilespmem:$0x7000] =	vst v63  }
0x4b: {  	_ =	swait.ge [sflag:s29], $0x1400  }
0x4c: {  	[sflag:s29] =	ssyncset.done $0x0  }
0x4d: {  	[sflag:s29] =	ssyncadd.s32 $0xFFFFEC00  }
0x4e: {  	_ =	swait.ge [sflag:s30], $0x1400  }
0x4f: {  	s14 =	sshrl.u32 s16, $0x3;
	[sflag:s30] =	ssyncset.done $0x0  }
0x50: {  	s15 =	sadd.s32 s5, s14;
	[sflag:s30] =	ssyncadd.s32 $0xFFFFEC00  }
0x51: {  	[hbm4b:s15+s3] =	stream.linear.scatter [tilespmem:s22], [sflag:$0x5], $0x1400, $0x38;
	[tilespmem:$0x7000] =	vst v63  }
0x52: {  	s9 =	sadd.s32 s6, s14  }
0x53: {  	[hbm4b:s9+s3] =	stream.linear.scatter [tilespmem:s23], [sflag:$0x7], $0x1400, $0x38;
	[tilespmem:$0x7000] =	vst v63  }
0x54: {  	_ =	swait.ge [sflag:s31], $0x1400  }
0x55: {  	[sflag:s31] =	ssyncset.done $0x0  }
0x56: {  	[sflag:s31] =	ssyncadd.s32 $0xFFFFEC00  }
0x57: {  	_ =	swait.ge [sflag:s0], $0x1400  }
0x58: {  	[sflag:s0] =	ssyncset.done $0x0  }
0x59: {  	s17 =	simm.s32 $0x200;
	[sflag:s0] =	ssyncadd.s32 $0xFFFFEC00  }
0x5a: {  	[tilespmem:s22], [sflag:$0x1] =	stream.indirect.gather [hbm4b:s2+s21], $0x80, s17, s21, $0xb8;
	[tilespmem:$0x7000] =	vst v63  }
0x5b: {  	s20 =	simm.s32 $0x1200  }
0x5c: {  	[tilespmem:s23], [sflag:$0x3] =	stream.indirect.gather [hbm4b:s4+s21], $0x80, s20, s21, $0xb8;
	[tilespmem:$0x7000] =	vst v63  }
0x5d: {  	_ =	swait.ge [sflag:s26], $0x1400  }
0x5e: {  	[sflag:s26] =	ssyncset.done $0x0  }
0x5f: {  	[sflag:s26] =	ssyncadd.s32 $0xFFFFEC00  }
0x60: {  	s10 =	sadd.s32 $0x2800, s16;
	_ =	swait.ge [sflag:s1], $0x1400  }
0x61: {  	s11 =	sadd.s32 $0x500, s13;
	s12 =	sadd.s32 $0x500, s18;
	[sflag:s1] =	ssyncset.done $0x0  }
0x62: {  	s9 =	simm.s32 $0x400;
	s17 =	smov.u32 s13;
	[sflag:s1] =	ssyncadd.s32 $0xFFFFEC00  }
0x63: {  	[hbm4b:s18+s3] =	stream.linear.scatter [tilespmem:s25], [sflag:$0x6], $0x1400, $0x38;
	[tilespmem:$0x7000] =	vst v63  }
.LBB2_2:
0x64: {  	[hbm4b:s17+s3] =	stream.linear.scatter [tilespmem:s28], [sflag:$0x8], $0x1400, $0x38;
	[tilespmem:$0x7000] =	vst v63  }
0x65: {  	s14 =	smov.u32 s9;
	s17 =	smov.u32 s11  }
0x66: {  	p0 =	sne.s32 s9, $0x2800;
	s9 =	sadd.s32 $0x400, s9;
	_ =	swait.ge [sflag:s24], $0x1400  }
0x67: {  	[sflag:s24] =	ssyncset.done $0x0  }
0x68: {  	[sflag:s24] =	ssyncadd.s32 $0xFFFFEC00  }
0x69: {  	_ =	swait.ge [sflag:s7], $0x1400  }
0x6a: {  	s14 =	sshra.s32 s14, $0x2;
	[sflag:s7] =	ssyncset.done $0x0  }
0x6b: {  	s15 =	sadd.s32 $0x180, s14;
	[sflag:s7] =	ssyncadd.s32 $0xFFFFEC00  }
0x6c: {  	[tilespmem:s25], [sflag:$0x2] =	stream.indirect.gather [hbm4b:s2+s21], $0x80, s15, s21, $0xb8;
	[tilespmem:$0x7000] =	vst v63  }
0x6d: {  	s15 =	sadd.s32 $0x1180, s14  }
0x6e: {  	[tilespmem:s28], [sflag:$0x4] =	stream.indirect.gather [hbm4b:s4+s21], $0x80, s15, s21, $0xb8;
	[tilespmem:$0x7000] =	vst v63  }
0x6f: {  	_ =	swait.ge [sflag:s29], $0x1400  }
0x70: {  	[sflag:s29] =	ssyncset.done $0x0  }
0x71: {  	[sflag:s29] =	ssyncadd.s32 $0xFFFFEC00  }
0x72: {  	_ =	swait.ge [sflag:s30], $0x1400  }
0x73: {  	s15 =	sshrl.u32 s10, $0x3;
	[sflag:s30] =	ssyncset.done $0x0  }
0x74: {  	s20 =	sadd.s32 s5, s15;
	[sflag:s30] =	ssyncadd.s32 $0xFFFFEC00  }
0x75: {  	[hbm4b:s20+s3] =	stream.linear.scatter [tilespmem:s22], [sflag:$0x5], $0x1400, $0x38;
	[tilespmem:$0x7000] =	vst v63  }
0x76: {  	s15 =	sadd.s32 s6, s15  }
0x77: {  	[hbm4b:s15+s3] =	stream.linear.scatter [tilespmem:s23], [sflag:$0x7], $0x1400, $0x38;
	[tilespmem:$0x7000] =	vst v63  }
0x78: {  	_ =	swait.ge [sflag:s31], $0x1400  }
0x79: {  	[sflag:s31] =	ssyncset.done $0x0  }
0x7a: {  	[sflag:s31] =	ssyncadd.s32 $0xFFFFEC00  }
0x7b: {  	_ =	swait.ge [sflag:s0], $0x1400  }
0x7c: {  	[sflag:s0] =	ssyncset.done $0x0  }
0x7d: {  	s15 =	sadd.s32 $0x200, s14;
	[sflag:s0] =	ssyncadd.s32 $0xFFFFEC00  }
0x7e: {  	[tilespmem:s22], [sflag:$0x1] =	stream.indirect.gather [hbm4b:s2+s21], $0x80, s15, s21, $0xb8;
	[tilespmem:$0x7000] =	vst v63  }
0x7f: {  	s14 =	sadd.s32 $0x1200, s14  }
0x80: {  	[tilespmem:s23], [sflag:$0x3] =	stream.indirect.gather [hbm4b:s4+s21], $0x80, s14, s21, $0xb8;
	[tilespmem:$0x7000] =	vst v63  }
0x81: {  	_ =	swait.ge [sflag:s26], $0x1400  }
0x82: {  	[sflag:s26] =	ssyncset.done $0x0  }
0x83: {  	[sflag:s26] =	ssyncadd.s32 $0xFFFFEC00  }
.Ltmp0:
0x84: {  	_ =	swait.ge [sflag:s1], $0x1400;
	(pc) =	sbr.rel @p0 .LBB2_2-.Ltmp0, $4  }
0x85: {  	[sflag:s1] =	ssyncset.done $0x0  }
0x86: {  	[sflag:s1] =	ssyncadd.s32 $0xFFFFEC00  }
0x87: {  	[hbm4b:s12+s3] =	stream.linear.scatter [tilespmem:s25], [sflag:$0x6], $0x1400, $0x38;
	[tilespmem:$0x7000] =	vst v63  }
0x88: {  	s11 =	sadd.s32 $0x500, s11;
	s10 =	sadd.s32 $0x2800, s10;
	s12 =	sadd.s32 $0x500, s12  }
0x89: {  	[hbm4b:s17+s3] =	stream.linear.scatter [tilespmem:s28], [sflag:$0x8], $0x1400, $0x38;
	[tilespmem:$0x7000] =	vst v63  }
0x8a: {  	_ =	swait.ge [sflag:s24], $0x1400  }
0x8b: {  	[sflag:s24] =	ssyncset.done $0x0  }
0x8c: {  	[sflag:s24] =	ssyncadd.s32 $0xFFFFEC00  }
0x8d: {  	_ =	swait.ge [sflag:s7], $0x1400  }
0x8e: {  	[sflag:s7] =	ssyncset.done $0x0  }
0x8f: {  	[sflag:s7] =	ssyncadd.s32 $0xFFFFEC00  }
0x90: {  	_ =	swait.ge [sflag:s29], $0x1400  }
0x91: {  	[sflag:s29] =	ssyncset.done $0x0  }
0x92: {  	[sflag:s29] =	ssyncadd.s32 $0xFFFFEC00  }
0x93: {  	_ =	swait.ge [sflag:s30], $0x1400  }
0x94: {  	[sflag:s30] =	ssyncset.done $0x0  }
0x95: {  	s9 =	rddreg [dreg:$0x5];
	[sflag:s30] =	ssyncadd.s32 $0xFFFFEC00  }
0x96: {  	[hbm4b:s9+s3] =	stream.linear.scatter [tilespmem:s22], [sflag:$0x5], $0x1400, $0x38;
	[tilespmem:$0x7000] =	vst v63  }
0x97: {  	s17 =	rddreg [dreg:$0x6]  }
0x98: {  	[hbm4b:s17+s3] =	stream.linear.scatter [tilespmem:s23], [sflag:$0x7], $0x1400, $0x38;
	[tilespmem:$0x7000] =	vst v63  }
0x99: {  	_ =	swait.ge [sflag:s31], $0x1400  }
0x9a: {  	[sflag:s31] =	ssyncset.done $0x0  }
0x9b: {  	[sflag:s31] =	ssyncadd.s32 $0xFFFFEC00  }
0x9c: {  	_ =	swait.ge [sflag:s0], $0x1400  }
0x9d: {  	s8 =	sadd.s32 $0x1, s8;
	s20 =	rddreg [dreg:$0x7]  }
0x9e: {  	p0 =	sne.s32 s8, s20  }
.Ltmp1:
0x9f: {  	_ = 	snop;
	(pc) =	sbr.rel @p0 .LBB2_1-.Ltmp1, $3  }
0xa0: {  	_ =	sdelay $0x1  }
0xa1: {  	[sflag:s0] =	ssyncset.done $0x0  }
0xa2: {  	[sflag:s0] =	ssyncadd.s32 $0xFFFFEC00  }
0xa3: {  	_ =	sfence.sel $0x180000  }
0xa4: {  	[bflag:$0x0] =	sbarrier.arrive $0xFFFF  }
0xa5: {  	_ =	strace $0x90000050  }
0xa6: {  	s0 =	stileid.u32;
	[bflag:$0x2] =	sbarrier.arrive $0xFFFF  }
0xa7: {  	p0 =	sne.s32 s0, $0x0;
	s0 =	rddreg [dreg:$0x2]  }
0xa8: {  	s0 =	sadd.s32 @!p0 $0x100000, s0  }
0xa9: {  	[sflag:s0] =	ssyncadd.tile.s32 @!p0 $0x1;
	_ =	shalt  }
.Lfunc_end2:
_tile_overlayer_lowered:
.L_overlay_start_2:
0xaa: {  	(tag) =	ssettag $0x2  }
0xab: {  	s0 =	rddreg [dreg:$0x0];
	s2 =	stileid.u32  }
0xac: {  	s1 =	rddreg [dreg:$0x1];
	p0 =	sne.s32 s2, $0x0  }
0xad: {  	s3 =	rddreg [dreg:$0x2];
	[bflag:$0x3] =	sbarrier.arrive $0xFFFF;
	s2 =	simm.s32 @!p0 $0x1C09  }
0xae: {  	[timem:s3], [sflag:s2] =	dma.local @!p0 [hbm:s0], s1  }
0xaf: {  	s0 =	simm.s32 @!p0 $0x9  }
0xb0: {  	_ =	swait.ge @!p0 [sflag:s0], s1  }
0xb1: {  	s1 =	ssub.s32 @!p0 $0x0, s1;
	[sflag:s0] =	ssyncset.done @!p0 $0x0  }
0xb2: {  	[sflag:s0] =	ssyncadd.s32 @!p0 s1  }
0xb3: {  	[bflag:$0x3] =	sbarrier.arrive $0xFFFF  }
0xb4: {  	_ =	shalt  }

// kernel: kernel.27.cloned.1.call-start
scs
__scs_entry_jumppad:
0x0: {  	(pc) =	sbr.rel $0x88, $3  }
0x1: {  	(tag) =	ssettag $0x0;
	lr =	simm.s32 $0x1  }
0x2: {  	[smem:$0x3F8D] =	sst lr;
	_ =	strace $0xD0000000  }
0x3: {  	_ = 	snop  }
0x4: {  	_ = 	snop  }
0x5: {  	_ = 	snop  }
0x6: {  	_ = 	snop  }
0x7: {  	_ = 	snop  }
__scs_overlays_trampoline_lowered:
0x8: {  	[smem:$0x3F9C] =	sst s0  }
0x9: {  	[smem:$0x3F9D] =	sst s1  }
0xa: {  	[smem:$0x3F9E] =	sst s2  }
0xb: {  	[smem:$0x3F9F] =	sst s3  }
0xc: {  	[smem:$0x3FA0] =	sst s4  }
0xd: {  	[smem:$0x3FA1] =	sst s5  }
0xe: {  	[smem:$0x3FA2] =	sst s6  }
0xf: {  	[smem:$0x3FA3] =	sst s7  }
0x10: {  	[smem:$0x3FA4] =	sst s8  }
0x11: {  	[smem:$0x3FA5] =	sst s9;
	s0 =	simm.s32 @!p0 $0x0  }
0x12: {  	s1 =	sld [smem:$0x3F8B];
	s0 =	simm.s32 @p0 $0x1  }
0x13: {  	[smem:$0x3FA6] =	sst s0;
	s0 =	simm.s32 @!p1 $0x0  }
0x14: {  	s2 =	sld [smem:$0x3F8A];
	s0 =	simm.s32 @p1 $0x1  }
0x15: {  	[smem:$0x3FA7] =	sst s0;
	s0 =	simm.s32 @!p2 $0x0  }
0x16: {  	s3 =	sld [smem:$0x3FDB];
	s0 =	simm.s32 @p2 $0x1  }
0x17: {  	s4 =	simm.s32 $0x1BF5;
	[smem:$0x3FA9] =	sst s0  }
0x18: {  	s0 =	sld [smem:$0x3F8C];
	_ =	swait.ge [sflag:s4], $0x0  }
0x19: {  	s7 =	sld [smem:$0x3F8D]  }
0x1a: {  	s8 =	sadd.s32 $0xFFFFE003, lr  }
0x1b: {  	s9 =	sadd.s32 $0xFFFFFEF7, lr;
	s5 =	simm.s32 $0xFFFFFFFF;
	p2 =	slt.u32 s8, $0xFFFFF086  }
0x1c: {  	p1 =	slt.u32 s9, $0xF7A;
	s5 =	simm.s32 @!p2 $0x0  }
0x1d: {  	s5 =	simm.s32 @p1 $0x1;
	p0 =	seq.s32 s7, s2  }
0x1e: {  	s7 =	smul.u32 @!p0 $0xF7A, s2;
	p2 =	seq.s32 @!p0 s5, $0x0  }
0x1f: {  	s9 =	smul.u32 $0xF7A, s1;
	s8 =	simm.s32 @!p0 $0x1BF5;
	p2 =	por !p2, p0  }
0x20: {  	[sflag:s8] =	ssyncset.s32 @!p0 $0xFFFFF086;
	s6 =	sadd.s32 @!p0 s3, s7;
	s7 =	simm.s32 @!p0 $0x108  }
0x21: {  	s3 =	sadd.s32 s3, s9;
	s6 =	sadd.s32 @!p0 $0x88, s6;
	s7 =	simm.s32 @p2 $0x1082  }
0x22: {  	[simem:s7], [sflag:s8] =	dma.local @!p0 [hbm:s6], $0xF7A  }
0x23: {  	s9 =	sor.u32 $0xD0000000, s2;
	s6 =	simm.s32 $0x108;
	_ =	swait.ge @!p0 [sflag:s8], $0x0  }
0x24: {  	s3 =	sadd.s32 $0x88, s3;
	s6 =	simm.s32 @!p1 $0x1082;
	[sflag:s4] =	ssyncset.s32 $0xFFFFF086  }
0x25: {  	[simem:s6], [sflag:s4] =	dma.local [hbm:s3], $0xF7A  }
0x26: {  	[smem:$0x3F8D] =	sst s1;
	(tag) =	ssettag s2;
	_ =	strace s9  }
0x27: {  	s1 =	sld [smem:$0x3F9D]  }
0x28: {  	s2 =	sld [smem:$0x3F9E]  }
0x29: {  	s4 =	sld [smem:$0x3FA0]  }
0x2a: {  	p0 =	seq.s32 s5, $0x0;
	s5 =	sld [smem:$0x3FA1]  }
0x2b: {  	s6 =	sld [smem:$0x3FA2]  }
0x2c: {  	s7 =	sld [smem:$0x3FA3]  }
0x2d: {  	s3 =	simm.s32 $0x108;
	s8 =	sld [smem:$0x3FA4]  }
0x2e: {  	s3 =	simm.s32 @!p0 $0x1082;
	s9 =	sld [smem:$0x3FA5]  }
0x2f: {  	lr =	sadd.s32 s0, s3;
	s0 =	sld [smem:$0x3F9C]  }
0x30: {  	s3 =	sld [smem:$0x3F9F]  }
0x31: {  	[smem:$0x3FA8] =	sst s10  }
0x32: {  	s10 =	sld [smem:$0x3FA6];
	_ =	sdelay $0x3  }
0x33: {  	p0 =	seq.s32 s10, $0x1;
	s10 =	sld [smem:$0x3FA8];
	_ =	sdelay $0x3  }
0x34: {  	[smem:$0x3FA8] =	sst s10  }
0x35: {  	s10 =	sld [smem:$0x3FA7];
	_ =	sdelay $0x3  }
0x36: {  	p1 =	seq.s32 s10, $0x1;
	s10 =	sld [smem:$0x3FA8];
	_ =	sdelay $0x3  }
0x37: {  	[smem:$0x3FA8] =	sst s10  }
0x38: {  	s10 =	sld [smem:$0x3FA9]  }
0x39: {  	_ = 	snop;
	(pc) =	sbr.ind lr, $3  }
0x3a: {  	_ = 	snop  }
0x3b: {  	_ = 	snop  }
0x3c: {  	p2 =	seq.s32 s10, $0x1;
	s10 =	sld [smem:$0x3FA8]  }
0x3d: {  	_ =	shalt  }
0x3e: {  	_ =	shalt  }
0x3f: {  	_ =	shalt  }
0x40: {  	_ =	shalt  }
0x41: {  	_ =	shalt  }
0x42: {  	_ =	shalt  }
0x43: {  	_ =	shalt  }
0x44: {  	_ =	shalt  }
0x45: {  	_ =	shalt  }
0x46: {  	_ =	shalt  }
0x47: {  	_ =	shalt  }
0x48: {  	_ =	shalt  }
0x49: {  	_ =	shalt  }
0x4a: {  	_ =	shalt  }
0x4b: {  	_ =	shalt  }
0x4c: {  	_ =	shalt  }
0x4d: {  	_ =	shalt  }
0x4e: {  	_ =	shalt  }
0x4f: {  	_ =	shalt  }
0x50: {  	_ =	shalt  }
0x51: {  	_ =	shalt  }
0x52: {  	_ =	shalt  }
0x53: {  	_ =	shalt  }
0x54: {  	_ =	shalt  }
0x55: {  	_ =	shalt  }
0x56: {  	_ =	shalt  }
0x57: {  	_ =	shalt  }
0x58: {  	_ =	shalt  }
0x59: {  	_ =	shalt  }
0x5a: {  	_ =	shalt  }
0x5b: {  	_ =	shalt  }
0x5c: {  	_ =	shalt  }
0x5d: {  	_ =	shalt  }
0x5e: {  	_ =	shalt  }
0x5f: {  	_ =	shalt  }
0x60: {  	_ =	shalt  }
0x61: {  	_ =	shalt  }
0x62: {  	_ =	shalt  }
0x63: {  	_ =	shalt  }
0x64: {  	_ =	shalt  }
0x65: {  	_ =	shalt  }
0x66: {  	_ =	shalt  }
0x67: {  	_ =	shalt  }
0x68: {  	_ =	shalt  }
0x69: {  	_ =	shalt  }
0x6a: {  	_ =	shalt  }
0x6b: {  	_ =	shalt  }
0x6c: {  	_ =	shalt  }
0x6d: {  	_ =	shalt  }
0x6e: {  	_ =	shalt  }
0x6f: {  	_ =	shalt  }
0x70: {  	_ =	shalt  }
0x71: {  	_ =	shalt  }
0x72: {  	_ =	shalt  }
0x73: {  	_ =	shalt  }
0x74: {  	_ =	shalt  }
0x75: {  	_ =	shalt  }
0x76: {  	_ =	shalt  }
0x77: {  	_ =	shalt  }
0x78: {  	_ =	shalt  }
0x79: {  	_ =	shalt  }
0x7a: {  	_ =	shalt  }
0x7b: {  	_ =	shalt  }
0x7c: {  	_ =	shalt  }
0x7d: {  	_ =	shalt  }
0x7e: {  	_ =	shalt  }
0x7f: {  	_ =	shalt  }
0x80: {  	_ =	shalt  }
0x81: {  	_ =	shalt  }
0x82: {  	_ =	shalt  }
0x83: {  	_ =	shalt  }
0x84: {  	_ =	shalt  }
0x85: {  	_ =	shalt  }
0x86: {  	_ =	shalt  }
0x87: {  	_ =	shalt  }
.Lfunc_end0:
.L_simem_size_0:
called_computation.4_lowered:
.L_overlay_start_0:
0x88: {  	s2 =	sld [smem:$0x3FD9]  }
0x89: {  	s3 =	sld [smem:$0x3FFE];
	_ =	sdelay $0x1  }
0x8a: {  	s1 =	srdreg.scid  }
0x8b: {  	s0 =	sand.u32 $0x1, s1  }
0x8c: {  	s15 =	sshll.u32 s0, $0xA;
	s2 =	sadd.s32 s3, s2  }
0x8d: {  	s2 =	sadd.s32 s2, s15  }
0x8e: {  	[smem:$0x3FB4] =	sst s2  }
0x8f: {  	_ = 	snop  }
0x90: {  	s2 =	sld [smem:$0x3FD0];
	_ =	sdelay $0x2  }
0x91: {  	s16 =	simm.s32 $0xE;
	s4 =	simm.s32 $0x10  }
0x92: {  	[smem:s4], [sflag:s16] =	dma.local [hbm:s2], $0x1  }
0x93: {  	_ =	swait.eq [sflag:s16], $0x1  }
0x94: {  	[sflag:s16] =	ssyncset.done $0x0  }
0x95: {  	[sflag:s16] =	ssyncadd.s32 $0xFFFFFFFF  }
0x96: {  	s17 =	sld [smem:$0x10];
	(tm) =	ssettm $0x1  }
0x97: {  	s18 =	sld [smem:$0x3FFB];
	_ =	sdelay $0x3  }
0x98: {  	_ =	strace s18  }
0x99: {  	s2 =	sld [smem:$0x3FFC];
	_ =	sdelay $0x3  }
0x9a: {  	_ =	strace s2  }
0x9b: {  	s2 =	sld [smem:$0x3FFD];
	_ =	sdelay $0x3  }
0x9c: {  	_ =	strace s2  }
0x9d: {  	_ =	strace $0x8FFFFFFF  }
0x9e: {  	s19 =	sld [smem:$0x3FDB];
	_ =	sdelay $0x1  }
0x9f: {  	s20 =	simm.s32 $_scs_section_size  }
0xa0: {  	s5 =	simm.s32 $_size__tile_overlayer_lowered;
	s6 =	simm.s32 $_tile_overlayer_lowered  }
0xa1: {  	s7 =	simm.s32 $0x1BFF;
	s21 =	sshll.u32 s6, $0x1;
	s4 =	sadd.s32 s20, s19  }
0xa2: {  	s22 =	simm.s32 $0x0;
	s5 =	sshll.u32 s5, $0x1;
	s6 =	sadd.s32 s21, s4  }
0xa3: {  	[timem:s22], [sflag:s7] =	dma.local [hbm:s6], s5  }
0xa4: {  	_ =	swait.ge [sflag:s7], s5  }
0xa5: {  	s5 =	ssub.s32 $0x0, s5;
	[sflag:s7] =	ssyncset.done $0x0  }
0xa6: {  	[sflag:s7] =	ssyncadd.s32 s5;
	_ =	sdelay $0x1  }
0xa7: {  	s23 =	simm.s32 $0x1B8B  }
0xa8: {  	_ =	swait.ge [sflag:s23], $0x1  }
0xa9: {  	[sflag:s23] =	ssyncset.done $0x0  }
0xaa: {  	[sflag:s23] =	ssyncadd.s32 $0xFFFFFFFF  }
0xab: {  	s5 =	sld [smem:$0x0]  }
0xac: {  	s6 =	sand.u32 $0xFFFFFFFE, s1  }
0xad: {  	p0 =	sne.s32 s1, s6  }
0xae: {  	s6 =	sshll.u32 @p0 s6, $0xE  }
0xaf: {  	s6 =	sadd.s32 @p0 $0x11B8D, s6;
	s7 =	sshll.u32 @p0 s5, $0x11  }
0xb0: {  	s6 =	sor.u32 @p0 s7, s6  }
0xb1: {  	[sflag:s6] =	ssyncadd.remote.s32 @p0 $0x1;
	_ =	sdelay $0x1  }
0xb2: {  	s6 =	simm.s32 @p0 $0x1B8D  }
0xb3: {  	_ =	swait.eq @p0 [sflag:s6], $0x1  }
0xb4: {  	[sflag:s6] =	ssyncadd.s32 @p0 $0xFFFFFFFF  }
0xb5: {  	s7 =	sshll.u32 @!p0 s1, $0xE  }
0xb6: {  	s7 =	sor.u32 @!p0 $0x4000, s7;
	s6 =	simm.s32 @!p0 $0x1B8D  }
0xb7: {  	s5 =	sshll.u32 @!p0 s5, $0x11;
	s7 =	sadd.s32 @!p0 $0x11B8D, s7;
	_ =	swait.eq @!p0 [sflag:s6], $0x1  }
0xb8: {  	s5 =	sor.u32 @!p0 s5, s7;
	[sflag:s6] =	ssyncadd.s32 @!p0 $0xFFFFFFFF  }
0xb9: {  	s25 =	simm.s32 $0x1B8E;
	s24 =	sld [smem:$0x3FFE];
	[sflag:s5] =	ssyncadd.remote.s32 @!p0 $0x1  }
0xba: {  	s26 =	simm.s32 $execute0_lowered;
	[smem:$0x3FD2] =	sst s25  }
0xbb: {  	s6 =	sshll.u32 s26, $0x1;
	_ =	strace $0x80000052;
	[dreg:$0x1] =	wrdreg $0xFFFFFFFF  }
0xbc: {  	s28 =	simm.s32 $_size_execute0_lowered;
	s4 =	sadd.s32 s4, s6;
	[dreg:$0x0] =	wrdreg $0x0  }
0xbd: {  	s6 =	sshll.u32 s28, $0x1;
	[dreg:$0x2] =	wrdreg s4  }
0xbe: {  	[dreg:$0x3] =	wrdreg s6  }
0xbf: {  	[dreg:$0x4] =	wrdreg $0xC0  }
0xc0: {  	_ =	task [dreg:s22], $0x5FFFF  }
0xc1: {  	[dreg:$0x1] =	wrdreg $0xFFFFFFFF  }
0xc2: {  	[dreg:$0x0] =	wrdreg $0x60  }
0xc3: {  	[dreg:$0x2] =	wrdreg s17  }
0xc4: {  	[dreg:$0x3] =	wrdreg s24  }
0xc5: {  	[dreg:$0x4] =	wrdreg $0xD  }
0xc6: {  	_ =	task.clear_ibuf [dreg:s22], $0x5FFFF;
	_ =	strace $0x90000052  }
0xc7: {  	s29 =	simm.s32 $0xD;
	_ =	strace $0x80000054  }
0xc8: {  	_ =	swait.ge [sflag:s29], $0x1  }
0xc9: {  	[sflag:s29] =	ssyncadd.s32 $0xFFFFFFFF  }
0xca: {  	_ =	strace $0x90000054  }
0xcb: {  	_ =	sfence  }
0xcc: {  	s30 =	sld [smem:$0x0];
	_ =	sdelay $0x2  }
0xcd: {  	s31 =	sshll.u32 s1, $0xD;
	s1 =	sshrl.u32 s1, $0x2  }
0xce: {  	s4 =	sand.u32 $0x4000, s31;
	s1 =	sadd.s32 s1, s30  }
0xcf: {  	s0 =	sor.u32 s4, s0;
	s1 =	sshll.u32 s1, $0x11  }
0xd0: {  	s0 =	sor.u32 s1, s0  }
0xd1: {  	s0 =	sadd.s32 $0x8F2B, s0  }
0xd2: {  	[sflag:s0] =	ssyncadd.remote.s32 $0x1  }
0xd3: {  	_ =	sfence.sel $0xFFFF  }
0xd4: {  	[dreg:$0x0] =	wrdreg $0xFFFFFFFF;
	(pc) =	sbr.abs _section_cstart, $3  }
0xd5: {  	[dreg:$0x1] =	wrdreg $0xFFFFFFFF  }
0xd6: {  	_ =	task.clear_ibuf [dreg:s22], $0x2FFFF;
	_ =	strace $0x9FFFFFFF  }
0xd7: {  	(tm) =	ssettm $0x7FFFFFFF  }
tec
execute0_lowered:
.L_overlay_start_1:
0x0: {  	(tag) =	ssettag $0x1  }
0x1: {  	s2 =	rddreg [dreg:$0x0]  }
0x2: {  	s0 =	rddreg [dreg:$0x1];
	s1 =	srdreg.scid  }
0x3: {  	s10 =	stileid.u32;
	s3 =	simm.s32 $0x0;
	s28 =	simm.s32 $0x5C00  }
0x4: {  	s29 =	simm.s32 $0x1;
	s30 =	simm.s32 $0x3;
	s31 =	simm.s32 $0x5  }
0x5: {  	s1 =	sand.u32 $0x1, s1;
	s4 =	sshll.u32 s10, $0x1;
	[smem:$0x7FF] =	sst s3  }
0x6: {  	s10 =	smul.u32 $0x3E800, s10;
	s5 =	sor.u32 s1, s4;
	_ =	strace $0x80000053  }
0x7: {  	s4 =	sadd.s32 $0xF400, s0;
	s18 =	ssub.s32 $0x2, s1;
	s1 =	smul.u32 $0x1F400, s1  }
0x8: {  	s6 =	sshll.u32 s5, $0x9;
	s8 =	smul.u32 $0x1F400, s5;
	s5 =	sadd.s32 $0x3C1600, s0  }
0x9: {  	s9 =	sshrl.u32 s18, $0x1;
	s7 =	sadd.s32 s6, s0;
	s6 =	sadd.s32 $0x43E600, s0  }
0xa: {  	s0 =	ssub.s32 s18, s9;
	s22 =	sadd.s32 s1, s10;
	s8 =	sshrl.u32 s8, $0x3  }
0xb: {  	s11 =	sadd.s32 $0xCF600, s7;
	s7 =	sadd.s32 $0xCB600, s7;
	s0 =	smax.u32 s0, $0x1  }
0xc: {  	s25 =	sadd.s32 $0x3C00, s22;
	s16 =	sadd.s32 $0x2800, s22;
	[dreg:$0x3] =	wrdreg s11  }
0xd: {  	s22 =	simm.s32 $0x2000;
	s19 =	sadd.s32 $0x3C00, s8;
	[dreg:$0x4] =	wrdreg s7  }
0xe: {  	[dreg:$0x7] =	wrdreg s0;
	s23 =	sadd.s32 s5, s8;
	s24 =	sadd.s32 $0x280, s8  }
0xf: {  	s8 =	sadd.s32 s6, s8;
	s7 =	sshrl.u32 s25, $0x3;
	s25 =	simm.s32 $0x3400  }
0x10: {  	s0 =	simm.s32 $0x7;
	s20 =	sadd.s32 s5, s19;
	[dreg:$0x8] =	wrdreg s23  }
0x11: {  	s21 =	sadd.s32 s6, s19;
	[dreg:$0x9] =	wrdreg s8;
	s26 =	sadd.s32 s5, s24  }
0x12: {  	s1 =	sadd.s32 s6, s24;
	s13 =	sadd.s32 s7, s6;
	[dreg:$0x5] =	wrdreg s20  }
0x13: {  	s18 =	sadd.s32 s7, s5;
	s19 =	simm.s32 $0x9;
	[dreg:$0x6] =	wrdreg s21  }
0x14: {  	s23 =	simm.s32 $0x4800;
	s24 =	simm.s32 $0x6;
	[dreg:$0xa] =	wrdreg s26  }
0x15: {  	s7 =	simm.s32 $0x8;
	s8 =	simm.s32 $0x0;
	[dreg:$0xb] =	wrdreg s1  }
0x16: {  	s21 =	simm.s32 $0x28;
	s26 =	simm.s32 $0x2;
	s1 =	simm.s32 $0x4  }
.LBB2_1:
0x17: {  	s9 =	rddreg [dreg:$0x3]  }
0x18: {  	[tilespmem:s3], [sflag:$0x9] =	stream.linear.gather [hbm4b:s9+s3], $0xC80, $0x38;
	[tilespmem:$0x7000] =	vst v63  }
0x19: {  	_ =	swait.ge [sflag:s19], $0xC80  }
0x1a: {  	[sflag:s19] =	ssyncset.done $0x0  }
0x1b: {  	s10 =	simm.s32 $0x1000;
	s20 =	rddreg [dreg:$0x4];
	[sflag:s19] =	ssyncadd.s32 $0xFFFFF380  }
0x1c: {  	[tilespmem:s10], [sflag:$0x9] =	stream.linear.gather [hbm4b:s20+s3], $0xC80, $0x38;
	[tilespmem:$0x7000] =	vst v63  }
0x1d: {  	_ =	swait.ge [sflag:s19], $0xC80  }
0x1e: {  	[sflag:s19] =	ssyncset.done $0x0  }
0x1f: {  	[sflag:s19] =	ssyncadd.s32 $0xFFFFF380  }
0x20: {  	[tilespmem:s22], [sflag:$0x1] =	stream.indirect.gather [hbm4b:s2+s21], $0x80, s3, s21, $0xb8;
	[tilespmem:$0x7000] =	vst v63  }
0x21: {  	_ = 	snop  }
0x22: {  	[tilespmem:s23], [sflag:$0x3] =	stream.indirect.gather [hbm4b:s4+s21], $0x80, s10, s21, $0xb8;
	[tilespmem:$0x7000] =	vst v63  }
0x23: {  	s10 =	simm.s32 $0x80  }
0x24: {  	[tilespmem:s25], [sflag:$0x2] =	stream.indirect.gather [hbm4b:s2+s21], $0x80, s10, s21, $0xb8;
	[tilespmem:$0x7000] =	vst v63  }
0x25: {  	s11 =	simm.s32 $0x1080  }
0x26: {  	[tilespmem:s28], [sflag:$0x4] =	stream.indirect.gather [hbm4b:s4+s21], $0x80, s11, s21, $0xb8;
	[tilespmem:$0x7000] =	vst v63  }
0x27: {  	_ =	swait.ge [sflag:s29], $0x1400  }
0x28: {  	[sflag:s29] =	ssyncset.done $0x0  }
0x29: {  	[sflag:s29] =	ssyncadd.s32 $0xFFFFEC00  }
0x2a: {  	_ =	swait.ge [sflag:s30], $0x1400  }
0x2b: {  	[sflag:s30] =	ssyncset.done $0x0  }
0x2c: {  	s12 =	rddreg [dreg:$0x8];
	[sflag:s30] =	ssyncadd.s32 $0xFFFFEC00  }
0x2d: {  	[hbm4b:s12+s3] =	stream.linear.scatter [tilespmem:s22], [sflag:$0x5], $0x1400, $0x38;
	[tilespmem:$0x7000] =	vst v63  }
0x2e: {  	s14 =	rddreg [dreg:$0x9]  }
0x2f: {  	[hbm4b:s14+s3] =	stream.linear.scatter [tilespmem:s23], [sflag:$0x7], $0x1400, $0x38;
	[tilespmem:$0x7000] =	vst v63  }
0x30: {  	_ =	swait.ge [sflag:s31], $0x1400  }
0x31: {  	[sflag:s31] =	ssyncset.done $0x0  }
0x32: {  	[sflag:s31] =	ssyncadd.s32 $0xFFFFEC00  }
0x33: {  	_ =	swait.ge [sflag:s0], $0x1400  }
0x34: {  	[sflag:s0] =	ssyncset.done $0x0  }
0x35: {  	s15 =	simm.s32 $0x100;
	[sflag:s0] =	ssyncadd.s32 $0xFFFFEC00  }
0x36: {  	[tilespmem:s22], [sflag:$0x1] =	stream.indirect.gather [hbm4b:s2+s21], $0x80, s15, s21, $0xb8;
	[tilespmem:$0x7000] =	vst v63  }
0x37: {  	s17 =	simm.s32 $0x1100  }
0x38: {  	[tilespmem:s23], [sflag:$0x3] =	stream.indirect.gather [hbm4b:s4+s21], $0x80, s17, s21, $0xb8;
	[tilespmem:$0x7000] =	vst v63  }
0x39: {  	_ =	swait.ge [sflag:s26], $0x1400  }
0x3a: {  	[sflag:s26] =	ssyncset.done $0x0  }
0x3b: {  	[sflag:s26] =	ssyncadd.s32 $0xFFFFEC00  }
0x3c: {  	_ =	swait.ge [sflag:s1], $0x1400  }
0x3d: {  	[sflag:s1] =	ssyncset.done $0x0  }
0x3e: {  	s20 =	rddreg [dreg:$0xa];
	[sflag:s1] =	ssyncadd.s32 $0xFFFFEC00  }
0x3f: {  	[hbm4b:s20+s3] =	stream.linear.scatter [tilespmem:s25], [sflag:$0x6], $0x1400, $0x38;
	[tilespmem:$0x7000] =	vst v63  }
0x40: {  	s10 =	rddreg [dreg:$0xb]  }
0x41: {  	[hbm4b:s10+s3] =	stream.linear.scatter [tilespmem:s28], [sflag:$0x8], $0x1400, $0x38;
	[tilespmem:$0x7000] =	vst v63  }
0x42: {  	_ =	swait.ge [sflag:s24], $0x1400  }
0x43: {  	[sflag:s24] =	ssyncset.done $0x0  }
0x44: {  	[sflag:s24] =	ssyncadd.s32 $0xFFFFEC00  }
0x45: {  	_ =	swait.ge [sflag:s7], $0x1400  }
0x46: {  	[sflag:s7] =	ssyncset.done $0x0  }
0x47: {  	s11 =	simm.s32 $0x180;
	[sflag:s7] =	ssyncadd.s32 $0xFFFFEC00  }
0x48: {  	[tilespmem:s25], [sflag:$0x2] =	stream.indirect.gather [hbm4b:s2+s21], $0x80, s11, s21, $0xb8;
	[tilespmem:$0x7000] =	vst v63  }
0x49: {  	s12 =	simm.s32 $0x1180  }
0x4a: {  	[tilespmem:s28], [sflag:$0x4] =	stream.indirect.gather [hbm4b:s4+s21], $0x80, s12, s21, $0xb8;
	[tilespmem:$0x7000] =	vst v63  }
0x4b: {  	_ =	swait.ge [sflag:s29], $0x1400  }
0x4c: {  	[sflag:s29] =	ssyncset.done $0x0  }
0x4d: {  	[sflag:s29] =	ssyncadd.s32 $0xFFFFEC00  }
0x4e: {  	_ =	swait.ge [sflag:s30], $0x1400  }
0x4f: {  	s14 =	sshrl.u32 s16, $0x3;
	[sflag:s30] =	ssyncset.done $0x0  }
0x50: {  	s15 =	sadd.s32 s5, s14;
	[sflag:s30] =	ssyncadd.s32 $0xFFFFEC00  }
0x51: {  	[hbm4b:s15+s3] =	stream.linear.scatter [tilespmem:s22], [sflag:$0x5], $0x1400, $0x38;
	[tilespmem:$0x7000] =	vst v63  }
0x52: {  	s9 =	sadd.s32 s6, s14  }
0x53: {  	[hbm4b:s9+s3] =	stream.linear.scatter [tilespmem:s23], [sflag:$0x7], $0x1400, $0x38;
	[tilespmem:$0x7000] =	vst v63  }
0x54: {  	_ =	swait.ge [sflag:s31], $0x1400  }
0x55: {  	[sflag:s31] =	ssyncset.done $0x0  }
0x56: {  	[sflag:s31] =	ssyncadd.s32 $0xFFFFEC00  }
0x57: {  	_ =	swait.ge [sflag:s0], $0x1400  }
0x58: {  	[sflag:s0] =	ssyncset.done $0x0  }
0x59: {  	s17 =	simm.s32 $0x200;
	[sflag:s0] =	ssyncadd.s32 $0xFFFFEC00  }
0x5a: {  	[tilespmem:s22], [sflag:$0x1] =	stream.indirect.gather [hbm4b:s2+s21], $0x80, s17, s21, $0xb8;
	[tilespmem:$0x7000] =	vst v63  }
0x5b: {  	s20 =	simm.s32 $0x1200  }
0x5c: {  	[tilespmem:s23], [sflag:$0x3] =	stream.indirect.gather [hbm4b:s4+s21], $0x80, s20, s21, $0xb8;
	[tilespmem:$0x7000] =	vst v63  }
0x5d: {  	_ =	swait.ge [sflag:s26], $0x1400  }
0x5e: {  	[sflag:s26] =	ssyncset.done $0x0  }
0x5f: {  	[sflag:s26] =	ssyncadd.s32 $0xFFFFEC00  }
0x60: {  	s10 =	sadd.s32 $0x2800, s16;
	_ =	swait.ge [sflag:s1], $0x1400  }
0x61: {  	s11 =	sadd.s32 $0x500, s13;
	s12 =	sadd.s32 $0x500, s18;
	[sflag:s1] =	ssyncset.done $0x0  }
0x62: {  	s9 =	simm.s32 $0x400;
	s17 =	smov.u32 s13;
	[sflag:s1] =	ssyncadd.s32 $0xFFFFEC00  }
0x63: {  	[hbm4b:s18+s3] =	stream.linear.scatter [tilespmem:s25], [sflag:$0x6], $0x1400, $0x38;
	[tilespmem:$0x7000] =	vst v63  }
.LBB2_2:
0x64: {  	[hbm4b:s17+s3] =	stream.linear.scatter [tilespmem:s28], [sflag:$0x8], $0x1400, $0x38;
	[tilespmem:$0x7000] =	vst v63  }
0x65: {  	s14 =	smov.u32 s9;
	s17 =	smov.u32 s11  }
0x66: {  	p0 =	sne.s32 s9, $0x2800;
	s9 =	sadd.s32 $0x400, s9;
	_ =	swait.ge [sflag:s24], $0x1400  }
0x67: {  	[sflag:s24] =	ssyncset.done $0x0  }
0x68: {  	[sflag:s24] =	ssyncadd.s32 $0xFFFFEC00  }
0x69: {  	_ =	swait.ge [sflag:s7], $0x1400  }
0x6a: {  	s14 =	sshra.s32 s14, $0x2;
	[sflag:s7] =	ssyncset.done $0x0  }
0x6b: {  	s15 =	sadd.s32 $0x180, s14;
	[sflag:s7] =	ssyncadd.s32 $0xFFFFEC00  }
0x6c: {  	[tilespmem:s25], [sflag:$0x2] =	stream.indirect.gather [hbm4b:s2+s21], $0x80, s15, s21, $0xb8;
	[tilespmem:$0x7000] =	vst v63  }
0x6d: {  	s15 =	sadd.s32 $0x1180, s14  }
0x6e: {  	[tilespmem:s28], [sflag:$0x4] =	stream.indirect.gather [hbm4b:s4+s21], $0x80, s15, s21, $0xb8;
	[tilespmem:$0x7000] =	vst v63  }
0x6f: {  	_ =	swait.ge [sflag:s29], $0x1400  }
0x70: {  	[sflag:s29] =	ssyncset.done $0x0  }
0x71: {  	[sflag:s29] =	ssyncadd.s32 $0xFFFFEC00  }
0x72: {  	_ =	swait.ge [sflag:s30], $0x1400  }
0x73: {  	s15 =	sshrl.u32 s10, $0x3;
	[sflag:s30] =	ssyncset.done $0x0  }
0x74: {  	s20 =	sadd.s32 s5, s15;
	[sflag:s30] =	ssyncadd.s32 $0xFFFFEC00  }
0x75: {  	[hbm4b:s20+s3] =	stream.linear.scatter [tilespmem:s22], [sflag:$0x5], $0x1400, $0x38;
	[tilespmem:$0x7000] =	vst v63  }
0x76: {  	s15 =	sadd.s32 s6, s15  }
0x77: {  	[hbm4b:s15+s3] =	stream.linear.scatter [tilespmem:s23], [sflag:$0x7], $0x1400, $0x38;
	[tilespmem:$0x7000] =	vst v63  }
0x78: {  	_ =	swait.ge [sflag:s31], $0x1400  }
0x79: {  	[sflag:s31] =	ssyncset.done $0x0  }
0x7a: {  	[sflag:s31] =	ssyncadd.s32 $0xFFFFEC00  }
0x7b: {  	_ =	swait.ge [sflag:s0], $0x1400  }
0x7c: {  	[sflag:s0] =	ssyncset.done $0x0  }
0x7d: {  	s15 =	sadd.s32 $0x200, s14;
	[sflag:s0] =	ssyncadd.s32 $0xFFFFEC00  }
0x7e: {  	[tilespmem:s22], [sflag:$0x1] =	stream.indirect.gather [hbm4b:s2+s21], $0x80, s15, s21, $0xb8;
	[tilespmem:$0x7000] =	vst v63  }
0x7f: {  	s14 =	sadd.s32 $0x1200, s14  }
0x80: {  	[tilespmem:s23], [sflag:$0x3] =	stream.indirect.gather [hbm4b:s4+s21], $0x80, s14, s21, $0xb8;
	[tilespmem:$0x7000] =	vst v63  }
0x81: {  	_ =	swait.ge [sflag:s26], $0x1400  }
0x82: {  	[sflag:s26] =	ssyncset.done $0x0  }
0x83: {  	[sflag:s26] =	ssyncadd.s32 $0xFFFFEC00  }
.Ltmp0:
0x84: {  	_ =	swait.ge [sflag:s1], $0x1400;
	(pc) =	sbr.rel @p0 .LBB2_2-.Ltmp0, $4  }
0x85: {  	[sflag:s1] =	ssyncset.done $0x0  }
0x86: {  	[sflag:s1] =	ssyncadd.s32 $0xFFFFEC00  }
0x87: {  	[hbm4b:s12+s3] =	stream.linear.scatter [tilespmem:s25], [sflag:$0x6], $0x1400, $0x38;
	[tilespmem:$0x7000] =	vst v63  }
0x88: {  	s11 =	sadd.s32 $0x500, s11;
	s10 =	sadd.s32 $0x2800, s10;
	s12 =	sadd.s32 $0x500, s12  }
0x89: {  	[hbm4b:s17+s3] =	stream.linear.scatter [tilespmem:s28], [sflag:$0x8], $0x1400, $0x38;
	[tilespmem:$0x7000] =	vst v63  }
0x8a: {  	_ =	swait.ge [sflag:s24], $0x1400  }
0x8b: {  	[sflag:s24] =	ssyncset.done $0x0  }
0x8c: {  	[sflag:s24] =	ssyncadd.s32 $0xFFFFEC00  }
0x8d: {  	_ =	swait.ge [sflag:s7], $0x1400  }
0x8e: {  	[sflag:s7] =	ssyncset.done $0x0  }
0x8f: {  	[sflag:s7] =	ssyncadd.s32 $0xFFFFEC00  }
0x90: {  	_ =	swait.ge [sflag:s29], $0x1400  }
0x91: {  	[sflag:s29] =	ssyncset.done $0x0  }
0x92: {  	[sflag:s29] =	ssyncadd.s32 $0xFFFFEC00  }
0x93: {  	_ =	swait.ge [sflag:s30], $0x1400  }
0x94: {  	[sflag:s30] =	ssyncset.done $0x0  }
0x95: {  	s9 =	rddreg [dreg:$0x5];
	[sflag:s30] =	ssyncadd.s32 $0xFFFFEC00  }
0x96: {  	[hbm4b:s9+s3] =	stream.linear.scatter [tilespmem:s22], [sflag:$0x5], $0x1400, $0x38;
	[tilespmem:$0x7000] =	vst v63  }
0x97: {  	s17 =	rddreg [dreg:$0x6]  }
0x98: {  	[hbm4b:s17+s3] =	stream.linear.scatter [tilespmem:s23], [sflag:$0x7], $0x1400, $0x38;
	[tilespmem:$0x7000] =	vst v63  }
0x99: {  	_ =	swait.ge [sflag:s31], $0x1400  }
0x9a: {  	[sflag:s31] =	ssyncset.done $0x0  }
0x9b: {  	[sflag:s31] =	ssyncadd.s32 $0xFFFFEC00  }
0x9c: {  	_ =	swait.ge [sflag:s0], $0x1400  }
0x9d: {  	s8 =	sadd.s32 $0x1, s8;
	s20 =	rddreg [dreg:$0x7]  }
0x9e: {  	p0 =	sne.s32 s8, s20  }
.Ltmp1:
0x9f: {  	_ = 	snop;
	(pc) =	sbr.rel @p0 .LBB2_1-.Ltmp1, $3  }
0xa0: {  	_ =	sdelay $0x1  }
0xa1: {  	[sflag:s0] =	ssyncset.done $0x0  }
0xa2: {  	[sflag:s0] =	ssyncadd.s32 $0xFFFFEC00  }
0xa3: {  	_ =	sfence.sel $0x180000  }
0xa4: {  	[bflag:$0x0] =	sbarrier.arrive $0xFFFF  }
0xa5: {  	_ =	strace $0x90000053  }
0xa6: {  	s0 =	stileid.u32;
	[bflag:$0x2] =	sbarrier.arrive $0xFFFF  }
0xa7: {  	p0 =	sne.s32 s0, $0x0;
	s0 =	rddreg [dreg:$0x2]  }
0xa8: {  	s0 =	sadd.s32 @!p0 $0x100000, s0  }
0xa9: {  	[sflag:s0] =	ssyncadd.tile.s32 @!p0 $0x1;
	_ =	shalt  }
.Lfunc_end2:
_tile_overlayer_lowered:
.L_overlay_start_2:
0xaa: {  	(tag) =	ssettag $0x2  }
0xab: {  	s0 =	rddreg [dreg:$0x0];
	s2 =	stileid.u32  }
0xac: {  	s1 =	rddreg [dreg:$0x1];
	p0 =	sne.s32 s2, $0x0  }
0xad: {  	s3 =	rddreg [dreg:$0x2];
	[bflag:$0x3] =	sbarrier.arrive $0xFFFF;
	s2 =	simm.s32 @!p0 $0x1C09  }
0xae: {  	[timem:s3], [sflag:s2] =	dma.local @!p0 [hbm:s0], s1  }
0xaf: {  	s0 =	simm.s32 @!p0 $0x9  }
0xb0: {  	_ =	swait.ge @!p0 [sflag:s0], s1  }
0xb1: {  	s1 =	ssub.s32 @!p0 $0x0, s1;
	[sflag:s0] =	ssyncset.done @!p0 $0x0  }
0xb2: {  	[sflag:s0] =	ssyncadd.s32 @!p0 s1  }
0xb3: {  	[bflag:$0x3] =	sbarrier.arrive $0xFFFF  }
0xb4: {  	_ =	shalt  }

// kernel: kernel.30.cloned.1.call-start
scs
__scs_entry_jumppad:
0x0: {  	(pc) =	sbr.rel $0x88, $3  }
0x1: {  	(tag) =	ssettag $0x0;
	lr =	simm.s32 $0x1  }
0x2: {  	[smem:$0x3F8D] =	sst lr;
	_ =	strace $0xD0000000  }
0x3: {  	_ = 	snop  }
0x4: {  	_ = 	snop  }
0x5: {  	_ = 	snop  }
0x6: {  	_ = 	snop  }
0x7: {  	_ = 	snop  }
__scs_overlays_trampoline_lowered:
0x8: {  	[smem:$0x3F9C] =	sst s0  }
0x9: {  	[smem:$0x3F9D] =	sst s1  }
0xa: {  	[smem:$0x3F9E] =	sst s2  }
0xb: {  	[smem:$0x3F9F] =	sst s3  }
0xc: {  	[smem:$0x3FA0] =	sst s4  }
0xd: {  	[smem:$0x3FA1] =	sst s5  }
0xe: {  	[smem:$0x3FA2] =	sst s6  }
0xf: {  	[smem:$0x3FA3] =	sst s7  }
0x10: {  	[smem:$0x3FA4] =	sst s8  }
0x11: {  	[smem:$0x3FA5] =	sst s9;
	s0 =	simm.s32 @!p0 $0x0  }
0x12: {  	s1 =	sld [smem:$0x3F8B];
	s0 =	simm.s32 @p0 $0x1  }
0x13: {  	[smem:$0x3FA6] =	sst s0;
	s0 =	simm.s32 @!p1 $0x0  }
0x14: {  	s2 =	sld [smem:$0x3F8A];
	s0 =	simm.s32 @p1 $0x1  }
0x15: {  	[smem:$0x3FA7] =	sst s0;
	s0 =	simm.s32 @!p2 $0x0  }
0x16: {  	s3 =	sld [smem:$0x3FDB];
	s0 =	simm.s32 @p2 $0x1  }
0x17: {  	s4 =	simm.s32 $0x1BF5;
	[smem:$0x3FA9] =	sst s0  }
0x18: {  	s0 =	sld [smem:$0x3F8C];
	_ =	swait.ge [sflag:s4], $0x0  }
0x19: {  	s7 =	sld [smem:$0x3F8D]  }
0x1a: {  	s8 =	sadd.s32 $0xFFFFE003, lr  }
0x1b: {  	s9 =	sadd.s32 $0xFFFFFEF7, lr;
	s5 =	simm.s32 $0xFFFFFFFF;
	p2 =	slt.u32 s8, $0xFFFFF086  }
0x1c: {  	p1 =	slt.u32 s9, $0xF7A;
	s5 =	simm.s32 @!p2 $0x0  }
0x1d: {  	s5 =	simm.s32 @p1 $0x1;
	p0 =	seq.s32 s7, s2  }
0x1e: {  	s7 =	smul.u32 @!p0 $0xF7A, s2;
	p2 =	seq.s32 @!p0 s5, $0x0  }
0x1f: {  	s9 =	smul.u32 $0xF7A, s1;
	s8 =	simm.s32 @!p0 $0x1BF5;
	p2 =	por !p2, p0  }
0x20: {  	[sflag:s8] =	ssyncset.s32 @!p0 $0xFFFFF086;
	s6 =	sadd.s32 @!p0 s3, s7;
	s7 =	simm.s32 @!p0 $0x108  }
0x21: {  	s3 =	sadd.s32 s3, s9;
	s6 =	sadd.s32 @!p0 $0x88, s6;
	s7 =	simm.s32 @p2 $0x1082  }
0x22: {  	[simem:s7], [sflag:s8] =	dma.local @!p0 [hbm:s6], $0xF7A  }
0x23: {  	s9 =	sor.u32 $0xD0000000, s2;
	s6 =	simm.s32 $0x108;
	_ =	swait.ge @!p0 [sflag:s8], $0x0  }
0x24: {  	s3 =	sadd.s32 $0x88, s3;
	s6 =	simm.s32 @!p1 $0x1082;
	[sflag:s4] =	ssyncset.s32 $0xFFFFF086  }
0x25: {  	[simem:s6], [sflag:s4] =	dma.local [hbm:s3], $0xF7A  }
0x26: {  	[smem:$0x3F8D] =	sst s1;
	(tag) =	ssettag s2;
	_ =	strace s9  }
0x27: {  	s1 =	sld [smem:$0x3F9D]  }
0x28: {  	s2 =	sld [smem:$0x3F9E]  }
0x29: {  	s4 =	sld [smem:$0x3FA0]  }
0x2a: {  	p0 =	seq.s32 s5, $0x0;
	s5 =	sld [smem:$0x3FA1]  }
0x2b: {  	s6 =	sld [smem:$0x3FA2]  }
0x2c: {  	s7 =	sld [smem:$0x3FA3]  }
0x2d: {  	s3 =	simm.s32 $0x108;
	s8 =	sld [smem:$0x3FA4]  }
0x2e: {  	s3 =	simm.s32 @!p0 $0x1082;
	s9 =	sld [smem:$0x3FA5]  }
0x2f: {  	lr =	sadd.s32 s0, s3;
	s0 =	sld [smem:$0x3F9C]  }
0x30: {  	s3 =	sld [smem:$0x3F9F]  }
0x31: {  	[smem:$0x3FA8] =	sst s10  }
0x32: {  	s10 =	sld [smem:$0x3FA6];
	_ =	sdelay $0x3  }
0x33: {  	p0 =	seq.s32 s10, $0x1;
	s10 =	sld [smem:$0x3FA8];
	_ =	sdelay $0x3  }
0x34: {  	[smem:$0x3FA8] =	sst s10  }
0x35: {  	s10 =	sld [smem:$0x3FA7];
	_ =	sdelay $0x3  }
0x36: {  	p1 =	seq.s32 s10, $0x1;
	s10 =	sld [smem:$0x3FA8];
	_ =	sdelay $0x3  }
0x37: {  	[smem:$0x3FA8] =	sst s10  }
0x38: {  	s10 =	sld [smem:$0x3FA9]  }
0x39: {  	_ = 	snop;
	(pc) =	sbr.ind lr, $3  }
0x3a: {  	_ = 	snop  }
0x3b: {  	_ = 	snop  }
0x3c: {  	p2 =	seq.s32 s10, $0x1;
	s10 =	sld [smem:$0x3FA8]  }
0x3d: {  	_ =	shalt  }
0x3e: {  	_ =	shalt  }
0x3f: {  	_ =	shalt  }
0x40: {  	_ =	shalt  }
0x41: {  	_ =	shalt  }
0x42: {  	_ =	shalt  }
0x43: {  	_ =	shalt  }
0x44: {  	_ =	shalt  }
0x45: {  	_ =	shalt  }
0x46: {  	_ =	shalt  }
0x47: {  	_ =	shalt  }
0x48: {  	_ =	shalt  }
0x49: {  	_ =	shalt  }
0x4a: {  	_ =	shalt  }
0x4b: {  	_ =	shalt  }
0x4c: {  	_ =	shalt  }
0x4d: {  	_ =	shalt  }
0x4e: {  	_ =	shalt  }
0x4f: {  	_ =	shalt  }
0x50: {  	_ =	shalt  }
0x51: {  	_ =	shalt  }
0x52: {  	_ =	shalt  }
0x53: {  	_ =	shalt  }
0x54: {  	_ =	shalt  }
0x55: {  	_ =	shalt  }
0x56: {  	_ =	shalt  }
0x57: {  	_ =	shalt  }
0x58: {  	_ =	shalt  }
0x59: {  	_ =	shalt  }
0x5a: {  	_ =	shalt  }
0x5b: {  	_ =	shalt  }
0x5c: {  	_ =	shalt  }
0x5d: {  	_ =	shalt  }
0x5e: {  	_ =	shalt  }
0x5f: {  	_ =	shalt  }
0x60: {  	_ =	shalt  }
0x61: {  	_ =	shalt  }
0x62: {  	_ =	shalt  }
0x63: {  	_ =	shalt  }
0x64: {  	_ =	shalt  }
0x65: {  	_ =	shalt  }
0x66: {  	_ =	shalt  }
0x67: {  	_ =	shalt  }
0x68: {  	_ =	shalt  }
0x69: {  	_ =	shalt  }
0x6a: {  	_ =	shalt  }
0x6b: {  	_ =	shalt  }
0x6c: {  	_ =	shalt  }
0x6d: {  	_ =	shalt  }
0x6e: {  	_ =	shalt  }
0x6f: {  	_ =	shalt  }
0x70: {  	_ =	shalt  }
0x71: {  	_ =	shalt  }
0x72: {  	_ =	shalt  }
0x73: {  	_ =	shalt  }
0x74: {  	_ =	shalt  }
0x75: {  	_ =	shalt  }
0x76: {  	_ =	shalt  }
0x77: {  	_ =	shalt  }
0x78: {  	_ =	shalt  }
0x79: {  	_ =	shalt  }
0x7a: {  	_ =	shalt  }
0x7b: {  	_ =	shalt  }
0x7c: {  	_ =	shalt  }
0x7d: {  	_ =	shalt  }
0x7e: {  	_ =	shalt  }
0x7f: {  	_ =	shalt  }
0x80: {  	_ =	shalt  }
0x81: {  	_ =	shalt  }
0x82: {  	_ =	shalt  }
0x83: {  	_ =	shalt  }
0x84: {  	_ =	shalt  }
0x85: {  	_ =	shalt  }
0x86: {  	_ =	shalt  }
0x87: {  	_ =	shalt  }
.Lfunc_end0:
.L_simem_size_0:
called_computation.5_lowered:
.L_overlay_start_0:
0x88: {  	s2 =	sld [smem:$0x3FD9]  }
0x89: {  	s3 =	sld [smem:$0x3FFE];
	_ =	sdelay $0x1  }
0x8a: {  	s1 =	srdreg.scid  }
0x8b: {  	s0 =	sand.u32 $0x1, s1  }
0x8c: {  	s14 =	sshll.u32 s0, $0xA;
	s2 =	sadd.s32 s3, s2  }
0x8d: {  	s2 =	sadd.s32 s2, s14  }
0x8e: {  	[smem:$0x3FB4] =	sst s2  }
0x8f: {  	_ = 	snop  }
0x90: {  	s2 =	sld [smem:$0x3FD0];
	_ =	sdelay $0x2  }
0x91: {  	s15 =	simm.s32 $0xE;
	s4 =	simm.s32 $0x10  }
0x92: {  	[smem:s4], [sflag:s15] =	dma.local [hbm:s2], $0x1  }
0x93: {  	_ =	swait.eq [sflag:s15], $0x1  }
0x94: {  	[sflag:s15] =	ssyncset.done $0x0  }
0x95: {  	[sflag:s15] =	ssyncadd.s32 $0xFFFFFFFF  }
0x96: {  	s16 =	sld [smem:$0x10];
	(tm) =	ssettm $0x1  }
0x97: {  	s17 =	sld [smem:$0x3FFB];
	_ =	sdelay $0x3  }
0x98: {  	_ =	strace s17  }
0x99: {  	s3 =	sld [smem:$0x3FFC];
	_ =	sdelay $0x3  }
0x9a: {  	_ =	strace s3  }
0x9b: {  	s3 =	sld [smem:$0x3FFD];
	_ =	sdelay $0x3  }
0x9c: {  	_ =	strace s3  }
0x9d: {  	_ =	strace $0x8FFFFFFF  }
0x9e: {  	s18 =	sld [smem:$0x3FDB];
	_ =	sdelay $0x1  }
0x9f: {  	s19 =	simm.s32 $_scs_section_size  }
0xa0: {  	s5 =	simm.s32 $_size__tile_overlayer_lowered;
	s6 =	simm.s32 $_tile_overlayer_lowered  }
0xa1: {  	s22 =	simm.s32 $0x1BFF;
	s21 =	sshll.u32 s6, $0x1;
	s3 =	sadd.s32 s19, s18  }
0xa2: {  	s7 =	simm.s32 $0x0;
	s20 =	sshll.u32 s5, $0x1;
	s5 =	sadd.s32 s21, s3  }
0xa3: {  	[timem:s7], [sflag:s22] =	dma.local [hbm:s5], s20  }
0xa4: {  	_ =	swait.ge [sflag:s22], s20  }
0xa5: {  	s4 =	ssub.s32 $0x0, s20;
	[sflag:s22] =	ssyncset.done $0x0  }
0xa6: {  	[sflag:s22] =	ssyncadd.s32 s4;
	_ =	sdelay $0x1  }
0xa7: {  	s23 =	simm.s32 $0x1B8B  }
0xa8: {  	_ =	swait.ge [sflag:s23], $0x1  }
0xa9: {  	[sflag:s23] =	ssyncset.done $0x0  }
0xaa: {  	s25 =	simm.s32 $0x1B8E;
	s24 =	sld [smem:$0x3FFE];
	[sflag:s23] =	ssyncadd.s32 $0xFFFFFFFF  }
0xab: {  	s26 =	simm.s32 $execute0_lowered;
	[smem:$0x3FD2] =	sst s25  }
0xac: {  	s5 =	sshll.u32 s26, $0x1;
	_ =	strace $0x80000055;
	[dreg:$0x1] =	wrdreg $0xFFFFFFFF  }
0xad: {  	s28 =	simm.s32 $_size_execute0_lowered;
	s3 =	sadd.s32 s3, s5;
	[dreg:$0x0] =	wrdreg $0x0  }
0xae: {  	s5 =	sshll.u32 s28, $0x1;
	[dreg:$0x2] =	wrdreg s3  }
0xaf: {  	[dreg:$0x3] =	wrdreg s5  }
0xb0: {  	[dreg:$0x4] =	wrdreg $0xC0  }
0xb1: {  	_ =	task [dreg:s7], $0x5FFFF  }
0xb2: {  	[dreg:$0x1] =	wrdreg $0xFFFFFFFF  }
0xb3: {  	[dreg:$0x0] =	wrdreg $0x60  }
0xb4: {  	[dreg:$0x2] =	wrdreg s24  }
0xb5: {  	[dreg:$0x3] =	wrdreg s16  }
0xb6: {  	[dreg:$0x4] =	wrdreg $0x90000  }
0xb7: {  	[dreg:$0x5] =	wrdreg $0x9  }
0xb8: {  	_ =	task.clear_ibuf [dreg:s7], $0x6FFFF;
	_ =	strace $0x90000055  }
0xb9: {  	s29 =	simm.s32 $0x9;
	_ =	strace $0x80000057  }
0xba: {  	_ =	swait.ge [sflag:s29], $0x1  }
0xbb: {  	[sflag:s29] =	ssyncadd.s32 $0xFFFFFFFF  }
0xbc: {  	_ =	strace $0x90000057  }
0xbd: {  	_ =	sfence  }
0xbe: {  	s30 =	sld [smem:$0x0];
	_ =	sdelay $0x2  }
0xbf: {  	s31 =	sshll.u32 s1, $0xD;
	s1 =	sshrl.u32 s1, $0x2  }
0xc0: {  	s3 =	sand.u32 $0x4000, s31;
	s1 =	sadd.s32 s1, s30  }
0xc1: {  	s0 =	sor.u32 s3, s0;
	s1 =	sshll.u32 s1, $0x11  }
0xc2: {  	s0 =	sor.u32 s1, s0  }
0xc3: {  	s0 =	sadd.s32 $0x8F2B, s0  }
0xc4: {  	[sflag:s0] =	ssyncadd.remote.s32 $0x1  }
0xc5: {  	_ =	sfence.sel $0xFFFF  }
0xc6: {  	[dreg:$0x0] =	wrdreg $0xFFFFFFFF;
	(pc) =	sbr.abs _section_cstart, $3  }
0xc7: {  	[dreg:$0x1] =	wrdreg $0xFFFFFFFF  }
0xc8: {  	_ =	task.clear_ibuf [dreg:s7], $0x2FFFF;
	_ =	strace $0x9FFFFFFF  }
0xc9: {  	(tm) =	ssettm $0x7FFFFFFF  }
tec
execute0_lowered:
.L_overlay_start_1:
0x0: {  	(tag) =	ssettag $0x1  }
0x1: {  	s5 =	rddreg [dreg:$0x0]  }
0x2: {  	s1 =	rddreg [dreg:$0x1]  }
0x3: {  	s2 =	rddreg [dreg:$0x2]  }
0x4: {  	s0 =	rddreg [dreg:$0x3];
	s4 =	simm.s32 $0x0  }
0x5: {  	s3 =	srdreg.scid;
	s17 =	simm.s32 $0x6800;
	s18 =	simm.s32 $0x1  }
0x6: {  	s19 =	simm.s32 $0x50;
	s20 =	simm.s32 $0x3;
	s6 =	sand.u32 $0x1, s3  }
0x7: {  	s21 =	simm.s32 $0x2;
	s3 =	stileid.u32;
	s7 =	smul.u32 $0x140000, s6  }
0x8: {  	s22 =	simm.s32 $0x80;
	s23 =	simm.s32 $0x4;
	s8 =	smul.u32 $0x14000, s3  }
0x9: {  	[smem:$0x7FF] =	sst s4;
	s13 =	sadd.s32 $0x4C3600, s5;
	s9 =	smul.u32 $0x50000, s3  }
0xa: {  	_ =	strace $0x80000056;
	s10 =	sshll.u32 s3, $0xB;
	s24 =	smul.u32 $0x1388000, s6  }
0xb: {  	s6 =	ssub.s32 $0x2, s6;
	s11 =	smul.u32 $0x138800, s3;
	s28 =	sshll.u32 s3, $0x6  }
0xc: {  	s10 =	sadd.s32 s10, s5;
	s25 =	sshrl.u32 s6, $0x1;
	s7 =	sadd.s32 s8, s7  }
0xd: {  	s14 =	ssub.s32 s6, s25;
	s26 =	sshrl.u32 s9, $0x2;
	s11 =	sadd.s32 s11, s24  }
0xe: {  	s6 =	sadd.s32 $0x4BB600, s10;
	s24 =	simm.s32 $0x3E00;
	s25 =	simm.s32 $0x0  }
0xf: {  	s7 =	sshrl.u32 s7, $0x3;
	s15 =	sadd.s32 s26, s2;
	s29 =	sshrl.u32 s11, $0x3  }
0x10: {  	s9 =	smax.u32 s14, $0x1;
	s30 =	sadd.s32 $0x5000, s11;
	s31 =	sadd.s32 $0xA000, s11  }
0x11: {  	s11 =	sadd.s32 $0x7800, s11;
	s12 =	sadd.s32 s7, s5;
	s5 =	sor.u32 $0x1C05, s28  }
0x12: {  	s7 =	sadd.s32 s13, s29;
	s14 =	sshrl.u32 s31, $0x3;
	s16 =	sshrl.u32 s11, $0x3  }
0x13: {  	s8 =	sadd.s32 $0x7400, s12;
	s10 =	sadd.s32 $0x500, s7;
	s12 =	sshrl.u32 s30, $0x3  }
0x14: {  	s11 =	sadd.s32 s13, s12;
	s12 =	sadd.s32 s14, s13;
	s13 =	sadd.s32 s16, s13  }
0x15: {  	s14 =	sshrl.u32 s15, $0x3;
	s15 =	simm.s32 $0x5;
	s16 =	simm.s32 $0x4000  }
.LBB2_1:
0x16: {  	[spmem:s14], [sflag:s5] =	dma.local [hbm:s1], $0x2800  }
0x17: {  	_ =	swait.ge [sflag:s15], $0x2800  }
0x18: {  	[sflag:s15] =	ssyncset.done $0x0  }
0x19: {  	[sflag:s15] =	ssyncadd.s32 $0xFFFFD800  }
0x1a: {  	[bflag:$0x0] =	sbarrier.arrive $0xFFFF  }
0x1b: {  	[tilespmem:s4], [sflag:$0x5] =	stream.linear.gather [hbm4b:s6+s4], $0x3E80, $0x38;
	[tilespmem:$0x1D000] =	vst v63  }
0x1c: {  	_ =	swait.ge [sflag:s15], $0x3E80  }
0x1d: {  	[sflag:s15] =	ssyncset.done $0x0  }
0x1e: {  	[sflag:s15] =	ssyncadd.s32 $0xFFFFC180  }
0x1f: {  	[tilespmem:s16], [sflag:$0x1] =	stream.linear.gather [hbm4b:s7+s4], $0x2800, $0x38;
	[tilespmem:$0x1D000] =	vst v63  }
0x20: {  	_ = 	snop  }
0x21: {  	[tilespmem:s17], [sflag:$0x2] =	stream.linear.gather [hbm4b:s10+s4], $0x2800, $0x38;
	[tilespmem:$0x1D000] =	vst v63  }
0x22: {  	_ =	swait.ge [sflag:s18], $0x2800  }
0x23: {  	[sflag:s18] =	ssyncset.done $0x0  }
0x24: {  	[sflag:s18] =	ssyncadd.s32 $0xFFFFD800  }
0x25: {  	[spmem:s2] =	stream.indirect.scatter.add.f32 [tilespmem:s16], [sflag:$0x3], $0x80, s4, s19, $0xb8;
	[tilespmem:$0x1D000] =	vst v63  }
0x26: {  	_ =	swait.ge [sflag:s20], $0x2800  }
0x27: {  	[sflag:s20] =	ssyncset.done $0x0  }
0x28: {  	[sflag:s20] =	ssyncadd.s32 $0xFFFFD800  }
0x29: {  	[tilespmem:s16], [sflag:$0x1] =	stream.linear.gather [hbm4b:s11+s4], $0x2800, $0x38;
	[tilespmem:$0x1D000] =	vst v63  }
0x2a: {  	_ =	swait.ge [sflag:s21], $0x2800  }
0x2b: {  	[sflag:s21] =	ssyncset.done $0x0  }
0x2c: {  	[sflag:s21] =	ssyncadd.s32 $0xFFFFD800  }
0x2d: {  	[spmem:s2] =	stream.indirect.scatter.add.f32 [tilespmem:s17], [sflag:$0x4], $0x80, s22, s19, $0xb8;
	[tilespmem:$0x1D000] =	vst v63  }
0x2e: {  	_ =	swait.ge [sflag:s23], $0x2800  }
0x2f: {  	[sflag:s23] =	ssyncset.done $0x0  }
0x30: {  	s26 =	sadd.s32 $0x0, s13;
	[sflag:s23] =	ssyncadd.s32 $0xFFFFD800  }
0x31: {  	[tilespmem:s17], [sflag:$0x2] =	stream.linear.gather [hbm4b:s26+s4], $0x2800, $0x38;
	[tilespmem:$0x1D000] =	vst v63  }
0x32: {  	_ =	swait.ge [sflag:s18], $0x2800  }
0x33: {  	[sflag:s18] =	ssyncset.done $0x0  }
0x34: {  	s30 =	simm.s32 $0x100;
	[sflag:s18] =	ssyncadd.s32 $0xFFFFD800  }
0x35: {  	[spmem:s2] =	stream.indirect.scatter.add.f32 [tilespmem:s16], [sflag:$0x3], $0x80, s30, s19, $0xb8;
	[tilespmem:$0x1D000] =	vst v63  }
0x36: {  	_ =	swait.ge [sflag:s20], $0x2800  }
0x37: {  	[sflag:s20] =	ssyncset.done $0x0  }
0x38: {  	s31 =	sadd.s32 $0x0, s12;
	[sflag:s20] =	ssyncadd.s32 $0xFFFFD800  }
0x39: {  	[tilespmem:s16], [sflag:$0x1] =	stream.linear.gather [hbm4b:s31+s4], $0x2800, $0x38;
	[tilespmem:$0x1D000] =	vst v63  }
0x3a: {  	_ =	swait.ge [sflag:s21], $0x2800  }
0x3b: {  	s29 =	simm.s32 $0x180;
	[sflag:s21] =	ssyncset.done $0x0  }
0x3c: {  	s28 =	simm.s32 $0x200;
	s26 =	simm.s32 $0xA00;
	[sflag:s21] =	ssyncadd.s32 $0xFFFFD800  }
.LBB2_2:
0x3d: {  	[spmem:s2] =	stream.indirect.scatter.add.f32 [tilespmem:s17], [sflag:$0x4], $0x80, s29, s19, $0xb8;
	[tilespmem:$0x1D000] =	vst v63  }
0x3e: {  	s29 =	smov.u32 s26  }
0x3f: {  	p0 =	sne.s32 s26, $0x25800;
	s26 =	sadd.s32 $0xA00, s26;
	_ =	swait.ge [sflag:s23], $0x2800  }
0x40: {  	[sflag:s23] =	ssyncset.done $0x0  }
0x41: {  	s30 =	sadd.s32 s29, s13;
	[sflag:s23] =	ssyncadd.s32 $0xFFFFD800  }
0x42: {  	[tilespmem:s17], [sflag:$0x2] =	stream.linear.gather [hbm4b:s30+s4], $0x2800, $0x38;
	[tilespmem:$0x1D000] =	vst v63  }
0x43: {  	_ =	swait.ge [sflag:s18], $0x2800  }
0x44: {  	[sflag:s18] =	ssyncset.done $0x0  }
0x45: {  	[sflag:s18] =	ssyncadd.s32 $0xFFFFD800  }
0x46: {  	[spmem:s2] =	stream.indirect.scatter.add.f32 [tilespmem:s16], [sflag:$0x3], $0x80, s28, s19, $0xb8;
	[tilespmem:$0x1D000] =	vst v63  }
0x47: {  	_ =	swait.ge [sflag:s20], $0x2800  }
0x48: {  	[sflag:s20] =	ssyncset.done $0x0  }
.Ltmp0:
0x49: {  	s29 =	sadd.s32 s29, s12;
	[sflag:s20] =	ssyncadd.s32 $0xFFFFD800;
	(pc) =	sbr.rel @p0 .LBB2_2-.Ltmp0, $4  }
0x4a: {  	[tilespmem:s16], [sflag:$0x1] =	stream.linear.gather [hbm4b:s29+s4], $0x2800, $0x38;
	[tilespmem:$0x1D000] =	vst v63  }
0x4b: {  	_ =	swait.ge [sflag:s21], $0x2800  }
0x4c: {  	[sflag:s21] =	ssyncset.done $0x0  }
0x4d: {  	s29 =	sadd.s32 $0x80, s28;
	s28 =	sadd.s32 $0x100, s28;
	[sflag:s21] =	ssyncadd.s32 $0xFFFFD800  }
0x4e: {  	[spmem:s2] =	stream.indirect.scatter.add.f32 [tilespmem:s17], [sflag:$0x4], $0x80, s29, s19, $0xb8;
	[tilespmem:$0x1D000] =	vst v63  }
0x4f: {  	_ =	swait.ge [sflag:s23], $0x2800  }
0x50: {  	[sflag:s23] =	ssyncset.done $0x0  }
0x51: {  	[sflag:s23] =	ssyncadd.s32 $0xFFFFD800  }
0x52: {  	_ =	swait.ge [sflag:s18], $0x2800  }
0x53: {  	[sflag:s18] =	ssyncset.done $0x0  }
0x54: {  	[sflag:s18] =	ssyncadd.s32 $0xFFFFD800  }
0x55: {  	[spmem:s2] =	stream.indirect.scatter.add.f32 [tilespmem:s16], [sflag:$0x3], $0x80, s24, s19, $0xb8;
	[tilespmem:$0x1D000] =	vst v63  }
0x56: {  	_ =	swait.ge [sflag:s20], $0x2800  }
0x57: {  	s25 =	sadd.s32 $0x1, s25;
	[sflag:s20] =	ssyncset.done $0x0  }
0x58: {  	p0 =	sne.s32 s25, s9;
	[sflag:s20] =	ssyncadd.s32 $0xFFFFD800  }
.Ltmp1:
0x59: {  	[bflag:$0x0] =	sbarrier.arrive $0xFFFF;
	(pc) =	sbr.rel @p0 .LBB2_1-.Ltmp1, $4  }
0x5a: {  	[hbm:s8], [sflag:s5] =	dma.local [spmem:s14], $0x2800  }
0x5b: {  	_ =	swait.ge [sflag:s15], $0x2800  }
0x5c: {  	[sflag:s15] =	ssyncset.done $0x0  }
0x5d: {  	[sflag:s15] =	ssyncadd.s32 $0xFFFFD800  }
0x5e: {  	_ =	sfence.sel $0x180000  }
0x5f: {  	[bflag:$0x0] =	sbarrier.arrive $0xFFFF  }
0x60: {  	p0 =	sne.s32 s3, $0x0;
	_ =	strace $0x90000056  }
0x61: {  	s0 =	sadd.s32 @!p0 $0x100000, s0;
	[bflag:$0x2] =	sbarrier.arrive $0xFFFF  }
0x62: {  	[sflag:s0] =	ssyncadd.tile.s32 @!p0 $0x1;
	_ =	shalt  }
.Lfunc_end2:
_tile_overlayer_lowered:
.L_overlay_start_2:
0x63: {  	(tag) =	ssettag $0x2  }
0x64: {  	s0 =	rddreg [dreg:$0x0];
	s2 =	stileid.u32  }
0x65: {  	s1 =	rddreg [dreg:$0x1];
	p0 =	sne.s32 s2, $0x0  }
0x66: {  	s3 =	rddreg [dreg:$0x2];
	[bflag:$0x3] =	sbarrier.arrive $0xFFFF;
	s2 =	simm.s32 @!p0 $0x1C05  }
0x67: {  	[timem:s3], [sflag:s2] =	dma.local @!p0 [hbm:s0], s1  }
0x68: {  	s0 =	simm.s32 @!p0 $0x5  }
0x69: {  	_ =	swait.ge @!p0 [sflag:s0], s1  }
0x6a: {  	s1 =	ssub.s32 @!p0 $0x0, s1;
	[sflag:s0] =	ssyncset.done @!p0 $0x0  }
0x6b: {  	[sflag:s0] =	ssyncadd.s32 @!p0 s1  }
0x6c: {  	[bflag:$0x3] =	sbarrier.arrive $0xFFFF  }
0x6d: {  	_ =	shalt  }

</sc_bundles>
